<compile_context>
chip_gen: v7x
topology: tpu7x:2x2x1
jax: 0.10.2.dev20260603
libtpu: 0.0.44.dev20260713+nightly
codegen_flags: <defaults>
</compile_context>

<pallas_src>
import jax
import jax.numpy as jnp
from jax import lax
from jax.experimental import pallas as pl
from jax.experimental.pallas import tpu as pltpu
from jax.experimental.pallas import tpu_sc as plsc

N = 10000
E = 320000
D = 128

NC = 2
NS = 16
L = 16
NW = NC * NS

EPW = E // NW
CHUNK = 80
NCHUNK = EPW // CHUNK
NP = 10240
RPT = NP // NS
RZ = 64

_MESH = plsc.VectorSubcoreMesh(core_axis_name="c", subcore_axis_name="s")


def _sc_agg_body(x_hbm, src_hbm, dst_hbm, sum_out, sidx_a, sidx_b, didx_a,
                 didx_b, rows_a, rows_b, zbuf, sum_sh, sem_a, sem_b):
    c = lax.axis_index("c")
    s = lax.axis_index("s")
    wid = s * NC + c
    ebase = wid * EPW

    zero = jnp.zeros((L,), jnp.float32)

    def zrow(i, _):
        for j in range(D // L):
            zbuf[i, pl.ds(j * L, L)] = zero
        return 0

    lax.fori_loop(0, RZ, zrow, 0)

    for j in range(RPT // RZ):
        pltpu.sync_copy(zbuf, sum_sh.at[pl.ds(s * RPT + j * RZ, RZ)])
    plsc.subcore_barrier()

    def gather(k, buf, sem, sbuf):
        pltpu.sync_copy(src_hbm.at[pl.ds(ebase + k * CHUNK, CHUNK)], sbuf)
        return pltpu.async_copy(x_hbm.at[sbuf], buf, sem)

    def drain(buf, sem, sbuf):
        pltpu.make_async_copy(x_hbm.at[sbuf], buf, sem).wait()

    def scatter(k, buf, dbuf):
        pltpu.sync_copy(dst_hbm.at[pl.ds(ebase + k * CHUNK, CHUNK)], dbuf)
        pltpu.sync_copy(buf, sum_sh.at[dbuf], add=True)

    gather(0, rows_a, sem_a, sidx_a)
    gather(1, rows_b, sem_b, sidx_b)

    def step(i, _):
        k = i * 2
        drain(rows_a, sem_a, sidx_a)
        scatter(k, rows_a, didx_a)
        gather(k + 2, rows_a, sem_a, sidx_a)
        drain(rows_b, sem_b, sidx_b)
        scatter(k + 1, rows_b, didx_b)
        gather(k + 3, rows_b, sem_b, sidx_b)
        return 0

    lax.fori_loop(0, (NCHUNK - 3) // 2, step, 0)
    drain(rows_a, sem_a, sidx_a)
    scatter(NCHUNK - 3, rows_a, didx_a)
    gather(NCHUNK - 1, rows_a, sem_a, sidx_a)
    drain(rows_b, sem_b, sidx_b)
    scatter(NCHUNK - 2, rows_b, didx_b)
    drain(rows_a, sem_a, sidx_a)
    scatter(NCHUNK - 1, rows_a, didx_a)

    plsc.subcore_barrier()
    for j in range(RPT // RZ):
        r0 = s * RPT + j * RZ
        pltpu.sync_copy(sum_sh.at[pl.ds(r0, RZ)],
                        sum_out.at[pl.ds(c * NP + r0, RZ)])


_sc_agg = pl.kernel(
    _sc_agg_body,
    out_type=jax.ShapeDtypeStruct((NC * NP, D), jnp.float32),
    mesh=_MESH,
    scratch_types=[
        pltpu.VMEM((CHUNK,), jnp.int32),
        pltpu.VMEM((CHUNK,), jnp.int32),
        pltpu.VMEM((CHUNK,), jnp.int32),
        pltpu.VMEM((CHUNK,), jnp.int32),
        pltpu.VMEM((CHUNK, D), jnp.float32),
        pltpu.VMEM((CHUNK, D), jnp.float32),
        pltpu.VMEM((RZ, D), jnp.float32),
        pltpu.VMEM_SHARED((NP, D), jnp.float32),
        pltpu.SemaphoreType.DMA,
        pltpu.SemaphoreType.DMA,
    ],
)

BN = 1000


def _tc_layer1_body(x_ref, p0_ref, p1_ref, c0_ref, c1_ref, wl_ref, wr_ref,
                    b_ref, o_ref):
    summed = p0_ref[...] + p1_ref[...]
    cnt = c0_ref[...][:, 0:1] + c1_ref[...][:, 0:1]
    agg = summed / jnp.maximum(cnt, 1.0)
    h = (jnp.dot(x_ref[...], wl_ref[...], preferred_element_type=jnp.float32)
         + jnp.dot(agg, wr_ref[...], preferred_element_type=jnp.float32)
         + b_ref[0:1, :])
    nrm = jnp.sqrt(jnp.sum(h * h, axis=-1, keepdims=True))
    h = h / jnp.maximum(nrm, 1e-12)
    o_ref[...] = jnp.maximum(h, 0.0)


def _tc_layer2_body(x_ref, p0_ref, p1_ref, c0_ref, c1_ref, wl_ref, wr_ref,
                    b_ref, wp1_ref, bp1_ref, wp2_ref, bp2_ref, o_ref):
    summed = p0_ref[...] + p1_ref[...]
    cnt = c0_ref[...][:, 0:1] + c1_ref[...][:, 0:1]
    agg = summed / jnp.maximum(cnt, 1.0)
    h = (jnp.dot(x_ref[...], wl_ref[...], preferred_element_type=jnp.float32)
         + jnp.dot(agg, wr_ref[...], preferred_element_type=jnp.float32)
         + b_ref[0:1, :])
    nrm = jnp.sqrt(jnp.sum(h * h, axis=-1, keepdims=True))
    h = h / jnp.maximum(nrm, 1e-12)
    h = jnp.maximum(h, 0.0)
    g = jnp.maximum(
        jnp.dot(h, wp1_ref[...], preferred_element_type=jnp.float32)
        + bp1_ref[0:1, :], 0.0)
    o_ref[...] = (jnp.dot(g, wp2_ref[...], preferred_element_type=jnp.float32)
                  + bp2_ref[0:1, :])


def _row_spec(width):
    return pl.BlockSpec((BN, width), lambda i: (i, 0))


def _full_spec(r, cdim):
    return pl.BlockSpec((r, cdim), lambda i: (0, 0))


def _tc_layer1(x, p0, p1, c0, c1, wl, wr, bias):
    return pl.pallas_call(
        _tc_layer1_body,
        grid=(N // BN,),
        in_specs=[_row_spec(D), _row_spec(D), _row_spec(D), _row_spec(D),
                  _row_spec(D), _full_spec(D, D), _full_spec(D, D),
                  _full_spec(8, D)],
        out_specs=_row_spec(D),
        out_shape=jax.ShapeDtypeStruct((N, D), jnp.float32),
    )(x, p0, p1, c0, c1, wl, wr, bias)


def _tc_layer2(x, p0, p1, c0, c1, wl, wr, bias, wp1, bp1, wp2, bp2):
    return pl.pallas_call(
        _tc_layer2_body,
        grid=(N // BN,),
        in_specs=[_row_spec(D), _row_spec(D), _row_spec(D), _row_spec(D),
                  _row_spec(D), _full_spec(D, D), _full_spec(D, D),
                  _full_spec(8, D), _full_spec(D, D), _full_spec(8, D),
                  _full_spec(D, D), _full_spec(8, D)],
        out_specs=_row_spec(D),
        out_shape=jax.ShapeDtypeStruct((N, D), jnp.float32),
    )(x, p0, p1, c0, c1, wl, wr, bias, wp1, bp1, wp2, bp2)


def _pad8(b):
    return jnp.broadcast_to(b[None, :], (8, b.shape[0]))


def kernel(node_features, edge_index, W_l1, b_l1, W_r1, b_r1, W_l2, b_l2,
           W_r2, b_r2, W_p1, b_p1, W_p2, b_p2):
    src = edge_index[0]
    dst = edge_index[1]

    ones_tab = jnp.ones((N, D), jnp.float32)
    cnt = _sc_agg(ones_tab, src, dst)

    sum1 = _sc_agg(node_features, src, dst)
    h1 = _tc_layer1(node_features, sum1[:N], sum1[NP:NP + N], cnt[:N],
                    cnt[NP:NP + N], W_l1, W_r1, _pad8(b_l1 + b_r1))

    sum2 = _sc_agg(h1, src, dst)
    out = _tc_layer2(h1, sum2[:N], sum2[NP:NP + N], cnt[:N], cnt[NP:NP + N],
                     W_l2, W_r2, _pad8(b_l2 + b_r2),
                     W_p1, _pad8(b_p1), W_p2, _pad8(b_p2))
    return out

# --- scband reference (transcript-rebuilt; emitter-appended) ---
"""Pipeline reference for scband-graph-sagemodel-21311627723482 (READ-ONLY COPY).

The authoritative reference and input builder live on the scoring server;
editing this copy changes nothing except your own understanding.
"""

import jax, jax.numpy as jnp
import numpy as np

N = 10000
E = 320000
D_IN = 128
D_H = 128
D_OUT = 128


def _lin_init(key, fan_in, fan_out):
    bound = 1.0 / np.sqrt(fan_in)
    kw, kb = jax.random.split(key)
    W = jax.random.uniform(kw, (fan_in, fan_out), minval=-bound, maxval=bound, dtype=jnp.float32)
    b = jax.random.uniform(kb, (fan_out,), minval=-bound, maxval=bound, dtype=jnp.float32)
    return W, b


def setup_inputs(seed: int = 0) -> dict:
    key = jax.random.key(seed)
    ks = jax.random.split(key, 10)
    inp = {}
    inp["node_features"] = jax.random.normal(ks[0], (N, D_IN), dtype=jnp.float32)
    inp["edge_index"] = jax.random.randint(ks[1], (2, E), 0, N, dtype=jnp.int32)
    # layer 1 (GraphSAGE: lin_l on self features, lin_r on aggregated neighbors)
    inp["W_l1"], inp["b_l1"] = _lin_init(ks[2], D_IN, D_H)
    inp["W_r1"], inp["b_r1"] = _lin_init(ks[3], D_IN, D_H)
    # layer 2
    inp["W_l2"], inp["b_l2"] = _lin_init(ks[4], D_H, D_H)
    inp["W_r2"], inp["b_r2"] = _lin_init(ks[5], D_H, D_H)
    # post_mp: Linear(hidden, hidden) -> ReLU -> Dropout -> Linear(hidden, output)
    inp["W_p1"], inp["b_p1"] = _lin_init(ks[6], D_H, D_H)
    inp["W_p2"], inp["b_p2"] = _lin_init(ks[7], D_H, D_OUT)
    return inp


def _sage_layer(x, src, dst, W_l, b_l, W_r, b_r):
    # message: x_j = x[src]; aggregate: scatter-mean by dst node
    msgs = jnp.take(x, src, axis=0)
    summed = jax.ops.segment_sum(msgs, dst, num_segments=N)
    cnt = jax.ops.segment_sum(jnp.ones((src.shape[0], 1), dtype=x.dtype), dst, num_segments=N)
    agg = summed / jnp.maximum(cnt, 1.0)
    out = x @ W_l + b_l + agg @ W_r + b_r
    # F.normalize(out, p=2, dim=-1)
    norm = jnp.linalg.norm(out, axis=-1, keepdims=True)
    out = out / jnp.maximum(norm, 1e-12)
    return out


def reference(node_features, edge_index, W_l1, b_l1, W_r1, b_r1, W_l2, b_l2, W_r2, b_r2, W_p1, b_p1, W_p2, b_p2):
    src = edge_index[0]
    dst = edge_index[1]
    x = node_features
    x = _sage_layer(x, src, dst, W_l1, b_l1, W_r1, b_r1)
    x = jax.nn.relu(x)  # dropout is identity in eval mode
    x = _sage_layer(x, src, dst, W_l2, b_l2, W_r2, b_r2)
    x = jax.nn.relu(x)
    # post_mp
    x = jax.nn.relu(x @ W_p1 + b_p1)
    x = x @ W_p2 + b_p2
    return x


if False:  # reference __main__ guard neutralized (emitter)
    out = reference(**setup_inputs())
    print(out.shape, out.dtype)

if __name__ == "__main__":
    import jax
    _d = setup_inputs()
    print(jax.jit(kernel)(*tuple(_d.values())))

</pallas_src>

<mosaic_0001>
#map = affine_map<(d0, d1) -> (0, 0)>
#map1 = affine_map<(d0, d1) -> (0)>
module attributes {stable_mosaic.version = 14 : i64} {
  func.func @_sc_agg_body(%arg0: i32, %arg1: i32, %arg2: memref<10000x128xf32, #tpu.memory_space<hbm>>, %arg3: memref<320000xi32, #tpu.memory_space<hbm>>, %arg4: memref<320000xi32, #tpu.memory_space<hbm>>, %arg5: memref<20480x128xf32, #tpu.memory_space<hbm>>, %arg6: memref<80xi32, #tpu.memory_space<vmem>>, %arg7: memref<80xi32, #tpu.memory_space<vmem>>, %arg8: memref<80xi32, #tpu.memory_space<vmem>>, %arg9: memref<80xi32, #tpu.memory_space<vmem>>, %arg10: memref<80x128xf32, #tpu.memory_space<vmem>>, %arg11: memref<80x128xf32, #tpu.memory_space<vmem>>, %arg12: memref<64x128xf32, #tpu.memory_space<vmem>>, %arg13: memref<10240x128xf32, #tpu.memory_space<vmem_shared>>, %arg14: memref<!tpu.dma_semaphore, #tpu.memory_space<semaphore_mem>>, %arg15: memref<!tpu.dma_semaphore, #tpu.memory_space<semaphore_mem>>) attributes {dimension_semantics = [#tpu.dimension_semantics<core_parallel>, #tpu.dimension_semantics<subcore_parallel>], iteration_bounds = array<i64: 2, 16>, scalar_prefetch = 0 : i64, scratch_operands = 10 : i64, tpu.core_type = #tpu.core_type<sc_vector_subcore>, window_params = [{transform_indices = #map}, {transform_indices = #map1}, {transform_indices = #map1}, {transform_indices = #map}]} {
    %mul3A = arith.constant 2 : i32
    %mul3A_0 = arith.muli %arg1, %mul3A : i32
    %add3A = arith.addi %mul3A_0, %arg0 : i32
    %mul3A_1 = arith.constant 10000 : i32
    %mul3A_2 = arith.muli %add3A, %mul3A_1 : i32
    %broadcast_in_dim3A = arith.constant 0.000000e+00 : f32
    %broadcast_in_dim3A_3 = vector.broadcast %broadcast_in_dim3A : f32 to vector<16xf32>
    %scan3A = arith.constant 0 : i32
    %scan3A_4 = arith.constant 0 : i32
    %scan3A_5 = arith.constant 64 : i32
    %scan3A_6 = arith.addi %scan3A_4, %scan3A_5 : i32
    %scan3A_7 = arith.constant 1 : i32
    %scan3A_8 = scf.for %scan3A_156 = %scan3A_4 to %scan3A_6 step %scan3A_7 iter_args(%scan3A_157 = %scan3A) -> (i32)  : i32 {
      %swap3A = arith.index_cast %scan3A_156 : i32 to index
      %swap3A_158 = arith.constant 0 : index
      %swap3A_159 = tpu.vector_load %arg12[%swap3A, %swap3A_158] {strides = array<i32>} : memref<64x128xf32, #tpu.memory_space<vmem>>, vector<1x16xf32>,
      %swap3A_160 = vector.shape_cast %swap3A_159 : vector<1x16xf32> to vector<16xf32>
      %swap3A_161 = vector.shape_cast %broadcast_in_dim3A_3 : vector<16xf32> to vector<1x16xf32>
      tpu.vector_store %arg12[%swap3A, %swap3A_158], %swap3A_161 {strides = array<i32>} : memref<64x128xf32, #tpu.memory_space<vmem>>, vector<1x16xf32>,
      %swap3A_162 = arith.index_cast %scan3A_156 : i32 to index
      %swap3A_163 = arith.constant 16 : index
      %swap3A_164 = tpu.vector_load %arg12[%swap3A_162, %swap3A_163] {strides = array<i32>} : memref<64x128xf32, #tpu.memory_space<vmem>>, vector<1x16xf32>,
      %swap3A_165 = vector.shape_cast %swap3A_164 : vector<1x16xf32> to vector<16xf32>
      %swap3A_166 = vector.shape_cast %broadcast_in_dim3A_3 : vector<16xf32> to vector<1x16xf32>
      tpu.vector_store %arg12[%swap3A_162, %swap3A_163], %swap3A_166 {strides = array<i32>} : memref<64x128xf32, #tpu.memory_space<vmem>>, vector<1x16xf32>,
      %swap3A_167 = arith.index_cast %scan3A_156 : i32 to index
      %swap3A_168 = arith.constant 32 : index
      %swap3A_169 = tpu.vector_load %arg12[%swap3A_167, %swap3A_168] {strides = array<i32>} : memref<64x128xf32, #tpu.memory_space<vmem>>, vector<1x16xf32>,
      %swap3A_170 = vector.shape_cast %swap3A_169 : vector<1x16xf32> to vector<16xf32>
      %swap3A_171 = vector.shape_cast %broadcast_in_dim3A_3 : vector<16xf32> to vector<1x16xf32>
      tpu.vector_store %arg12[%swap3A_167, %swap3A_168], %swap3A_171 {strides = array<i32>} : memref<64x128xf32, #tpu.memory_space<vmem>>, vector<1x16xf32>,
      %swap3A_172 = arith.index_cast %scan3A_156 : i32 to index
      %swap3A_173 = arith.constant 48 : index
      %swap3A_174 = tpu.vector_load %arg12[%swap3A_172, %swap3A_173] {strides = array<i32>} : memref<64x128xf32, #tpu.memory_space<vmem>>, vector<1x16xf32>,
      %swap3A_175 = vector.shape_cast %swap3A_174 : vector<1x16xf32> to vector<16xf32>
      %swap3A_176 = vector.shape_cast %broadcast_in_dim3A_3 : vector<16xf32> to vector<1x16xf32>
      tpu.vector_store %arg12[%swap3A_172, %swap3A_173], %swap3A_176 {strides = array<i32>} : memref<64x128xf32, #tpu.memory_space<vmem>>, vector<1x16xf32>,
      %swap3A_177 = arith.index_cast %scan3A_156 : i32 to index
      %swap3A_178 = arith.constant 64 : index
      %swap3A_179 = tpu.vector_load %arg12[%swap3A_177, %swap3A_178] {strides = array<i32>} : memref<64x128xf32, #tpu.memory_space<vmem>>, vector<1x16xf32>,
      %swap3A_180 = vector.shape_cast %swap3A_179 : vector<1x16xf32> to vector<16xf32>
      %swap3A_181 = vector.shape_cast %broadcast_in_dim3A_3 : vector<16xf32> to vector<1x16xf32>
      tpu.vector_store %arg12[%swap3A_177, %swap3A_178], %swap3A_181 {strides = array<i32>} : memref<64x128xf32, #tpu.memory_space<vmem>>, vector<1x16xf32>,
      %swap3A_182 = arith.index_cast %scan3A_156 : i32 to index
      %swap3A_183 = arith.constant 80 : index
      %swap3A_184 = tpu.vector_load %arg12[%swap3A_182, %swap3A_183] {strides = array<i32>} : memref<64x128xf32, #tpu.memory_space<vmem>>, vector<1x16xf32>,
      %swap3A_185 = vector.shape_cast %swap3A_184 : vector<1x16xf32> to vector<16xf32>
      %swap3A_186 = vector.shape_cast %broadcast_in_dim3A_3 : vector<16xf32> to vector<1x16xf32>
      tpu.vector_store %arg12[%swap3A_182, %swap3A_183], %swap3A_186 {strides = array<i32>} : memref<64x128xf32, #tpu.memory_space<vmem>>, vector<1x16xf32>,
      %swap3A_187 = arith.index_cast %scan3A_156 : i32 to index
      %swap3A_188 = arith.constant 96 : index
      %swap3A_189 = tpu.vector_load %arg12[%swap3A_187, %swap3A_188] {strides = array<i32>} : memref<64x128xf32, #tpu.memory_space<vmem>>, vector<1x16xf32>,
      %swap3A_190 = vector.shape_cast %swap3A_189 : vector<1x16xf32> to vector<16xf32>
      %swap3A_191 = vector.shape_cast %broadcast_in_dim3A_3 : vector<16xf32> to vector<1x16xf32>
      tpu.vector_store %arg12[%swap3A_187, %swap3A_188], %swap3A_191 {strides = array<i32>} : memref<64x128xf32, #tpu.memory_space<vmem>>, vector<1x16xf32>,
      %swap3A_192 = arith.index_cast %scan3A_156 : i32 to index
      %swap3A_193 = arith.constant 112 : index
      %swap3A_194 = tpu.vector_load %arg12[%swap3A_192, %swap3A_193] {strides = array<i32>} : memref<64x128xf32, #tpu.memory_space<vmem>>, vector<1x16xf32>,
      %swap3A_195 = vector.shape_cast %swap3A_194 : vector<1x16xf32> to vector<16xf32>
      %swap3A_196 = vector.shape_cast %broadcast_in_dim3A_3 : vector<16xf32> to vector<1x16xf32>
      tpu.vector_store %arg12[%swap3A_192, %swap3A_193], %swap3A_196 {strides = array<i32>} : memref<64x128xf32, #tpu.memory_space<vmem>>, vector<1x16xf32>,
      %scan3A_197 = arith.constant 0 : i32
      scf.yield %scan3A_197 : i32
    }
    %scan3A_9 = arith.constant 64 : i32
    %mul3A_10 = arith.constant 640 : i32
    %mul3A_11 = arith.muli %arg1, %mul3A_10 : i32
    %add3A_12 = arith.constant 0 : i32
    %add3A_13 = arith.addi %mul3A_11, %add3A_12 : i32
    "tpu.region"() ({
      %run_scoped3A = tpu.sem_alloc : memref<!tpu.dma_semaphore, #tpu.memory_space<semaphore_mem>>
      %dma_start3A_156 = arith.constant 0 : i32
      %dma_start3A_157 = tpu.memref_slice %arg13[%add3A_13, %dma_start3A_156] : memref<10240x128xf32, #tpu.memory_space<vmem_shared>> -> memref<64x128xf32, #tpu.memory_space<vmem_shared>>
      %dma_start3A_158 = arith.constant 0 : i32
      %dma_start3A_159 = tpu.memref_slice %arg13[%add3A_13, %dma_start3A_158] : memref<10240x128xf32, #tpu.memory_space<vmem_shared>> -> memref<64x128xf32, #tpu.memory_space<vmem_shared>>
      tpu.enqueue_dma source(%arg12 : memref<64x128xf32, #tpu.memory_space<vmem>>) target(%dma_start3A_159 : memref<64x128xf32, #tpu.memory_space<vmem_shared>>) target_semaphore(%run_scoped3A : memref<!tpu.dma_semaphore, #tpu.memory_space<semaphore_mem>>)
      %dma_wait3A_160 = arith.constant 0 : i32
      %dma_wait3A_161 = tpu.memref_slice %arg13[%add3A_13, %dma_wait3A_160] : memref<10240x128xf32, #tpu.memory_space<vmem_shared>> -> memref<64x128xf32, #tpu.memory_space<vmem_shared>>
      %dma_wait3A_162 = arith.constant 0 : i32
      %dma_wait3A_163 = tpu.memref_slice %arg13[%add3A_13, %dma_wait3A_162] : memref<10240x128xf32, #tpu.memory_space<vmem_shared>> -> memref<64x128xf32, #tpu.memory_space<vmem_shared>>
      tpu.wait_dma2 semaphore(%run_scoped3A : memref<!tpu.dma_semaphore, #tpu.memory_space<semaphore_mem>>) src(%arg12 : memref<64x128xf32, #tpu.memory_space<vmem>>) dst(%dma_wait3A_163 : memref<64x128xf32, #tpu.memory_space<vmem_shared>>)
      tpu.yield
    }) : () -> ()
    %mul3A_14 = arith.constant 640 : i32
    %mul3A_15 = arith.muli %arg1, %mul3A_14 : i32
    %add3A_16 = arith.constant 64 : i32
    %add3A_17 = arith.addi %mul3A_15, %add3A_16 : i32
    "tpu.region"() ({
      %run_scoped3A = tpu.sem_alloc : memref<!tpu.dma_semaphore, #tpu.memory_space<semaphore_mem>>
      %dma_start3A_156 = arith.constant 0 : i32
      %dma_start3A_157 = tpu.memref_slice %arg13[%add3A_17, %dma_start3A_156] : memref<10240x128xf32, #tpu.memory_space<vmem_shared>> -> memref<64x128xf32, #tpu.memory_space<vmem_shared>>
      %dma_start3A_158 = arith.constant 0 : i32
      %dma_start3A_159 = tpu.memref_slice %arg13[%add3A_17, %dma_start3A_158] : memref<10240x128xf32, #tpu.memory_space<vmem_shared>> -> memref<64x128xf32, #tpu.memory_space<vmem_shared>>
      tpu.enqueue_dma source(%arg12 : memref<64x128xf32, #tpu.memory_space<vmem>>) target(%dma_start3A_159 : memref<64x128xf32, #tpu.memory_space<vmem_shared>>) target_semaphore(%run_scoped3A : memref<!tpu.dma_semaphore, #tpu.memory_space<semaphore_mem>>)
      %dma_wait3A_160 = arith.constant 0 : i32
      %dma_wait3A_161 = tpu.memref_slice %arg13[%add3A_17, %dma_wait3A_160] : memref<10240x128xf32, #tpu.memory_space<vmem_shared>> -> memref<64x128xf32, #tpu.memory_space<vmem_shared>>
      %dma_wait3A_162 = arith.constant 0 : i32
      %dma_wait3A_163 = tpu.memref_slice %arg13[%add3A_17, %dma_wait3A_162] : memref<10240x128xf32, #tpu.memory_space<vmem_shared>> -> memref<64x128xf32, #tpu.memory_space<vmem_shared>>
      tpu.wait_dma2 semaphore(%run_scoped3A : memref<!tpu.dma_semaphore, #tpu.memory_space<semaphore_mem>>) src(%arg12 : memref<64x128xf32, #tpu.memory_space<vmem>>) dst(%dma_wait3A_163 : memref<64x128xf32, #tpu.memory_space<vmem_shared>>)
      tpu.yield
    }) : () -> ()
    %mul3A_18 = arith.constant 640 : i32
    %mul3A_19 = arith.muli %arg1, %mul3A_18 : i32
    %add3A_20 = arith.constant 128 : i32
    %add3A_21 = arith.addi %mul3A_19, %add3A_20 : i32
    "tpu.region"() ({
      %run_scoped3A = tpu.sem_alloc : memref<!tpu.dma_semaphore, #tpu.memory_space<semaphore_mem>>
      %dma_start3A_156 = arith.constant 0 : i32
      %dma_start3A_157 = tpu.memref_slice %arg13[%add3A_21, %dma_start3A_156] : memref<10240x128xf32, #tpu.memory_space<vmem_shared>> -> memref<64x128xf32, #tpu.memory_space<vmem_shared>>
      %dma_start3A_158 = arith.constant 0 : i32
      %dma_start3A_159 = tpu.memref_slice %arg13[%add3A_21, %dma_start3A_158] : memref<10240x128xf32, #tpu.memory_space<vmem_shared>> -> memref<64x128xf32, #tpu.memory_space<vmem_shared>>
      tpu.enqueue_dma source(%arg12 : memref<64x128xf32, #tpu.memory_space<vmem>>) target(%dma_start3A_159 : memref<64x128xf32, #tpu.memory_space<vmem_shared>>) target_semaphore(%run_scoped3A : memref<!tpu.dma_semaphore, #tpu.memory_space<semaphore_mem>>)
      %dma_wait3A_160 = arith.constant 0 : i32
      %dma_wait3A_161 = tpu.memref_slice %arg13[%add3A_21, %dma_wait3A_160] : memref<10240x128xf32, #tpu.memory_space<vmem_shared>> -> memref<64x128xf32, #tpu.memory_space<vmem_shared>>
      %dma_wait3A_162 = arith.constant 0 : i32
      %dma_wait3A_163 = tpu.memref_slice %arg13[%add3A_21, %dma_wait3A_162] : memref<10240x128xf32, #tpu.memory_space<vmem_shared>> -> memref<64x128xf32, #tpu.memory_space<vmem_shared>>
      tpu.wait_dma2 semaphore(%run_scoped3A : memref<!tpu.dma_semaphore, #tpu.memory_space<semaphore_mem>>) src(%arg12 : memref<64x128xf32, #tpu.memory_space<vmem>>) dst(%dma_wait3A_163 : memref<64x128xf32, #tpu.memory_space<vmem_shared>>)
      tpu.yield
    }) : () -> ()
    %mul3A_22 = arith.constant 640 : i32
    %mul3A_23 = arith.muli %arg1, %mul3A_22 : i32
    %add3A_24 = arith.constant 192 : i32
    %add3A_25 = arith.addi %mul3A_23, %add3A_24 : i32
    "tpu.region"() ({
      %run_scoped3A = tpu.sem_alloc : memref<!tpu.dma_semaphore, #tpu.memory_space<semaphore_mem>>
      %dma_start3A_156 = arith.constant 0 : i32
      %dma_start3A_157 = tpu.memref_slice %arg13[%add3A_25, %dma_start3A_156] : memref<10240x128xf32, #tpu.memory_space<vmem_shared>> -> memref<64x128xf32, #tpu.memory_space<vmem_shared>>
      %dma_start3A_158 = arith.constant 0 : i32
      %dma_start3A_159 = tpu.memref_slice %arg13[%add3A_25, %dma_start3A_158] : memref<10240x128xf32, #tpu.memory_space<vmem_shared>> -> memref<64x128xf32, #tpu.memory_space<vmem_shared>>
      tpu.enqueue_dma source(%arg12 : memref<64x128xf32, #tpu.memory_space<vmem>>) target(%dma_start3A_159 : memref<64x128xf32, #tpu.memory_space<vmem_shared>>) target_semaphore(%run_scoped3A : memref<!tpu.dma_semaphore, #tpu.memory_space<semaphore_mem>>)
      %dma_wait3A_160 = arith.constant 0 : i32
      %dma_wait3A_161 = tpu.memref_slice %arg13[%add3A_25, %dma_wait3A_160] : memref<10240x128xf32, #tpu.memory_space<vmem_shared>> -> memref<64x128xf32, #tpu.memory_space<vmem_shared>>
      %dma_wait3A_162 = arith.constant 0 : i32
      %dma_wait3A_163 = tpu.memref_slice %arg13[%add3A_25, %dma_wait3A_162] : memref<10240x128xf32, #tpu.memory_space<vmem_shared>> -> memref<64x128xf32, #tpu.memory_space<vmem_shared>>
      tpu.wait_dma2 semaphore(%run_scoped3A : memref<!tpu.dma_semaphore, #tpu.memory_space<semaphore_mem>>) src(%arg12 : memref<64x128xf32, #tpu.memory_space<vmem>>) dst(%dma_wait3A_163 : memref<64x128xf32, #tpu.memory_space<vmem_shared>>)
      tpu.yield
    }) : () -> ()
    %mul3A_26 = arith.constant 640 : i32
    %mul3A_27 = arith.muli %arg1, %mul3A_26 : i32
    %add3A_28 = arith.constant 256 : i32
    %add3A_29 = arith.addi %mul3A_27, %add3A_28 : i32
    "tpu.region"() ({
      %run_scoped3A = tpu.sem_alloc : memref<!tpu.dma_semaphore, #tpu.memory_space<semaphore_mem>>
      %dma_start3A_156 = arith.constant 0 : i32
      %dma_start3A_157 = tpu.memref_slice %arg13[%add3A_29, %dma_start3A_156] : memref<10240x128xf32, #tpu.memory_space<vmem_shared>> -> memref<64x128xf32, #tpu.memory_space<vmem_shared>>
      %dma_start3A_158 = arith.constant 0 : i32
      %dma_start3A_159 = tpu.memref_slice %arg13[%add3A_29, %dma_start3A_158] : memref<10240x128xf32, #tpu.memory_space<vmem_shared>> -> memref<64x128xf32, #tpu.memory_space<vmem_shared>>
      tpu.enqueue_dma source(%arg12 : memref<64x128xf32, #tpu.memory_space<vmem>>) target(%dma_start3A_159 : memref<64x128xf32, #tpu.memory_space<vmem_shared>>) target_semaphore(%run_scoped3A : memref<!tpu.dma_semaphore, #tpu.memory_space<semaphore_mem>>)
      %dma_wait3A_160 = arith.constant 0 : i32
      %dma_wait3A_161 = tpu.memref_slice %arg13[%add3A_29, %dma_wait3A_160] : memref<10240x128xf32, #tpu.memory_space<vmem_shared>> -> memref<64x128xf32, #tpu.memory_space<vmem_shared>>
      %dma_wait3A_162 = arith.constant 0 : i32
      %dma_wait3A_163 = tpu.memref_slice %arg13[%add3A_29, %dma_wait3A_162] : memref<10240x128xf32, #tpu.memory_space<vmem_shared>> -> memref<64x128xf32, #tpu.memory_space<vmem_shared>>
      tpu.wait_dma2 semaphore(%run_scoped3A : memref<!tpu.dma_semaphore, #tpu.memory_space<semaphore_mem>>) src(%arg12 : memref<64x128xf32, #tpu.memory_space<vmem>>) dst(%dma_wait3A_163 : memref<64x128xf32, #tpu.memory_space<vmem_shared>>)
      tpu.yield
    }) : () -> ()
    %mul3A_30 = arith.constant 640 : i32
    %mul3A_31 = arith.muli %arg1, %mul3A_30 : i32
    %add3A_32 = arith.constant 320 : i32
    %add3A_33 = arith.addi %mul3A_31, %add3A_32 : i32
    "tpu.region"() ({
      %run_scoped3A = tpu.sem_alloc : memref<!tpu.dma_semaphore, #tpu.memory_space<semaphore_mem>>
      %dma_start3A_156 = arith.constant 0 : i32
      %dma_start3A_157 = tpu.memref_slice %arg13[%add3A_33, %dma_start3A_156] : memref<10240x128xf32, #tpu.memory_space<vmem_shared>> -> memref<64x128xf32, #tpu.memory_space<vmem_shared>>
      %dma_start3A_158 = arith.constant 0 : i32
      %dma_start3A_159 = tpu.memref_slice %arg13[%add3A_33, %dma_start3A_158] : memref<10240x128xf32, #tpu.memory_space<vmem_shared>> -> memref<64x128xf32, #tpu.memory_space<vmem_shared>>
      tpu.enqueue_dma source(%arg12 : memref<64x128xf32, #tpu.memory_space<vmem>>) target(%dma_start3A_159 : memref<64x128xf32, #tpu.memory_space<vmem_shared>>) target_semaphore(%run_scoped3A : memref<!tpu.dma_semaphore, #tpu.memory_space<semaphore_mem>>)
      %dma_wait3A_160 = arith.constant 0 : i32
      %dma_wait3A_161 = tpu.memref_slice %arg13[%add3A_33, %dma_wait3A_160] : memref<10240x128xf32, #tpu.memory_space<vmem_shared>> -> memref<64x128xf32, #tpu.memory_space<vmem_shared>>
      %dma_wait3A_162 = arith.constant 0 : i32
      %dma_wait3A_163 = tpu.memref_slice %arg13[%add3A_33, %dma_wait3A_162] : memref<10240x128xf32, #tpu.memory_space<vmem_shared>> -> memref<64x128xf32, #tpu.memory_space<vmem_shared>>
      tpu.wait_dma2 semaphore(%run_scoped3A : memref<!tpu.dma_semaphore, #tpu.memory_space<semaphore_mem>>) src(%arg12 : memref<64x128xf32, #tpu.memory_space<vmem>>) dst(%dma_wait3A_163 : memref<64x128xf32, #tpu.memory_space<vmem_shared>>)
      tpu.yield
    }) : () -> ()
    %mul3A_34 = arith.constant 640 : i32
    %mul3A_35 = arith.muli %arg1, %mul3A_34 : i32
    %add3A_36 = arith.constant 384 : i32
    %add3A_37 = arith.addi %mul3A_35, %add3A_36 : i32
    "tpu.region"() ({
      %run_scoped3A = tpu.sem_alloc : memref<!tpu.dma_semaphore, #tpu.memory_space<semaphore_mem>>
      %dma_start3A_156 = arith.constant 0 : i32
      %dma_start3A_157 = tpu.memref_slice %arg13[%add3A_37, %dma_start3A_156] : memref<10240x128xf32, #tpu.memory_space<vmem_shared>> -> memref<64x128xf32, #tpu.memory_space<vmem_shared>>
      %dma_start3A_158 = arith.constant 0 : i32
      %dma_start3A_159 = tpu.memref_slice %arg13[%add3A_37, %dma_start3A_158] : memref<10240x128xf32, #tpu.memory_space<vmem_shared>> -> memref<64x128xf32, #tpu.memory_space<vmem_shared>>
      tpu.enqueue_dma source(%arg12 : memref<64x128xf32, #tpu.memory_space<vmem>>) target(%dma_start3A_159 : memref<64x128xf32, #tpu.memory_space<vmem_shared>>) target_semaphore(%run_scoped3A : memref<!tpu.dma_semaphore, #tpu.memory_space<semaphore_mem>>)
      %dma_wait3A_160 = arith.constant 0 : i32
      %dma_wait3A_161 = tpu.memref_slice %arg13[%add3A_37, %dma_wait3A_160] : memref<10240x128xf32, #tpu.memory_space<vmem_shared>> -> memref<64x128xf32, #tpu.memory_space<vmem_shared>>
      %dma_wait3A_162 = arith.constant 0 : i32
      %dma_wait3A_163 = tpu.memref_slice %arg13[%add3A_37, %dma_wait3A_162] : memref<10240x128xf32, #tpu.memory_space<vmem_shared>> -> memref<64x128xf32, #tpu.memory_space<vmem_shared>>
      tpu.wait_dma2 semaphore(%run_scoped3A : memref<!tpu.dma_semaphore, #tpu.memory_space<semaphore_mem>>) src(%arg12 : memref<64x128xf32, #tpu.memory_space<vmem>>) dst(%dma_wait3A_163 : memref<64x128xf32, #tpu.memory_space<vmem_shared>>)
      tpu.yield
    }) : () -> ()
    %mul3A_38 = arith.constant 640 : i32
    %mul3A_39 = arith.muli %arg1, %mul3A_38 : i32
    %add3A_40 = arith.constant 448 : i32
    %add3A_41 = arith.addi %mul3A_39, %add3A_40 : i32
    "tpu.region"() ({
      %run_scoped3A = tpu.sem_alloc : memref<!tpu.dma_semaphore, #tpu.memory_space<semaphore_mem>>
      %dma_start3A_156 = arith.constant 0 : i32
      %dma_start3A_157 = tpu.memref_slice %arg13[%add3A_41, %dma_start3A_156] : memref<10240x128xf32, #tpu.memory_space<vmem_shared>> -> memref<64x128xf32, #tpu.memory_space<vmem_shared>>
      %dma_start3A_158 = arith.constant 0 : i32
      %dma_start3A_159 = tpu.memref_slice %arg13[%add3A_41, %dma_start3A_158] : memref<10240x128xf32, #tpu.memory_space<vmem_shared>> -> memref<64x128xf32, #tpu.memory_space<vmem_shared>>
      tpu.enqueue_dma source(%arg12 : memref<64x128xf32, #tpu.memory_space<vmem>>) target(%dma_start3A_159 : memref<64x128xf32, #tpu.memory_space<vmem_shared>>) target_semaphore(%run_scoped3A : memref<!tpu.dma_semaphore, #tpu.memory_space<semaphore_mem>>)
      %dma_wait3A_160 = arith.constant 0 : i32
      %dma_wait3A_161 = tpu.memref_slice %arg13[%add3A_41, %dma_wait3A_160] : memref<10240x128xf32, #tpu.memory_space<vmem_shared>> -> memref<64x128xf32, #tpu.memory_space<vmem_shared>>
      %dma_wait3A_162 = arith.constant 0 : i32
      %dma_wait3A_163 = tpu.memref_slice %arg13[%add3A_41, %dma_wait3A_162] : memref<10240x128xf32, #tpu.memory_space<vmem_shared>> -> memref<64x128xf32, #tpu.memory_space<vmem_shared>>
      tpu.wait_dma2 semaphore(%run_scoped3A : memref<!tpu.dma_semaphore, #tpu.memory_space<semaphore_mem>>) src(%arg12 : memref<64x128xf32, #tpu.memory_space<vmem>>) dst(%dma_wait3A_163 : memref<64x128xf32, #tpu.memory_space<vmem_shared>>)
      tpu.yield
    }) : () -> ()
    %mul3A_42 = arith.constant 640 : i32
    %mul3A_43 = arith.muli %arg1, %mul3A_42 : i32
    %add3A_44 = arith.constant 512 : i32
    %add3A_45 = arith.addi %mul3A_43, %add3A_44 : i32
    "tpu.region"() ({
      %run_scoped3A = tpu.sem_alloc : memref<!tpu.dma_semaphore, #tpu.memory_space<semaphore_mem>>
      %dma_start3A_156 = arith.constant 0 : i32
      %dma_start3A_157 = tpu.memref_slice %arg13[%add3A_45, %dma_start3A_156] : memref<10240x128xf32, #tpu.memory_space<vmem_shared>> -> memref<64x128xf32, #tpu.memory_space<vmem_shared>>
      %dma_start3A_158 = arith.constant 0 : i32
      %dma_start3A_159 = tpu.memref_slice %arg13[%add3A_45, %dma_start3A_158] : memref<10240x128xf32, #tpu.memory_space<vmem_shared>> -> memref<64x128xf32, #tpu.memory_space<vmem_shared>>
      tpu.enqueue_dma source(%arg12 : memref<64x128xf32, #tpu.memory_space<vmem>>) target(%dma_start3A_159 : memref<64x128xf32, #tpu.memory_space<vmem_shared>>) target_semaphore(%run_scoped3A : memref<!tpu.dma_semaphore, #tpu.memory_space<semaphore_mem>>)
      %dma_wait3A_160 = arith.constant 0 : i32
      %dma_wait3A_161 = tpu.memref_slice %arg13[%add3A_45, %dma_wait3A_160] : memref<10240x128xf32, #tpu.memory_space<vmem_shared>> -> memref<64x128xf32, #tpu.memory_space<vmem_shared>>
      %dma_wait3A_162 = arith.constant 0 : i32
      %dma_wait3A_163 = tpu.memref_slice %arg13[%add3A_45, %dma_wait3A_162] : memref<10240x128xf32, #tpu.memory_space<vmem_shared>> -> memref<64x128xf32, #tpu.memory_space<vmem_shared>>
      tpu.wait_dma2 semaphore(%run_scoped3A : memref<!tpu.dma_semaphore, #tpu.memory_space<semaphore_mem>>) src(%arg12 : memref<64x128xf32, #tpu.memory_space<vmem>>) dst(%dma_wait3A_163 : memref<64x128xf32, #tpu.memory_space<vmem_shared>>)
      tpu.yield
    }) : () -> ()
    %mul3A_46 = arith.constant 640 : i32
    %mul3A_47 = arith.muli %arg1, %mul3A_46 : i32
    %add3A_48 = arith.constant 576 : i32
    %add3A_49 = arith.addi %mul3A_47, %add3A_48 : i32
    "tpu.region"() ({
      %run_scoped3A = tpu.sem_alloc : memref<!tpu.dma_semaphore, #tpu.memory_space<semaphore_mem>>
      %dma_start3A_156 = arith.constant 0 : i32
      %dma_start3A_157 = tpu.memref_slice %arg13[%add3A_49, %dma_start3A_156] : memref<10240x128xf32, #tpu.memory_space<vmem_shared>> -> memref<64x128xf32, #tpu.memory_space<vmem_shared>>
      %dma_start3A_158 = arith.constant 0 : i32
      %dma_start3A_159 = tpu.memref_slice %arg13[%add3A_49, %dma_start3A_158] : memref<10240x128xf32, #tpu.memory_space<vmem_shared>> -> memref<64x128xf32, #tpu.memory_space<vmem_shared>>
      tpu.enqueue_dma source(%arg12 : memref<64x128xf32, #tpu.memory_space<vmem>>) target(%dma_start3A_159 : memref<64x128xf32, #tpu.memory_space<vmem_shared>>) target_semaphore(%run_scoped3A : memref<!tpu.dma_semaphore, #tpu.memory_space<semaphore_mem>>)
      %dma_wait3A_160 = arith.constant 0 : i32
      %dma_wait3A_161 = tpu.memref_slice %arg13[%add3A_49, %dma_wait3A_160] : memref<10240x128xf32, #tpu.memory_space<vmem_shared>> -> memref<64x128xf32, #tpu.memory_space<vmem_shared>>
      %dma_wait3A_162 = arith.constant 0 : i32
      %dma_wait3A_163 = tpu.memref_slice %arg13[%add3A_49, %dma_wait3A_162] : memref<10240x128xf32, #tpu.memory_space<vmem_shared>> -> memref<64x128xf32, #tpu.memory_space<vmem_shared>>
      tpu.wait_dma2 semaphore(%run_scoped3A : memref<!tpu.dma_semaphore, #tpu.memory_space<semaphore_mem>>) src(%arg12 : memref<64x128xf32, #tpu.memory_space<vmem>>) dst(%dma_wait3A_163 : memref<64x128xf32, #tpu.memory_space<vmem_shared>>)
      tpu.yield
    }) : () -> ()
    %barrier3A = arith.constant 0 : index
    tpu.barrier barrier_id(%barrier3A)
    %add3A_50 = arith.constant 0 : i32
    %add3A_51 = arith.addi %mul3A_2, %add3A_50 : i32
    "tpu.region"() ({
      %run_scoped3A = tpu.sem_alloc : memref<!tpu.dma_semaphore, #tpu.memory_space<semaphore_mem>>
      %dma_start3A_156 = tpu.memref_slice %arg3[%add3A_51] : memref<320000xi32, #tpu.memory_space<hbm>> -> memref<80xi32, #tpu.memory_space<hbm>>
      %dma_start3A_157 = tpu.memref_slice %arg3[%add3A_51] : memref<320000xi32, #tpu.memory_space<hbm>> -> memref<80xi32, #tpu.memory_space<hbm>>
      tpu.enqueue_dma source(%dma_start3A_157 : memref<80xi32, #tpu.memory_space<hbm>>) target(%arg6 : memref<80xi32, #tpu.memory_space<vmem>>) target_semaphore(%run_scoped3A : memref<!tpu.dma_semaphore, #tpu.memory_space<semaphore_mem>>)
      %dma_wait3A_158 = tpu.memref_slice %arg3[%add3A_51] : memref<320000xi32, #tpu.memory_space<hbm>> -> memref<80xi32, #tpu.memory_space<hbm>>
      %dma_wait3A_159 = tpu.memref_slice %arg3[%add3A_51] : memref<320000xi32, #tpu.memory_space<hbm>> -> memref<80xi32, #tpu.memory_space<hbm>>
      tpu.wait_dma2 semaphore(%run_scoped3A : memref<!tpu.dma_semaphore, #tpu.memory_space<semaphore_mem>>) src(%dma_wait3A_159 : memref<80xi32, #tpu.memory_space<hbm>>) dst(%arg6 : memref<80xi32, #tpu.memory_space<vmem>>)
      tpu.yield
    }) : () -> ()
    %dma_start3A = arith.constant 0 : i32
    %dma_start3A_52 = arith.constant 0 : i32
    %dma_start3A_53 = tpu.memref_slice %arg2[%dma_start3A, %dma_start3A_52] : memref<10000x128xf32, #tpu.memory_space<hbm>> -> memref<10000x128xf32, #tpu.memory_space<hbm>>
    tpu.enqueue_indirect_dma source(%dma_start3A_53 : memref<10000x128xf32, #tpu.memory_space<hbm>>) target(%arg10 : memref<80x128xf32, #tpu.memory_space<vmem>>) offsets(%arg6 : memref<80xi32, #tpu.memory_space<vmem>>) semaphore(%arg14 : memref<!tpu.dma_semaphore, #tpu.memory_space<semaphore_mem>>)
    %add3A_54 = arith.constant 80 : i32
    %add3A_55 = arith.addi %mul3A_2, %add3A_54 : i32
    "tpu.region"() ({
      %run_scoped3A = tpu.sem_alloc : memref<!tpu.dma_semaphore, #tpu.memory_space<semaphore_mem>>
      %dma_start3A_156 = tpu.memref_slice %arg3[%add3A_55] : memref<320000xi32, #tpu.memory_space<hbm>> -> memref<80xi32, #tpu.memory_space<hbm>>
      %dma_start3A_157 = tpu.memref_slice %arg3[%add3A_55] : memref<320000xi32, #tpu.memory_space<hbm>> -> memref<80xi32, #tpu.memory_space<hbm>>
      tpu.enqueue_dma source(%dma_start3A_157 : memref<80xi32, #tpu.memory_space<hbm>>) target(%arg7 : memref<80xi32, #tpu.memory_space<vmem>>) target_semaphore(%run_scoped3A : memref<!tpu.dma_semaphore, #tpu.memory_space<semaphore_mem>>)
      %dma_wait3A_158 = tpu.memref_slice %arg3[%add3A_55] : memref<320000xi32, #tpu.memory_space<hbm>> -> memref<80xi32, #tpu.memory_space<hbm>>
      %dma_wait3A_159 = tpu.memref_slice %arg3[%add3A_55] : memref<320000xi32, #tpu.memory_space<hbm>> -> memref<80xi32, #tpu.memory_space<hbm>>
      tpu.wait_dma2 semaphore(%run_scoped3A : memref<!tpu.dma_semaphore, #tpu.memory_space<semaphore_mem>>) src(%dma_wait3A_159 : memref<80xi32, #tpu.memory_space<hbm>>) dst(%arg7 : memref<80xi32, #tpu.memory_space<vmem>>)
      tpu.yield
    }) : () -> ()
    %dma_start3A_56 = arith.constant 0 : i32
    %dma_start3A_57 = arith.constant 0 : i32
    %dma_start3A_58 = tpu.memref_slice %arg2[%dma_start3A_56, %dma_start3A_57] : memref<10000x128xf32, #tpu.memory_space<hbm>> -> memref<10000x128xf32, #tpu.memory_space<hbm>>
    tpu.enqueue_indirect_dma source(%dma_start3A_58 : memref<10000x128xf32, #tpu.memory_space<hbm>>) target(%arg11 : memref<80x128xf32, #tpu.memory_space<vmem>>) offsets(%arg7 : memref<80xi32, #tpu.memory_space<vmem>>) semaphore(%arg15 : memref<!tpu.dma_semaphore, #tpu.memory_space<semaphore_mem>>)
    %scan3A_59 = arith.constant 0 : i32
    %scan3A_60 = arith.constant 0 : i32
    %scan3A_61 = arith.constant 61 : i32
    %scan3A_62 = arith.addi %scan3A_60, %scan3A_61 : i32
    %scan3A_63 = arith.constant 1 : i32
    %scan3A_64 = scf.for %scan3A_156 = %scan3A_60 to %scan3A_62 step %scan3A_63 iter_args(%scan3A_157 = %scan3A_59) -> (i32)  : i32 {
      %mul3A_158 = arith.constant 2 : i32
      %mul3A_159 = arith.muli %scan3A_156, %mul3A_158 : i32
      %dma_wait3A_160 = arith.constant 0 : i32
      %dma_wait3A_161 = arith.constant 0 : i32
      %dma_wait3A_162 = tpu.memref_slice %arg2[%dma_wait3A_160, %dma_wait3A_161] : memref<10000x128xf32, #tpu.memory_space<hbm>> -> memref<10000x128xf32, #tpu.memory_space<hbm>>
      tpu.wait_indirect_dma semaphore(%arg14 : memref<!tpu.dma_semaphore, #tpu.memory_space<semaphore_mem>>) src(%dma_wait3A_162 : memref<10000x128xf32, #tpu.memory_space<hbm>>) dst(%arg10 : memref<80x128xf32, #tpu.memory_space<vmem>>)
      %mul3A_163 = arith.constant 80 : i32
      %mul3A_164 = arith.muli %mul3A_159, %mul3A_163 : i32
      %add3A_165 = arith.addi %mul3A_2, %mul3A_164 : i32
      "tpu.region"() ({
        %run_scoped3A = tpu.sem_alloc : memref<!tpu.dma_semaphore, #tpu.memory_space<semaphore_mem>>
        %dma_start3A_191 = tpu.memref_slice %arg4[%add3A_165] : memref<320000xi32, #tpu.memory_space<hbm>> -> memref<80xi32, #tpu.memory_space<hbm>>
        %dma_start3A_192 = tpu.memref_slice %arg4[%add3A_165] : memref<320000xi32, #tpu.memory_space<hbm>> -> memref<80xi32, #tpu.memory_space<hbm>>
        tpu.enqueue_dma source(%dma_start3A_192 : memref<80xi32, #tpu.memory_space<hbm>>) target(%arg8 : memref<80xi32, #tpu.memory_space<vmem>>) target_semaphore(%run_scoped3A : memref<!tpu.dma_semaphore, #tpu.memory_space<semaphore_mem>>)
        %dma_wait3A_193 = tpu.memref_slice %arg4[%add3A_165] : memref<320000xi32, #tpu.memory_space<hbm>> -> memref<80xi32, #tpu.memory_space<hbm>>
        %dma_wait3A_194 = tpu.memref_slice %arg4[%add3A_165] : memref<320000xi32, #tpu.memory_space<hbm>> -> memref<80xi32, #tpu.memory_space<hbm>>
        tpu.wait_dma2 semaphore(%run_scoped3A : memref<!tpu.dma_semaphore, #tpu.memory_space<semaphore_mem>>) src(%dma_wait3A_194 : memref<80xi32, #tpu.memory_space<hbm>>) dst(%arg8 : memref<80xi32, #tpu.memory_space<vmem>>)
        tpu.yield
      }) : () -> ()
      "tpu.region"() ({
        %run_scoped3A = tpu.sem_alloc : memref<!tpu.dma_semaphore, #tpu.memory_space<semaphore_mem>>
        %dma_start3A_191 = arith.constant 0 : i32
        %dma_start3A_192 = arith.constant 0 : i32
        %dma_start3A_193 = tpu.memref_slice %arg13[%dma_start3A_191, %dma_start3A_192] : memref<10240x128xf32, #tpu.memory_space<vmem_shared>> -> memref<10240x128xf32, #tpu.memory_space<vmem_shared>>
        tpu.enqueue_indirect_dma source(%arg10 : memref<80x128xf32, #tpu.memory_space<vmem>>) target(%dma_start3A_193 : memref<10240x128xf32, #tpu.memory_space<vmem_shared>>) offsets(%arg8 : memref<80xi32, #tpu.memory_space<vmem>>) semaphore(%run_scoped3A : memref<!tpu.dma_semaphore, #tpu.memory_space<semaphore_mem>>) {add = true}
        %dma_wait3A_194 = arith.constant 0 : i32
        %dma_wait3A_195 = arith.constant 0 : i32
        %dma_wait3A_196 = tpu.memref_slice %arg13[%dma_wait3A_194, %dma_wait3A_195] : memref<10240x128xf32, #tpu.memory_space<vmem_shared>> -> memref<10240x128xf32, #tpu.memory_space<vmem_shared>>
        tpu.wait_indirect_dma semaphore(%run_scoped3A : memref<!tpu.dma_semaphore, #tpu.memory_space<semaphore_mem>>) src(%arg10 : memref<80x128xf32, #tpu.memory_space<vmem>>) dst(%dma_wait3A_196 : memref<10240x128xf32, #tpu.memory_space<vmem_shared>>)
        tpu.yield
      }) : () -> ()
      %add3A_166 = arith.constant 2 : i32
      %add3A_167 = arith.addi %mul3A_159, %add3A_166 : i32
      %mul3A_168 = arith.constant 80 : i32
      %mul3A_169 = arith.muli %add3A_167, %mul3A_168 : i32
      %add3A_170 = arith.addi %mul3A_2, %mul3A_169 : i32
      "tpu.region"() ({
        %run_scoped3A = tpu.sem_alloc : memref<!tpu.dma_semaphore, #tpu.memory_space<semaphore_mem>>
        %dma_start3A_191 = tpu.memref_slice %arg3[%add3A_170] : memref<320000xi32, #tpu.memory_space<hbm>> -> memref<80xi32, #tpu.memory_space<hbm>>
        %dma_start3A_192 = tpu.memref_slice %arg3[%add3A_170] : memref<320000xi32, #tpu.memory_space<hbm>> -> memref<80xi32, #tpu.memory_space<hbm>>
        tpu.enqueue_dma source(%dma_start3A_192 : memref<80xi32, #tpu.memory_space<hbm>>) target(%arg6 : memref<80xi32, #tpu.memory_space<vmem>>) target_semaphore(%run_scoped3A : memref<!tpu.dma_semaphore, #tpu.memory_space<semaphore_mem>>)
        %dma_wait3A_193 = tpu.memref_slice %arg3[%add3A_170] : memref<320000xi32, #tpu.memory_space<hbm>> -> memref<80xi32, #tpu.memory_space<hbm>>
        %dma_wait3A_194 = tpu.memref_slice %arg3[%add3A_170] : memref<320000xi32, #tpu.memory_space<hbm>> -> memref<80xi32, #tpu.memory_space<hbm>>
        tpu.wait_dma2 semaphore(%run_scoped3A : memref<!tpu.dma_semaphore, #tpu.memory_space<semaphore_mem>>) src(%dma_wait3A_194 : memref<80xi32, #tpu.memory_space<hbm>>) dst(%arg6 : memref<80xi32, #tpu.memory_space<vmem>>)
        tpu.yield
      }) : () -> ()
      %dma_start3A_171 = arith.constant 0 : i32
      %dma_start3A_172 = arith.constant 0 : i32
      %dma_start3A_173 = tpu.memref_slice %arg2[%dma_start3A_171, %dma_start3A_172] : memref<10000x128xf32, #tpu.memory_space<hbm>> -> memref<10000x128xf32, #tpu.memory_space<hbm>>
      tpu.enqueue_indirect_dma source(%dma_start3A_173 : memref<10000x128xf32, #tpu.memory_space<hbm>>) target(%arg10 : memref<80x128xf32, #tpu.memory_space<vmem>>) offsets(%arg6 : memref<80xi32, #tpu.memory_space<vmem>>) semaphore(%arg14 : memref<!tpu.dma_semaphore, #tpu.memory_space<semaphore_mem>>)
      %dma_wait3A_174 = arith.constant 0 : i32
      %dma_wait3A_175 = arith.constant 0 : i32
      %dma_wait3A_176 = tpu.memref_slice %arg2[%dma_wait3A_174, %dma_wait3A_175] : memref<10000x128xf32, #tpu.memory_space<hbm>> -> memref<10000x128xf32, #tpu.memory_space<hbm>>
      tpu.wait_indirect_dma semaphore(%arg15 : memref<!tpu.dma_semaphore, #tpu.memory_space<semaphore_mem>>) src(%dma_wait3A_176 : memref<10000x128xf32, #tpu.memory_space<hbm>>) dst(%arg11 : memref<80x128xf32, #tpu.memory_space<vmem>>)
      %add3A_177 = arith.constant 1 : i32
      %add3A_178 = arith.addi %mul3A_159, %add3A_177 : i32
      %mul3A_179 = arith.constant 80 : i32
      %mul3A_180 = arith.muli %add3A_178, %mul3A_179 : i32
      %add3A_181 = arith.addi %mul3A_2, %mul3A_180 : i32
      "tpu.region"() ({
        %run_scoped3A = tpu.sem_alloc : memref<!tpu.dma_semaphore, #tpu.memory_space<semaphore_mem>>
        %dma_start3A_191 = tpu.memref_slice %arg4[%add3A_181] : memref<320000xi32, #tpu.memory_space<hbm>> -> memref<80xi32, #tpu.memory_space<hbm>>
        %dma_start3A_192 = tpu.memref_slice %arg4[%add3A_181] : memref<320000xi32, #tpu.memory_space<hbm>> -> memref<80xi32, #tpu.memory_space<hbm>>
        tpu.enqueue_dma source(%dma_start3A_192 : memref<80xi32, #tpu.memory_space<hbm>>) target(%arg9 : memref<80xi32, #tpu.memory_space<vmem>>) target_semaphore(%run_scoped3A : memref<!tpu.dma_semaphore, #tpu.memory_space<semaphore_mem>>)
        %dma_wait3A_193 = tpu.memref_slice %arg4[%add3A_181] : memref<320000xi32, #tpu.memory_space<hbm>> -> memref<80xi32, #tpu.memory_space<hbm>>
        %dma_wait3A_194 = tpu.memref_slice %arg4[%add3A_181] : memref<320000xi32, #tpu.memory_space<hbm>> -> memref<80xi32, #tpu.memory_space<hbm>>
        tpu.wait_dma2 semaphore(%run_scoped3A : memref<!tpu.dma_semaphore, #tpu.memory_space<semaphore_mem>>) src(%dma_wait3A_194 : memref<80xi32, #tpu.memory_space<hbm>>) dst(%arg9 : memref<80xi32, #tpu.memory_space<vmem>>)
        tpu.yield
      }) : () -> ()
      "tpu.region"() ({
        %run_scoped3A = tpu.sem_alloc : memref<!tpu.dma_semaphore, #tpu.memory_space<semaphore_mem>>
        %dma_start3A_191 = arith.constant 0 : i32
        %dma_start3A_192 = arith.constant 0 : i32
        %dma_start3A_193 = tpu.memref_slice %arg13[%dma_start3A_191, %dma_start3A_192] : memref<10240x128xf32, #tpu.memory_space<vmem_shared>> -> memref<10240x128xf32, #tpu.memory_space<vmem_shared>>
        tpu.enqueue_indirect_dma source(%arg11 : memref<80x128xf32, #tpu.memory_space<vmem>>) target(%dma_start3A_193 : memref<10240x128xf32, #tpu.memory_space<vmem_shared>>) offsets(%arg9 : memref<80xi32, #tpu.memory_space<vmem>>) semaphore(%run_scoped3A : memref<!tpu.dma_semaphore, #tpu.memory_space<semaphore_mem>>) {add = true}
        %dma_wait3A_194 = arith.constant 0 : i32
        %dma_wait3A_195 = arith.constant 0 : i32
        %dma_wait3A_196 = tpu.memref_slice %arg13[%dma_wait3A_194, %dma_wait3A_195] : memref<10240x128xf32, #tpu.memory_space<vmem_shared>> -> memref<10240x128xf32, #tpu.memory_space<vmem_shared>>
        tpu.wait_indirect_dma semaphore(%run_scoped3A : memref<!tpu.dma_semaphore, #tpu.memory_space<semaphore_mem>>) src(%arg11 : memref<80x128xf32, #tpu.memory_space<vmem>>) dst(%dma_wait3A_196 : memref<10240x128xf32, #tpu.memory_space<vmem_shared>>)
        tpu.yield
      }) : () -> ()
      %add3A_182 = arith.constant 3 : i32
      %add3A_183 = arith.addi %mul3A_159, %add3A_182 : i32
      %mul3A_184 = arith.constant 80 : i32
      %mul3A_185 = arith.muli %add3A_183, %mul3A_184 : i32
      %add3A_186 = arith.addi %mul3A_2, %mul3A_185 : i32
      "tpu.region"() ({
        %run_scoped3A = tpu.sem_alloc : memref<!tpu.dma_semaphore, #tpu.memory_space<semaphore_mem>>
        %dma_start3A_191 = tpu.memref_slice %arg3[%add3A_186] : memref<320000xi32, #tpu.memory_space<hbm>> -> memref<80xi32, #tpu.memory_space<hbm>>
        %dma_start3A_192 = tpu.memref_slice %arg3[%add3A_186] : memref<320000xi32, #tpu.memory_space<hbm>> -> memref<80xi32, #tpu.memory_space<hbm>>
        tpu.enqueue_dma source(%dma_start3A_192 : memref<80xi32, #tpu.memory_space<hbm>>) target(%arg7 : memref<80xi32, #tpu.memory_space<vmem>>) target_semaphore(%run_scoped3A : memref<!tpu.dma_semaphore, #tpu.memory_space<semaphore_mem>>)
        %dma_wait3A_193 = tpu.memref_slice %arg3[%add3A_186] : memref<320000xi32, #tpu.memory_space<hbm>> -> memref<80xi32, #tpu.memory_space<hbm>>
        %dma_wait3A_194 = tpu.memref_slice %arg3[%add3A_186] : memref<320000xi32, #tpu.memory_space<hbm>> -> memref<80xi32, #tpu.memory_space<hbm>>
        tpu.wait_dma2 semaphore(%run_scoped3A : memref<!tpu.dma_semaphore, #tpu.memory_space<semaphore_mem>>) src(%dma_wait3A_194 : memref<80xi32, #tpu.memory_space<hbm>>) dst(%arg7 : memref<80xi32, #tpu.memory_space<vmem>>)
        tpu.yield
      }) : () -> ()
      %dma_start3A_187 = arith.constant 0 : i32
      %dma_start3A_188 = arith.constant 0 : i32
      %dma_start3A_189 = tpu.memref_slice %arg2[%dma_start3A_187, %dma_start3A_188] : memref<10000x128xf32, #tpu.memory_space<hbm>> -> memref<10000x128xf32, #tpu.memory_space<hbm>>
      tpu.enqueue_indirect_dma source(%dma_start3A_189 : memref<10000x128xf32, #tpu.memory_space<hbm>>) target(%arg11 : memref<80x128xf32, #tpu.memory_space<vmem>>) offsets(%arg7 : memref<80xi32, #tpu.memory_space<vmem>>) semaphore(%arg15 : memref<!tpu.dma_semaphore, #tpu.memory_space<semaphore_mem>>)
      %scan3A_190 = arith.constant 0 : i32
      scf.yield %scan3A_190 : i32
    }
    %scan3A_65 = arith.constant 61 : i32
    %dma_wait3A = arith.constant 0 : i32
    %dma_wait3A_66 = arith.constant 0 : i32
    %dma_wait3A_67 = tpu.memref_slice %arg2[%dma_wait3A, %dma_wait3A_66] : memref<10000x128xf32, #tpu.memory_space<hbm>> -> memref<10000x128xf32, #tpu.memory_space<hbm>>
    tpu.wait_indirect_dma semaphore(%arg14 : memref<!tpu.dma_semaphore, #tpu.memory_space<semaphore_mem>>) src(%dma_wait3A_67 : memref<10000x128xf32, #tpu.memory_space<hbm>>) dst(%arg10 : memref<80x128xf32, #tpu.memory_space<vmem>>)
    %add3A_68 = arith.constant 9760 : i32
    %add3A_69 = arith.addi %mul3A_2, %add3A_68 : i32
    "tpu.region"() ({
      %run_scoped3A = tpu.sem_alloc : memref<!tpu.dma_semaphore, #tpu.memory_space<semaphore_mem>>
      %dma_start3A_156 = tpu.memref_slice %arg4[%add3A_69] : memref<320000xi32, #tpu.memory_space<hbm>> -> memref<80xi32, #tpu.memory_space<hbm>>
      %dma_start3A_157 = tpu.memref_slice %arg4[%add3A_69] : memref<320000xi32, #tpu.memory_space<hbm>> -> memref<80xi32, #tpu.memory_space<hbm>>
      tpu.enqueue_dma source(%dma_start3A_157 : memref<80xi32, #tpu.memory_space<hbm>>) target(%arg8 : memref<80xi32, #tpu.memory_space<vmem>>) target_semaphore(%run_scoped3A : memref<!tpu.dma_semaphore, #tpu.memory_space<semaphore_mem>>)
      %dma_wait3A_158 = tpu.memref_slice %arg4[%add3A_69] : memref<320000xi32, #tpu.memory_space<hbm>> -> memref<80xi32, #tpu.memory_space<hbm>>
      %dma_wait3A_159 = tpu.memref_slice %arg4[%add3A_69] : memref<320000xi32, #tpu.memory_space<hbm>> -> memref<80xi32, #tpu.memory_space<hbm>>
      tpu.wait_dma2 semaphore(%run_scoped3A : memref<!tpu.dma_semaphore, #tpu.memory_space<semaphore_mem>>) src(%dma_wait3A_159 : memref<80xi32, #tpu.memory_space<hbm>>) dst(%arg8 : memref<80xi32, #tpu.memory_space<vmem>>)
      tpu.yield
    }) : () -> ()
    "tpu.region"() ({
      %run_scoped3A = tpu.sem_alloc : memref<!tpu.dma_semaphore, #tpu.memory_space<semaphore_mem>>
      %dma_start3A_156 = arith.constant 0 : i32
      %dma_start3A_157 = arith.constant 0 : i32
      %dma_start3A_158 = tpu.memref_slice %arg13[%dma_start3A_156, %dma_start3A_157] : memref<10240x128xf32, #tpu.memory_space<vmem_shared>> -> memref<10240x128xf32, #tpu.memory_space<vmem_shared>>
      tpu.enqueue_indirect_dma source(%arg10 : memref<80x128xf32, #tpu.memory_space<vmem>>) target(%dma_start3A_158 : memref<10240x128xf32, #tpu.memory_space<vmem_shared>>) offsets(%arg8 : memref<80xi32, #tpu.memory_space<vmem>>) semaphore(%run_scoped3A : memref<!tpu.dma_semaphore, #tpu.memory_space<semaphore_mem>>) {add = true}
      %dma_wait3A_159 = arith.constant 0 : i32
      %dma_wait3A_160 = arith.constant 0 : i32
      %dma_wait3A_161 = tpu.memref_slice %arg13[%dma_wait3A_159, %dma_wait3A_160] : memref<10240x128xf32, #tpu.memory_space<vmem_shared>> -> memref<10240x128xf32, #tpu.memory_space<vmem_shared>>
      tpu.wait_indirect_dma semaphore(%run_scoped3A : memref<!tpu.dma_semaphore, #tpu.memory_space<semaphore_mem>>) src(%arg10 : memref<80x128xf32, #tpu.memory_space<vmem>>) dst(%dma_wait3A_161 : memref<10240x128xf32, #tpu.memory_space<vmem_shared>>)
      tpu.yield
    }) : () -> ()
    %add3A_70 = arith.constant 9920 : i32
    %add3A_71 = arith.addi %mul3A_2, %add3A_70 : i32
    "tpu.region"() ({
      %run_scoped3A = tpu.sem_alloc : memref<!tpu.dma_semaphore, #tpu.memory_space<semaphore_mem>>
      %dma_start3A_156 = tpu.memref_slice %arg3[%add3A_71] : memref<320000xi32, #tpu.memory_space<hbm>> -> memref<80xi32, #tpu.memory_space<hbm>>
      %dma_start3A_157 = tpu.memref_slice %arg3[%add3A_71] : memref<320000xi32, #tpu.memory_space<hbm>> -> memref<80xi32, #tpu.memory_space<hbm>>
      tpu.enqueue_dma source(%dma_start3A_157 : memref<80xi32, #tpu.memory_space<hbm>>) target(%arg6 : memref<80xi32, #tpu.memory_space<vmem>>) target_semaphore(%run_scoped3A : memref<!tpu.dma_semaphore, #tpu.memory_space<semaphore_mem>>)
      %dma_wait3A_158 = tpu.memref_slice %arg3[%add3A_71] : memref<320000xi32, #tpu.memory_space<hbm>> -> memref<80xi32, #tpu.memory_space<hbm>>
      %dma_wait3A_159 = tpu.memref_slice %arg3[%add3A_71] : memref<320000xi32, #tpu.memory_space<hbm>> -> memref<80xi32, #tpu.memory_space<hbm>>
      tpu.wait_dma2 semaphore(%run_scoped3A : memref<!tpu.dma_semaphore, #tpu.memory_space<semaphore_mem>>) src(%dma_wait3A_159 : memref<80xi32, #tpu.memory_space<hbm>>) dst(%arg6 : memref<80xi32, #tpu.memory_space<vmem>>)
      tpu.yield
    }) : () -> ()
    %dma_start3A_72 = arith.constant 0 : i32
    %dma_start3A_73 = arith.constant 0 : i32
    %dma_start3A_74 = tpu.memref_slice %arg2[%dma_start3A_72, %dma_start3A_73] : memref<10000x128xf32, #tpu.memory_space<hbm>> -> memref<10000x128xf32, #tpu.memory_space<hbm>>
    tpu.enqueue_indirect_dma source(%dma_start3A_74 : memref<10000x128xf32, #tpu.memory_space<hbm>>) target(%arg10 : memref<80x128xf32, #tpu.memory_space<vmem>>) offsets(%arg6 : memref<80xi32, #tpu.memory_space<vmem>>) semaphore(%arg14 : memref<!tpu.dma_semaphore, #tpu.memory_space<semaphore_mem>>)
    %dma_wait3A_75 = arith.constant 0 : i32
    %dma_wait3A_76 = arith.constant 0 : i32
    %dma_wait3A_77 = tpu.memref_slice %arg2[%dma_wait3A_75, %dma_wait3A_76] : memref<10000x128xf32, #tpu.memory_space<hbm>> -> memref<10000x128xf32, #tpu.memory_space<hbm>>
    tpu.wait_indirect_dma semaphore(%arg15 : memref<!tpu.dma_semaphore, #tpu.memory_space<semaphore_mem>>) src(%dma_wait3A_77 : memref<10000x128xf32, #tpu.memory_space<hbm>>) dst(%arg11 : memref<80x128xf32, #tpu.memory_space<vmem>>)
    %add3A_78 = arith.constant 9840 : i32
    %add3A_79 = arith.addi %mul3A_2, %add3A_78 : i32
    "tpu.region"() ({
      %run_scoped3A = tpu.sem_alloc : memref<!tpu.dma_semaphore, #tpu.memory_space<semaphore_mem>>
      %dma_start3A_156 = tpu.memref_slice %arg4[%add3A_79] : memref<320000xi32, #tpu.memory_space<hbm>> -> memref<80xi32, #tpu.memory_space<hbm>>
      %dma_start3A_157 = tpu.memref_slice %arg4[%add3A_79] : memref<320000xi32, #tpu.memory_space<hbm>> -> memref<80xi32, #tpu.memory_space<hbm>>
      tpu.enqueue_dma source(%dma_start3A_157 : memref<80xi32, #tpu.memory_space<hbm>>) target(%arg9 : memref<80xi32, #tpu.memory_space<vmem>>) target_semaphore(%run_scoped3A : memref<!tpu.dma_semaphore, #tpu.memory_space<semaphore_mem>>)
      %dma_wait3A_158 = tpu.memref_slice %arg4[%add3A_79] : memref<320000xi32, #tpu.memory_space<hbm>> -> memref<80xi32, #tpu.memory_space<hbm>>
      %dma_wait3A_159 = tpu.memref_slice %arg4[%add3A_79] : memref<320000xi32, #tpu.memory_space<hbm>> -> memref<80xi32, #tpu.memory_space<hbm>>
      tpu.wait_dma2 semaphore(%run_scoped3A : memref<!tpu.dma_semaphore, #tpu.memory_space<semaphore_mem>>) src(%dma_wait3A_159 : memref<80xi32, #tpu.memory_space<hbm>>) dst(%arg9 : memref<80xi32, #tpu.memory_space<vmem>>)
      tpu.yield
    }) : () -> ()
    "tpu.region"() ({
      %run_scoped3A = tpu.sem_alloc : memref<!tpu.dma_semaphore, #tpu.memory_space<semaphore_mem>>
      %dma_start3A_156 = arith.constant 0 : i32
      %dma_start3A_157 = arith.constant 0 : i32
      %dma_start3A_158 = tpu.memref_slice %arg13[%dma_start3A_156, %dma_start3A_157] : memref<10240x128xf32, #tpu.memory_space<vmem_shared>> -> memref<10240x128xf32, #tpu.memory_space<vmem_shared>>
      tpu.enqueue_indirect_dma source(%arg11 : memref<80x128xf32, #tpu.memory_space<vmem>>) target(%dma_start3A_158 : memref<10240x128xf32, #tpu.memory_space<vmem_shared>>) offsets(%arg9 : memref<80xi32, #tpu.memory_space<vmem>>) semaphore(%run_scoped3A : memref<!tpu.dma_semaphore, #tpu.memory_space<semaphore_mem>>) {add = true}
      %dma_wait3A_159 = arith.constant 0 : i32
      %dma_wait3A_160 = arith.constant 0 : i32
      %dma_wait3A_161 = tpu.memref_slice %arg13[%dma_wait3A_159, %dma_wait3A_160] : memref<10240x128xf32, #tpu.memory_space<vmem_shared>> -> memref<10240x128xf32, #tpu.memory_space<vmem_shared>>
      tpu.wait_indirect_dma semaphore(%run_scoped3A : memref<!tpu.dma_semaphore, #tpu.memory_space<semaphore_mem>>) src(%arg11 : memref<80x128xf32, #tpu.memory_space<vmem>>) dst(%dma_wait3A_161 : memref<10240x128xf32, #tpu.memory_space<vmem_shared>>)
      tpu.yield
    }) : () -> ()
    %dma_wait3A_80 = arith.constant 0 : i32
    %dma_wait3A_81 = arith.constant 0 : i32
    %dma_wait3A_82 = tpu.memref_slice %arg2[%dma_wait3A_80, %dma_wait3A_81] : memref<10000x128xf32, #tpu.memory_space<hbm>> -> memref<10000x128xf32, #tpu.memory_space<hbm>>
    tpu.wait_indirect_dma semaphore(%arg14 : memref<!tpu.dma_semaphore, #tpu.memory_space<semaphore_mem>>) src(%dma_wait3A_82 : memref<10000x128xf32, #tpu.memory_space<hbm>>) dst(%arg10 : memref<80x128xf32, #tpu.memory_space<vmem>>)
    %add3A_83 = arith.constant 9920 : i32
    %add3A_84 = arith.addi %mul3A_2, %add3A_83 : i32
    "tpu.region"() ({
      %run_scoped3A = tpu.sem_alloc : memref<!tpu.dma_semaphore, #tpu.memory_space<semaphore_mem>>
      %dma_start3A_156 = tpu.memref_slice %arg4[%add3A_84] : memref<320000xi32, #tpu.memory_space<hbm>> -> memref<80xi32, #tpu.memory_space<hbm>>
      %dma_start3A_157 = tpu.memref_slice %arg4[%add3A_84] : memref<320000xi32, #tpu.memory_space<hbm>> -> memref<80xi32, #tpu.memory_space<hbm>>
      tpu.enqueue_dma source(%dma_start3A_157 : memref<80xi32, #tpu.memory_space<hbm>>) target(%arg8 : memref<80xi32, #tpu.memory_space<vmem>>) target_semaphore(%run_scoped3A : memref<!tpu.dma_semaphore, #tpu.memory_space<semaphore_mem>>)
      %dma_wait3A_158 = tpu.memref_slice %arg4[%add3A_84] : memref<320000xi32, #tpu.memory_space<hbm>> -> memref<80xi32, #tpu.memory_space<hbm>>
      %dma_wait3A_159 = tpu.memref_slice %arg4[%add3A_84] : memref<320000xi32, #tpu.memory_space<hbm>> -> memref<80xi32, #tpu.memory_space<hbm>>
      tpu.wait_dma2 semaphore(%run_scoped3A : memref<!tpu.dma_semaphore, #tpu.memory_space<semaphore_mem>>) src(%dma_wait3A_159 : memref<80xi32, #tpu.memory_space<hbm>>) dst(%arg8 : memref<80xi32, #tpu.memory_space<vmem>>)
      tpu.yield
    }) : () -> ()
    "tpu.region"() ({
      %run_scoped3A = tpu.sem_alloc : memref<!tpu.dma_semaphore, #tpu.memory_space<semaphore_mem>>
      %dma_start3A_156 = arith.constant 0 : i32
      %dma_start3A_157 = arith.constant 0 : i32
      %dma_start3A_158 = tpu.memref_slice %arg13[%dma_start3A_156, %dma_start3A_157] : memref<10240x128xf32, #tpu.memory_space<vmem_shared>> -> memref<10240x128xf32, #tpu.memory_space<vmem_shared>>
      tpu.enqueue_indirect_dma source(%arg10 : memref<80x128xf32, #tpu.memory_space<vmem>>) target(%dma_start3A_158 : memref<10240x128xf32, #tpu.memory_space<vmem_shared>>) offsets(%arg8 : memref<80xi32, #tpu.memory_space<vmem>>) semaphore(%run_scoped3A : memref<!tpu.dma_semaphore, #tpu.memory_space<semaphore_mem>>) {add = true}
      %dma_wait3A_159 = arith.constant 0 : i32
      %dma_wait3A_160 = arith.constant 0 : i32
      %dma_wait3A_161 = tpu.memref_slice %arg13[%dma_wait3A_159, %dma_wait3A_160] : memref<10240x128xf32, #tpu.memory_space<vmem_shared>> -> memref<10240x128xf32, #tpu.memory_space<vmem_shared>>
      tpu.wait_indirect_dma semaphore(%run_scoped3A : memref<!tpu.dma_semaphore, #tpu.memory_space<semaphore_mem>>) src(%arg10 : memref<80x128xf32, #tpu.memory_space<vmem>>) dst(%dma_wait3A_161 : memref<10240x128xf32, #tpu.memory_space<vmem_shared>>)
      tpu.yield
    }) : () -> ()
    %barrier3A_85 = arith.constant 0 : index
    tpu.barrier barrier_id(%barrier3A_85)
    %mul3A_86 = arith.constant 640 : i32
    %mul3A_87 = arith.muli %arg1, %mul3A_86 : i32
    %add3A_88 = arith.constant 0 : i32
    %add3A_89 = arith.addi %mul3A_87, %add3A_88 : i32
    %mul3A_90 = arith.constant 10240 : i32
    %mul3A_91 = arith.muli %arg0, %mul3A_90 : i32
    %add3A_92 = arith.addi %mul3A_91, %add3A_89 : i32
    "tpu.region"() ({
      %run_scoped3A = tpu.sem_alloc : memref<!tpu.dma_semaphore, #tpu.memory_space<semaphore_mem>>
      %dma_start3A_156 = arith.constant 0 : i32
      %dma_start3A_157 = tpu.memref_slice %arg5[%add3A_92, %dma_start3A_156] : memref<20480x128xf32, #tpu.memory_space<hbm>> -> memref<64x128xf32, #tpu.memory_space<hbm>>
      %dma_start3A_158 = arith.constant 0 : i32
      %dma_start3A_159 = tpu.memref_slice %arg13[%add3A_89, %dma_start3A_158] : memref<10240x128xf32, #tpu.memory_space<vmem_shared>> -> memref<64x128xf32, #tpu.memory_space<vmem_shared>>
      tpu.enqueue_dma source(%dma_start3A_159 : memref<64x128xf32, #tpu.memory_space<vmem_shared>>) target(%dma_start3A_157 : memref<64x128xf32, #tpu.memory_space<hbm>>) target_semaphore(%run_scoped3A : memref<!tpu.dma_semaphore, #tpu.memory_space<semaphore_mem>>)
      %dma_wait3A_160 = arith.constant 0 : i32
      %dma_wait3A_161 = tpu.memref_slice %arg5[%add3A_92, %dma_wait3A_160] : memref<20480x128xf32, #tpu.memory_space<hbm>> -> memref<64x128xf32, #tpu.memory_space<hbm>>
      %dma_wait3A_162 = arith.constant 0 : i32
      %dma_wait3A_163 = tpu.memref_slice %arg13[%add3A_89, %dma_wait3A_162] : memref<10240x128xf32, #tpu.memory_space<vmem_shared>> -> memref<64x128xf32, #tpu.memory_space<vmem_shared>>
      tpu.wait_dma2 semaphore(%run_scoped3A : memref<!tpu.dma_semaphore, #tpu.memory_space<semaphore_mem>>) src(%dma_wait3A_163 : memref<64x128xf32, #tpu.memory_space<vmem_shared>>) dst(%dma_wait3A_161 : memref<64x128xf32, #tpu.memory_space<hbm>>)
      tpu.yield
    }) : () -> ()
    %mul3A_93 = arith.constant 640 : i32
    %mul3A_94 = arith.muli %arg1, %mul3A_93 : i32
    %add3A_95 = arith.constant 64 : i32
    %add3A_96 = arith.addi %mul3A_94, %add3A_95 : i32
    %mul3A_97 = arith.constant 10240 : i32
    %mul3A_98 = arith.muli %arg0, %mul3A_97 : i32
    %add3A_99 = arith.addi %mul3A_98, %add3A_96 : i32
    "tpu.region"() ({
      %run_scoped3A = tpu.sem_alloc : memref<!tpu.dma_semaphore, #tpu.memory_space<semaphore_mem>>
      %dma_start3A_156 = arith.constant 0 : i32
      %dma_start3A_157 = tpu.memref_slice %arg5[%add3A_99, %dma_start3A_156] : memref<20480x128xf32, #tpu.memory_space<hbm>> -> memref<64x128xf32, #tpu.memory_space<hbm>>
      %dma_start3A_158 = arith.constant 0 : i32
      %dma_start3A_159 = tpu.memref_slice %arg13[%add3A_96, %dma_start3A_158] : memref<10240x128xf32, #tpu.memory_space<vmem_shared>> -> memref<64x128xf32, #tpu.memory_space<vmem_shared>>
      tpu.enqueue_dma source(%dma_start3A_159 : memref<64x128xf32, #tpu.memory_space<vmem_shared>>) target(%dma_start3A_157 : memref<64x128xf32, #tpu.memory_space<hbm>>) target_semaphore(%run_scoped3A : memref<!tpu.dma_semaphore, #tpu.memory_space<semaphore_mem>>)
      %dma_wait3A_160 = arith.constant 0 : i32
      %dma_wait3A_161 = tpu.memref_slice %arg5[%add3A_99, %dma_wait3A_160] : memref<20480x128xf32, #tpu.memory_space<hbm>> -> memref<64x128xf32, #tpu.memory_space<hbm>>
      %dma_wait3A_162 = arith.constant 0 : i32
      %dma_wait3A_163 = tpu.memref_slice %arg13[%add3A_96, %dma_wait3A_162] : memref<10240x128xf32, #tpu.memory_space<vmem_shared>> -> memref<64x128xf32, #tpu.memory_space<vmem_shared>>
      tpu.wait_dma2 semaphore(%run_scoped3A : memref<!tpu.dma_semaphore, #tpu.memory_space<semaphore_mem>>) src(%dma_wait3A_163 : memref<64x128xf32, #tpu.memory_space<vmem_shared>>) dst(%dma_wait3A_161 : memref<64x128xf32, #tpu.memory_space<hbm>>)
      tpu.yield
    }) : () -> ()
    %mul3A_100 = arith.constant 640 : i32
    %mul3A_101 = arith.muli %arg1, %mul3A_100 : i32
    %add3A_102 = arith.constant 128 : i32
    %add3A_103 = arith.addi %mul3A_101, %add3A_102 : i32
    %mul3A_104 = arith.constant 10240 : i32
    %mul3A_105 = arith.muli %arg0, %mul3A_104 : i32
    %add3A_106 = arith.addi %mul3A_105, %add3A_103 : i32
    "tpu.region"() ({
      %run_scoped3A = tpu.sem_alloc : memref<!tpu.dma_semaphore, #tpu.memory_space<semaphore_mem>>
      %dma_start3A_156 = arith.constant 0 : i32
      %dma_start3A_157 = tpu.memref_slice %arg5[%add3A_106, %dma_start3A_156] : memref<20480x128xf32, #tpu.memory_space<hbm>> -> memref<64x128xf32, #tpu.memory_space<hbm>>
      %dma_start3A_158 = arith.constant 0 : i32
      %dma_start3A_159 = tpu.memref_slice %arg13[%add3A_103, %dma_start3A_158] : memref<10240x128xf32, #tpu.memory_space<vmem_shared>> -> memref<64x128xf32, #tpu.memory_space<vmem_shared>>
      tpu.enqueue_dma source(%dma_start3A_159 : memref<64x128xf32, #tpu.memory_space<vmem_shared>>) target(%dma_start3A_157 : memref<64x128xf32, #tpu.memory_space<hbm>>) target_semaphore(%run_scoped3A : memref<!tpu.dma_semaphore, #tpu.memory_space<semaphore_mem>>)
      %dma_wait3A_160 = arith.constant 0 : i32
      %dma_wait3A_161 = tpu.memref_slice %arg5[%add3A_106, %dma_wait3A_160] : memref<20480x128xf32, #tpu.memory_space<hbm>> -> memref<64x128xf32, #tpu.memory_space<hbm>>
      %dma_wait3A_162 = arith.constant 0 : i32
      %dma_wait3A_163 = tpu.memref_slice %arg13[%add3A_103, %dma_wait3A_162] : memref<10240x128xf32, #tpu.memory_space<vmem_shared>> -> memref<64x128xf32, #tpu.memory_space<vmem_shared>>
      tpu.wait_dma2 semaphore(%run_scoped3A : memref<!tpu.dma_semaphore, #tpu.memory_space<semaphore_mem>>) src(%dma_wait3A_163 : memref<64x128xf32, #tpu.memory_space<vmem_shared>>) dst(%dma_wait3A_161 : memref<64x128xf32, #tpu.memory_space<hbm>>)
      tpu.yield
    }) : () -> ()
    %mul3A_107 = arith.constant 640 : i32
    %mul3A_108 = arith.muli %arg1, %mul3A_107 : i32
    %add3A_109 = arith.constant 192 : i32
    %add3A_110 = arith.addi %mul3A_108, %add3A_109 : i32
    %mul3A_111 = arith.constant 10240 : i32
    %mul3A_112 = arith.muli %arg0, %mul3A_111 : i32
    %add3A_113 = arith.addi %mul3A_112, %add3A_110 : i32
    "tpu.region"() ({
      %run_scoped3A = tpu.sem_alloc : memref<!tpu.dma_semaphore, #tpu.memory_space<semaphore_mem>>
      %dma_start3A_156 = arith.constant 0 : i32
      %dma_start3A_157 = tpu.memref_slice %arg5[%add3A_113, %dma_start3A_156] : memref<20480x128xf32, #tpu.memory_space<hbm>> -> memref<64x128xf32, #tpu.memory_space<hbm>>
      %dma_start3A_158 = arith.constant 0 : i32
      %dma_start3A_159 = tpu.memref_slice %arg13[%add3A_110, %dma_start3A_158] : memref<10240x128xf32, #tpu.memory_space<vmem_shared>> -> memref<64x128xf32, #tpu.memory_space<vmem_shared>>
      tpu.enqueue_dma source(%dma_start3A_159 : memref<64x128xf32, #tpu.memory_space<vmem_shared>>) target(%dma_start3A_157 : memref<64x128xf32, #tpu.memory_space<hbm>>) target_semaphore(%run_scoped3A : memref<!tpu.dma_semaphore, #tpu.memory_space<semaphore_mem>>)
      %dma_wait3A_160 = arith.constant 0 : i32
      %dma_wait3A_161 = tpu.memref_slice %arg5[%add3A_113, %dma_wait3A_160] : memref<20480x128xf32, #tpu.memory_space<hbm>> -> memref<64x128xf32, #tpu.memory_space<hbm>>
      %dma_wait3A_162 = arith.constant 0 : i32
      %dma_wait3A_163 = tpu.memref_slice %arg13[%add3A_110, %dma_wait3A_162] : memref<10240x128xf32, #tpu.memory_space<vmem_shared>> -> memref<64x128xf32, #tpu.memory_space<vmem_shared>>
      tpu.wait_dma2 semaphore(%run_scoped3A : memref<!tpu.dma_semaphore, #tpu.memory_space<semaphore_mem>>) src(%dma_wait3A_163 : memref<64x128xf32, #tpu.memory_space<vmem_shared>>) dst(%dma_wait3A_161 : memref<64x128xf32, #tpu.memory_space<hbm>>)
      tpu.yield
    }) : () -> ()
    %mul3A_114 = arith.constant 640 : i32
    %mul3A_115 = arith.muli %arg1, %mul3A_114 : i32
    %add3A_116 = arith.constant 256 : i32
    %add3A_117 = arith.addi %mul3A_115, %add3A_116 : i32
    %mul3A_118 = arith.constant 10240 : i32
    %mul3A_119 = arith.muli %arg0, %mul3A_118 : i32
    %add3A_120 = arith.addi %mul3A_119, %add3A_117 : i32
    "tpu.region"() ({
      %run_scoped3A = tpu.sem_alloc : memref<!tpu.dma_semaphore, #tpu.memory_space<semaphore_mem>>
      %dma_start3A_156 = arith.constant 0 : i32
      %dma_start3A_157 = tpu.memref_slice %arg5[%add3A_120, %dma_start3A_156] : memref<20480x128xf32, #tpu.memory_space<hbm>> -> memref<64x128xf32, #tpu.memory_space<hbm>>
      %dma_start3A_158 = arith.constant 0 : i32
      %dma_start3A_159 = tpu.memref_slice %arg13[%add3A_117, %dma_start3A_158] : memref<10240x128xf32, #tpu.memory_space<vmem_shared>> -> memref<64x128xf32, #tpu.memory_space<vmem_shared>>
      tpu.enqueue_dma source(%dma_start3A_159 : memref<64x128xf32, #tpu.memory_space<vmem_shared>>) target(%dma_start3A_157 : memref<64x128xf32, #tpu.memory_space<hbm>>) target_semaphore(%run_scoped3A : memref<!tpu.dma_semaphore, #tpu.memory_space<semaphore_mem>>)
      %dma_wait3A_160 = arith.constant 0 : i32
      %dma_wait3A_161 = tpu.memref_slice %arg5[%add3A_120, %dma_wait3A_160] : memref<20480x128xf32, #tpu.memory_space<hbm>> -> memref<64x128xf32, #tpu.memory_space<hbm>>
      %dma_wait3A_162 = arith.constant 0 : i32
      %dma_wait3A_163 = tpu.memref_slice %arg13[%add3A_117, %dma_wait3A_162] : memref<10240x128xf32, #tpu.memory_space<vmem_shared>> -> memref<64x128xf32, #tpu.memory_space<vmem_shared>>
      tpu.wait_dma2 semaphore(%run_scoped3A : memref<!tpu.dma_semaphore, #tpu.memory_space<semaphore_mem>>) src(%dma_wait3A_163 : memref<64x128xf32, #tpu.memory_space<vmem_shared>>) dst(%dma_wait3A_161 : memref<64x128xf32, #tpu.memory_space<hbm>>)
      tpu.yield
    }) : () -> ()
    %mul3A_121 = arith.constant 640 : i32
    %mul3A_122 = arith.muli %arg1, %mul3A_121 : i32
    %add3A_123 = arith.constant 320 : i32
    %add3A_124 = arith.addi %mul3A_122, %add3A_123 : i32
    %mul3A_125 = arith.constant 10240 : i32
    %mul3A_126 = arith.muli %arg0, %mul3A_125 : i32
    %add3A_127 = arith.addi %mul3A_126, %add3A_124 : i32
    "tpu.region"() ({
      %run_scoped3A = tpu.sem_alloc : memref<!tpu.dma_semaphore, #tpu.memory_space<semaphore_mem>>
      %dma_start3A_156 = arith.constant 0 : i32
      %dma_start3A_157 = tpu.memref_slice %arg5[%add3A_127, %dma_start3A_156] : memref<20480x128xf32, #tpu.memory_space<hbm>> -> memref<64x128xf32, #tpu.memory_space<hbm>>
      %dma_start3A_158 = arith.constant 0 : i32
      %dma_start3A_159 = tpu.memref_slice %arg13[%add3A_124, %dma_start3A_158] : memref<10240x128xf32, #tpu.memory_space<vmem_shared>> -> memref<64x128xf32, #tpu.memory_space<vmem_shared>>
      tpu.enqueue_dma source(%dma_start3A_159 : memref<64x128xf32, #tpu.memory_space<vmem_shared>>) target(%dma_start3A_157 : memref<64x128xf32, #tpu.memory_space<hbm>>) target_semaphore(%run_scoped3A : memref<!tpu.dma_semaphore, #tpu.memory_space<semaphore_mem>>)
      %dma_wait3A_160 = arith.constant 0 : i32
      %dma_wait3A_161 = tpu.memref_slice %arg5[%add3A_127, %dma_wait3A_160] : memref<20480x128xf32, #tpu.memory_space<hbm>> -> memref<64x128xf32, #tpu.memory_space<hbm>>
      %dma_wait3A_162 = arith.constant 0 : i32
      %dma_wait3A_163 = tpu.memref_slice %arg13[%add3A_124, %dma_wait3A_162] : memref<10240x128xf32, #tpu.memory_space<vmem_shared>> -> memref<64x128xf32, #tpu.memory_space<vmem_shared>>
      tpu.wait_dma2 semaphore(%run_scoped3A : memref<!tpu.dma_semaphore, #tpu.memory_space<semaphore_mem>>) src(%dma_wait3A_163 : memref<64x128xf32, #tpu.memory_space<vmem_shared>>) dst(%dma_wait3A_161 : memref<64x128xf32, #tpu.memory_space<hbm>>)
      tpu.yield
    }) : () -> ()
    %mul3A_128 = arith.constant 640 : i32
    %mul3A_129 = arith.muli %arg1, %mul3A_128 : i32
    %add3A_130 = arith.constant 384 : i32
    %add3A_131 = arith.addi %mul3A_129, %add3A_130 : i32
    %mul3A_132 = arith.constant 10240 : i32
    %mul3A_133 = arith.muli %arg0, %mul3A_132 : i32
    %add3A_134 = arith.addi %mul3A_133, %add3A_131 : i32
    "tpu.region"() ({
      %run_scoped3A = tpu.sem_alloc : memref<!tpu.dma_semaphore, #tpu.memory_space<semaphore_mem>>
      %dma_start3A_156 = arith.constant 0 : i32
      %dma_start3A_157 = tpu.memref_slice %arg5[%add3A_134, %dma_start3A_156] : memref<20480x128xf32, #tpu.memory_space<hbm>> -> memref<64x128xf32, #tpu.memory_space<hbm>>
      %dma_start3A_158 = arith.constant 0 : i32
      %dma_start3A_159 = tpu.memref_slice %arg13[%add3A_131, %dma_start3A_158] : memref<10240x128xf32, #tpu.memory_space<vmem_shared>> -> memref<64x128xf32, #tpu.memory_space<vmem_shared>>
      tpu.enqueue_dma source(%dma_start3A_159 : memref<64x128xf32, #tpu.memory_space<vmem_shared>>) target(%dma_start3A_157 : memref<64x128xf32, #tpu.memory_space<hbm>>) target_semaphore(%run_scoped3A : memref<!tpu.dma_semaphore, #tpu.memory_space<semaphore_mem>>)
      %dma_wait3A_160 = arith.constant 0 : i32
      %dma_wait3A_161 = tpu.memref_slice %arg5[%add3A_134, %dma_wait3A_160] : memref<20480x128xf32, #tpu.memory_space<hbm>> -> memref<64x128xf32, #tpu.memory_space<hbm>>
      %dma_wait3A_162 = arith.constant 0 : i32
      %dma_wait3A_163 = tpu.memref_slice %arg13[%add3A_131, %dma_wait3A_162] : memref<10240x128xf32, #tpu.memory_space<vmem_shared>> -> memref<64x128xf32, #tpu.memory_space<vmem_shared>>
      tpu.wait_dma2 semaphore(%run_scoped3A : memref<!tpu.dma_semaphore, #tpu.memory_space<semaphore_mem>>) src(%dma_wait3A_163 : memref<64x128xf32, #tpu.memory_space<vmem_shared>>) dst(%dma_wait3A_161 : memref<64x128xf32, #tpu.memory_space<hbm>>)
      tpu.yield
    }) : () -> ()
    %mul3A_135 = arith.constant 640 : i32
    %mul3A_136 = arith.muli %arg1, %mul3A_135 : i32
    %add3A_137 = arith.constant 448 : i32
    %add3A_138 = arith.addi %mul3A_136, %add3A_137 : i32
    %mul3A_139 = arith.constant 10240 : i32
    %mul3A_140 = arith.muli %arg0, %mul3A_139 : i32
    %add3A_141 = arith.addi %mul3A_140, %add3A_138 : i32
    "tpu.region"() ({
      %run_scoped3A = tpu.sem_alloc : memref<!tpu.dma_semaphore, #tpu.memory_space<semaphore_mem>>
      %dma_start3A_156 = arith.constant 0 : i32
      %dma_start3A_157 = tpu.memref_slice %arg5[%add3A_141, %dma_start3A_156] : memref<20480x128xf32, #tpu.memory_space<hbm>> -> memref<64x128xf32, #tpu.memory_space<hbm>>
      %dma_start3A_158 = arith.constant 0 : i32
      %dma_start3A_159 = tpu.memref_slice %arg13[%add3A_138, %dma_start3A_158] : memref<10240x128xf32, #tpu.memory_space<vmem_shared>> -> memref<64x128xf32, #tpu.memory_space<vmem_shared>>
      tpu.enqueue_dma source(%dma_start3A_159 : memref<64x128xf32, #tpu.memory_space<vmem_shared>>) target(%dma_start3A_157 : memref<64x128xf32, #tpu.memory_space<hbm>>) target_semaphore(%run_scoped3A : memref<!tpu.dma_semaphore, #tpu.memory_space<semaphore_mem>>)
      %dma_wait3A_160 = arith.constant 0 : i32
      %dma_wait3A_161 = tpu.memref_slice %arg5[%add3A_141, %dma_wait3A_160] : memref<20480x128xf32, #tpu.memory_space<hbm>> -> memref<64x128xf32, #tpu.memory_space<hbm>>
      %dma_wait3A_162 = arith.constant 0 : i32
      %dma_wait3A_163 = tpu.memref_slice %arg13[%add3A_138, %dma_wait3A_162] : memref<10240x128xf32, #tpu.memory_space<vmem_shared>> -> memref<64x128xf32, #tpu.memory_space<vmem_shared>>
      tpu.wait_dma2 semaphore(%run_scoped3A : memref<!tpu.dma_semaphore, #tpu.memory_space<semaphore_mem>>) src(%dma_wait3A_163 : memref<64x128xf32, #tpu.memory_space<vmem_shared>>) dst(%dma_wait3A_161 : memref<64x128xf32, #tpu.memory_space<hbm>>)
      tpu.yield
    }) : () -> ()
    %mul3A_142 = arith.constant 640 : i32
    %mul3A_143 = arith.muli %arg1, %mul3A_142 : i32
    %add3A_144 = arith.constant 512 : i32
    %add3A_145 = arith.addi %mul3A_143, %add3A_144 : i32
    %mul3A_146 = arith.constant 10240 : i32
    %mul3A_147 = arith.muli %arg0, %mul3A_146 : i32
    %add3A_148 = arith.addi %mul3A_147, %add3A_145 : i32
    "tpu.region"() ({
      %run_scoped3A = tpu.sem_alloc : memref<!tpu.dma_semaphore, #tpu.memory_space<semaphore_mem>>
      %dma_start3A_156 = arith.constant 0 : i32
      %dma_start3A_157 = tpu.memref_slice %arg5[%add3A_148, %dma_start3A_156] : memref<20480x128xf32, #tpu.memory_space<hbm>> -> memref<64x128xf32, #tpu.memory_space<hbm>>
      %dma_start3A_158 = arith.constant 0 : i32
      %dma_start3A_159 = tpu.memref_slice %arg13[%add3A_145, %dma_start3A_158] : memref<10240x128xf32, #tpu.memory_space<vmem_shared>> -> memref<64x128xf32, #tpu.memory_space<vmem_shared>>
      tpu.enqueue_dma source(%dma_start3A_159 : memref<64x128xf32, #tpu.memory_space<vmem_shared>>) target(%dma_start3A_157 : memref<64x128xf32, #tpu.memory_space<hbm>>) target_semaphore(%run_scoped3A : memref<!tpu.dma_semaphore, #tpu.memory_space<semaphore_mem>>)
      %dma_wait3A_160 = arith.constant 0 : i32
      %dma_wait3A_161 = tpu.memref_slice %arg5[%add3A_148, %dma_wait3A_160] : memref<20480x128xf32, #tpu.memory_space<hbm>> -> memref<64x128xf32, #tpu.memory_space<hbm>>
      %dma_wait3A_162 = arith.constant 0 : i32
      %dma_wait3A_163 = tpu.memref_slice %arg13[%add3A_145, %dma_wait3A_162] : memref<10240x128xf32, #tpu.memory_space<vmem_shared>> -> memref<64x128xf32, #tpu.memory_space<vmem_shared>>
      tpu.wait_dma2 semaphore(%run_scoped3A : memref<!tpu.dma_semaphore, #tpu.memory_space<semaphore_mem>>) src(%dma_wait3A_163 : memref<64x128xf32, #tpu.memory_space<vmem_shared>>) dst(%dma_wait3A_161 : memref<64x128xf32, #tpu.memory_space<hbm>>)
      tpu.yield
    }) : () -> ()
    %mul3A_149 = arith.constant 640 : i32
    %mul3A_150 = arith.muli %arg1, %mul3A_149 : i32
    %add3A_151 = arith.constant 576 : i32
    %add3A_152 = arith.addi %mul3A_150, %add3A_151 : i32
    %mul3A_153 = arith.constant 10240 : i32
    %mul3A_154 = arith.muli %arg0, %mul3A_153 : i32
    %add3A_155 = arith.addi %mul3A_154, %add3A_152 : i32
    "tpu.region"() ({
      %run_scoped3A = tpu.sem_alloc : memref<!tpu.dma_semaphore, #tpu.memory_space<semaphore_mem>>
      %dma_start3A_156 = arith.constant 0 : i32
      %dma_start3A_157 = tpu.memref_slice %arg5[%add3A_155, %dma_start3A_156] : memref<20480x128xf32, #tpu.memory_space<hbm>> -> memref<64x128xf32, #tpu.memory_space<hbm>>
      %dma_start3A_158 = arith.constant 0 : i32
      %dma_start3A_159 = tpu.memref_slice %arg13[%add3A_152, %dma_start3A_158] : memref<10240x128xf32, #tpu.memory_space<vmem_shared>> -> memref<64x128xf32, #tpu.memory_space<vmem_shared>>
      tpu.enqueue_dma source(%dma_start3A_159 : memref<64x128xf32, #tpu.memory_space<vmem_shared>>) target(%dma_start3A_157 : memref<64x128xf32, #tpu.memory_space<hbm>>) target_semaphore(%run_scoped3A : memref<!tpu.dma_semaphore, #tpu.memory_space<semaphore_mem>>)
      %dma_wait3A_160 = arith.constant 0 : i32
      %dma_wait3A_161 = tpu.memref_slice %arg5[%add3A_155, %dma_wait3A_160] : memref<20480x128xf32, #tpu.memory_space<hbm>> -> memref<64x128xf32, #tpu.memory_space<hbm>>
      %dma_wait3A_162 = arith.constant 0 : i32
      %dma_wait3A_163 = tpu.memref_slice %arg13[%add3A_152, %dma_wait3A_162] : memref<10240x128xf32, #tpu.memory_space<vmem_shared>> -> memref<64x128xf32, #tpu.memory_space<vmem_shared>>
      tpu.wait_dma2 semaphore(%run_scoped3A : memref<!tpu.dma_semaphore, #tpu.memory_space<semaphore_mem>>) src(%dma_wait3A_163 : memref<64x128xf32, #tpu.memory_space<vmem_shared>>) dst(%dma_wait3A_161 : memref<64x128xf32, #tpu.memory_space<hbm>>)
      tpu.yield
    }) : () -> ()
    return
  }
}

#map = affine_map<(d0, d1) -> (0, 0)>
#map1 = affine_map<(d0, d1) -> (0)>
module attributes {stable_mosaic.version = 14 : i64} {
  func.func @_sc_agg_body(%arg0: i32, %arg1: i32, %arg2: memref<10000x128xf32, #tpu.memory_space<hbm>>, %arg3: memref<320000xi32, #tpu.memory_space<hbm>>, %arg4: memref<320000xi32, #tpu.memory_space<hbm>>, %arg5: memref<20480x128xf32, #tpu.memory_space<hbm>>, %arg6: memref<80xi32, #tpu.memory_space<vmem>>, %arg7: memref<80xi32, #tpu.memory_space<vmem>>, %arg8: memref<80xi32, #tpu.memory_space<vmem>>, %arg9: memref<80xi32, #tpu.memory_space<vmem>>, %arg10: memref<80x128xf32, #tpu.memory_space<vmem>>, %arg11: memref<80x128xf32, #tpu.memory_space<vmem>>, %arg12: memref<64x128xf32, #tpu.memory_space<vmem>>, %arg13: memref<10240x128xf32, #tpu.memory_space<vmem_shared>>, %arg14: memref<!tpu.dma_semaphore, #tpu.memory_space<semaphore_mem>>, %arg15: memref<!tpu.dma_semaphore, #tpu.memory_space<semaphore_mem>>) attributes {dimension_semantics = [#tpu.dimension_semantics<core_parallel>, #tpu.dimension_semantics<subcore_parallel>], iteration_bounds = array<i64: 2, 16>, scalar_prefetch = 0 : i64, scratch_operands = 10 : i64, tpu.core_type = #tpu.core_type<sc_vector_subcore>, window_params = [{transform_indices = #map}, {transform_indices = #map1}, {transform_indices = #map1}, {transform_indices = #map}]} {
    %mul3A = arith.constant 2 : i32
    %mul3A_0 = arith.muli %arg1, %mul3A : i32
    %add3A = arith.addi %mul3A_0, %arg0 : i32
    %mul3A_1 = arith.constant 10000 : i32
    %mul3A_2 = arith.muli %add3A, %mul3A_1 : i32
    %broadcast_in_dim3A = arith.constant 0.000000e+00 : f32
    %broadcast_in_dim3A_3 = vector.broadcast %broadcast_in_dim3A : f32 to vector<16xf32>
    %scan3A = arith.constant 0 : i32
    %scan3A_4 = arith.constant 0 : i32
    %scan3A_5 = arith.constant 64 : i32
    %scan3A_6 = arith.addi %scan3A_4, %scan3A_5 : i32
    %scan3A_7 = arith.constant 1 : i32
    %scan3A_8 = scf.for %scan3A_156 = %scan3A_4 to %scan3A_6 step %scan3A_7 iter_args(%scan3A_157 = %scan3A) -> (i32)  : i32 {
      %swap3A = arith.index_cast %scan3A_156 : i32 to index
      %swap3A_158 = arith.constant 0 : index
      %swap3A_159 = tpu.vector_load %arg12[%swap3A, %swap3A_158] {strides = array<i32>} : memref<64x128xf32, #tpu.memory_space<vmem>>, vector<1x16xf32>,
      %swap3A_160 = vector.shape_cast %swap3A_159 : vector<1x16xf32> to vector<16xf32>
      %swap3A_161 = vector.shape_cast %broadcast_in_dim3A_3 : vector<16xf32> to vector<1x16xf32>
      tpu.vector_store %arg12[%swap3A, %swap3A_158], %swap3A_161 {strides = array<i32>} : memref<64x128xf32, #tpu.memory_space<vmem>>, vector<1x16xf32>,
      %swap3A_162 = arith.index_cast %scan3A_156 : i32 to index
      %swap3A_163 = arith.constant 16 : index
      %swap3A_164 = tpu.vector_load %arg12[%swap3A_162, %swap3A_163] {strides = array<i32>} : memref<64x128xf32, #tpu.memory_space<vmem>>, vector<1x16xf32>,
      %swap3A_165 = vector.shape_cast %swap3A_164 : vector<1x16xf32> to vector<16xf32>
      %swap3A_166 = vector.shape_cast %broadcast_in_dim3A_3 : vector<16xf32> to vector<1x16xf32>
      tpu.vector_store %arg12[%swap3A_162, %swap3A_163], %swap3A_166 {strides = array<i32>} : memref<64x128xf32, #tpu.memory_space<vmem>>, vector<1x16xf32>,
      %swap3A_167 = arith.index_cast %scan3A_156 : i32 to index
      %swap3A_168 = arith.constant 32 : index
      %swap3A_169 = tpu.vector_load %arg12[%swap3A_167, %swap3A_168] {strides = array<i32>} : memref<64x128xf32, #tpu.memory_space<vmem>>, vector<1x16xf32>,
      %swap3A_170 = vector.shape_cast %swap3A_169 : vector<1x16xf32> to vector<16xf32>
      %swap3A_171 = vector.shape_cast %broadcast_in_dim3A_3 : vector<16xf32> to vector<1x16xf32>
      tpu.vector_store %arg12[%swap3A_167, %swap3A_168], %swap3A_171 {strides = array<i32>} : memref<64x128xf32, #tpu.memory_space<vmem>>, vector<1x16xf32>,
      %swap3A_172 = arith.index_cast %scan3A_156 : i32 to index
      %swap3A_173 = arith.constant 48 : index
      %swap3A_174 = tpu.vector_load %arg12[%swap3A_172, %swap3A_173] {strides = array<i32>} : memref<64x128xf32, #tpu.memory_space<vmem>>, vector<1x16xf32>,
      %swap3A_175 = vector.shape_cast %swap3A_174 : vector<1x16xf32> to vector<16xf32>
      %swap3A_176 = vector.shape_cast %broadcast_in_dim3A_3 : vector<16xf32> to vector<1x16xf32>
      tpu.vector_store %arg12[%swap3A_172, %swap3A_173], %swap3A_176 {strides = array<i32>} : memref<64x128xf32, #tpu.memory_space<vmem>>, vector<1x16xf32>,
      %swap3A_177 = arith.index_cast %scan3A_156 : i32 to index
      %swap3A_178 = arith.constant 64 : index
      %swap3A_179 = tpu.vector_load %arg12[%swap3A_177, %swap3A_178] {strides = array<i32>} : memref<64x128xf32, #tpu.memory_space<vmem>>, vector<1x16xf32>,
      %swap3A_180 = vector.shape_cast %swap3A_179 : vector<1x16xf32> to vector<16xf32>
      %swap3A_181 = vector.shape_cast %broadcast_in_dim3A_3 : vector<16xf32> to vector<1x16xf32>
      tpu.vector_store %arg12[%swap3A_177, %swap3A_178], %swap3A_181 {strides = array<i32>} : memref<64x128xf32, #tpu.memory_space<vmem>>, vector<1x16xf32>,
      %swap3A_182 = arith.index_cast %scan3A_156 : i32 to index
      %swap3A_183 = arith.constant 80 : index
      %swap3A_184 = tpu.vector_load %arg12[%swap3A_182, %swap3A_183] {strides = array<i32>} : memref<64x128xf32, #tpu.memory_space<vmem>>, vector<1x16xf32>,
      %swap3A_185 = vector.shape_cast %swap3A_184 : vector<1x16xf32> to vector<16xf32>
      %swap3A_186 = vector.shape_cast %broadcast_in_dim3A_3 : vector<16xf32> to vector<1x16xf32>
      tpu.vector_store %arg12[%swap3A_182, %swap3A_183], %swap3A_186 {strides = array<i32>} : memref<64x128xf32, #tpu.memory_space<vmem>>, vector<1x16xf32>,
      %swap3A_187 = arith.index_cast %scan3A_156 : i32 to index
      %swap3A_188 = arith.constant 96 : index
      %swap3A_189 = tpu.vector_load %arg12[%swap3A_187, %swap3A_188] {strides = array<i32>} : memref<64x128xf32, #tpu.memory_space<vmem>>, vector<1x16xf32>,
      %swap3A_190 = vector.shape_cast %swap3A_189 : vector<1x16xf32> to vector<16xf32>
      %swap3A_191 = vector.shape_cast %broadcast_in_dim3A_3 : vector<16xf32> to vector<1x16xf32>
      tpu.vector_store %arg12[%swap3A_187, %swap3A_188], %swap3A_191 {strides = array<i32>} : memref<64x128xf32, #tpu.memory_space<vmem>>, vector<1x16xf32>,
      %swap3A_192 = arith.index_cast %scan3A_156 : i32 to index
      %swap3A_193 = arith.constant 112 : index
      %swap3A_194 = tpu.vector_load %arg12[%swap3A_192, %swap3A_193] {strides = array<i32>} : memref<64x128xf32, #tpu.memory_space<vmem>>, vector<1x16xf32>,
      %swap3A_195 = vector.shape_cast %swap3A_194 : vector<1x16xf32> to vector<16xf32>
      %swap3A_196 = vector.shape_cast %broadcast_in_dim3A_3 : vector<16xf32> to vector<1x16xf32>
      tpu.vector_store %arg12[%swap3A_192, %swap3A_193], %swap3A_196 {strides = array<i32>} : memref<64x128xf32, #tpu.memory_space<vmem>>, vector<1x16xf32>,
      %scan3A_197 = arith.constant 0 : i32
      scf.yield %scan3A_197 : i32
    }
    %scan3A_9 = arith.constant 64 : i32
    %mul3A_10 = arith.constant 640 : i32
    %mul3A_11 = arith.muli %arg1, %mul3A_10 : i32
    %add3A_12 = arith.constant 0 : i32
    %add3A_13 = arith.addi %mul3A_11, %add3A_12 : i32
    "tpu.region"() ({
      %run_scoped3A = tpu.sem_alloc : memref<!tpu.dma_semaphore, #tpu.memory_space<semaphore_mem>>
      %dma_start3A_156 = arith.constant 0 : i32
      %dma_start3A_157 = tpu.memref_slice %arg13[%add3A_13, %dma_start3A_156] : memref<10240x128xf32, #tpu.memory_space<vmem_shared>> -> memref<64x128xf32, #tpu.memory_space<vmem_shared>>
      %dma_start3A_158 = arith.constant 0 : i32
      %dma_start3A_159 = tpu.memref_slice %arg13[%add3A_13, %dma_start3A_158] : memref<10240x128xf32, #tpu.memory_space<vmem_shared>> -> memref<64x128xf32, #tpu.memory_space<vmem_shared>>
      tpu.enqueue_dma source(%arg12 : memref<64x128xf32, #tpu.memory_space<vmem>>) target(%dma_start3A_159 : memref<64x128xf32, #tpu.memory_space<vmem_shared>>) target_semaphore(%run_scoped3A : memref<!tpu.dma_semaphore, #tpu.memory_space<semaphore_mem>>)
      %dma_wait3A_160 = arith.constant 0 : i32
      %dma_wait3A_161 = tpu.memref_slice %arg13[%add3A_13, %dma_wait3A_160] : memref<10240x128xf32, #tpu.memory_space<vmem_shared>> -> memref<64x128xf32, #tpu.memory_space<vmem_shared>>
      %dma_wait3A_162 = arith.constant 0 : i32
      %dma_wait3A_163 = tpu.memref_slice %arg13[%add3A_13, %dma_wait3A_162] : memref<10240x128xf32, #tpu.memory_space<vmem_shared>> -> memref<64x128xf32, #tpu.memory_space<vmem_shared>>
      tpu.wait_dma2 semaphore(%run_scoped3A : memref<!tpu.dma_semaphore, #tpu.memory_space<semaphore_mem>>) src(%arg12 : memref<64x128xf32, #tpu.memory_space<vmem>>) dst(%dma_wait3A_163 : memref<64x128xf32, #tpu.memory_space<vmem_shared>>)
      tpu.yield
    }) : () -> ()
    %mul3A_14 = arith.constant 640 : i32
    %mul3A_15 = arith.muli %arg1, %mul3A_14 : i32
    %add3A_16 = arith.constant 64 : i32
    %add3A_17 = arith.addi %mul3A_15, %add3A_16 : i32
    "tpu.region"() ({
      %run_scoped3A = tpu.sem_alloc : memref<!tpu.dma_semaphore, #tpu.memory_space<semaphore_mem>>
      %dma_start3A_156 = arith.constant 0 : i32
      %dma_start3A_157 = tpu.memref_slice %arg13[%add3A_17, %dma_start3A_156] : memref<10240x128xf32, #tpu.memory_space<vmem_shared>> -> memref<64x128xf32, #tpu.memory_space<vmem_shared>>
      %dma_start3A_158 = arith.constant 0 : i32
      %dma_start3A_159 = tpu.memref_slice %arg13[%add3A_17, %dma_start3A_158] : memref<10240x128xf32, #tpu.memory_space<vmem_shared>> -> memref<64x128xf32, #tpu.memory_space<vmem_shared>>
      tpu.enqueue_dma source(%arg12 : memref<64x128xf32, #tpu.memory_space<vmem>>) target(%dma_start3A_159 : memref<64x128xf32, #tpu.memory_space<vmem_shared>>) target_semaphore(%run_scoped3A : memref<!tpu.dma_semaphore, #tpu.memory_space<semaphore_mem>>)
      %dma_wait3A_160 = arith.constant 0 : i32
      %dma_wait3A_161 = tpu.memref_slice %arg13[%add3A_17, %dma_wait3A_160] : memref<10240x128xf32, #tpu.memory_space<vmem_shared>> -> memref<64x128xf32, #tpu.memory_space<vmem_shared>>
      %dma_wait3A_162 = arith.constant 0 : i32
      %dma_wait3A_163 = tpu.memref_slice %arg13[%add3A_17, %dma_wait3A_162] : memref<10240x128xf32, #tpu.memory_space<vmem_shared>> -> memref<64x128xf32, #tpu.memory_space<vmem_shared>>
      tpu.wait_dma2 semaphore(%run_scoped3A : memref<!tpu.dma_semaphore, #tpu.memory_space<semaphore_mem>>) src(%arg12 : memref<64x128xf32, #tpu.memory_space<vmem>>) dst(%dma_wait3A_163 : memref<64x128xf32, #tpu.memory_space<vmem_shared>>)
      tpu.yield
    }) : () -> ()
    %mul3A_18 = arith.constant 640 : i32
    %mul3A_19 = arith.muli %arg1, %mul3A_18 : i32
    %add3A_20 = arith.constant 128 : i32
    %add3A_21 = arith.addi %mul3A_19, %add3A_20 : i32
    "tpu.region"() ({
      %run_scoped3A = tpu.sem_alloc : memref<!tpu.dma_semaphore, #tpu.memory_space<semaphore_mem>>
      %dma_start3A_156 = arith.constant 0 : i32
      %dma_start3A_157 = tpu.memref_slice %arg13[%add3A_21, %dma_start3A_156] : memref<10240x128xf32, #tpu.memory_space<vmem_shared>> -> memref<64x128xf32, #tpu.memory_space<vmem_shared>>
      %dma_start3A_158 = arith.constant 0 : i32
      %dma_start3A_159 = tpu.memref_slice %arg13[%add3A_21, %dma_start3A_158] : memref<10240x128xf32, #tpu.memory_space<vmem_shared>> -> memref<64x128xf32, #tpu.memory_space<vmem_shared>>
      tpu.enqueue_dma source(%arg12 : memref<64x128xf32, #tpu.memory_space<vmem>>) target(%dma_start3A_159 : memref<64x128xf32, #tpu.memory_space<vmem_shared>>) target_semaphore(%run_scoped3A : memref<!tpu.dma_semaphore, #tpu.memory_space<semaphore_mem>>)
      %dma_wait3A_160 = arith.constant 0 : i32
      %dma_wait3A_161 = tpu.memref_slice %arg13[%add3A_21, %dma_wait3A_160] : memref<10240x128xf32, #tpu.memory_space<vmem_shared>> -> memref<64x128xf32, #tpu.memory_space<vmem_shared>>
      %dma_wait3A_162 = arith.constant 0 : i32
      %dma_wait3A_163 = tpu.memref_slice %arg13[%add3A_21, %dma_wait3A_162] : memref<10240x128xf32, #tpu.memory_space<vmem_shared>> -> memref<64x128xf32, #tpu.memory_space<vmem_shared>>
      tpu.wait_dma2 semaphore(%run_scoped3A : memref<!tpu.dma_semaphore, #tpu.memory_space<semaphore_mem>>) src(%arg12 : memref<64x128xf32, #tpu.memory_space<vmem>>) dst(%dma_wait3A_163 : memref<64x128xf32, #tpu.memory_space<vmem_shared>>)
      tpu.yield
    }) : () -> ()
    %mul3A_22 = arith.constant 640 : i32
    %mul3A_23 = arith.muli %arg1, %mul3A_22 : i32
    %add3A_24 = arith.constant 192 : i32
    %add3A_25 = arith.addi %mul3A_23, %add3A_24 : i32
    "tpu.region"() ({
      %run_scoped3A = tpu.sem_alloc : memref<!tpu.dma_semaphore, #tpu.memory_space<semaphore_mem>>
      %dma_start3A_156 = arith.constant 0 : i32
      %dma_start3A_157 = tpu.memref_slice %arg13[%add3A_25, %dma_start3A_156] : memref<10240x128xf32, #tpu.memory_space<vmem_shared>> -> memref<64x128xf32, #tpu.memory_space<vmem_shared>>
      %dma_start3A_158 = arith.constant 0 : i32
      %dma_start3A_159 = tpu.memref_slice %arg13[%add3A_25, %dma_start3A_158] : memref<10240x128xf32, #tpu.memory_space<vmem_shared>> -> memref<64x128xf32, #tpu.memory_space<vmem_shared>>
      tpu.enqueue_dma source(%arg12 : memref<64x128xf32, #tpu.memory_space<vmem>>) target(%dma_start3A_159 : memref<64x128xf32, #tpu.memory_space<vmem_shared>>) target_semaphore(%run_scoped3A : memref<!tpu.dma_semaphore, #tpu.memory_space<semaphore_mem>>)
      %dma_wait3A_160 = arith.constant 0 : i32
      %dma_wait3A_161 = tpu.memref_slice %arg13[%add3A_25, %dma_wait3A_160] : memref<10240x128xf32, #tpu.memory_space<vmem_shared>> -> memref<64x128xf32, #tpu.memory_space<vmem_shared>>
      %dma_wait3A_162 = arith.constant 0 : i32
      %dma_wait3A_163 = tpu.memref_slice %arg13[%add3A_25, %dma_wait3A_162] : memref<10240x128xf32, #tpu.memory_space<vmem_shared>> -> memref<64x128xf32, #tpu.memory_space<vmem_shared>>
      tpu.wait_dma2 semaphore(%run_scoped3A : memref<!tpu.dma_semaphore, #tpu.memory_space<semaphore_mem>>) src(%arg12 : memref<64x128xf32, #tpu.memory_space<vmem>>) dst(%dma_wait3A_163 : memref<64x128xf32, #tpu.memory_space<vmem_shared>>)
      tpu.yield
    }) : () -> ()
    %mul3A_26 = arith.constant 640 : i32
    %mul3A_27 = arith.muli %arg1, %mul3A_26 : i32
    %add3A_28 = arith.constant 256 : i32
    %add3A_29 = arith.addi %mul3A_27, %add3A_28 : i32
    "tpu.region"() ({
      %run_scoped3A = tpu.sem_alloc : memref<!tpu.dma_semaphore, #tpu.memory_space<semaphore_mem>>
      %dma_start3A_156 = arith.constant 0 : i32
      %dma_start3A_157 = tpu.memref_slice %arg13[%add3A_29, %dma_start3A_156] : memref<10240x128xf32, #tpu.memory_space<vmem_shared>> -> memref<64x128xf32, #tpu.memory_space<vmem_shared>>
      %dma_start3A_158 = arith.constant 0 : i32
      %dma_start3A_159 = tpu.memref_slice %arg13[%add3A_29, %dma_start3A_158] : memref<10240x128xf32, #tpu.memory_space<vmem_shared>> -> memref<64x128xf32, #tpu.memory_space<vmem_shared>>
      tpu.enqueue_dma source(%arg12 : memref<64x128xf32, #tpu.memory_space<vmem>>) target(%dma_start3A_159 : memref<64x128xf32, #tpu.memory_space<vmem_shared>>) target_semaphore(%run_scoped3A : memref<!tpu.dma_semaphore, #tpu.memory_space<semaphore_mem>>)
      %dma_wait3A_160 = arith.constant 0 : i32
      %dma_wait3A_161 = tpu.memref_slice %arg13[%add3A_29, %dma_wait3A_160] : memref<10240x128xf32, #tpu.memory_space<vmem_shared>> -> memref<64x128xf32, #tpu.memory_space<vmem_shared>>
      %dma_wait3A_162 = arith.constant 0 : i32
      %dma_wait3A_163 = tpu.memref_slice %arg13[%add3A_29, %dma_wait3A_162] : memref<10240x128xf32, #tpu.memory_space<vmem_shared>> -> memref<64x128xf32, #tpu.memory_space<vmem_shared>>
      tpu.wait_dma2 semaphore(%run_scoped3A : memref<!tpu.dma_semaphore, #tpu.memory_space<semaphore_mem>>) src(%arg12 : memref<64x128xf32, #tpu.memory_space<vmem>>) dst(%dma_wait3A_163 : memref<64x128xf32, #tpu.memory_space<vmem_shared>>)
      tpu.yield
    }) : () -> ()
    %mul3A_30 = arith.constant 640 : i32
    %mul3A_31 = arith.muli %arg1, %mul3A_30 : i32
    %add3A_32 = arith.constant 320 : i32
    %add3A_33 = arith.addi %mul3A_31, %add3A_32 : i32
    "tpu.region"() ({
      %run_scoped3A = tpu.sem_alloc : memref<!tpu.dma_semaphore, #tpu.memory_space<semaphore_mem>>
      %dma_start3A_156 = arith.constant 0 : i32
      %dma_start3A_157 = tpu.memref_slice %arg13[%add3A_33, %dma_start3A_156] : memref<10240x128xf32, #tpu.memory_space<vmem_shared>> -> memref<64x128xf32, #tpu.memory_space<vmem_shared>>
      %dma_start3A_158 = arith.constant 0 : i32
      %dma_start3A_159 = tpu.memref_slice %arg13[%add3A_33, %dma_start3A_158] : memref<10240x128xf32, #tpu.memory_space<vmem_shared>> -> memref<64x128xf32, #tpu.memory_space<vmem_shared>>
      tpu.enqueue_dma source(%arg12 : memref<64x128xf32, #tpu.memory_space<vmem>>) target(%dma_start3A_159 : memref<64x128xf32, #tpu.memory_space<vmem_shared>>) target_semaphore(%run_scoped3A : memref<!tpu.dma_semaphore, #tpu.memory_space<semaphore_mem>>)
      %dma_wait3A_160 = arith.constant 0 : i32
      %dma_wait3A_161 = tpu.memref_slice %arg13[%add3A_33, %dma_wait3A_160] : memref<10240x128xf32, #tpu.memory_space<vmem_shared>> -> memref<64x128xf32, #tpu.memory_space<vmem_shared>>
      %dma_wait3A_162 = arith.constant 0 : i32
      %dma_wait3A_163 = tpu.memref_slice %arg13[%add3A_33, %dma_wait3A_162] : memref<10240x128xf32, #tpu.memory_space<vmem_shared>> -> memref<64x128xf32, #tpu.memory_space<vmem_shared>>
      tpu.wait_dma2 semaphore(%run_scoped3A : memref<!tpu.dma_semaphore, #tpu.memory_space<semaphore_mem>>) src(%arg12 : memref<64x128xf32, #tpu.memory_space<vmem>>) dst(%dma_wait3A_163 : memref<64x128xf32, #tpu.memory_space<vmem_shared>>)
      tpu.yield
    }) : () -> ()
    %mul3A_34 = arith.constant 640 : i32
    %mul3A_35 = arith.muli %arg1, %mul3A_34 : i32
    %add3A_36 = arith.constant 384 : i32
    %add3A_37 = arith.addi %mul3A_35, %add3A_36 : i32
    "tpu.region"() ({
      %run_scoped3A = tpu.sem_alloc : memref<!tpu.dma_semaphore, #tpu.memory_space<semaphore_mem>>
      %dma_start3A_156 = arith.constant 0 : i32
      %dma_start3A_157 = tpu.memref_slice %arg13[%add3A_37, %dma_start3A_156] : memref<10240x128xf32, #tpu.memory_space<vmem_shared>> -> memref<64x128xf32, #tpu.memory_space<vmem_shared>>
      %dma_start3A_158 = arith.constant 0 : i32
      %dma_start3A_159 = tpu.memref_slice %arg13[%add3A_37, %dma_start3A_158] : memref<10240x128xf32, #tpu.memory_space<vmem_shared>> -> memref<64x128xf32, #tpu.memory_space<vmem_shared>>
      tpu.enqueue_dma source(%arg12 : memref<64x128xf32, #tpu.memory_space<vmem>>) target(%dma_start3A_159 : memref<64x128xf32, #tpu.memory_space<vmem_shared>>) target_semaphore(%run_scoped3A : memref<!tpu.dma_semaphore, #tpu.memory_space<semaphore_mem>>)
      %dma_wait3A_160 = arith.constant 0 : i32
      %dma_wait3A_161 = tpu.memref_slice %arg13[%add3A_37, %dma_wait3A_160] : memref<10240x128xf32, #tpu.memory_space<vmem_shared>> -> memref<64x128xf32, #tpu.memory_space<vmem_shared>>
      %dma_wait3A_162 = arith.constant 0 : i32
      %dma_wait3A_163 = tpu.memref_slice %arg13[%add3A_37, %dma_wait3A_162] : memref<10240x128xf32, #tpu.memory_space<vmem_shared>> -> memref<64x128xf32, #tpu.memory_space<vmem_shared>>
      tpu.wait_dma2 semaphore(%run_scoped3A : memref<!tpu.dma_semaphore, #tpu.memory_space<semaphore_mem>>) src(%arg12 : memref<64x128xf32, #tpu.memory_space<vmem>>) dst(%dma_wait3A_163 : memref<64x128xf32, #tpu.memory_space<vmem_shared>>)
      tpu.yield
    }) : () -> ()
    %mul3A_38 = arith.constant 640 : i32
    %mul3A_39 = arith.muli %arg1, %mul3A_38 : i32
    %add3A_40 = arith.constant 448 : i32
    %add3A_41 = arith.addi %mul3A_39, %add3A_40 : i32
    "tpu.region"() ({
      %run_scoped3A = tpu.sem_alloc : memref<!tpu.dma_semaphore, #tpu.memory_space<semaphore_mem>>
      %dma_start3A_156 = arith.constant 0 : i32
      %dma_start3A_157 = tpu.memref_slice %arg13[%add3A_41, %dma_start3A_156] : memref<10240x128xf32, #tpu.memory_space<vmem_shared>> -> memref<64x128xf32, #tpu.memory_space<vmem_shared>>
      %dma_start3A_158 = arith.constant 0 : i32
      %dma_start3A_159 = tpu.memref_slice %arg13[%add3A_41, %dma_start3A_158] : memref<10240x128xf32, #tpu.memory_space<vmem_shared>> -> memref<64x128xf32, #tpu.memory_space<vmem_shared>>
      tpu.enqueue_dma source(%arg12 : memref<64x128xf32, #tpu.memory_space<vmem>>) target(%dma_start3A_159 : memref<64x128xf32, #tpu.memory_space<vmem_shared>>) target_semaphore(%run_scoped3A : memref<!tpu.dma_semaphore, #tpu.memory_space<semaphore_mem>>)
      %dma_wait3A_160 = arith.constant 0 : i32
      %dma_wait3A_161 = tpu.memref_slice %arg13[%add3A_41, %dma_wait3A_160] : memref<10240x128xf32, #tpu.memory_space<vmem_shared>> -> memref<64x128xf32, #tpu.memory_space<vmem_shared>>
      %dma_wait3A_162 = arith.constant 0 : i32
      %dma_wait3A_163 = tpu.memref_slice %arg13[%add3A_41, %dma_wait3A_162] : memref<10240x128xf32, #tpu.memory_space<vmem_shared>> -> memref<64x128xf32, #tpu.memory_space<vmem_shared>>
      tpu.wait_dma2 semaphore(%run_scoped3A : memref<!tpu.dma_semaphore, #tpu.memory_space<semaphore_mem>>) src(%arg12 : memref<64x128xf32, #tpu.memory_space<vmem>>) dst(%dma_wait3A_163 : memref<64x128xf32, #tpu.memory_space<vmem_shared>>)
      tpu.yield
    }) : () -> ()
    %mul3A_42 = arith.constant 640 : i32
    %mul3A_43 = arith.muli %arg1, %mul3A_42 : i32
    %add3A_44 = arith.constant 512 : i32
    %add3A_45 = arith.addi %mul3A_43, %add3A_44 : i32
    "tpu.region"() ({
      %run_scoped3A = tpu.sem_alloc : memref<!tpu.dma_semaphore, #tpu.memory_space<semaphore_mem>>
      %dma_start3A_156 = arith.constant 0 : i32
      %dma_start3A_157 = tpu.memref_slice %arg13[%add3A_45, %dma_start3A_156] : memref<10240x128xf32, #tpu.memory_space<vmem_shared>> -> memref<64x128xf32, #tpu.memory_space<vmem_shared>>
      %dma_start3A_158 = arith.constant 0 : i32
      %dma_start3A_159 = tpu.memref_slice %arg13[%add3A_45, %dma_start3A_158] : memref<10240x128xf32, #tpu.memory_space<vmem_shared>> -> memref<64x128xf32, #tpu.memory_space<vmem_shared>>
      tpu.enqueue_dma source(%arg12 : memref<64x128xf32, #tpu.memory_space<vmem>>) target(%dma_start3A_159 : memref<64x128xf32, #tpu.memory_space<vmem_shared>>) target_semaphore(%run_scoped3A : memref<!tpu.dma_semaphore, #tpu.memory_space<semaphore_mem>>)
      %dma_wait3A_160 = arith.constant 0 : i32
      %dma_wait3A_161 = tpu.memref_slice %arg13[%add3A_45, %dma_wait3A_160] : memref<10240x128xf32, #tpu.memory_space<vmem_shared>> -> memref<64x128xf32, #tpu.memory_space<vmem_shared>>
      %dma_wait3A_162 = arith.constant 0 : i32
      %dma_wait3A_163 = tpu.memref_slice %arg13[%add3A_45, %dma_wait3A_162] : memref<10240x128xf32, #tpu.memory_space<vmem_shared>> -> memref<64x128xf32, #tpu.memory_space<vmem_shared>>
      tpu.wait_dma2 semaphore(%run_scoped3A : memref<!tpu.dma_semaphore, #tpu.memory_space<semaphore_mem>>) src(%arg12 : memref<64x128xf32, #tpu.memory_space<vmem>>) dst(%dma_wait3A_163 : memref<64x128xf32, #tpu.memory_space<vmem_shared>>)
      tpu.yield
    }) : () -> ()
    %mul3A_46 = arith.constant 640 : i32
    %mul3A_47 = arith.muli %arg1, %mul3A_46 : i32
    %add3A_48 = arith.constant 576 : i32
    %add3A_49 = arith.addi %mul3A_47, %add3A_48 : i32
    "tpu.region"() ({
      %run_scoped3A = tpu.sem_alloc : memref<!tpu.dma_semaphore, #tpu.memory_space<semaphore_mem>>
      %dma_start3A_156 = arith.constant 0 : i32
      %dma_start3A_157 = tpu.memref_slice %arg13[%add3A_49, %dma_start3A_156] : memref<10240x128xf32, #tpu.memory_space<vmem_shared>> -> memref<64x128xf32, #tpu.memory_space<vmem_shared>>
      %dma_start3A_158 = arith.constant 0 : i32
      %dma_start3A_159 = tpu.memref_slice %arg13[%add3A_49, %dma_start3A_158] : memref<10240x128xf32, #tpu.memory_space<vmem_shared>> -> memref<64x128xf32, #tpu.memory_space<vmem_shared>>
      tpu.enqueue_dma source(%arg12 : memref<64x128xf32, #tpu.memory_space<vmem>>) target(%dma_start3A_159 : memref<64x128xf32, #tpu.memory_space<vmem_shared>>) target_semaphore(%run_scoped3A : memref<!tpu.dma_semaphore, #tpu.memory_space<semaphore_mem>>)
      %dma_wait3A_160 = arith.constant 0 : i32
      %dma_wait3A_161 = tpu.memref_slice %arg13[%add3A_49, %dma_wait3A_160] : memref<10240x128xf32, #tpu.memory_space<vmem_shared>> -> memref<64x128xf32, #tpu.memory_space<vmem_shared>>
      %dma_wait3A_162 = arith.constant 0 : i32
      %dma_wait3A_163 = tpu.memref_slice %arg13[%add3A_49, %dma_wait3A_162] : memref<10240x128xf32, #tpu.memory_space<vmem_shared>> -> memref<64x128xf32, #tpu.memory_space<vmem_shared>>
      tpu.wait_dma2 semaphore(%run_scoped3A : memref<!tpu.dma_semaphore, #tpu.memory_space<semaphore_mem>>) src(%arg12 : memref<64x128xf32, #tpu.memory_space<vmem>>) dst(%dma_wait3A_163 : memref<64x128xf32, #tpu.memory_space<vmem_shared>>)
      tpu.yield
    }) : () -> ()
    %barrier3A = arith.constant 0 : index
    tpu.barrier barrier_id(%barrier3A)
    %add3A_50 = arith.constant 0 : i32
    %add3A_51 = arith.addi %mul3A_2, %add3A_50 : i32
    "tpu.region"() ({
      %run_scoped3A = tpu.sem_alloc : memref<!tpu.dma_semaphore, #tpu.memory_space<semaphore_mem>>
      %dma_start3A_156 = tpu.memref_slice %arg3[%add3A_51] : memref<320000xi32, #tpu.memory_space<hbm>> -> memref<80xi32, #tpu.memory_space<hbm>>
      %dma_start3A_157 = tpu.memref_slice %arg3[%add3A_51] : memref<320000xi32, #tpu.memory_space<hbm>> -> memref<80xi32, #tpu.memory_space<hbm>>
      tpu.enqueue_dma source(%dma_start3A_157 : memref<80xi32, #tpu.memory_space<hbm>>) target(%arg6 : memref<80xi32, #tpu.memory_space<vmem>>) target_semaphore(%run_scoped3A : memref<!tpu.dma_semaphore, #tpu.memory_space<semaphore_mem>>)
      %dma_wait3A_158 = tpu.memref_slice %arg3[%add3A_51] : memref<320000xi32, #tpu.memory_space<hbm>> -> memref<80xi32, #tpu.memory_space<hbm>>
      %dma_wait3A_159 = tpu.memref_slice %arg3[%add3A_51] : memref<320000xi32, #tpu.memory_space<hbm>> -> memref<80xi32, #tpu.memory_space<hbm>>
      tpu.wait_dma2 semaphore(%run_scoped3A : memref<!tpu.dma_semaphore, #tpu.memory_space<semaphore_mem>>) src(%dma_wait3A_159 : memref<80xi32, #tpu.memory_space<hbm>>) dst(%arg6 : memref<80xi32, #tpu.memory_space<vmem>>)
      tpu.yield
    }) : () -> ()
    %dma_start3A = arith.constant 0 : i32
    %dma_start3A_52 = arith.constant 0 : i32
    %dma_start3A_53 = tpu.memref_slice %arg2[%dma_start3A, %dma_start3A_52] : memref<10000x128xf32, #tpu.memory_space<hbm>> -> memref<10000x128xf32, #tpu.memory_space<hbm>>
    tpu.enqueue_indirect_dma source(%dma_start3A_53 : memref<10000x128xf32, #tpu.memory_space<hbm>>) target(%arg10 : memref<80x128xf32, #tpu.memory_space<vmem>>) offsets(%arg6 : memref<80xi32, #tpu.memory_space<vmem>>) semaphore(%arg14 : memref<!tpu.dma_semaphore, #tpu.memory_space<semaphore_mem>>)
    %add3A_54 = arith.constant 80 : i32
    %add3A_55 = arith.addi %mul3A_2, %add3A_54 : i32
    "tpu.region"() ({
      %run_scoped3A = tpu.sem_alloc : memref<!tpu.dma_semaphore, #tpu.memory_space<semaphore_mem>>
      %dma_start3A_156 = tpu.memref_slice %arg3[%add3A_55] : memref<320000xi32, #tpu.memory_space<hbm>> -> memref<80xi32, #tpu.memory_space<hbm>>
      %dma_start3A_157 = tpu.memref_slice %arg3[%add3A_55] : memref<320000xi32, #tpu.memory_space<hbm>> -> memref<80xi32, #tpu.memory_space<hbm>>
      tpu.enqueue_dma source(%dma_start3A_157 : memref<80xi32, #tpu.memory_space<hbm>>) target(%arg7 : memref<80xi32, #tpu.memory_space<vmem>>) target_semaphore(%run_scoped3A : memref<!tpu.dma_semaphore, #tpu.memory_space<semaphore_mem>>)
      %dma_wait3A_158 = tpu.memref_slice %arg3[%add3A_55] : memref<320000xi32, #tpu.memory_space<hbm>> -> memref<80xi32, #tpu.memory_space<hbm>>
      %dma_wait3A_159 = tpu.memref_slice %arg3[%add3A_55] : memref<320000xi32, #tpu.memory_space<hbm>> -> memref<80xi32, #tpu.memory_space<hbm>>
      tpu.wait_dma2 semaphore(%run_scoped3A : memref<!tpu.dma_semaphore, #tpu.memory_space<semaphore_mem>>) src(%dma_wait3A_159 : memref<80xi32, #tpu.memory_space<hbm>>) dst(%arg7 : memref<80xi32, #tpu.memory_space<vmem>>)
      tpu.yield
    }) : () -> ()
    %dma_start3A_56 = arith.constant 0 : i32
    %dma_start3A_57 = arith.constant 0 : i32
    %dma_start3A_58 = tpu.memref_slice %arg2[%dma_start3A_56, %dma_start3A_57] : memref<10000x128xf32, #tpu.memory_space<hbm>> -> memref<10000x128xf32, #tpu.memory_space<hbm>>
    tpu.enqueue_indirect_dma source(%dma_start3A_58 : memref<10000x128xf32, #tpu.memory_space<hbm>>) target(%arg11 : memref<80x128xf32, #tpu.memory_space<vmem>>) offsets(%arg7 : memref<80xi32, #tpu.memory_space<vmem>>) semaphore(%arg15 : memref<!tpu.dma_semaphore, #tpu.memory_space<semaphore_mem>>)
    %scan3A_59 = arith.constant 0 : i32
    %scan3A_60 = arith.constant 0 : i32
    %scan3A_61 = arith.constant 61 : i32
    %scan3A_62 = arith.addi %scan3A_60, %scan3A_61 : i32
    %scan3A_63 = arith.constant 1 : i32
    %scan3A_64 = scf.for %scan3A_156 = %scan3A_60 to %scan3A_62 step %scan3A_63 iter_args(%scan3A_157 = %scan3A_59) -> (i32)  : i32 {
      %mul3A_158 = arith.constant 2 : i32
      %mul3A_159 = arith.muli %scan3A_156, %mul3A_158 : i32
      %dma_wait3A_160 = arith.constant 0 : i32
      %dma_wait3A_161 = arith.constant 0 : i32
      %dma_wait3A_162 = tpu.memref_slice %arg2[%dma_wait3A_160, %dma_wait3A_161] : memref<10000x128xf32, #tpu.memory_space<hbm>> -> memref<10000x128xf32, #tpu.memory_space<hbm>>
      tpu.wait_indirect_dma semaphore(%arg14 : memref<!tpu.dma_semaphore, #tpu.memory_space<semaphore_mem>>) src(%dma_wait3A_162 : memref<10000x128xf32, #tpu.memory_space<hbm>>) dst(%arg10 : memref<80x128xf32, #tpu.memory_space<vmem>>)
      %mul3A_163 = arith.constant 80 : i32
      %mul3A_164 = arith.muli %mul3A_159, %mul3A_163 : i32
      %add3A_165 = arith.addi %mul3A_2, %mul3A_164 : i32
      "tpu.region"() ({
        %run_scoped3A = tpu.sem_alloc : memref<!tpu.dma_semaphore, #tpu.memory_space<semaphore_mem>>
        %dma_start3A_191 = tpu.memref_slice %arg4[%add3A_165] : memref<320000xi32, #tpu.memory_space<hbm>> -> memref<80xi32, #tpu.memory_space<hbm>>
        %dma_start3A_192 = tpu.memref_slice %arg4[%add3A_165] : memref<320000xi32, #tpu.memory_space<hbm>> -> memref<80xi32, #tpu.memory_space<hbm>>
        tpu.enqueue_dma source(%dma_start3A_192 : memref<80xi32, #tpu.memory_space<hbm>>) target(%arg8 : memref<80xi32, #tpu.memory_space<vmem>>) target_semaphore(%run_scoped3A : memref<!tpu.dma_semaphore, #tpu.memory_space<semaphore_mem>>)
        %dma_wait3A_193 = tpu.memref_slice %arg4[%add3A_165] : memref<320000xi32, #tpu.memory_space<hbm>> -> memref<80xi32, #tpu.memory_space<hbm>>
        %dma_wait3A_194 = tpu.memref_slice %arg4[%add3A_165] : memref<320000xi32, #tpu.memory_space<hbm>> -> memref<80xi32, #tpu.memory_space<hbm>>
        tpu.wait_dma2 semaphore(%run_scoped3A : memref<!tpu.dma_semaphore, #tpu.memory_space<semaphore_mem>>) src(%dma_wait3A_194 : memref<80xi32, #tpu.memory_space<hbm>>) dst(%arg8 : memref<80xi32, #tpu.memory_space<vmem>>)
        tpu.yield
      }) : () -> ()
      "tpu.region"() ({
        %run_scoped3A = tpu.sem_alloc : memref<!tpu.dma_semaphore, #tpu.memory_space<semaphore_mem>>
        %dma_start3A_191 = arith.constant 0 : i32
        %dma_start3A_192 = arith.constant 0 : i32
        %dma_start3A_193 = tpu.memref_slice %arg13[%dma_start3A_191, %dma_start3A_192] : memref<10240x128xf32, #tpu.memory_space<vmem_shared>> -> memref<10240x128xf32, #tpu.memory_space<vmem_shared>>
        tpu.enqueue_indirect_dma source(%arg10 : memref<80x128xf32, #tpu.memory_space<vmem>>) target(%dma_start3A_193 : memref<10240x128xf32, #tpu.memory_space<vmem_shared>>) offsets(%arg8 : memref<80xi32, #tpu.memory_space<vmem>>) semaphore(%run_scoped3A : memref<!tpu.dma_semaphore, #tpu.memory_space<semaphore_mem>>) {add = true}
        %dma_wait3A_194 = arith.constant 0 : i32
        %dma_wait3A_195 = arith.constant 0 : i32
        %dma_wait3A_196 = tpu.memref_slice %arg13[%dma_wait3A_194, %dma_wait3A_195] : memref<10240x128xf32, #tpu.memory_space<vmem_shared>> -> memref<10240x128xf32, #tpu.memory_space<vmem_shared>>
        tpu.wait_indirect_dma semaphore(%run_scoped3A : memref<!tpu.dma_semaphore, #tpu.memory_space<semaphore_mem>>) src(%arg10 : memref<80x128xf32, #tpu.memory_space<vmem>>) dst(%dma_wait3A_196 : memref<10240x128xf32, #tpu.memory_space<vmem_shared>>)
        tpu.yield
      }) : () -> ()
      %add3A_166 = arith.constant 2 : i32
      %add3A_167 = arith.addi %mul3A_159, %add3A_166 : i32
      %mul3A_168 = arith.constant 80 : i32
      %mul3A_169 = arith.muli %add3A_167, %mul3A_168 : i32
      %add3A_170 = arith.addi %mul3A_2, %mul3A_169 : i32
      "tpu.region"() ({
        %run_scoped3A = tpu.sem_alloc : memref<!tpu.dma_semaphore, #tpu.memory_space<semaphore_mem>>
        %dma_start3A_191 = tpu.memref_slice %arg3[%add3A_170] : memref<320000xi32, #tpu.memory_space<hbm>> -> memref<80xi32, #tpu.memory_space<hbm>>
        %dma_start3A_192 = tpu.memref_slice %arg3[%add3A_170] : memref<320000xi32, #tpu.memory_space<hbm>> -> memref<80xi32, #tpu.memory_space<hbm>>
        tpu.enqueue_dma source(%dma_start3A_192 : memref<80xi32, #tpu.memory_space<hbm>>) target(%arg6 : memref<80xi32, #tpu.memory_space<vmem>>) target_semaphore(%run_scoped3A : memref<!tpu.dma_semaphore, #tpu.memory_space<semaphore_mem>>)
        %dma_wait3A_193 = tpu.memref_slice %arg3[%add3A_170] : memref<320000xi32, #tpu.memory_space<hbm>> -> memref<80xi32, #tpu.memory_space<hbm>>
        %dma_wait3A_194 = tpu.memref_slice %arg3[%add3A_170] : memref<320000xi32, #tpu.memory_space<hbm>> -> memref<80xi32, #tpu.memory_space<hbm>>
        tpu.wait_dma2 semaphore(%run_scoped3A : memref<!tpu.dma_semaphore, #tpu.memory_space<semaphore_mem>>) src(%dma_wait3A_194 : memref<80xi32, #tpu.memory_space<hbm>>) dst(%arg6 : memref<80xi32, #tpu.memory_space<vmem>>)
        tpu.yield
      }) : () -> ()
      %dma_start3A_171 = arith.constant 0 : i32
      %dma_start3A_172 = arith.constant 0 : i32
      %dma_start3A_173 = tpu.memref_slice %arg2[%dma_start3A_171, %dma_start3A_172] : memref<10000x128xf32, #tpu.memory_space<hbm>> -> memref<10000x128xf32, #tpu.memory_space<hbm>>
      tpu.enqueue_indirect_dma source(%dma_start3A_173 : memref<10000x128xf32, #tpu.memory_space<hbm>>) target(%arg10 : memref<80x128xf32, #tpu.memory_space<vmem>>) offsets(%arg6 : memref<80xi32, #tpu.memory_space<vmem>>) semaphore(%arg14 : memref<!tpu.dma_semaphore, #tpu.memory_space<semaphore_mem>>)
      %dma_wait3A_174 = arith.constant 0 : i32
      %dma_wait3A_175 = arith.constant 0 : i32
      %dma_wait3A_176 = tpu.memref_slice %arg2[%dma_wait3A_174, %dma_wait3A_175] : memref<10000x128xf32, #tpu.memory_space<hbm>> -> memref<10000x128xf32, #tpu.memory_space<hbm>>
      tpu.wait_indirect_dma semaphore(%arg15 : memref<!tpu.dma_semaphore, #tpu.memory_space<semaphore_mem>>) src(%dma_wait3A_176 : memref<10000x128xf32, #tpu.memory_space<hbm>>) dst(%arg11 : memref<80x128xf32, #tpu.memory_space<vmem>>)
      %add3A_177 = arith.constant 1 : i32
      %add3A_178 = arith.addi %mul3A_159, %add3A_177 : i32
      %mul3A_179 = arith.constant 80 : i32
      %mul3A_180 = arith.muli %add3A_178, %mul3A_179 : i32
      %add3A_181 = arith.addi %mul3A_2, %mul3A_180 : i32
      "tpu.region"() ({
        %run_scoped3A = tpu.sem_alloc : memref<!tpu.dma_semaphore, #tpu.memory_space<semaphore_mem>>
        %dma_start3A_191 = tpu.memref_slice %arg4[%add3A_181] : memref<320000xi32, #tpu.memory_space<hbm>> -> memref<80xi32, #tpu.memory_space<hbm>>
        %dma_start3A_192 = tpu.memref_slice %arg4[%add3A_181] : memref<320000xi32, #tpu.memory_space<hbm>> -> memref<80xi32, #tpu.memory_space<hbm>>
        tpu.enqueue_dma source(%dma_start3A_192 : memref<80xi32, #tpu.memory_space<hbm>>) target(%arg9 : memref<80xi32, #tpu.memory_space<vmem>>) target_semaphore(%run_scoped3A : memref<!tpu.dma_semaphore, #tpu.memory_space<semaphore_mem>>)
        %dma_wait3A_193 = tpu.memref_slice %arg4[%add3A_181] : memref<320000xi32, #tpu.memory_space<hbm>> -> memref<80xi32, #tpu.memory_space<hbm>>
        %dma_wait3A_194 = tpu.memref_slice %arg4[%add3A_181] : memref<320000xi32, #tpu.memory_space<hbm>> -> memref<80xi32, #tpu.memory_space<hbm>>
        tpu.wait_dma2 semaphore(%run_scoped3A : memref<!tpu.dma_semaphore, #tpu.memory_space<semaphore_mem>>) src(%dma_wait3A_194 : memref<80xi32, #tpu.memory_space<hbm>>) dst(%arg9 : memref<80xi32, #tpu.memory_space<vmem>>)
        tpu.yield
      }) : () -> ()
      "tpu.region"() ({
        %run_scoped3A = tpu.sem_alloc : memref<!tpu.dma_semaphore, #tpu.memory_space<semaphore_mem>>
        %dma_start3A_191 = arith.constant 0 : i32
        %dma_start3A_192 = arith.constant 0 : i32
        %dma_start3A_193 = tpu.memref_slice %arg13[%dma_start3A_191, %dma_start3A_192] : memref<10240x128xf32, #tpu.memory_space<vmem_shared>> -> memref<10240x128xf32, #tpu.memory_space<vmem_shared>>
        tpu.enqueue_indirect_dma source(%arg11 : memref<80x128xf32, #tpu.memory_space<vmem>>) target(%dma_start3A_193 : memref<10240x128xf32, #tpu.memory_space<vmem_shared>>) offsets(%arg9 : memref<80xi32, #tpu.memory_space<vmem>>) semaphore(%run_scoped3A : memref<!tpu.dma_semaphore, #tpu.memory_space<semaphore_mem>>) {add = true}
        %dma_wait3A_194 = arith.constant 0 : i32
        %dma_wait3A_195 = arith.constant 0 : i32
        %dma_wait3A_196 = tpu.memref_slice %arg13[%dma_wait3A_194, %dma_wait3A_195] : memref<10240x128xf32, #tpu.memory_space<vmem_shared>> -> memref<10240x128xf32, #tpu.memory_space<vmem_shared>>
        tpu.wait_indirect_dma semaphore(%run_scoped3A : memref<!tpu.dma_semaphore, #tpu.memory_space<semaphore_mem>>) src(%arg11 : memref<80x128xf32, #tpu.memory_space<vmem>>) dst(%dma_wait3A_196 : memref<10240x128xf32, #tpu.memory_space<vmem_shared>>)
        tpu.yield
      }) : () -> ()
      %add3A_182 = arith.constant 3 : i32
      %add3A_183 = arith.addi %mul3A_159, %add3A_182 : i32
      %mul3A_184 = arith.constant 80 : i32
      %mul3A_185 = arith.muli %add3A_183, %mul3A_184 : i32
      %add3A_186 = arith.addi %mul3A_2, %mul3A_185 : i32
      "tpu.region"() ({
        %run_scoped3A = tpu.sem_alloc : memref<!tpu.dma_semaphore, #tpu.memory_space<semaphore_mem>>
        %dma_start3A_191 = tpu.memref_slice %arg3[%add3A_186] : memref<320000xi32, #tpu.memory_space<hbm>> -> memref<80xi32, #tpu.memory_space<hbm>>
        %dma_start3A_192 = tpu.memref_slice %arg3[%add3A_186] : memref<320000xi32, #tpu.memory_space<hbm>> -> memref<80xi32, #tpu.memory_space<hbm>>
        tpu.enqueue_dma source(%dma_start3A_192 : memref<80xi32, #tpu.memory_space<hbm>>) target(%arg7 : memref<80xi32, #tpu.memory_space<vmem>>) target_semaphore(%run_scoped3A : memref<!tpu.dma_semaphore, #tpu.memory_space<semaphore_mem>>)
        %dma_wait3A_193 = tpu.memref_slice %arg3[%add3A_186] : memref<320000xi32, #tpu.memory_space<hbm>> -> memref<80xi32, #tpu.memory_space<hbm>>
        %dma_wait3A_194 = tpu.memref_slice %arg3[%add3A_186] : memref<320000xi32, #tpu.memory_space<hbm>> -> memref<80xi32, #tpu.memory_space<hbm>>
        tpu.wait_dma2 semaphore(%run_scoped3A : memref<!tpu.dma_semaphore, #tpu.memory_space<semaphore_mem>>) src(%dma_wait3A_194 : memref<80xi32, #tpu.memory_space<hbm>>) dst(%arg7 : memref<80xi32, #tpu.memory_space<vmem>>)
        tpu.yield
      }) : () -> ()
      %dma_start3A_187 = arith.constant 0 : i32
      %dma_start3A_188 = arith.constant 0 : i32
      %dma_start3A_189 = tpu.memref_slice %arg2[%dma_start3A_187, %dma_start3A_188] : memref<10000x128xf32, #tpu.memory_space<hbm>> -> memref<10000x128xf32, #tpu.memory_space<hbm>>
      tpu.enqueue_indirect_dma source(%dma_start3A_189 : memref<10000x128xf32, #tpu.memory_space<hbm>>) target(%arg11 : memref<80x128xf32, #tpu.memory_space<vmem>>) offsets(%arg7 : memref<80xi32, #tpu.memory_space<vmem>>) semaphore(%arg15 : memref<!tpu.dma_semaphore, #tpu.memory_space<semaphore_mem>>)
      %scan3A_190 = arith.constant 0 : i32
      scf.yield %scan3A_190 : i32
    }
    %scan3A_65 = arith.constant 61 : i32
    %dma_wait3A = arith.constant 0 : i32
    %dma_wait3A_66 = arith.constant 0 : i32
    %dma_wait3A_67 = tpu.memref_slice %arg2[%dma_wait3A, %dma_wait3A_66] : memref<10000x128xf32, #tpu.memory_space<hbm>> -> memref<10000x128xf32, #tpu.memory_space<hbm>>
    tpu.wait_indirect_dma semaphore(%arg14 : memref<!tpu.dma_semaphore, #tpu.memory_space<semaphore_mem>>) src(%dma_wait3A_67 : memref<10000x128xf32, #tpu.memory_space<hbm>>) dst(%arg10 : memref<80x128xf32, #tpu.memory_space<vmem>>)
    %add3A_68 = arith.constant 9760 : i32
    %add3A_69 = arith.addi %mul3A_2, %add3A_68 : i32
    "tpu.region"() ({
      %run_scoped3A = tpu.sem_alloc : memref<!tpu.dma_semaphore, #tpu.memory_space<semaphore_mem>>
      %dma_start3A_156 = tpu.memref_slice %arg4[%add3A_69] : memref<320000xi32, #tpu.memory_space<hbm>> -> memref<80xi32, #tpu.memory_space<hbm>>
      %dma_start3A_157 = tpu.memref_slice %arg4[%add3A_69] : memref<320000xi32, #tpu.memory_space<hbm>> -> memref<80xi32, #tpu.memory_space<hbm>>
      tpu.enqueue_dma source(%dma_start3A_157 : memref<80xi32, #tpu.memory_space<hbm>>) target(%arg8 : memref<80xi32, #tpu.memory_space<vmem>>) target_semaphore(%run_scoped3A : memref<!tpu.dma_semaphore, #tpu.memory_space<semaphore_mem>>)
      %dma_wait3A_158 = tpu.memref_slice %arg4[%add3A_69] : memref<320000xi32, #tpu.memory_space<hbm>> -> memref<80xi32, #tpu.memory_space<hbm>>
      %dma_wait3A_159 = tpu.memref_slice %arg4[%add3A_69] : memref<320000xi32, #tpu.memory_space<hbm>> -> memref<80xi32, #tpu.memory_space<hbm>>
      tpu.wait_dma2 semaphore(%run_scoped3A : memref<!tpu.dma_semaphore, #tpu.memory_space<semaphore_mem>>) src(%dma_wait3A_159 : memref<80xi32, #tpu.memory_space<hbm>>) dst(%arg8 : memref<80xi32, #tpu.memory_space<vmem>>)
      tpu.yield
    }) : () -> ()
    "tpu.region"() ({
      %run_scoped3A = tpu.sem_alloc : memref<!tpu.dma_semaphore, #tpu.memory_space<semaphore_mem>>
      %dma_start3A_156 = arith.constant 0 : i32
      %dma_start3A_157 = arith.constant 0 : i32
      %dma_start3A_158 = tpu.memref_slice %arg13[%dma_start3A_156, %dma_start3A_157] : memref<10240x128xf32, #tpu.memory_space<vmem_shared>> -> memref<10240x128xf32, #tpu.memory_space<vmem_shared>>
      tpu.enqueue_indirect_dma source(%arg10 : memref<80x128xf32, #tpu.memory_space<vmem>>) target(%dma_start3A_158 : memref<10240x128xf32, #tpu.memory_space<vmem_shared>>) offsets(%arg8 : memref<80xi32, #tpu.memory_space<vmem>>) semaphore(%run_scoped3A : memref<!tpu.dma_semaphore, #tpu.memory_space<semaphore_mem>>) {add = true}
      %dma_wait3A_159 = arith.constant 0 : i32
      %dma_wait3A_160 = arith.constant 0 : i32
      %dma_wait3A_161 = tpu.memref_slice %arg13[%dma_wait3A_159, %dma_wait3A_160] : memref<10240x128xf32, #tpu.memory_space<vmem_shared>> -> memref<10240x128xf32, #tpu.memory_space<vmem_shared>>
      tpu.wait_indirect_dma semaphore(%run_scoped3A : memref<!tpu.dma_semaphore, #tpu.memory_space<semaphore_mem>>) src(%arg10 : memref<80x128xf32, #tpu.memory_space<vmem>>) dst(%dma_wait3A_161 : memref<10240x128xf32, #tpu.memory_space<vmem_shared>>)
      tpu.yield
    }) : () -> ()
    %add3A_70 = arith.constant 9920 : i32
    %add3A_71 = arith.addi %mul3A_2, %add3A_70 : i32
    "tpu.region"() ({
      %run_scoped3A = tpu.sem_alloc : memref<!tpu.dma_semaphore, #tpu.memory_space<semaphore_mem>>
      %dma_start3A_156 = tpu.memref_slice %arg3[%add3A_71] : memref<320000xi32, #tpu.memory_space<hbm>> -> memref<80xi32, #tpu.memory_space<hbm>>
      %dma_start3A_157 = tpu.memref_slice %arg3[%add3A_71] : memref<320000xi32, #tpu.memory_space<hbm>> -> memref<80xi32, #tpu.memory_space<hbm>>
      tpu.enqueue_dma source(%dma_start3A_157 : memref<80xi32, #tpu.memory_space<hbm>>) target(%arg6 : memref<80xi32, #tpu.memory_space<vmem>>) target_semaphore(%run_scoped3A : memref<!tpu.dma_semaphore, #tpu.memory_space<semaphore_mem>>)
      %dma_wait3A_158 = tpu.memref_slice %arg3[%add3A_71] : memref<320000xi32, #tpu.memory_space<hbm>> -> memref<80xi32, #tpu.memory_space<hbm>>
      %dma_wait3A_159 = tpu.memref_slice %arg3[%add3A_71] : memref<320000xi32, #tpu.memory_space<hbm>> -> memref<80xi32, #tpu.memory_space<hbm>>
      tpu.wait_dma2 semaphore(%run_scoped3A : memref<!tpu.dma_semaphore, #tpu.memory_space<semaphore_mem>>) src(%dma_wait3A_159 : memref<80xi32, #tpu.memory_space<hbm>>) dst(%arg6 : memref<80xi32, #tpu.memory_space<vmem>>)
      tpu.yield
    }) : () -> ()
    %dma_start3A_72 = arith.constant 0 : i32
    %dma_start3A_73 = arith.constant 0 : i32
    %dma_start3A_74 = tpu.memref_slice %arg2[%dma_start3A_72, %dma_start3A_73] : memref<10000x128xf32, #tpu.memory_space<hbm>> -> memref<10000x128xf32, #tpu.memory_space<hbm>>
    tpu.enqueue_indirect_dma source(%dma_start3A_74 : memref<10000x128xf32, #tpu.memory_space<hbm>>) target(%arg10 : memref<80x128xf32, #tpu.memory_space<vmem>>) offsets(%arg6 : memref<80xi32, #tpu.memory_space<vmem>>) semaphore(%arg14 : memref<!tpu.dma_semaphore, #tpu.memory_space<semaphore_mem>>)
    %dma_wait3A_75 = arith.constant 0 : i32
    %dma_wait3A_76 = arith.constant 0 : i32
    %dma_wait3A_77 = tpu.memref_slice %arg2[%dma_wait3A_75, %dma_wait3A_76] : memref<10000x128xf32, #tpu.memory_space<hbm>> -> memref<10000x128xf32, #tpu.memory_space<hbm>>
    tpu.wait_indirect_dma semaphore(%arg15 : memref<!tpu.dma_semaphore, #tpu.memory_space<semaphore_mem>>) src(%dma_wait3A_77 : memref<10000x128xf32, #tpu.memory_space<hbm>>) dst(%arg11 : memref<80x128xf32, #tpu.memory_space<vmem>>)
    %add3A_78 = arith.constant 9840 : i32
    %add3A_79 = arith.addi %mul3A_2, %add3A_78 : i32
    "tpu.region"() ({
      %run_scoped3A = tpu.sem_alloc : memref<!tpu.dma_semaphore, #tpu.memory_space<semaphore_mem>>
      %dma_start3A_156 = tpu.memref_slice %arg4[%add3A_79] : memref<320000xi32, #tpu.memory_space<hbm>> -> memref<80xi32, #tpu.memory_space<hbm>>
      %dma_start3A_157 = tpu.memref_slice %arg4[%add3A_79] : memref<320000xi32, #tpu.memory_space<hbm>> -> memref<80xi32, #tpu.memory_space<hbm>>
      tpu.enqueue_dma source(%dma_start3A_157 : memref<80xi32, #tpu.memory_space<hbm>>) target(%arg9 : memref<80xi32, #tpu.memory_space<vmem>>) target_semaphore(%run_scoped3A : memref<!tpu.dma_semaphore, #tpu.memory_space<semaphore_mem>>)
      %dma_wait3A_158 = tpu.memref_slice %arg4[%add3A_79] : memref<320000xi32, #tpu.memory_space<hbm>> -> memref<80xi32, #tpu.memory_space<hbm>>
      %dma_wait3A_159 = tpu.memref_slice %arg4[%add3A_79] : memref<320000xi32, #tpu.memory_space<hbm>> -> memref<80xi32, #tpu.memory_space<hbm>>
      tpu.wait_dma2 semaphore(%run_scoped3A : memref<!tpu.dma_semaphore, #tpu.memory_space<semaphore_mem>>) src(%dma_wait3A_159 : memref<80xi32, #tpu.memory_space<hbm>>) dst(%arg9 : memref<80xi32, #tpu.memory_space<vmem>>)
      tpu.yield
    }) : () -> ()
    "tpu.region"() ({
      %run_scoped3A = tpu.sem_alloc : memref<!tpu.dma_semaphore, #tpu.memory_space<semaphore_mem>>
      %dma_start3A_156 = arith.constant 0 : i32
      %dma_start3A_157 = arith.constant 0 : i32
      %dma_start3A_158 = tpu.memref_slice %arg13[%dma_start3A_156, %dma_start3A_157] : memref<10240x128xf32, #tpu.memory_space<vmem_shared>> -> memref<10240x128xf32, #tpu.memory_space<vmem_shared>>
      tpu.enqueue_indirect_dma source(%arg11 : memref<80x128xf32, #tpu.memory_space<vmem>>) target(%dma_start3A_158 : memref<10240x128xf32, #tpu.memory_space<vmem_shared>>) offsets(%arg9 : memref<80xi32, #tpu.memory_space<vmem>>) semaphore(%run_scoped3A : memref<!tpu.dma_semaphore, #tpu.memory_space<semaphore_mem>>) {add = true}
      %dma_wait3A_159 = arith.constant 0 : i32
      %dma_wait3A_160 = arith.constant 0 : i32
      %dma_wait3A_161 = tpu.memref_slice %arg13[%dma_wait3A_159, %dma_wait3A_160] : memref<10240x128xf32, #tpu.memory_space<vmem_shared>> -> memref<10240x128xf32, #tpu.memory_space<vmem_shared>>
      tpu.wait_indirect_dma semaphore(%run_scoped3A : memref<!tpu.dma_semaphore, #tpu.memory_space<semaphore_mem>>) src(%arg11 : memref<80x128xf32, #tpu.memory_space<vmem>>) dst(%dma_wait3A_161 : memref<10240x128xf32, #tpu.memory_space<vmem_shared>>)
      tpu.yield
    }) : () -> ()
    %dma_wait3A_80 = arith.constant 0 : i32
    %dma_wait3A_81 = arith.constant 0 : i32
    %dma_wait3A_82 = tpu.memref_slice %arg2[%dma_wait3A_80, %dma_wait3A_81] : memref<10000x128xf32, #tpu.memory_space<hbm>> -> memref<10000x128xf32, #tpu.memory_space<hbm>>
    tpu.wait_indirect_dma semaphore(%arg14 : memref<!tpu.dma_semaphore, #tpu.memory_space<semaphore_mem>>) src(%dma_wait3A_82 : memref<10000x128xf32, #tpu.memory_space<hbm>>) dst(%arg10 : memref<80x128xf32, #tpu.memory_space<vmem>>)
    %add3A_83 = arith.constant 9920 : i32
    %add3A_84 = arith.addi %mul3A_2, %add3A_83 : i32
    "tpu.region"() ({
      %run_scoped3A = tpu.sem_alloc : memref<!tpu.dma_semaphore, #tpu.memory_space<semaphore_mem>>
      %dma_start3A_156 = tpu.memref_slice %arg4[%add3A_84] : memref<320000xi32, #tpu.memory_space<hbm>> -> memref<80xi32, #tpu.memory_space<hbm>>
      %dma_start3A_157 = tpu.memref_slice %arg4[%add3A_84] : memref<320000xi32, #tpu.memory_space<hbm>> -> memref<80xi32, #tpu.memory_space<hbm>>
      tpu.enqueue_dma source(%dma_start3A_157 : memref<80xi32, #tpu.memory_space<hbm>>) target(%arg8 : memref<80xi32, #tpu.memory_space<vmem>>) target_semaphore(%run_scoped3A : memref<!tpu.dma_semaphore, #tpu.memory_space<semaphore_mem>>)
      %dma_wait3A_158 = tpu.memref_slice %arg4[%add3A_84] : memref<320000xi32, #tpu.memory_space<hbm>> -> memref<80xi32, #tpu.memory_space<hbm>>
      %dma_wait3A_159 = tpu.memref_slice %arg4[%add3A_84] : memref<320000xi32, #tpu.memory_space<hbm>> -> memref<80xi32, #tpu.memory_space<hbm>>
      tpu.wait_dma2 semaphore(%run_scoped3A : memref<!tpu.dma_semaphore, #tpu.memory_space<semaphore_mem>>) src(%dma_wait3A_159 : memref<80xi32, #tpu.memory_space<hbm>>) dst(%arg8 : memref<80xi32, #tpu.memory_space<vmem>>)
      tpu.yield
    }) : () -> ()
    "tpu.region"() ({
      %run_scoped3A = tpu.sem_alloc : memref<!tpu.dma_semaphore, #tpu.memory_space<semaphore_mem>>
      %dma_start3A_156 = arith.constant 0 : i32
      %dma_start3A_157 = arith.constant 0 : i32
      %dma_start3A_158 = tpu.memref_slice %arg13[%dma_start3A_156, %dma_start3A_157] : memref<10240x128xf32, #tpu.memory_space<vmem_shared>> -> memref<10240x128xf32, #tpu.memory_space<vmem_shared>>
      tpu.enqueue_indirect_dma source(%arg10 : memref<80x128xf32, #tpu.memory_space<vmem>>) target(%dma_start3A_158 : memref<10240x128xf32, #tpu.memory_space<vmem_shared>>) offsets(%arg8 : memref<80xi32, #tpu.memory_space<vmem>>) semaphore(%run_scoped3A : memref<!tpu.dma_semaphore, #tpu.memory_space<semaphore_mem>>) {add = true}
      %dma_wait3A_159 = arith.constant 0 : i32
      %dma_wait3A_160 = arith.constant 0 : i32
      %dma_wait3A_161 = tpu.memref_slice %arg13[%dma_wait3A_159, %dma_wait3A_160] : memref<10240x128xf32, #tpu.memory_space<vmem_shared>> -> memref<10240x128xf32, #tpu.memory_space<vmem_shared>>
      tpu.wait_indirect_dma semaphore(%run_scoped3A : memref<!tpu.dma_semaphore, #tpu.memory_space<semaphore_mem>>) src(%arg10 : memref<80x128xf32, #tpu.memory_space<vmem>>) dst(%dma_wait3A_161 : memref<10240x128xf32, #tpu.memory_space<vmem_shared>>)
      tpu.yield
    }) : () -> ()
    %barrier3A_85 = arith.constant 0 : index
    tpu.barrier barrier_id(%barrier3A_85)
    %mul3A_86 = arith.constant 640 : i32
    %mul3A_87 = arith.muli %arg1, %mul3A_86 : i32
    %add3A_88 = arith.constant 0 : i32
    %add3A_89 = arith.addi %mul3A_87, %add3A_88 : i32
    %mul3A_90 = arith.constant 10240 : i32
    %mul3A_91 = arith.muli %arg0, %mul3A_90 : i32
    %add3A_92 = arith.addi %mul3A_91, %add3A_89 : i32
    "tpu.region"() ({
      %run_scoped3A = tpu.sem_alloc : memref<!tpu.dma_semaphore, #tpu.memory_space<semaphore_mem>>
      %dma_start3A_156 = arith.constant 0 : i32
      %dma_start3A_157 = tpu.memref_slice %arg5[%add3A_92, %dma_start3A_156] : memref<20480x128xf32, #tpu.memory_space<hbm>> -> memref<64x128xf32, #tpu.memory_space<hbm>>
      %dma_start3A_158 = arith.constant 0 : i32
      %dma_start3A_159 = tpu.memref_slice %arg13[%add3A_89, %dma_start3A_158] : memref<10240x128xf32, #tpu.memory_space<vmem_shared>> -> memref<64x128xf32, #tpu.memory_space<vmem_shared>>
      tpu.enqueue_dma source(%dma_start3A_159 : memref<64x128xf32, #tpu.memory_space<vmem_shared>>) target(%dma_start3A_157 : memref<64x128xf32, #tpu.memory_space<hbm>>) target_semaphore(%run_scoped3A : memref<!tpu.dma_semaphore, #tpu.memory_space<semaphore_mem>>)
      %dma_wait3A_160 = arith.constant 0 : i32
      %dma_wait3A_161 = tpu.memref_slice %arg5[%add3A_92, %dma_wait3A_160] : memref<20480x128xf32, #tpu.memory_space<hbm>> -> memref<64x128xf32, #tpu.memory_space<hbm>>
      %dma_wait3A_162 = arith.constant 0 : i32
      %dma_wait3A_163 = tpu.memref_slice %arg13[%add3A_89, %dma_wait3A_162] : memref<10240x128xf32, #tpu.memory_space<vmem_shared>> -> memref<64x128xf32, #tpu.memory_space<vmem_shared>>
      tpu.wait_dma2 semaphore(%run_scoped3A : memref<!tpu.dma_semaphore, #tpu.memory_space<semaphore_mem>>) src(%dma_wait3A_163 : memref<64x128xf32, #tpu.memory_space<vmem_shared>>) dst(%dma_wait3A_161 : memref<64x128xf32, #tpu.memory_space<hbm>>)
      tpu.yield
    }) : () -> ()
    %mul3A_93 = arith.constant 640 : i32
    %mul3A_94 = arith.muli %arg1, %mul3A_93 : i32
    %add3A_95 = arith.constant 64 : i32
    %add3A_96 = arith.addi %mul3A_94, %add3A_95 : i32
    %mul3A_97 = arith.constant 10240 : i32
    %mul3A_98 = arith.muli %arg0, %mul3A_97 : i32
    %add3A_99 = arith.addi %mul3A_98, %add3A_96 : i32
    "tpu.region"() ({
      %run_scoped3A = tpu.sem_alloc : memref<!tpu.dma_semaphore, #tpu.memory_space<semaphore_mem>>
      %dma_start3A_156 = arith.constant 0 : i32
      %dma_start3A_157 = tpu.memref_slice %arg5[%add3A_99, %dma_start3A_156] : memref<20480x128xf32, #tpu.memory_space<hbm>> -> memref<64x128xf32, #tpu.memory_space<hbm>>
      %dma_start3A_158 = arith.constant 0 : i32
      %dma_start3A_159 = tpu.memref_slice %arg13[%add3A_96, %dma_start3A_158] : memref<10240x128xf32, #tpu.memory_space<vmem_shared>> -> memref<64x128xf32, #tpu.memory_space<vmem_shared>>
      tpu.enqueue_dma source(%dma_start3A_159 : memref<64x128xf32, #tpu.memory_space<vmem_shared>>) target(%dma_start3A_157 : memref<64x128xf32, #tpu.memory_space<hbm>>) target_semaphore(%run_scoped3A : memref<!tpu.dma_semaphore, #tpu.memory_space<semaphore_mem>>)
      %dma_wait3A_160 = arith.constant 0 : i32
      %dma_wait3A_161 = tpu.memref_slice %arg5[%add3A_99, %dma_wait3A_160] : memref<20480x128xf32, #tpu.memory_space<hbm>> -> memref<64x128xf32, #tpu.memory_space<hbm>>
      %dma_wait3A_162 = arith.constant 0 : i32
      %dma_wait3A_163 = tpu.memref_slice %arg13[%add3A_96, %dma_wait3A_162] : memref<10240x128xf32, #tpu.memory_space<vmem_shared>> -> memref<64x128xf32, #tpu.memory_space<vmem_shared>>
      tpu.wait_dma2 semaphore(%run_scoped3A : memref<!tpu.dma_semaphore, #tpu.memory_space<semaphore_mem>>) src(%dma_wait3A_163 : memref<64x128xf32, #tpu.memory_space<vmem_shared>>) dst(%dma_wait3A_161 : memref<64x128xf32, #tpu.memory_space<hbm>>)
      tpu.yield
    }) : () -> ()
    %mul3A_100 = arith.constant 640 : i32
    %mul3A_101 = arith.muli %arg1, %mul3A_100 : i32
    %add3A_102 = arith.constant 128 : i32
    %add3A_103 = arith.addi %mul3A_101, %add3A_102 : i32
    %mul3A_104 = arith.constant 10240 : i32
    %mul3A_105 = arith.muli %arg0, %mul3A_104 : i32
    %add3A_106 = arith.addi %mul3A_105, %add3A_103 : i32
    "tpu.region"() ({
      %run_scoped3A = tpu.sem_alloc : memref<!tpu.dma_semaphore, #tpu.memory_space<semaphore_mem>>
      %dma_start3A_156 = arith.constant 0 : i32
      %dma_start3A_157 = tpu.memref_slice %arg5[%add3A_106, %dma_start3A_156] : memref<20480x128xf32, #tpu.memory_space<hbm>> -> memref<64x128xf32, #tpu.memory_space<hbm>>
      %dma_start3A_158 = arith.constant 0 : i32
      %dma_start3A_159 = tpu.memref_slice %arg13[%add3A_103, %dma_start3A_158] : memref<10240x128xf32, #tpu.memory_space<vmem_shared>> -> memref<64x128xf32, #tpu.memory_space<vmem_shared>>
      tpu.enqueue_dma source(%dma_start3A_159 : memref<64x128xf32, #tpu.memory_space<vmem_shared>>) target(%dma_start3A_157 : memref<64x128xf32, #tpu.memory_space<hbm>>) target_semaphore(%run_scoped3A : memref<!tpu.dma_semaphore, #tpu.memory_space<semaphore_mem>>)
      %dma_wait3A_160 = arith.constant 0 : i32
      %dma_wait3A_161 = tpu.memref_slice %arg5[%add3A_106, %dma_wait3A_160] : memref<20480x128xf32, #tpu.memory_space<hbm>> -> memref<64x128xf32, #tpu.memory_space<hbm>>
      %dma_wait3A_162 = arith.constant 0 : i32
      %dma_wait3A_163 = tpu.memref_slice %arg13[%add3A_103, %dma_wait3A_162] : memref<10240x128xf32, #tpu.memory_space<vmem_shared>> -> memref<64x128xf32, #tpu.memory_space<vmem_shared>>
      tpu.wait_dma2 semaphore(%run_scoped3A : memref<!tpu.dma_semaphore, #tpu.memory_space<semaphore_mem>>) src(%dma_wait3A_163 : memref<64x128xf32, #tpu.memory_space<vmem_shared>>) dst(%dma_wait3A_161 : memref<64x128xf32, #tpu.memory_space<hbm>>)
      tpu.yield
    }) : () -> ()
    %mul3A_107 = arith.constant 640 : i32
    %mul3A_108 = arith.muli %arg1, %mul3A_107 : i32
    %add3A_109 = arith.constant 192 : i32
    %add3A_110 = arith.addi %mul3A_108, %add3A_109 : i32
    %mul3A_111 = arith.constant 10240 : i32
    %mul3A_112 = arith.muli %arg0, %mul3A_111 : i32
    %add3A_113 = arith.addi %mul3A_112, %add3A_110 : i32
    "tpu.region"() ({
      %run_scoped3A = tpu.sem_alloc : memref<!tpu.dma_semaphore, #tpu.memory_space<semaphore_mem>>
      %dma_start3A_156 = arith.constant 0 : i32
      %dma_start3A_157 = tpu.memref_slice %arg5[%add3A_113, %dma_start3A_156] : memref<20480x128xf32, #tpu.memory_space<hbm>> -> memref<64x128xf32, #tpu.memory_space<hbm>>
      %dma_start3A_158 = arith.constant 0 : i32
      %dma_start3A_159 = tpu.memref_slice %arg13[%add3A_110, %dma_start3A_158] : memref<10240x128xf32, #tpu.memory_space<vmem_shared>> -> memref<64x128xf32, #tpu.memory_space<vmem_shared>>
      tpu.enqueue_dma source(%dma_start3A_159 : memref<64x128xf32, #tpu.memory_space<vmem_shared>>) target(%dma_start3A_157 : memref<64x128xf32, #tpu.memory_space<hbm>>) target_semaphore(%run_scoped3A : memref<!tpu.dma_semaphore, #tpu.memory_space<semaphore_mem>>)
      %dma_wait3A_160 = arith.constant 0 : i32
      %dma_wait3A_161 = tpu.memref_slice %arg5[%add3A_113, %dma_wait3A_160] : memref<20480x128xf32, #tpu.memory_space<hbm>> -> memref<64x128xf32, #tpu.memory_space<hbm>>
      %dma_wait3A_162 = arith.constant 0 : i32
      %dma_wait3A_163 = tpu.memref_slice %arg13[%add3A_110, %dma_wait3A_162] : memref<10240x128xf32, #tpu.memory_space<vmem_shared>> -> memref<64x128xf32, #tpu.memory_space<vmem_shared>>
      tpu.wait_dma2 semaphore(%run_scoped3A : memref<!tpu.dma_semaphore, #tpu.memory_space<semaphore_mem>>) src(%dma_wait3A_163 : memref<64x128xf32, #tpu.memory_space<vmem_shared>>) dst(%dma_wait3A_161 : memref<64x128xf32, #tpu.memory_space<hbm>>)
      tpu.yield
    }) : () -> ()
    %mul3A_114 = arith.constant 640 : i32
    %mul3A_115 = arith.muli %arg1, %mul3A_114 : i32
    %add3A_116 = arith.constant 256 : i32
    %add3A_117 = arith.addi %mul3A_115, %add3A_116 : i32
    %mul3A_118 = arith.constant 10240 : i32
    %mul3A_119 = arith.muli %arg0, %mul3A_118 : i32
    %add3A_120 = arith.addi %mul3A_119, %add3A_117 : i32
    "tpu.region"() ({
      %run_scoped3A = tpu.sem_alloc : memref<!tpu.dma_semaphore, #tpu.memory_space<semaphore_mem>>
      %dma_start3A_156 = arith.constant 0 : i32
      %dma_start3A_157 = tpu.memref_slice %arg5[%add3A_120, %dma_start3A_156] : memref<20480x128xf32, #tpu.memory_space<hbm>> -> memref<64x128xf32, #tpu.memory_space<hbm>>
      %dma_start3A_158 = arith.constant 0 : i32
      %dma_start3A_159 = tpu.memref_slice %arg13[%add3A_117, %dma_start3A_158] : memref<10240x128xf32, #tpu.memory_space<vmem_shared>> -> memref<64x128xf32, #tpu.memory_space<vmem_shared>>
      tpu.enqueue_dma source(%dma_start3A_159 : memref<64x128xf32, #tpu.memory_space<vmem_shared>>) target(%dma_start3A_157 : memref<64x128xf32, #tpu.memory_space<hbm>>) target_semaphore(%run_scoped3A : memref<!tpu.dma_semaphore, #tpu.memory_space<semaphore_mem>>)
      %dma_wait3A_160 = arith.constant 0 : i32
      %dma_wait3A_161 = tpu.memref_slice %arg5[%add3A_120, %dma_wait3A_160] : memref<20480x128xf32, #tpu.memory_space<hbm>> -> memref<64x128xf32, #tpu.memory_space<hbm>>
      %dma_wait3A_162 = arith.constant 0 : i32
      %dma_wait3A_163 = tpu.memref_slice %arg13[%add3A_117, %dma_wait3A_162] : memref<10240x128xf32, #tpu.memory_space<vmem_shared>> -> memref<64x128xf32, #tpu.memory_space<vmem_shared>>
      tpu.wait_dma2 semaphore(%run_scoped3A : memref<!tpu.dma_semaphore, #tpu.memory_space<semaphore_mem>>) src(%dma_wait3A_163 : memref<64x128xf32, #tpu.memory_space<vmem_shared>>) dst(%dma_wait3A_161 : memref<64x128xf32, #tpu.memory_space<hbm>>)
      tpu.yield
    }) : () -> ()
    %mul3A_121 = arith.constant 640 : i32
    %mul3A_122 = arith.muli %arg1, %mul3A_121 : i32
    %add3A_123 = arith.constant 320 : i32
    %add3A_124 = arith.addi %mul3A_122, %add3A_123 : i32
    %mul3A_125 = arith.constant 10240 : i32
    %mul3A_126 = arith.muli %arg0, %mul3A_125 : i32
    %add3A_127 = arith.addi %mul3A_126, %add3A_124 : i32
    "tpu.region"() ({
      %run_scoped3A = tpu.sem_alloc : memref<!tpu.dma_semaphore, #tpu.memory_space<semaphore_mem>>
      %dma_start3A_156 = arith.constant 0 : i32
      %dma_start3A_157 = tpu.memref_slice %arg5[%add3A_127, %dma_start3A_156] : memref<20480x128xf32, #tpu.memory_space<hbm>> -> memref<64x128xf32, #tpu.memory_space<hbm>>
      %dma_start3A_158 = arith.constant 0 : i32
      %dma_start3A_159 = tpu.memref_slice %arg13[%add3A_124, %dma_start3A_158] : memref<10240x128xf32, #tpu.memory_space<vmem_shared>> -> memref<64x128xf32, #tpu.memory_space<vmem_shared>>
      tpu.enqueue_dma source(%dma_start3A_159 : memref<64x128xf32, #tpu.memory_space<vmem_shared>>) target(%dma_start3A_157 : memref<64x128xf32, #tpu.memory_space<hbm>>) target_semaphore(%run_scoped3A : memref<!tpu.dma_semaphore, #tpu.memory_space<semaphore_mem>>)
      %dma_wait3A_160 = arith.constant 0 : i32
      %dma_wait3A_161 = tpu.memref_slice %arg5[%add3A_127, %dma_wait3A_160] : memref<20480x128xf32, #tpu.memory_space<hbm>> -> memref<64x128xf32, #tpu.memory_space<hbm>>
      %dma_wait3A_162 = arith.constant 0 : i32
      %dma_wait3A_163 = tpu.memref_slice %arg13[%add3A_124, %dma_wait3A_162] : memref<10240x128xf32, #tpu.memory_space<vmem_shared>> -> memref<64x128xf32, #tpu.memory_space<vmem_shared>>
      tpu.wait_dma2 semaphore(%run_scoped3A : memref<!tpu.dma_semaphore, #tpu.memory_space<semaphore_mem>>) src(%dma_wait3A_163 : memref<64x128xf32, #tpu.memory_space<vmem_shared>>) dst(%dma_wait3A_161 : memref<64x128xf32, #tpu.memory_space<hbm>>)
      tpu.yield
    }) : () -> ()
    %mul3A_128 = arith.constant 640 : i32
    %mul3A_129 = arith.muli %arg1, %mul3A_128 : i32
    %add3A_130 = arith.constant 384 : i32
    %add3A_131 = arith.addi %mul3A_129, %add3A_130 : i32
    %mul3A_132 = arith.constant 10240 : i32
    %mul3A_133 = arith.muli %arg0, %mul3A_132 : i32
    %add3A_134 = arith.addi %mul3A_133, %add3A_131 : i32
    "tpu.region"() ({
      %run_scoped3A = tpu.sem_alloc : memref<!tpu.dma_semaphore, #tpu.memory_space<semaphore_mem>>
      %dma_start3A_156 = arith.constant 0 : i32
      %dma_start3A_157 = tpu.memref_slice %arg5[%add3A_134, %dma_start3A_156] : memref<20480x128xf32, #tpu.memory_space<hbm>> -> memref<64x128xf32, #tpu.memory_space<hbm>>
      %dma_start3A_158 = arith.constant 0 : i32
      %dma_start3A_159 = tpu.memref_slice %arg13[%add3A_131, %dma_start3A_158] : memref<10240x128xf32, #tpu.memory_space<vmem_shared>> -> memref<64x128xf32, #tpu.memory_space<vmem_shared>>
      tpu.enqueue_dma source(%dma_start3A_159 : memref<64x128xf32, #tpu.memory_space<vmem_shared>>) target(%dma_start3A_157 : memref<64x128xf32, #tpu.memory_space<hbm>>) target_semaphore(%run_scoped3A : memref<!tpu.dma_semaphore, #tpu.memory_space<semaphore_mem>>)
      %dma_wait3A_160 = arith.constant 0 : i32
      %dma_wait3A_161 = tpu.memref_slice %arg5[%add3A_134, %dma_wait3A_160] : memref<20480x128xf32, #tpu.memory_space<hbm>> -> memref<64x128xf32, #tpu.memory_space<hbm>>
      %dma_wait3A_162 = arith.constant 0 : i32
      %dma_wait3A_163 = tpu.memref_slice %arg13[%add3A_131, %dma_wait3A_162] : memref<10240x128xf32, #tpu.memory_space<vmem_shared>> -> memref<64x128xf32, #tpu.memory_space<vmem_shared>>
      tpu.wait_dma2 semaphore(%run_scoped3A : memref<!tpu.dma_semaphore, #tpu.memory_space<semaphore_mem>>) src(%dma_wait3A_163 : memref<64x128xf32, #tpu.memory_space<vmem_shared>>) dst(%dma_wait3A_161 : memref<64x128xf32, #tpu.memory_space<hbm>>)
      tpu.yield
    }) : () -> ()
    %mul3A_135 = arith.constant 640 : i32
    %mul3A_136 = arith.muli %arg1, %mul3A_135 : i32
    %add3A_137 = arith.constant 448 : i32
    %add3A_138 = arith.addi %mul3A_136, %add3A_137 : i32
    %mul3A_139 = arith.constant 10240 : i32
    %mul3A_140 = arith.muli %arg0, %mul3A_139 : i32
    %add3A_141 = arith.addi %mul3A_140, %add3A_138 : i32
    "tpu.region"() ({
      %run_scoped3A = tpu.sem_alloc : memref<!tpu.dma_semaphore, #tpu.memory_space<semaphore_mem>>
      %dma_start3A_156 = arith.constant 0 : i32
      %dma_start3A_157 = tpu.memref_slice %arg5[%add3A_141, %dma_start3A_156] : memref<20480x128xf32, #tpu.memory_space<hbm>> -> memref<64x128xf32, #tpu.memory_space<hbm>>
      %dma_start3A_158 = arith.constant 0 : i32
      %dma_start3A_159 = tpu.memref_slice %arg13[%add3A_138, %dma_start3A_158] : memref<10240x128xf32, #tpu.memory_space<vmem_shared>> -> memref<64x128xf32, #tpu.memory_space<vmem_shared>>
      tpu.enqueue_dma source(%dma_start3A_159 : memref<64x128xf32, #tpu.memory_space<vmem_shared>>) target(%dma_start3A_157 : memref<64x128xf32, #tpu.memory_space<hbm>>) target_semaphore(%run_scoped3A : memref<!tpu.dma_semaphore, #tpu.memory_space<semaphore_mem>>)
      %dma_wait3A_160 = arith.constant 0 : i32
      %dma_wait3A_161 = tpu.memref_slice %arg5[%add3A_141, %dma_wait3A_160] : memref<20480x128xf32, #tpu.memory_space<hbm>> -> memref<64x128xf32, #tpu.memory_space<hbm>>
      %dma_wait3A_162 = arith.constant 0 : i32
      %dma_wait3A_163 = tpu.memref_slice %arg13[%add3A_138, %dma_wait3A_162] : memref<10240x128xf32, #tpu.memory_space<vmem_shared>> -> memref<64x128xf32, #tpu.memory_space<vmem_shared>>
      tpu.wait_dma2 semaphore(%run_scoped3A : memref<!tpu.dma_semaphore, #tpu.memory_space<semaphore_mem>>) src(%dma_wait3A_163 : memref<64x128xf32, #tpu.memory_space<vmem_shared>>) dst(%dma_wait3A_161 : memref<64x128xf32, #tpu.memory_space<hbm>>)
      tpu.yield
    }) : () -> ()
    %mul3A_142 = arith.constant 640 : i32
    %mul3A_143 = arith.muli %arg1, %mul3A_142 : i32
    %add3A_144 = arith.constant 512 : i32
    %add3A_145 = arith.addi %mul3A_143, %add3A_144 : i32
    %mul3A_146 = arith.constant 10240 : i32
    %mul3A_147 = arith.muli %arg0, %mul3A_146 : i32
    %add3A_148 = arith.addi %mul3A_147, %add3A_145 : i32
    "tpu.region"() ({
      %run_scoped3A = tpu.sem_alloc : memref<!tpu.dma_semaphore, #tpu.memory_space<semaphore_mem>>
      %dma_start3A_156 = arith.constant 0 : i32
      %dma_start3A_157 = tpu.memref_slice %arg5[%add3A_148, %dma_start3A_156] : memref<20480x128xf32, #tpu.memory_space<hbm>> -> memref<64x128xf32, #tpu.memory_space<hbm>>
      %dma_start3A_158 = arith.constant 0 : i32
      %dma_start3A_159 = tpu.memref_slice %arg13[%add3A_145, %dma_start3A_158] : memref<10240x128xf32, #tpu.memory_space<vmem_shared>> -> memref<64x128xf32, #tpu.memory_space<vmem_shared>>
      tpu.enqueue_dma source(%dma_start3A_159 : memref<64x128xf32, #tpu.memory_space<vmem_shared>>) target(%dma_start3A_157 : memref<64x128xf32, #tpu.memory_space<hbm>>) target_semaphore(%run_scoped3A : memref<!tpu.dma_semaphore, #tpu.memory_space<semaphore_mem>>)
      %dma_wait3A_160 = arith.constant 0 : i32
      %dma_wait3A_161 = tpu.memref_slice %arg5[%add3A_148, %dma_wait3A_160] : memref<20480x128xf32, #tpu.memory_space<hbm>> -> memref<64x128xf32, #tpu.memory_space<hbm>>
      %dma_wait3A_162 = arith.constant 0 : i32
      %dma_wait3A_163 = tpu.memref_slice %arg13[%add3A_145, %dma_wait3A_162] : memref<10240x128xf32, #tpu.memory_space<vmem_shared>> -> memref<64x128xf32, #tpu.memory_space<vmem_shared>>
      tpu.wait_dma2 semaphore(%run_scoped3A : memref<!tpu.dma_semaphore, #tpu.memory_space<semaphore_mem>>) src(%dma_wait3A_163 : memref<64x128xf32, #tpu.memory_space<vmem_shared>>) dst(%dma_wait3A_161 : memref<64x128xf32, #tpu.memory_space<hbm>>)
      tpu.yield
    }) : () -> ()
    %mul3A_149 = arith.constant 640 : i32
    %mul3A_150 = arith.muli %arg1, %mul3A_149 : i32
    %add3A_151 = arith.constant 576 : i32
    %add3A_152 = arith.addi %mul3A_150, %add3A_151 : i32
    %mul3A_153 = arith.constant 10240 : i32
    %mul3A_154 = arith.muli %arg0, %mul3A_153 : i32
    %add3A_155 = arith.addi %mul3A_154, %add3A_152 : i32
    "tpu.region"() ({
      %run_scoped3A = tpu.sem_alloc : memref<!tpu.dma_semaphore, #tpu.memory_space<semaphore_mem>>
      %dma_start3A_156 = arith.constant 0 : i32
      %dma_start3A_157 = tpu.memref_slice %arg5[%add3A_155, %dma_start3A_156] : memref<20480x128xf32, #tpu.memory_space<hbm>> -> memref<64x128xf32, #tpu.memory_space<hbm>>
      %dma_start3A_158 = arith.constant 0 : i32
      %dma_start3A_159 = tpu.memref_slice %arg13[%add3A_152, %dma_start3A_158] : memref<10240x128xf32, #tpu.memory_space<vmem_shared>> -> memref<64x128xf32, #tpu.memory_space<vmem_shared>>
      tpu.enqueue_dma source(%dma_start3A_159 : memref<64x128xf32, #tpu.memory_space<vmem_shared>>) target(%dma_start3A_157 : memref<64x128xf32, #tpu.memory_space<hbm>>) target_semaphore(%run_scoped3A : memref<!tpu.dma_semaphore, #tpu.memory_space<semaphore_mem>>)
      %dma_wait3A_160 = arith.constant 0 : i32
      %dma_wait3A_161 = tpu.memref_slice %arg5[%add3A_155, %dma_wait3A_160] : memref<20480x128xf32, #tpu.memory_space<hbm>> -> memref<64x128xf32, #tpu.memory_space<hbm>>
      %dma_wait3A_162 = arith.constant 0 : i32
      %dma_wait3A_163 = tpu.memref_slice %arg13[%add3A_152, %dma_wait3A_162] : memref<10240x128xf32, #tpu.memory_space<vmem_shared>> -> memref<64x128xf32, #tpu.memory_space<vmem_shared>>
      tpu.wait_dma2 semaphore(%run_scoped3A : memref<!tpu.dma_semaphore, #tpu.memory_space<semaphore_mem>>) src(%dma_wait3A_163 : memref<64x128xf32, #tpu.memory_space<vmem_shared>>) dst(%dma_wait3A_161 : memref<64x128xf32, #tpu.memory_space<hbm>>)
      tpu.yield
    }) : () -> ()
    return
  }
}

#map = affine_map<(d0, d1) -> (0, 0)>
#map1 = affine_map<(d0, d1) -> (0)>
module attributes {stable_mosaic.version = 14 : i64} {
  func.func @_sc_agg_body(%arg0: i32, %arg1: i32, %arg2: memref<10000x128xf32, #tpu.memory_space<hbm>>, %arg3: memref<320000xi32, #tpu.memory_space<hbm>>, %arg4: memref<320000xi32, #tpu.memory_space<hbm>>, %arg5: memref<20480x128xf32, #tpu.memory_space<hbm>>, %arg6: memref<80xi32, #tpu.memory_space<vmem>>, %arg7: memref<80xi32, #tpu.memory_space<vmem>>, %arg8: memref<80xi32, #tpu.memory_space<vmem>>, %arg9: memref<80xi32, #tpu.memory_space<vmem>>, %arg10: memref<80x128xf32, #tpu.memory_space<vmem>>, %arg11: memref<80x128xf32, #tpu.memory_space<vmem>>, %arg12: memref<64x128xf32, #tpu.memory_space<vmem>>, %arg13: memref<10240x128xf32, #tpu.memory_space<vmem_shared>>, %arg14: memref<!tpu.dma_semaphore, #tpu.memory_space<semaphore_mem>>, %arg15: memref<!tpu.dma_semaphore, #tpu.memory_space<semaphore_mem>>) attributes {dimension_semantics = [#tpu.dimension_semantics<core_parallel>, #tpu.dimension_semantics<subcore_parallel>], iteration_bounds = array<i64: 2, 16>, scalar_prefetch = 0 : i64, scratch_operands = 10 : i64, tpu.core_type = #tpu.core_type<sc_vector_subcore>, window_params = [{transform_indices = #map}, {transform_indices = #map1}, {transform_indices = #map1}, {transform_indices = #map}]} {
    %mul3A = arith.constant 2 : i32
    %mul3A_0 = arith.muli %arg1, %mul3A : i32
    %add3A = arith.addi %mul3A_0, %arg0 : i32
    %mul3A_1 = arith.constant 10000 : i32
    %mul3A_2 = arith.muli %add3A, %mul3A_1 : i32
    %broadcast_in_dim3A = arith.constant 0.000000e+00 : f32
    %broadcast_in_dim3A_3 = vector.broadcast %broadcast_in_dim3A : f32 to vector<16xf32>
    %scan3A = arith.constant 0 : i32
    %scan3A_4 = arith.constant 0 : i32
    %scan3A_5 = arith.constant 64 : i32
    %scan3A_6 = arith.addi %scan3A_4, %scan3A_5 : i32
    %scan3A_7 = arith.constant 1 : i32
    %scan3A_8 = scf.for %scan3A_156 = %scan3A_4 to %scan3A_6 step %scan3A_7 iter_args(%scan3A_157 = %scan3A) -> (i32)  : i32 {
      %swap3A = arith.index_cast %scan3A_156 : i32 to index
      %swap3A_158 = arith.constant 0 : index
      %swap3A_159 = tpu.vector_load %arg12[%swap3A, %swap3A_158] {strides = array<i32>} : memref<64x128xf32, #tpu.memory_space<vmem>>, vector<1x16xf32>,
      %swap3A_160 = vector.shape_cast %swap3A_159 : vector<1x16xf32> to vector<16xf32>
      %swap3A_161 = vector.shape_cast %broadcast_in_dim3A_3 : vector<16xf32> to vector<1x16xf32>
      tpu.vector_store %arg12[%swap3A, %swap3A_158], %swap3A_161 {strides = array<i32>} : memref<64x128xf32, #tpu.memory_space<vmem>>, vector<1x16xf32>,
      %swap3A_162 = arith.index_cast %scan3A_156 : i32 to index
      %swap3A_163 = arith.constant 16 : index
      %swap3A_164 = tpu.vector_load %arg12[%swap3A_162, %swap3A_163] {strides = array<i32>} : memref<64x128xf32, #tpu.memory_space<vmem>>, vector<1x16xf32>,
      %swap3A_165 = vector.shape_cast %swap3A_164 : vector<1x16xf32> to vector<16xf32>
      %swap3A_166 = vector.shape_cast %broadcast_in_dim3A_3 : vector<16xf32> to vector<1x16xf32>
      tpu.vector_store %arg12[%swap3A_162, %swap3A_163], %swap3A_166 {strides = array<i32>} : memref<64x128xf32, #tpu.memory_space<vmem>>, vector<1x16xf32>,
      %swap3A_167 = arith.index_cast %scan3A_156 : i32 to index
      %swap3A_168 = arith.constant 32 : index
      %swap3A_169 = tpu.vector_load %arg12[%swap3A_167, %swap3A_168] {strides = array<i32>} : memref<64x128xf32, #tpu.memory_space<vmem>>, vector<1x16xf32>,
      %swap3A_170 = vector.shape_cast %swap3A_169 : vector<1x16xf32> to vector<16xf32>
      %swap3A_171 = vector.shape_cast %broadcast_in_dim3A_3 : vector<16xf32> to vector<1x16xf32>
      tpu.vector_store %arg12[%swap3A_167, %swap3A_168], %swap3A_171 {strides = array<i32>} : memref<64x128xf32, #tpu.memory_space<vmem>>, vector<1x16xf32>,
      %swap3A_172 = arith.index_cast %scan3A_156 : i32 to index
      %swap3A_173 = arith.constant 48 : index
      %swap3A_174 = tpu.vector_load %arg12[%swap3A_172, %swap3A_173] {strides = array<i32>} : memref<64x128xf32, #tpu.memory_space<vmem>>, vector<1x16xf32>,
      %swap3A_175 = vector.shape_cast %swap3A_174 : vector<1x16xf32> to vector<16xf32>
      %swap3A_176 = vector.shape_cast %broadcast_in_dim3A_3 : vector<16xf32> to vector<1x16xf32>
      tpu.vector_store %arg12[%swap3A_172, %swap3A_173], %swap3A_176 {strides = array<i32>} : memref<64x128xf32, #tpu.memory_space<vmem>>, vector<1x16xf32>,
      %swap3A_177 = arith.index_cast %scan3A_156 : i32 to index
      %swap3A_178 = arith.constant 64 : index
      %swap3A_179 = tpu.vector_load %arg12[%swap3A_177, %swap3A_178] {strides = array<i32>} : memref<64x128xf32, #tpu.memory_space<vmem>>, vector<1x16xf32>,
      %swap3A_180 = vector.shape_cast %swap3A_179 : vector<1x16xf32> to vector<16xf32>
      %swap3A_181 = vector.shape_cast %broadcast_in_dim3A_3 : vector<16xf32> to vector<1x16xf32>
      tpu.vector_store %arg12[%swap3A_177, %swap3A_178], %swap3A_181 {strides = array<i32>} : memref<64x128xf32, #tpu.memory_space<vmem>>, vector<1x16xf32>,
      %swap3A_182 = arith.index_cast %scan3A_156 : i32 to index
      %swap3A_183 = arith.constant 80 : index
      %swap3A_184 = tpu.vector_load %arg12[%swap3A_182, %swap3A_183] {strides = array<i32>} : memref<64x128xf32, #tpu.memory_space<vmem>>, vector<1x16xf32>,
      %swap3A_185 = vector.shape_cast %swap3A_184 : vector<1x16xf32> to vector<16xf32>
      %swap3A_186 = vector.shape_cast %broadcast_in_dim3A_3 : vector<16xf32> to vector<1x16xf32>
      tpu.vector_store %arg12[%swap3A_182, %swap3A_183], %swap3A_186 {strides = array<i32>} : memref<64x128xf32, #tpu.memory_space<vmem>>, vector<1x16xf32>,
      %swap3A_187 = arith.index_cast %scan3A_156 : i32 to index
      %swap3A_188 = arith.constant 96 : index
      %swap3A_189 = tpu.vector_load %arg12[%swap3A_187, %swap3A_188] {strides = array<i32>} : memref<64x128xf32, #tpu.memory_space<vmem>>, vector<1x16xf32>,
      %swap3A_190 = vector.shape_cast %swap3A_189 : vector<1x16xf32> to vector<16xf32>
      %swap3A_191 = vector.shape_cast %broadcast_in_dim3A_3 : vector<16xf32> to vector<1x16xf32>
      tpu.vector_store %arg12[%swap3A_187, %swap3A_188], %swap3A_191 {strides = array<i32>} : memref<64x128xf32, #tpu.memory_space<vmem>>, vector<1x16xf32>,
      %swap3A_192 = arith.index_cast %scan3A_156 : i32 to index
      %swap3A_193 = arith.constant 112 : index
      %swap3A_194 = tpu.vector_load %arg12[%swap3A_192, %swap3A_193] {strides = array<i32>} : memref<64x128xf32, #tpu.memory_space<vmem>>, vector<1x16xf32>,
      %swap3A_195 = vector.shape_cast %swap3A_194 : vector<1x16xf32> to vector<16xf32>
      %swap3A_196 = vector.shape_cast %broadcast_in_dim3A_3 : vector<16xf32> to vector<1x16xf32>
      tpu.vector_store %arg12[%swap3A_192, %swap3A_193], %swap3A_196 {strides = array<i32>} : memref<64x128xf32, #tpu.memory_space<vmem>>, vector<1x16xf32>,
      %scan3A_197 = arith.constant 0 : i32
      scf.yield %scan3A_197 : i32
    }
    %scan3A_9 = arith.constant 64 : i32
    %mul3A_10 = arith.constant 640 : i32
    %mul3A_11 = arith.muli %arg1, %mul3A_10 : i32
    %add3A_12 = arith.constant 0 : i32
    %add3A_13 = arith.addi %mul3A_11, %add3A_12 : i32
    "tpu.region"() ({
      %run_scoped3A = tpu.sem_alloc : memref<!tpu.dma_semaphore, #tpu.memory_space<semaphore_mem>>
      %dma_start3A_156 = arith.constant 0 : i32
      %dma_start3A_157 = tpu.memref_slice %arg13[%add3A_13, %dma_start3A_156] : memref<10240x128xf32, #tpu.memory_space<vmem_shared>> -> memref<64x128xf32, #tpu.memory_space<vmem_shared>>
      %dma_start3A_158 = arith.constant 0 : i32
      %dma_start3A_159 = tpu.memref_slice %arg13[%add3A_13, %dma_start3A_158] : memref<10240x128xf32, #tpu.memory_space<vmem_shared>> -> memref<64x128xf32, #tpu.memory_space<vmem_shared>>
      tpu.enqueue_dma source(%arg12 : memref<64x128xf32, #tpu.memory_space<vmem>>) target(%dma_start3A_159 : memref<64x128xf32, #tpu.memory_space<vmem_shared>>) target_semaphore(%run_scoped3A : memref<!tpu.dma_semaphore, #tpu.memory_space<semaphore_mem>>)
      %dma_wait3A_160 = arith.constant 0 : i32
      %dma_wait3A_161 = tpu.memref_slice %arg13[%add3A_13, %dma_wait3A_160] : memref<10240x128xf32, #tpu.memory_space<vmem_shared>> -> memref<64x128xf32, #tpu.memory_space<vmem_shared>>
      %dma_wait3A_162 = arith.constant 0 : i32
      %dma_wait3A_163 = tpu.memref_slice %arg13[%add3A_13, %dma_wait3A_162] : memref<10240x128xf32, #tpu.memory_space<vmem_shared>> -> memref<64x128xf32, #tpu.memory_space<vmem_shared>>
      tpu.wait_dma2 semaphore(%run_scoped3A : memref<!tpu.dma_semaphore, #tpu.memory_space<semaphore_mem>>) src(%arg12 : memref<64x128xf32, #tpu.memory_space<vmem>>) dst(%dma_wait3A_163 : memref<64x128xf32, #tpu.memory_space<vmem_shared>>)
      tpu.yield
    }) : () -> ()
    %mul3A_14 = arith.constant 640 : i32
    %mul3A_15 = arith.muli %arg1, %mul3A_14 : i32
    %add3A_16 = arith.constant 64 : i32
    %add3A_17 = arith.addi %mul3A_15, %add3A_16 : i32
    "tpu.region"() ({
      %run_scoped3A = tpu.sem_alloc : memref<!tpu.dma_semaphore, #tpu.memory_space<semaphore_mem>>
      %dma_start3A_156 = arith.constant 0 : i32
      %dma_start3A_157 = tpu.memref_slice %arg13[%add3A_17, %dma_start3A_156] : memref<10240x128xf32, #tpu.memory_space<vmem_shared>> -> memref<64x128xf32, #tpu.memory_space<vmem_shared>>
      %dma_start3A_158 = arith.constant 0 : i32
      %dma_start3A_159 = tpu.memref_slice %arg13[%add3A_17, %dma_start3A_158] : memref<10240x128xf32, #tpu.memory_space<vmem_shared>> -> memref<64x128xf32, #tpu.memory_space<vmem_shared>>
      tpu.enqueue_dma source(%arg12 : memref<64x128xf32, #tpu.memory_space<vmem>>) target(%dma_start3A_159 : memref<64x128xf32, #tpu.memory_space<vmem_shared>>) target_semaphore(%run_scoped3A : memref<!tpu.dma_semaphore, #tpu.memory_space<semaphore_mem>>)
      %dma_wait3A_160 = arith.constant 0 : i32
      %dma_wait3A_161 = tpu.memref_slice %arg13[%add3A_17, %dma_wait3A_160] : memref<10240x128xf32, #tpu.memory_space<vmem_shared>> -> memref<64x128xf32, #tpu.memory_space<vmem_shared>>
      %dma_wait3A_162 = arith.constant 0 : i32
      %dma_wait3A_163 = tpu.memref_slice %arg13[%add3A_17, %dma_wait3A_162] : memref<10240x128xf32, #tpu.memory_space<vmem_shared>> -> memref<64x128xf32, #tpu.memory_space<vmem_shared>>
      tpu.wait_dma2 semaphore(%run_scoped3A : memref<!tpu.dma_semaphore, #tpu.memory_space<semaphore_mem>>) src(%arg12 : memref<64x128xf32, #tpu.memory_space<vmem>>) dst(%dma_wait3A_163 : memref<64x128xf32, #tpu.memory_space<vmem_shared>>)
      tpu.yield
    }) : () -> ()
    %mul3A_18 = arith.constant 640 : i32
    %mul3A_19 = arith.muli %arg1, %mul3A_18 : i32
    %add3A_20 = arith.constant 128 : i32
    %add3A_21 = arith.addi %mul3A_19, %add3A_20 : i32
    "tpu.region"() ({
      %run_scoped3A = tpu.sem_alloc : memref<!tpu.dma_semaphore, #tpu.memory_space<semaphore_mem>>
      %dma_start3A_156 = arith.constant 0 : i32
      %dma_start3A_157 = tpu.memref_slice %arg13[%add3A_21, %dma_start3A_156] : memref<10240x128xf32, #tpu.memory_space<vmem_shared>> -> memref<64x128xf32, #tpu.memory_space<vmem_shared>>
      %dma_start3A_158 = arith.constant 0 : i32
      %dma_start3A_159 = tpu.memref_slice %arg13[%add3A_21, %dma_start3A_158] : memref<10240x128xf32, #tpu.memory_space<vmem_shared>> -> memref<64x128xf32, #tpu.memory_space<vmem_shared>>
      tpu.enqueue_dma source(%arg12 : memref<64x128xf32, #tpu.memory_space<vmem>>) target(%dma_start3A_159 : memref<64x128xf32, #tpu.memory_space<vmem_shared>>) target_semaphore(%run_scoped3A : memref<!tpu.dma_semaphore, #tpu.memory_space<semaphore_mem>>)
      %dma_wait3A_160 = arith.constant 0 : i32
      %dma_wait3A_161 = tpu.memref_slice %arg13[%add3A_21, %dma_wait3A_160] : memref<10240x128xf32, #tpu.memory_space<vmem_shared>> -> memref<64x128xf32, #tpu.memory_space<vmem_shared>>
      %dma_wait3A_162 = arith.constant 0 : i32
      %dma_wait3A_163 = tpu.memref_slice %arg13[%add3A_21, %dma_wait3A_162] : memref<10240x128xf32, #tpu.memory_space<vmem_shared>> -> memref<64x128xf32, #tpu.memory_space<vmem_shared>>
      tpu.wait_dma2 semaphore(%run_scoped3A : memref<!tpu.dma_semaphore, #tpu.memory_space<semaphore_mem>>) src(%arg12 : memref<64x128xf32, #tpu.memory_space<vmem>>) dst(%dma_wait3A_163 : memref<64x128xf32, #tpu.memory_space<vmem_shared>>)
      tpu.yield
    }) : () -> ()
    %mul3A_22 = arith.constant 640 : i32
    %mul3A_23 = arith.muli %arg1, %mul3A_22 : i32
    %add3A_24 = arith.constant 192 : i32
    %add3A_25 = arith.addi %mul3A_23, %add3A_24 : i32
    "tpu.region"() ({
      %run_scoped3A = tpu.sem_alloc : memref<!tpu.dma_semaphore, #tpu.memory_space<semaphore_mem>>
      %dma_start3A_156 = arith.constant 0 : i32
      %dma_start3A_157 = tpu.memref_slice %arg13[%add3A_25, %dma_start3A_156] : memref<10240x128xf32, #tpu.memory_space<vmem_shared>> -> memref<64x128xf32, #tpu.memory_space<vmem_shared>>
      %dma_start3A_158 = arith.constant 0 : i32
      %dma_start3A_159 = tpu.memref_slice %arg13[%add3A_25, %dma_start3A_158] : memref<10240x128xf32, #tpu.memory_space<vmem_shared>> -> memref<64x128xf32, #tpu.memory_space<vmem_shared>>
      tpu.enqueue_dma source(%arg12 : memref<64x128xf32, #tpu.memory_space<vmem>>) target(%dma_start3A_159 : memref<64x128xf32, #tpu.memory_space<vmem_shared>>) target_semaphore(%run_scoped3A : memref<!tpu.dma_semaphore, #tpu.memory_space<semaphore_mem>>)
      %dma_wait3A_160 = arith.constant 0 : i32
      %dma_wait3A_161 = tpu.memref_slice %arg13[%add3A_25, %dma_wait3A_160] : memref<10240x128xf32, #tpu.memory_space<vmem_shared>> -> memref<64x128xf32, #tpu.memory_space<vmem_shared>>
      %dma_wait3A_162 = arith.constant 0 : i32
      %dma_wait3A_163 = tpu.memref_slice %arg13[%add3A_25, %dma_wait3A_162] : memref<10240x128xf32, #tpu.memory_space<vmem_shared>> -> memref<64x128xf32, #tpu.memory_space<vmem_shared>>
      tpu.wait_dma2 semaphore(%run_scoped3A : memref<!tpu.dma_semaphore, #tpu.memory_space<semaphore_mem>>) src(%arg12 : memref<64x128xf32, #tpu.memory_space<vmem>>) dst(%dma_wait3A_163 : memref<64x128xf32, #tpu.memory_space<vmem_shared>>)
      tpu.yield
    }) : () -> ()
    %mul3A_26 = arith.constant 640 : i32
    %mul3A_27 = arith.muli %arg1, %mul3A_26 : i32
    %add3A_28 = arith.constant 256 : i32
    %add3A_29 = arith.addi %mul3A_27, %add3A_28 : i32
    "tpu.region"() ({
      %run_scoped3A = tpu.sem_alloc : memref<!tpu.dma_semaphore, #tpu.memory_space<semaphore_mem>>
      %dma_start3A_156 = arith.constant 0 : i32
      %dma_start3A_157 = tpu.memref_slice %arg13[%add3A_29, %dma_start3A_156] : memref<10240x128xf32, #tpu.memory_space<vmem_shared>> -> memref<64x128xf32, #tpu.memory_space<vmem_shared>>
      %dma_start3A_158 = arith.constant 0 : i32
      %dma_start3A_159 = tpu.memref_slice %arg13[%add3A_29, %dma_start3A_158] : memref<10240x128xf32, #tpu.memory_space<vmem_shared>> -> memref<64x128xf32, #tpu.memory_space<vmem_shared>>
      tpu.enqueue_dma source(%arg12 : memref<64x128xf32, #tpu.memory_space<vmem>>) target(%dma_start3A_159 : memref<64x128xf32, #tpu.memory_space<vmem_shared>>) target_semaphore(%run_scoped3A : memref<!tpu.dma_semaphore, #tpu.memory_space<semaphore_mem>>)
      %dma_wait3A_160 = arith.constant 0 : i32
      %dma_wait3A_161 = tpu.memref_slice %arg13[%add3A_29, %dma_wait3A_160] : memref<10240x128xf32, #tpu.memory_space<vmem_shared>> -> memref<64x128xf32, #tpu.memory_space<vmem_shared>>
      %dma_wait3A_162 = arith.constant 0 : i32
      %dma_wait3A_163 = tpu.memref_slice %arg13[%add3A_29, %dma_wait3A_162] : memref<10240x128xf32, #tpu.memory_space<vmem_shared>> -> memref<64x128xf32, #tpu.memory_space<vmem_shared>>
      tpu.wait_dma2 semaphore(%run_scoped3A : memref<!tpu.dma_semaphore, #tpu.memory_space<semaphore_mem>>) src(%arg12 : memref<64x128xf32, #tpu.memory_space<vmem>>) dst(%dma_wait3A_163 : memref<64x128xf32, #tpu.memory_space<vmem_shared>>)
      tpu.yield
    }) : () -> ()
    %mul3A_30 = arith.constant 640 : i32
    %mul3A_31 = arith.muli %arg1, %mul3A_30 : i32
    %add3A_32 = arith.constant 320 : i32
    %add3A_33 = arith.addi %mul3A_31, %add3A_32 : i32
    "tpu.region"() ({
      %run_scoped3A = tpu.sem_alloc : memref<!tpu.dma_semaphore, #tpu.memory_space<semaphore_mem>>
      %dma_start3A_156 = arith.constant 0 : i32
      %dma_start3A_157 = tpu.memref_slice %arg13[%add3A_33, %dma_start3A_156] : memref<10240x128xf32, #tpu.memory_space<vmem_shared>> -> memref<64x128xf32, #tpu.memory_space<vmem_shared>>
      %dma_start3A_158 = arith.constant 0 : i32
      %dma_start3A_159 = tpu.memref_slice %arg13[%add3A_33, %dma_start3A_158] : memref<10240x128xf32, #tpu.memory_space<vmem_shared>> -> memref<64x128xf32, #tpu.memory_space<vmem_shared>>
      tpu.enqueue_dma source(%arg12 : memref<64x128xf32, #tpu.memory_space<vmem>>) target(%dma_start3A_159 : memref<64x128xf32, #tpu.memory_space<vmem_shared>>) target_semaphore(%run_scoped3A : memref<!tpu.dma_semaphore, #tpu.memory_space<semaphore_mem>>)
      %dma_wait3A_160 = arith.constant 0 : i32
      %dma_wait3A_161 = tpu.memref_slice %arg13[%add3A_33, %dma_wait3A_160] : memref<10240x128xf32, #tpu.memory_space<vmem_shared>> -> memref<64x128xf32, #tpu.memory_space<vmem_shared>>
      %dma_wait3A_162 = arith.constant 0 : i32
      %dma_wait3A_163 = tpu.memref_slice %arg13[%add3A_33, %dma_wait3A_162] : memref<10240x128xf32, #tpu.memory_space<vmem_shared>> -> memref<64x128xf32, #tpu.memory_space<vmem_shared>>
      tpu.wait_dma2 semaphore(%run_scoped3A : memref<!tpu.dma_semaphore, #tpu.memory_space<semaphore_mem>>) src(%arg12 : memref<64x128xf32, #tpu.memory_space<vmem>>) dst(%dma_wait3A_163 : memref<64x128xf32, #tpu.memory_space<vmem_shared>>)
      tpu.yield
    }) : () -> ()
    %mul3A_34 = arith.constant 640 : i32
    %mul3A_35 = arith.muli %arg1, %mul3A_34 : i32
    %add3A_36 = arith.constant 384 : i32
    %add3A_37 = arith.addi %mul3A_35, %add3A_36 : i32
    "tpu.region"() ({
      %run_scoped3A = tpu.sem_alloc : memref<!tpu.dma_semaphore, #tpu.memory_space<semaphore_mem>>
      %dma_start3A_156 = arith.constant 0 : i32
      %dma_start3A_157 = tpu.memref_slice %arg13[%add3A_37, %dma_start3A_156] : memref<10240x128xf32, #tpu.memory_space<vmem_shared>> -> memref<64x128xf32, #tpu.memory_space<vmem_shared>>
      %dma_start3A_158 = arith.constant 0 : i32
      %dma_start3A_159 = tpu.memref_slice %arg13[%add3A_37, %dma_start3A_158] : memref<10240x128xf32, #tpu.memory_space<vmem_shared>> -> memref<64x128xf32, #tpu.memory_space<vmem_shared>>
      tpu.enqueue_dma source(%arg12 : memref<64x128xf32, #tpu.memory_space<vmem>>) target(%dma_start3A_159 : memref<64x128xf32, #tpu.memory_space<vmem_shared>>) target_semaphore(%run_scoped3A : memref<!tpu.dma_semaphore, #tpu.memory_space<semaphore_mem>>)
      %dma_wait3A_160 = arith.constant 0 : i32
      %dma_wait3A_161 = tpu.memref_slice %arg13[%add3A_37, %dma_wait3A_160] : memref<10240x128xf32, #tpu.memory_space<vmem_shared>> -> memref<64x128xf32, #tpu.memory_space<vmem_shared>>
      %dma_wait3A_162 = arith.constant 0 : i32
      %dma_wait3A_163 = tpu.memref_slice %arg13[%add3A_37, %dma_wait3A_162] : memref<10240x128xf32, #tpu.memory_space<vmem_shared>> -> memref<64x128xf32, #tpu.memory_space<vmem_shared>>
      tpu.wait_dma2 semaphore(%run_scoped3A : memref<!tpu.dma_semaphore, #tpu.memory_space<semaphore_mem>>) src(%arg12 : memref<64x128xf32, #tpu.memory_space<vmem>>) dst(%dma_wait3A_163 : memref<64x128xf32, #tpu.memory_space<vmem_shared>>)
      tpu.yield
    }) : () -> ()
    %mul3A_38 = arith.constant 640 : i32
    %mul3A_39 = arith.muli %arg1, %mul3A_38 : i32
    %add3A_40 = arith.constant 448 : i32
    %add3A_41 = arith.addi %mul3A_39, %add3A_40 : i32
    "tpu.region"() ({
      %run_scoped3A = tpu.sem_alloc : memref<!tpu.dma_semaphore, #tpu.memory_space<semaphore_mem>>
      %dma_start3A_156 = arith.constant 0 : i32
      %dma_start3A_157 = tpu.memref_slice %arg13[%add3A_41, %dma_start3A_156] : memref<10240x128xf32, #tpu.memory_space<vmem_shared>> -> memref<64x128xf32, #tpu.memory_space<vmem_shared>>
      %dma_start3A_158 = arith.constant 0 : i32
      %dma_start3A_159 = tpu.memref_slice %arg13[%add3A_41, %dma_start3A_158] : memref<10240x128xf32, #tpu.memory_space<vmem_shared>> -> memref<64x128xf32, #tpu.memory_space<vmem_shared>>
      tpu.enqueue_dma source(%arg12 : memref<64x128xf32, #tpu.memory_space<vmem>>) target(%dma_start3A_159 : memref<64x128xf32, #tpu.memory_space<vmem_shared>>) target_semaphore(%run_scoped3A : memref<!tpu.dma_semaphore, #tpu.memory_space<semaphore_mem>>)
      %dma_wait3A_160 = arith.constant 0 : i32
      %dma_wait3A_161 = tpu.memref_slice %arg13[%add3A_41, %dma_wait3A_160] : memref<10240x128xf32, #tpu.memory_space<vmem_shared>> -> memref<64x128xf32, #tpu.memory_space<vmem_shared>>
      %dma_wait3A_162 = arith.constant 0 : i32
      %dma_wait3A_163 = tpu.memref_slice %arg13[%add3A_41, %dma_wait3A_162] : memref<10240x128xf32, #tpu.memory_space<vmem_shared>> -> memref<64x128xf32, #tpu.memory_space<vmem_shared>>
      tpu.wait_dma2 semaphore(%run_scoped3A : memref<!tpu.dma_semaphore, #tpu.memory_space<semaphore_mem>>) src(%arg12 : memref<64x128xf32, #tpu.memory_space<vmem>>) dst(%dma_wait3A_163 : memref<64x128xf32, #tpu.memory_space<vmem_shared>>)
      tpu.yield
    }) : () -> ()
    %mul3A_42 = arith.constant 640 : i32
    %mul3A_43 = arith.muli %arg1, %mul3A_42 : i32
    %add3A_44 = arith.constant 512 : i32
    %add3A_45 = arith.addi %mul3A_43, %add3A_44 : i32
    "tpu.region"() ({
      %run_scoped3A = tpu.sem_alloc : memref<!tpu.dma_semaphore, #tpu.memory_space<semaphore_mem>>
      %dma_start3A_156 = arith.constant 0 : i32
      %dma_start3A_157 = tpu.memref_slice %arg13[%add3A_45, %dma_start3A_156] : memref<10240x128xf32, #tpu.memory_space<vmem_shared>> -> memref<64x128xf32, #tpu.memory_space<vmem_shared>>
      %dma_start3A_158 = arith.constant 0 : i32
      %dma_start3A_159 = tpu.memref_slice %arg13[%add3A_45, %dma_start3A_158] : memref<10240x128xf32, #tpu.memory_space<vmem_shared>> -> memref<64x128xf32, #tpu.memory_space<vmem_shared>>
      tpu.enqueue_dma source(%arg12 : memref<64x128xf32, #tpu.memory_space<vmem>>) target(%dma_start3A_159 : memref<64x128xf32, #tpu.memory_space<vmem_shared>>) target_semaphore(%run_scoped3A : memref<!tpu.dma_semaphore, #tpu.memory_space<semaphore_mem>>)
      %dma_wait3A_160 = arith.constant 0 : i32
      %dma_wait3A_161 = tpu.memref_slice %arg13[%add3A_45, %dma_wait3A_160] : memref<10240x128xf32, #tpu.memory_space<vmem_shared>> -> memref<64x128xf32, #tpu.memory_space<vmem_shared>>
      %dma_wait3A_162 = arith.constant 0 : i32
      %dma_wait3A_163 = tpu.memref_slice %arg13[%add3A_45, %dma_wait3A_162] : memref<10240x128xf32, #tpu.memory_space<vmem_shared>> -> memref<64x128xf32, #tpu.memory_space<vmem_shared>>
      tpu.wait_dma2 semaphore(%run_scoped3A : memref<!tpu.dma_semaphore, #tpu.memory_space<semaphore_mem>>) src(%arg12 : memref<64x128xf32, #tpu.memory_space<vmem>>) dst(%dma_wait3A_163 : memref<64x128xf32, #tpu.memory_space<vmem_shared>>)
      tpu.yield
    }) : () -> ()
    %mul3A_46 = arith.constant 640 : i32
    %mul3A_47 = arith.muli %arg1, %mul3A_46 : i32
    %add3A_48 = arith.constant 576 : i32
    %add3A_49 = arith.addi %mul3A_47, %add3A_48 : i32
    "tpu.region"() ({
      %run_scoped3A = tpu.sem_alloc : memref<!tpu.dma_semaphore, #tpu.memory_space<semaphore_mem>>
      %dma_start3A_156 = arith.constant 0 : i32
      %dma_start3A_157 = tpu.memref_slice %arg13[%add3A_49, %dma_start3A_156] : memref<10240x128xf32, #tpu.memory_space<vmem_shared>> -> memref<64x128xf32, #tpu.memory_space<vmem_shared>>
      %dma_start3A_158 = arith.constant 0 : i32
      %dma_start3A_159 = tpu.memref_slice %arg13[%add3A_49, %dma_start3A_158] : memref<10240x128xf32, #tpu.memory_space<vmem_shared>> -> memref<64x128xf32, #tpu.memory_space<vmem_shared>>
      tpu.enqueue_dma source(%arg12 : memref<64x128xf32, #tpu.memory_space<vmem>>) target(%dma_start3A_159 : memref<64x128xf32, #tpu.memory_space<vmem_shared>>) target_semaphore(%run_scoped3A : memref<!tpu.dma_semaphore, #tpu.memory_space<semaphore_mem>>)
      %dma_wait3A_160 = arith.constant 0 : i32
      %dma_wait3A_161 = tpu.memref_slice %arg13[%add3A_49, %dma_wait3A_160] : memref<10240x128xf32, #tpu.memory_space<vmem_shared>> -> memref<64x128xf32, #tpu.memory_space<vmem_shared>>
      %dma_wait3A_162 = arith.constant 0 : i32
      %dma_wait3A_163 = tpu.memref_slice %arg13[%add3A_49, %dma_wait3A_162] : memref<10240x128xf32, #tpu.memory_space<vmem_shared>> -> memref<64x128xf32, #tpu.memory_space<vmem_shared>>
      tpu.wait_dma2 semaphore(%run_scoped3A : memref<!tpu.dma_semaphore, #tpu.memory_space<semaphore_mem>>) src(%arg12 : memref<64x128xf32, #tpu.memory_space<vmem>>) dst(%dma_wait3A_163 : memref<64x128xf32, #tpu.memory_space<vmem_shared>>)
      tpu.yield
    }) : () -> ()
    %barrier3A = arith.constant 0 : index
    tpu.barrier barrier_id(%barrier3A)
    %add3A_50 = arith.constant 0 : i32
    %add3A_51 = arith.addi %mul3A_2, %add3A_50 : i32
    "tpu.region"() ({
      %run_scoped3A = tpu.sem_alloc : memref<!tpu.dma_semaphore, #tpu.memory_space<semaphore_mem>>
      %dma_start3A_156 = tpu.memref_slice %arg3[%add3A_51] : memref<320000xi32, #tpu.memory_space<hbm>> -> memref<80xi32, #tpu.memory_space<hbm>>
      %dma_start3A_157 = tpu.memref_slice %arg3[%add3A_51] : memref<320000xi32, #tpu.memory_space<hbm>> -> memref<80xi32, #tpu.memory_space<hbm>>
      tpu.enqueue_dma source(%dma_start3A_157 : memref<80xi32, #tpu.memory_space<hbm>>) target(%arg6 : memref<80xi32, #tpu.memory_space<vmem>>) target_semaphore(%run_scoped3A : memref<!tpu.dma_semaphore, #tpu.memory_space<semaphore_mem>>)
      %dma_wait3A_158 = tpu.memref_slice %arg3[%add3A_51] : memref<320000xi32, #tpu.memory_space<hbm>> -> memref<80xi32, #tpu.memory_space<hbm>>
      %dma_wait3A_159 = tpu.memref_slice %arg3[%add3A_51] : memref<320000xi32, #tpu.memory_space<hbm>> -> memref<80xi32, #tpu.memory_space<hbm>>
      tpu.wait_dma2 semaphore(%run_scoped3A : memref<!tpu.dma_semaphore, #tpu.memory_space<semaphore_mem>>) src(%dma_wait3A_159 : memref<80xi32, #tpu.memory_space<hbm>>) dst(%arg6 : memref<80xi32, #tpu.memory_space<vmem>>)
      tpu.yield
    }) : () -> ()
    %dma_start3A = arith.constant 0 : i32
    %dma_start3A_52 = arith.constant 0 : i32
    %dma_start3A_53 = tpu.memref_slice %arg2[%dma_start3A, %dma_start3A_52] : memref<10000x128xf32, #tpu.memory_space<hbm>> -> memref<10000x128xf32, #tpu.memory_space<hbm>>
    tpu.enqueue_indirect_dma source(%dma_start3A_53 : memref<10000x128xf32, #tpu.memory_space<hbm>>) target(%arg10 : memref<80x128xf32, #tpu.memory_space<vmem>>) offsets(%arg6 : memref<80xi32, #tpu.memory_space<vmem>>) semaphore(%arg14 : memref<!tpu.dma_semaphore, #tpu.memory_space<semaphore_mem>>)
    %add3A_54 = arith.constant 80 : i32
    %add3A_55 = arith.addi %mul3A_2, %add3A_54 : i32
    "tpu.region"() ({
      %run_scoped3A = tpu.sem_alloc : memref<!tpu.dma_semaphore, #tpu.memory_space<semaphore_mem>>
      %dma_start3A_156 = tpu.memref_slice %arg3[%add3A_55] : memref<320000xi32, #tpu.memory_space<hbm>> -> memref<80xi32, #tpu.memory_space<hbm>>
      %dma_start3A_157 = tpu.memref_slice %arg3[%add3A_55] : memref<320000xi32, #tpu.memory_space<hbm>> -> memref<80xi32, #tpu.memory_space<hbm>>
      tpu.enqueue_dma source(%dma_start3A_157 : memref<80xi32, #tpu.memory_space<hbm>>) target(%arg7 : memref<80xi32, #tpu.memory_space<vmem>>) target_semaphore(%run_scoped3A : memref<!tpu.dma_semaphore, #tpu.memory_space<semaphore_mem>>)
      %dma_wait3A_158 = tpu.memref_slice %arg3[%add3A_55] : memref<320000xi32, #tpu.memory_space<hbm>> -> memref<80xi32, #tpu.memory_space<hbm>>
      %dma_wait3A_159 = tpu.memref_slice %arg3[%add3A_55] : memref<320000xi32, #tpu.memory_space<hbm>> -> memref<80xi32, #tpu.memory_space<hbm>>
      tpu.wait_dma2 semaphore(%run_scoped3A : memref<!tpu.dma_semaphore, #tpu.memory_space<semaphore_mem>>) src(%dma_wait3A_159 : memref<80xi32, #tpu.memory_space<hbm>>) dst(%arg7 : memref<80xi32, #tpu.memory_space<vmem>>)
      tpu.yield
    }) : () -> ()
    %dma_start3A_56 = arith.constant 0 : i32
    %dma_start3A_57 = arith.constant 0 : i32
    %dma_start3A_58 = tpu.memref_slice %arg2[%dma_start3A_56, %dma_start3A_57] : memref<10000x128xf32, #tpu.memory_space<hbm>> -> memref<10000x128xf32, #tpu.memory_space<hbm>>
    tpu.enqueue_indirect_dma source(%dma_start3A_58 : memref<10000x128xf32, #tpu.memory_space<hbm>>) target(%arg11 : memref<80x128xf32, #tpu.memory_space<vmem>>) offsets(%arg7 : memref<80xi32, #tpu.memory_space<vmem>>) semaphore(%arg15 : memref<!tpu.dma_semaphore, #tpu.memory_space<semaphore_mem>>)
    %scan3A_59 = arith.constant 0 : i32
    %scan3A_60 = arith.constant 0 : i32
    %scan3A_61 = arith.constant 61 : i32
    %scan3A_62 = arith.addi %scan3A_60, %scan3A_61 : i32
    %scan3A_63 = arith.constant 1 : i32
    %scan3A_64 = scf.for %scan3A_156 = %scan3A_60 to %scan3A_62 step %scan3A_63 iter_args(%scan3A_157 = %scan3A_59) -> (i32)  : i32 {
      %mul3A_158 = arith.constant 2 : i32
      %mul3A_159 = arith.muli %scan3A_156, %mul3A_158 : i32
      %dma_wait3A_160 = arith.constant 0 : i32
      %dma_wait3A_161 = arith.constant 0 : i32
      %dma_wait3A_162 = tpu.memref_slice %arg2[%dma_wait3A_160, %dma_wait3A_161] : memref<10000x128xf32, #tpu.memory_space<hbm>> -> memref<10000x128xf32, #tpu.memory_space<hbm>>
      tpu.wait_indirect_dma semaphore(%arg14 : memref<!tpu.dma_semaphore, #tpu.memory_space<semaphore_mem>>) src(%dma_wait3A_162 : memref<10000x128xf32, #tpu.memory_space<hbm>>) dst(%arg10 : memref<80x128xf32, #tpu.memory_space<vmem>>)
      %mul3A_163 = arith.constant 80 : i32
      %mul3A_164 = arith.muli %mul3A_159, %mul3A_163 : i32
      %add3A_165 = arith.addi %mul3A_2, %mul3A_164 : i32
      "tpu.region"() ({
        %run_scoped3A = tpu.sem_alloc : memref<!tpu.dma_semaphore, #tpu.memory_space<semaphore_mem>>
        %dma_start3A_191 = tpu.memref_slice %arg4[%add3A_165] : memref<320000xi32, #tpu.memory_space<hbm>> -> memref<80xi32, #tpu.memory_space<hbm>>
        %dma_start3A_192 = tpu.memref_slice %arg4[%add3A_165] : memref<320000xi32, #tpu.memory_space<hbm>> -> memref<80xi32, #tpu.memory_space<hbm>>
        tpu.enqueue_dma source(%dma_start3A_192 : memref<80xi32, #tpu.memory_space<hbm>>) target(%arg8 : memref<80xi32, #tpu.memory_space<vmem>>) target_semaphore(%run_scoped3A : memref<!tpu.dma_semaphore, #tpu.memory_space<semaphore_mem>>)
        %dma_wait3A_193 = tpu.memref_slice %arg4[%add3A_165] : memref<320000xi32, #tpu.memory_space<hbm>> -> memref<80xi32, #tpu.memory_space<hbm>>
        %dma_wait3A_194 = tpu.memref_slice %arg4[%add3A_165] : memref<320000xi32, #tpu.memory_space<hbm>> -> memref<80xi32, #tpu.memory_space<hbm>>
        tpu.wait_dma2 semaphore(%run_scoped3A : memref<!tpu.dma_semaphore, #tpu.memory_space<semaphore_mem>>) src(%dma_wait3A_194 : memref<80xi32, #tpu.memory_space<hbm>>) dst(%arg8 : memref<80xi32, #tpu.memory_space<vmem>>)
        tpu.yield
      }) : () -> ()
      "tpu.region"() ({
        %run_scoped3A = tpu.sem_alloc : memref<!tpu.dma_semaphore, #tpu.memory_space<semaphore_mem>>
        %dma_start3A_191 = arith.constant 0 : i32
        %dma_start3A_192 = arith.constant 0 : i32
        %dma_start3A_193 = tpu.memref_slice %arg13[%dma_start3A_191, %dma_start3A_192] : memref<10240x128xf32, #tpu.memory_space<vmem_shared>> -> memref<10240x128xf32, #tpu.memory_space<vmem_shared>>
        tpu.enqueue_indirect_dma source(%arg10 : memref<80x128xf32, #tpu.memory_space<vmem>>) target(%dma_start3A_193 : memref<10240x128xf32, #tpu.memory_space<vmem_shared>>) offsets(%arg8 : memref<80xi32, #tpu.memory_space<vmem>>) semaphore(%run_scoped3A : memref<!tpu.dma_semaphore, #tpu.memory_space<semaphore_mem>>) {add = true}
        %dma_wait3A_194 = arith.constant 0 : i32
        %dma_wait3A_195 = arith.constant 0 : i32
        %dma_wait3A_196 = tpu.memref_slice %arg13[%dma_wait3A_194, %dma_wait3A_195] : memref<10240x128xf32, #tpu.memory_space<vmem_shared>> -> memref<10240x128xf32, #tpu.memory_space<vmem_shared>>
        tpu.wait_indirect_dma semaphore(%run_scoped3A : memref<!tpu.dma_semaphore, #tpu.memory_space<semaphore_mem>>) src(%arg10 : memref<80x128xf32, #tpu.memory_space<vmem>>) dst(%dma_wait3A_196 : memref<10240x128xf32, #tpu.memory_space<vmem_shared>>)
        tpu.yield
      }) : () -> ()
      %add3A_166 = arith.constant 2 : i32
      %add3A_167 = arith.addi %mul3A_159, %add3A_166 : i32
      %mul3A_168 = arith.constant 80 : i32
      %mul3A_169 = arith.muli %add3A_167, %mul3A_168 : i32
      %add3A_170 = arith.addi %mul3A_2, %mul3A_169 : i32
      "tpu.region"() ({
        %run_scoped3A = tpu.sem_alloc : memref<!tpu.dma_semaphore, #tpu.memory_space<semaphore_mem>>
        %dma_start3A_191 = tpu.memref_slice %arg3[%add3A_170] : memref<320000xi32, #tpu.memory_space<hbm>> -> memref<80xi32, #tpu.memory_space<hbm>>
        %dma_start3A_192 = tpu.memref_slice %arg3[%add3A_170] : memref<320000xi32, #tpu.memory_space<hbm>> -> memref<80xi32, #tpu.memory_space<hbm>>
        tpu.enqueue_dma source(%dma_start3A_192 : memref<80xi32, #tpu.memory_space<hbm>>) target(%arg6 : memref<80xi32, #tpu.memory_space<vmem>>) target_semaphore(%run_scoped3A : memref<!tpu.dma_semaphore, #tpu.memory_space<semaphore_mem>>)
        %dma_wait3A_193 = tpu.memref_slice %arg3[%add3A_170] : memref<320000xi32, #tpu.memory_space<hbm>> -> memref<80xi32, #tpu.memory_space<hbm>>
        %dma_wait3A_194 = tpu.memref_slice %arg3[%add3A_170] : memref<320000xi32, #tpu.memory_space<hbm>> -> memref<80xi32, #tpu.memory_space<hbm>>
        tpu.wait_dma2 semaphore(%run_scoped3A : memref<!tpu.dma_semaphore, #tpu.memory_space<semaphore_mem>>) src(%dma_wait3A_194 : memref<80xi32, #tpu.memory_space<hbm>>) dst(%arg6 : memref<80xi32, #tpu.memory_space<vmem>>)
        tpu.yield
      }) : () -> ()
      %dma_start3A_171 = arith.constant 0 : i32
      %dma_start3A_172 = arith.constant 0 : i32
      %dma_start3A_173 = tpu.memref_slice %arg2[%dma_start3A_171, %dma_start3A_172] : memref<10000x128xf32, #tpu.memory_space<hbm>> -> memref<10000x128xf32, #tpu.memory_space<hbm>>
      tpu.enqueue_indirect_dma source(%dma_start3A_173 : memref<10000x128xf32, #tpu.memory_space<hbm>>) target(%arg10 : memref<80x128xf32, #tpu.memory_space<vmem>>) offsets(%arg6 : memref<80xi32, #tpu.memory_space<vmem>>) semaphore(%arg14 : memref<!tpu.dma_semaphore, #tpu.memory_space<semaphore_mem>>)
      %dma_wait3A_174 = arith.constant 0 : i32
      %dma_wait3A_175 = arith.constant 0 : i32
      %dma_wait3A_176 = tpu.memref_slice %arg2[%dma_wait3A_174, %dma_wait3A_175] : memref<10000x128xf32, #tpu.memory_space<hbm>> -> memref<10000x128xf32, #tpu.memory_space<hbm>>
      tpu.wait_indirect_dma semaphore(%arg15 : memref<!tpu.dma_semaphore, #tpu.memory_space<semaphore_mem>>) src(%dma_wait3A_176 : memref<10000x128xf32, #tpu.memory_space<hbm>>) dst(%arg11 : memref<80x128xf32, #tpu.memory_space<vmem>>)
      %add3A_177 = arith.constant 1 : i32
      %add3A_178 = arith.addi %mul3A_159, %add3A_177 : i32
      %mul3A_179 = arith.constant 80 : i32
      %mul3A_180 = arith.muli %add3A_178, %mul3A_179 : i32
      %add3A_181 = arith.addi %mul3A_2, %mul3A_180 : i32
      "tpu.region"() ({
        %run_scoped3A = tpu.sem_alloc : memref<!tpu.dma_semaphore, #tpu.memory_space<semaphore_mem>>
        %dma_start3A_191 = tpu.memref_slice %arg4[%add3A_181] : memref<320000xi32, #tpu.memory_space<hbm>> -> memref<80xi32, #tpu.memory_space<hbm>>
        %dma_start3A_192 = tpu.memref_slice %arg4[%add3A_181] : memref<320000xi32, #tpu.memory_space<hbm>> -> memref<80xi32, #tpu.memory_space<hbm>>
        tpu.enqueue_dma source(%dma_start3A_192 : memref<80xi32, #tpu.memory_space<hbm>>) target(%arg9 : memref<80xi32, #tpu.memory_space<vmem>>) target_semaphore(%run_scoped3A : memref<!tpu.dma_semaphore, #tpu.memory_space<semaphore_mem>>)
        %dma_wait3A_193 = tpu.memref_slice %arg4[%add3A_181] : memref<320000xi32, #tpu.memory_space<hbm>> -> memref<80xi32, #tpu.memory_space<hbm>>
        %dma_wait3A_194 = tpu.memref_slice %arg4[%add3A_181] : memref<320000xi32, #tpu.memory_space<hbm>> -> memref<80xi32, #tpu.memory_space<hbm>>
        tpu.wait_dma2 semaphore(%run_scoped3A : memref<!tpu.dma_semaphore, #tpu.memory_space<semaphore_mem>>) src(%dma_wait3A_194 : memref<80xi32, #tpu.memory_space<hbm>>) dst(%arg9 : memref<80xi32, #tpu.memory_space<vmem>>)
        tpu.yield
      }) : () -> ()
      "tpu.region"() ({
        %run_scoped3A = tpu.sem_alloc : memref<!tpu.dma_semaphore, #tpu.memory_space<semaphore_mem>>
        %dma_start3A_191 = arith.constant 0 : i32
        %dma_start3A_192 = arith.constant 0 : i32
        %dma_start3A_193 = tpu.memref_slice %arg13[%dma_start3A_191, %dma_start3A_192] : memref<10240x128xf32, #tpu.memory_space<vmem_shared>> -> memref<10240x128xf32, #tpu.memory_space<vmem_shared>>
        tpu.enqueue_indirect_dma source(%arg11 : memref<80x128xf32, #tpu.memory_space<vmem>>) target(%dma_start3A_193 : memref<10240x128xf32, #tpu.memory_space<vmem_shared>>) offsets(%arg9 : memref<80xi32, #tpu.memory_space<vmem>>) semaphore(%run_scoped3A : memref<!tpu.dma_semaphore, #tpu.memory_space<semaphore_mem>>) {add = true}
        %dma_wait3A_194 = arith.constant 0 : i32
        %dma_wait3A_195 = arith.constant 0 : i32
        %dma_wait3A_196 = tpu.memref_slice %arg13[%dma_wait3A_194, %dma_wait3A_195] : memref<10240x128xf32, #tpu.memory_space<vmem_shared>> -> memref<10240x128xf32, #tpu.memory_space<vmem_shared>>
        tpu.wait_indirect_dma semaphore(%run_scoped3A : memref<!tpu.dma_semaphore, #tpu.memory_space<semaphore_mem>>) src(%arg11 : memref<80x128xf32, #tpu.memory_space<vmem>>) dst(%dma_wait3A_196 : memref<10240x128xf32, #tpu.memory_space<vmem_shared>>)
        tpu.yield
      }) : () -> ()
      %add3A_182 = arith.constant 3 : i32
      %add3A_183 = arith.addi %mul3A_159, %add3A_182 : i32
      %mul3A_184 = arith.constant 80 : i32
      %mul3A_185 = arith.muli %add3A_183, %mul3A_184 : i32
      %add3A_186 = arith.addi %mul3A_2, %mul3A_185 : i32
      "tpu.region"() ({
        %run_scoped3A = tpu.sem_alloc : memref<!tpu.dma_semaphore, #tpu.memory_space<semaphore_mem>>
        %dma_start3A_191 = tpu.memref_slice %arg3[%add3A_186] : memref<320000xi32, #tpu.memory_space<hbm>> -> memref<80xi32, #tpu.memory_space<hbm>>
        %dma_start3A_192 = tpu.memref_slice %arg3[%add3A_186] : memref<320000xi32, #tpu.memory_space<hbm>> -> memref<80xi32, #tpu.memory_space<hbm>>
        tpu.enqueue_dma source(%dma_start3A_192 : memref<80xi32, #tpu.memory_space<hbm>>) target(%arg7 : memref<80xi32, #tpu.memory_space<vmem>>) target_semaphore(%run_scoped3A : memref<!tpu.dma_semaphore, #tpu.memory_space<semaphore_mem>>)
        %dma_wait3A_193 = tpu.memref_slice %arg3[%add3A_186] : memref<320000xi32, #tpu.memory_space<hbm>> -> memref<80xi32, #tpu.memory_space<hbm>>
        %dma_wait3A_194 = tpu.memref_slice %arg3[%add3A_186] : memref<320000xi32, #tpu.memory_space<hbm>> -> memref<80xi32, #tpu.memory_space<hbm>>
        tpu.wait_dma2 semaphore(%run_scoped3A : memref<!tpu.dma_semaphore, #tpu.memory_space<semaphore_mem>>) src(%dma_wait3A_194 : memref<80xi32, #tpu.memory_space<hbm>>) dst(%arg7 : memref<80xi32, #tpu.memory_space<vmem>>)
        tpu.yield
      }) : () -> ()
      %dma_start3A_187 = arith.constant 0 : i32
      %dma_start3A_188 = arith.constant 0 : i32
      %dma_start3A_189 = tpu.memref_slice %arg2[%dma_start3A_187, %dma_start3A_188] : memref<10000x128xf32, #tpu.memory_space<hbm>> -> memref<10000x128xf32, #tpu.memory_space<hbm>>
      tpu.enqueue_indirect_dma source(%dma_start3A_189 : memref<10000x128xf32, #tpu.memory_space<hbm>>) target(%arg11 : memref<80x128xf32, #tpu.memory_space<vmem>>) offsets(%arg7 : memref<80xi32, #tpu.memory_space<vmem>>) semaphore(%arg15 : memref<!tpu.dma_semaphore, #tpu.memory_space<semaphore_mem>>)
      %scan3A_190 = arith.constant 0 : i32
      scf.yield %scan3A_190 : i32
    }
    %scan3A_65 = arith.constant 61 : i32
    %dma_wait3A = arith.constant 0 : i32
    %dma_wait3A_66 = arith.constant 0 : i32
    %dma_wait3A_67 = tpu.memref_slice %arg2[%dma_wait3A, %dma_wait3A_66] : memref<10000x128xf32, #tpu.memory_space<hbm>> -> memref<10000x128xf32, #tpu.memory_space<hbm>>
    tpu.wait_indirect_dma semaphore(%arg14 : memref<!tpu.dma_semaphore, #tpu.memory_space<semaphore_mem>>) src(%dma_wait3A_67 : memref<10000x128xf32, #tpu.memory_space<hbm>>) dst(%arg10 : memref<80x128xf32, #tpu.memory_space<vmem>>)
    %add3A_68 = arith.constant 9760 : i32
    %add3A_69 = arith.addi %mul3A_2, %add3A_68 : i32
    "tpu.region"() ({
      %run_scoped3A = tpu.sem_alloc : memref<!tpu.dma_semaphore, #tpu.memory_space<semaphore_mem>>
      %dma_start3A_156 = tpu.memref_slice %arg4[%add3A_69] : memref<320000xi32, #tpu.memory_space<hbm>> -> memref<80xi32, #tpu.memory_space<hbm>>
      %dma_start3A_157 = tpu.memref_slice %arg4[%add3A_69] : memref<320000xi32, #tpu.memory_space<hbm>> -> memref<80xi32, #tpu.memory_space<hbm>>
      tpu.enqueue_dma source(%dma_start3A_157 : memref<80xi32, #tpu.memory_space<hbm>>) target(%arg8 : memref<80xi32, #tpu.memory_space<vmem>>) target_semaphore(%run_scoped3A : memref<!tpu.dma_semaphore, #tpu.memory_space<semaphore_mem>>)
      %dma_wait3A_158 = tpu.memref_slice %arg4[%add3A_69] : memref<320000xi32, #tpu.memory_space<hbm>> -> memref<80xi32, #tpu.memory_space<hbm>>
      %dma_wait3A_159 = tpu.memref_slice %arg4[%add3A_69] : memref<320000xi32, #tpu.memory_space<hbm>> -> memref<80xi32, #tpu.memory_space<hbm>>
      tpu.wait_dma2 semaphore(%run_scoped3A : memref<!tpu.dma_semaphore, #tpu.memory_space<semaphore_mem>>) src(%dma_wait3A_159 : memref<80xi32, #tpu.memory_space<hbm>>) dst(%arg8 : memref<80xi32, #tpu.memory_space<vmem>>)
      tpu.yield
    }) : () -> ()
    "tpu.region"() ({
      %run_scoped3A = tpu.sem_alloc : memref<!tpu.dma_semaphore, #tpu.memory_space<semaphore_mem>>
      %dma_start3A_156 = arith.constant 0 : i32
      %dma_start3A_157 = arith.constant 0 : i32
      %dma_start3A_158 = tpu.memref_slice %arg13[%dma_start3A_156, %dma_start3A_157] : memref<10240x128xf32, #tpu.memory_space<vmem_shared>> -> memref<10240x128xf32, #tpu.memory_space<vmem_shared>>
      tpu.enqueue_indirect_dma source(%arg10 : memref<80x128xf32, #tpu.memory_space<vmem>>) target(%dma_start3A_158 : memref<10240x128xf32, #tpu.memory_space<vmem_shared>>) offsets(%arg8 : memref<80xi32, #tpu.memory_space<vmem>>) semaphore(%run_scoped3A : memref<!tpu.dma_semaphore, #tpu.memory_space<semaphore_mem>>) {add = true}
      %dma_wait3A_159 = arith.constant 0 : i32
      %dma_wait3A_160 = arith.constant 0 : i32
      %dma_wait3A_161 = tpu.memref_slice %arg13[%dma_wait3A_159, %dma_wait3A_160] : memref<10240x128xf32, #tpu.memory_space<vmem_shared>> -> memref<10240x128xf32, #tpu.memory_space<vmem_shared>>
      tpu.wait_indirect_dma semaphore(%run_scoped3A : memref<!tpu.dma_semaphore, #tpu.memory_space<semaphore_mem>>) src(%arg10 : memref<80x128xf32, #tpu.memory_space<vmem>>) dst(%dma_wait3A_161 : memref<10240x128xf32, #tpu.memory_space<vmem_shared>>)
      tpu.yield
    }) : () -> ()
    %add3A_70 = arith.constant 9920 : i32
    %add3A_71 = arith.addi %mul3A_2, %add3A_70 : i32
    "tpu.region"() ({
      %run_scoped3A = tpu.sem_alloc : memref<!tpu.dma_semaphore, #tpu.memory_space<semaphore_mem>>
      %dma_start3A_156 = tpu.memref_slice %arg3[%add3A_71] : memref<320000xi32, #tpu.memory_space<hbm>> -> memref<80xi32, #tpu.memory_space<hbm>>
      %dma_start3A_157 = tpu.memref_slice %arg3[%add3A_71] : memref<320000xi32, #tpu.memory_space<hbm>> -> memref<80xi32, #tpu.memory_space<hbm>>
      tpu.enqueue_dma source(%dma_start3A_157 : memref<80xi32, #tpu.memory_space<hbm>>) target(%arg6 : memref<80xi32, #tpu.memory_space<vmem>>) target_semaphore(%run_scoped3A : memref<!tpu.dma_semaphore, #tpu.memory_space<semaphore_mem>>)
      %dma_wait3A_158 = tpu.memref_slice %arg3[%add3A_71] : memref<320000xi32, #tpu.memory_space<hbm>> -> memref<80xi32, #tpu.memory_space<hbm>>
      %dma_wait3A_159 = tpu.memref_slice %arg3[%add3A_71] : memref<320000xi32, #tpu.memory_space<hbm>> -> memref<80xi32, #tpu.memory_space<hbm>>
      tpu.wait_dma2 semaphore(%run_scoped3A : memref<!tpu.dma_semaphore, #tpu.memory_space<semaphore_mem>>) src(%dma_wait3A_159 : memref<80xi32, #tpu.memory_space<hbm>>) dst(%arg6 : memref<80xi32, #tpu.memory_space<vmem>>)
      tpu.yield
    }) : () -> ()
    %dma_start3A_72 = arith.constant 0 : i32
    %dma_start3A_73 = arith.constant 0 : i32
    %dma_start3A_74 = tpu.memref_slice %arg2[%dma_start3A_72, %dma_start3A_73] : memref<10000x128xf32, #tpu.memory_space<hbm>> -> memref<10000x128xf32, #tpu.memory_space<hbm>>
    tpu.enqueue_indirect_dma source(%dma_start3A_74 : memref<10000x128xf32, #tpu.memory_space<hbm>>) target(%arg10 : memref<80x128xf32, #tpu.memory_space<vmem>>) offsets(%arg6 : memref<80xi32, #tpu.memory_space<vmem>>) semaphore(%arg14 : memref<!tpu.dma_semaphore, #tpu.memory_space<semaphore_mem>>)
    %dma_wait3A_75 = arith.constant 0 : i32
    %dma_wait3A_76 = arith.constant 0 : i32
    %dma_wait3A_77 = tpu.memref_slice %arg2[%dma_wait3A_75, %dma_wait3A_76] : memref<10000x128xf32, #tpu.memory_space<hbm>> -> memref<10000x128xf32, #tpu.memory_space<hbm>>
    tpu.wait_indirect_dma semaphore(%arg15 : memref<!tpu.dma_semaphore, #tpu.memory_space<semaphore_mem>>) src(%dma_wait3A_77 : memref<10000x128xf32, #tpu.memory_space<hbm>>) dst(%arg11 : memref<80x128xf32, #tpu.memory_space<vmem>>)
    %add3A_78 = arith.constant 9840 : i32
    %add3A_79 = arith.addi %mul3A_2, %add3A_78 : i32
    "tpu.region"() ({
      %run_scoped3A = tpu.sem_alloc : memref<!tpu.dma_semaphore, #tpu.memory_space<semaphore_mem>>
      %dma_start3A_156 = tpu.memref_slice %arg4[%add3A_79] : memref<320000xi32, #tpu.memory_space<hbm>> -> memref<80xi32, #tpu.memory_space<hbm>>
      %dma_start3A_157 = tpu.memref_slice %arg4[%add3A_79] : memref<320000xi32, #tpu.memory_space<hbm>> -> memref<80xi32, #tpu.memory_space<hbm>>
      tpu.enqueue_dma source(%dma_start3A_157 : memref<80xi32, #tpu.memory_space<hbm>>) target(%arg9 : memref<80xi32, #tpu.memory_space<vmem>>) target_semaphore(%run_scoped3A : memref<!tpu.dma_semaphore, #tpu.memory_space<semaphore_mem>>)
      %dma_wait3A_158 = tpu.memref_slice %arg4[%add3A_79] : memref<320000xi32, #tpu.memory_space<hbm>> -> memref<80xi32, #tpu.memory_space<hbm>>
      %dma_wait3A_159 = tpu.memref_slice %arg4[%add3A_79] : memref<320000xi32, #tpu.memory_space<hbm>> -> memref<80xi32, #tpu.memory_space<hbm>>
      tpu.wait_dma2 semaphore(%run_scoped3A : memref<!tpu.dma_semaphore, #tpu.memory_space<semaphore_mem>>) src(%dma_wait3A_159 : memref<80xi32, #tpu.memory_space<hbm>>) dst(%arg9 : memref<80xi32, #tpu.memory_space<vmem>>)
      tpu.yield
    }) : () -> ()
    "tpu.region"() ({
      %run_scoped3A = tpu.sem_alloc : memref<!tpu.dma_semaphore, #tpu.memory_space<semaphore_mem>>
      %dma_start3A_156 = arith.constant 0 : i32
      %dma_start3A_157 = arith.constant 0 : i32
      %dma_start3A_158 = tpu.memref_slice %arg13[%dma_start3A_156, %dma_start3A_157] : memref<10240x128xf32, #tpu.memory_space<vmem_shared>> -> memref<10240x128xf32, #tpu.memory_space<vmem_shared>>
      tpu.enqueue_indirect_dma source(%arg11 : memref<80x128xf32, #tpu.memory_space<vmem>>) target(%dma_start3A_158 : memref<10240x128xf32, #tpu.memory_space<vmem_shared>>) offsets(%arg9 : memref<80xi32, #tpu.memory_space<vmem>>) semaphore(%run_scoped3A : memref<!tpu.dma_semaphore, #tpu.memory_space<semaphore_mem>>) {add = true}
      %dma_wait3A_159 = arith.constant 0 : i32
      %dma_wait3A_160 = arith.constant 0 : i32
      %dma_wait3A_161 = tpu.memref_slice %arg13[%dma_wait3A_159, %dma_wait3A_160] : memref<10240x128xf32, #tpu.memory_space<vmem_shared>> -> memref<10240x128xf32, #tpu.memory_space<vmem_shared>>
      tpu.wait_indirect_dma semaphore(%run_scoped3A : memref<!tpu.dma_semaphore, #tpu.memory_space<semaphore_mem>>) src(%arg11 : memref<80x128xf32, #tpu.memory_space<vmem>>) dst(%dma_wait3A_161 : memref<10240x128xf32, #tpu.memory_space<vmem_shared>>)
      tpu.yield
    }) : () -> ()
    %dma_wait3A_80 = arith.constant 0 : i32
    %dma_wait3A_81 = arith.constant 0 : i32
    %dma_wait3A_82 = tpu.memref_slice %arg2[%dma_wait3A_80, %dma_wait3A_81] : memref<10000x128xf32, #tpu.memory_space<hbm>> -> memref<10000x128xf32, #tpu.memory_space<hbm>>
    tpu.wait_indirect_dma semaphore(%arg14 : memref<!tpu.dma_semaphore, #tpu.memory_space<semaphore_mem>>) src(%dma_wait3A_82 : memref<10000x128xf32, #tpu.memory_space<hbm>>) dst(%arg10 : memref<80x128xf32, #tpu.memory_space<vmem>>)
    %add3A_83 = arith.constant 9920 : i32
    %add3A_84 = arith.addi %mul3A_2, %add3A_83 : i32
    "tpu.region"() ({
      %run_scoped3A = tpu.sem_alloc : memref<!tpu.dma_semaphore, #tpu.memory_space<semaphore_mem>>
      %dma_start3A_156 = tpu.memref_slice %arg4[%add3A_84] : memref<320000xi32, #tpu.memory_space<hbm>> -> memref<80xi32, #tpu.memory_space<hbm>>
      %dma_start3A_157 = tpu.memref_slice %arg4[%add3A_84] : memref<320000xi32, #tpu.memory_space<hbm>> -> memref<80xi32, #tpu.memory_space<hbm>>
      tpu.enqueue_dma source(%dma_start3A_157 : memref<80xi32, #tpu.memory_space<hbm>>) target(%arg8 : memref<80xi32, #tpu.memory_space<vmem>>) target_semaphore(%run_scoped3A : memref<!tpu.dma_semaphore, #tpu.memory_space<semaphore_mem>>)
      %dma_wait3A_158 = tpu.memref_slice %arg4[%add3A_84] : memref<320000xi32, #tpu.memory_space<hbm>> -> memref<80xi32, #tpu.memory_space<hbm>>
      %dma_wait3A_159 = tpu.memref_slice %arg4[%add3A_84] : memref<320000xi32, #tpu.memory_space<hbm>> -> memref<80xi32, #tpu.memory_space<hbm>>
      tpu.wait_dma2 semaphore(%run_scoped3A : memref<!tpu.dma_semaphore, #tpu.memory_space<semaphore_mem>>) src(%dma_wait3A_159 : memref<80xi32, #tpu.memory_space<hbm>>) dst(%arg8 : memref<80xi32, #tpu.memory_space<vmem>>)
      tpu.yield
    }) : () -> ()
    "tpu.region"() ({
      %run_scoped3A = tpu.sem_alloc : memref<!tpu.dma_semaphore, #tpu.memory_space<semaphore_mem>>
      %dma_start3A_156 = arith.constant 0 : i32
      %dma_start3A_157 = arith.constant 0 : i32
      %dma_start3A_158 = tpu.memref_slice %arg13[%dma_start3A_156, %dma_start3A_157] : memref<10240x128xf32, #tpu.memory_space<vmem_shared>> -> memref<10240x128xf32, #tpu.memory_space<vmem_shared>>
      tpu.enqueue_indirect_dma source(%arg10 : memref<80x128xf32, #tpu.memory_space<vmem>>) target(%dma_start3A_158 : memref<10240x128xf32, #tpu.memory_space<vmem_shared>>) offsets(%arg8 : memref<80xi32, #tpu.memory_space<vmem>>) semaphore(%run_scoped3A : memref<!tpu.dma_semaphore, #tpu.memory_space<semaphore_mem>>) {add = true}
      %dma_wait3A_159 = arith.constant 0 : i32
      %dma_wait3A_160 = arith.constant 0 : i32
      %dma_wait3A_161 = tpu.memref_slice %arg13[%dma_wait3A_159, %dma_wait3A_160] : memref<10240x128xf32, #tpu.memory_space<vmem_shared>> -> memref<10240x128xf32, #tpu.memory_space<vmem_shared>>
      tpu.wait_indirect_dma semaphore(%run_scoped3A : memref<!tpu.dma_semaphore, #tpu.memory_space<semaphore_mem>>) src(%arg10 : memref<80x128xf32, #tpu.memory_space<vmem>>) dst(%dma_wait3A_161 : memref<10240x128xf32, #tpu.memory_space<vmem_shared>>)
      tpu.yield
    }) : () -> ()
    %barrier3A_85 = arith.constant 0 : index
    tpu.barrier barrier_id(%barrier3A_85)
    %mul3A_86 = arith.constant 640 : i32
    %mul3A_87 = arith.muli %arg1, %mul3A_86 : i32
    %add3A_88 = arith.constant 0 : i32
    %add3A_89 = arith.addi %mul3A_87, %add3A_88 : i32
    %mul3A_90 = arith.constant 10240 : i32
    %mul3A_91 = arith.muli %arg0, %mul3A_90 : i32
    %add3A_92 = arith.addi %mul3A_91, %add3A_89 : i32
    "tpu.region"() ({
      %run_scoped3A = tpu.sem_alloc : memref<!tpu.dma_semaphore, #tpu.memory_space<semaphore_mem>>
      %dma_start3A_156 = arith.constant 0 : i32
      %dma_start3A_157 = tpu.memref_slice %arg5[%add3A_92, %dma_start3A_156] : memref<20480x128xf32, #tpu.memory_space<hbm>> -> memref<64x128xf32, #tpu.memory_space<hbm>>
      %dma_start3A_158 = arith.constant 0 : i32
      %dma_start3A_159 = tpu.memref_slice %arg13[%add3A_89, %dma_start3A_158] : memref<10240x128xf32, #tpu.memory_space<vmem_shared>> -> memref<64x128xf32, #tpu.memory_space<vmem_shared>>
      tpu.enqueue_dma source(%dma_start3A_159 : memref<64x128xf32, #tpu.memory_space<vmem_shared>>) target(%dma_start3A_157 : memref<64x128xf32, #tpu.memory_space<hbm>>) target_semaphore(%run_scoped3A : memref<!tpu.dma_semaphore, #tpu.memory_space<semaphore_mem>>)
      %dma_wait3A_160 = arith.constant 0 : i32
      %dma_wait3A_161 = tpu.memref_slice %arg5[%add3A_92, %dma_wait3A_160] : memref<20480x128xf32, #tpu.memory_space<hbm>> -> memref<64x128xf32, #tpu.memory_space<hbm>>
      %dma_wait3A_162 = arith.constant 0 : i32
      %dma_wait3A_163 = tpu.memref_slice %arg13[%add3A_89, %dma_wait3A_162] : memref<10240x128xf32, #tpu.memory_space<vmem_shared>> -> memref<64x128xf32, #tpu.memory_space<vmem_shared>>
      tpu.wait_dma2 semaphore(%run_scoped3A : memref<!tpu.dma_semaphore, #tpu.memory_space<semaphore_mem>>) src(%dma_wait3A_163 : memref<64x128xf32, #tpu.memory_space<vmem_shared>>) dst(%dma_wait3A_161 : memref<64x128xf32, #tpu.memory_space<hbm>>)
      tpu.yield
    }) : () -> ()
    %mul3A_93 = arith.constant 640 : i32
    %mul3A_94 = arith.muli %arg1, %mul3A_93 : i32
    %add3A_95 = arith.constant 64 : i32
    %add3A_96 = arith.addi %mul3A_94, %add3A_95 : i32
    %mul3A_97 = arith.constant 10240 : i32
    %mul3A_98 = arith.muli %arg0, %mul3A_97 : i32
    %add3A_99 = arith.addi %mul3A_98, %add3A_96 : i32
    "tpu.region"() ({
      %run_scoped3A = tpu.sem_alloc : memref<!tpu.dma_semaphore, #tpu.memory_space<semaphore_mem>>
      %dma_start3A_156 = arith.constant 0 : i32
      %dma_start3A_157 = tpu.memref_slice %arg5[%add3A_99, %dma_start3A_156] : memref<20480x128xf32, #tpu.memory_space<hbm>> -> memref<64x128xf32, #tpu.memory_space<hbm>>
      %dma_start3A_158 = arith.constant 0 : i32
      %dma_start3A_159 = tpu.memref_slice %arg13[%add3A_96, %dma_start3A_158] : memref<10240x128xf32, #tpu.memory_space<vmem_shared>> -> memref<64x128xf32, #tpu.memory_space<vmem_shared>>
      tpu.enqueue_dma source(%dma_start3A_159 : memref<64x128xf32, #tpu.memory_space<vmem_shared>>) target(%dma_start3A_157 : memref<64x128xf32, #tpu.memory_space<hbm>>) target_semaphore(%run_scoped3A : memref<!tpu.dma_semaphore, #tpu.memory_space<semaphore_mem>>)
      %dma_wait3A_160 = arith.constant 0 : i32
      %dma_wait3A_161 = tpu.memref_slice %arg5[%add3A_99, %dma_wait3A_160] : memref<20480x128xf32, #tpu.memory_space<hbm>> -> memref<64x128xf32, #tpu.memory_space<hbm>>
      %dma_wait3A_162 = arith.constant 0 : i32
      %dma_wait3A_163 = tpu.memref_slice %arg13[%add3A_96, %dma_wait3A_162] : memref<10240x128xf32, #tpu.memory_space<vmem_shared>> -> memref<64x128xf32, #tpu.memory_space<vmem_shared>>
      tpu.wait_dma2 semaphore(%run_scoped3A : memref<!tpu.dma_semaphore, #tpu.memory_space<semaphore_mem>>) src(%dma_wait3A_163 : memref<64x128xf32, #tpu.memory_space<vmem_shared>>) dst(%dma_wait3A_161 : memref<64x128xf32, #tpu.memory_space<hbm>>)
      tpu.yield
    }) : () -> ()
    %mul3A_100 = arith.constant 640 : i32
    %mul3A_101 = arith.muli %arg1, %mul3A_100 : i32
    %add3A_102 = arith.constant 128 : i32
    %add3A_103 = arith.addi %mul3A_101, %add3A_102 : i32
    %mul3A_104 = arith.constant 10240 : i32
    %mul3A_105 = arith.muli %arg0, %mul3A_104 : i32
    %add3A_106 = arith.addi %mul3A_105, %add3A_103 : i32
    "tpu.region"() ({
      %run_scoped3A = tpu.sem_alloc : memref<!tpu.dma_semaphore, #tpu.memory_space<semaphore_mem>>
      %dma_start3A_156 = arith.constant 0 : i32
      %dma_start3A_157 = tpu.memref_slice %arg5[%add3A_106, %dma_start3A_156] : memref<20480x128xf32, #tpu.memory_space<hbm>> -> memref<64x128xf32, #tpu.memory_space<hbm>>
      %dma_start3A_158 = arith.constant 0 : i32
      %dma_start3A_159 = tpu.memref_slice %arg13[%add3A_103, %dma_start3A_158] : memref<10240x128xf32, #tpu.memory_space<vmem_shared>> -> memref<64x128xf32, #tpu.memory_space<vmem_shared>>
      tpu.enqueue_dma source(%dma_start3A_159 : memref<64x128xf32, #tpu.memory_space<vmem_shared>>) target(%dma_start3A_157 : memref<64x128xf32, #tpu.memory_space<hbm>>) target_semaphore(%run_scoped3A : memref<!tpu.dma_semaphore, #tpu.memory_space<semaphore_mem>>)
      %dma_wait3A_160 = arith.constant 0 : i32
      %dma_wait3A_161 = tpu.memref_slice %arg5[%add3A_106, %dma_wait3A_160] : memref<20480x128xf32, #tpu.memory_space<hbm>> -> memref<64x128xf32, #tpu.memory_space<hbm>>
      %dma_wait3A_162 = arith.constant 0 : i32
      %dma_wait3A_163 = tpu.memref_slice %arg13[%add3A_103, %dma_wait3A_162] : memref<10240x128xf32, #tpu.memory_space<vmem_shared>> -> memref<64x128xf32, #tpu.memory_space<vmem_shared>>
      tpu.wait_dma2 semaphore(%run_scoped3A : memref<!tpu.dma_semaphore, #tpu.memory_space<semaphore_mem>>) src(%dma_wait3A_163 : memref<64x128xf32, #tpu.memory_space<vmem_shared>>) dst(%dma_wait3A_161 : memref<64x128xf32, #tpu.memory_space<hbm>>)
      tpu.yield
    }) : () -> ()
    %mul3A_107 = arith.constant 640 : i32
    %mul3A_108 = arith.muli %arg1, %mul3A_107 : i32
    %add3A_109 = arith.constant 192 : i32
    %add3A_110 = arith.addi %mul3A_108, %add3A_109 : i32
    %mul3A_111 = arith.constant 10240 : i32
    %mul3A_112 = arith.muli %arg0, %mul3A_111 : i32
    %add3A_113 = arith.addi %mul3A_112, %add3A_110 : i32
    "tpu.region"() ({
      %run_scoped3A = tpu.sem_alloc : memref<!tpu.dma_semaphore, #tpu.memory_space<semaphore_mem>>
      %dma_start3A_156 = arith.constant 0 : i32
      %dma_start3A_157 = tpu.memref_slice %arg5[%add3A_113, %dma_start3A_156] : memref<20480x128xf32, #tpu.memory_space<hbm>> -> memref<64x128xf32, #tpu.memory_space<hbm>>
      %dma_start3A_158 = arith.constant 0 : i32
      %dma_start3A_159 = tpu.memref_slice %arg13[%add3A_110, %dma_start3A_158] : memref<10240x128xf32, #tpu.memory_space<vmem_shared>> -> memref<64x128xf32, #tpu.memory_space<vmem_shared>>
      tpu.enqueue_dma source(%dma_start3A_159 : memref<64x128xf32, #tpu.memory_space<vmem_shared>>) target(%dma_start3A_157 : memref<64x128xf32, #tpu.memory_space<hbm>>) target_semaphore(%run_scoped3A : memref<!tpu.dma_semaphore, #tpu.memory_space<semaphore_mem>>)
      %dma_wait3A_160 = arith.constant 0 : i32
      %dma_wait3A_161 = tpu.memref_slice %arg5[%add3A_113, %dma_wait3A_160] : memref<20480x128xf32, #tpu.memory_space<hbm>> -> memref<64x128xf32, #tpu.memory_space<hbm>>
      %dma_wait3A_162 = arith.constant 0 : i32
      %dma_wait3A_163 = tpu.memref_slice %arg13[%add3A_110, %dma_wait3A_162] : memref<10240x128xf32, #tpu.memory_space<vmem_shared>> -> memref<64x128xf32, #tpu.memory_space<vmem_shared>>
      tpu.wait_dma2 semaphore(%run_scoped3A : memref<!tpu.dma_semaphore, #tpu.memory_space<semaphore_mem>>) src(%dma_wait3A_163 : memref<64x128xf32, #tpu.memory_space<vmem_shared>>) dst(%dma_wait3A_161 : memref<64x128xf32, #tpu.memory_space<hbm>>)
      tpu.yield
    }) : () -> ()
    %mul3A_114 = arith.constant 640 : i32
    %mul3A_115 = arith.muli %arg1, %mul3A_114 : i32
    %add3A_116 = arith.constant 256 : i32
    %add3A_117 = arith.addi %mul3A_115, %add3A_116 : i32
    %mul3A_118 = arith.constant 10240 : i32
    %mul3A_119 = arith.muli %arg0, %mul3A_118 : i32
    %add3A_120 = arith.addi %mul3A_119, %add3A_117 : i32
    "tpu.region"() ({
      %run_scoped3A = tpu.sem_alloc : memref<!tpu.dma_semaphore, #tpu.memory_space<semaphore_mem>>
      %dma_start3A_156 = arith.constant 0 : i32
      %dma_start3A_157 = tpu.memref_slice %arg5[%add3A_120, %dma_start3A_156] : memref<20480x128xf32, #tpu.memory_space<hbm>> -> memref<64x128xf32, #tpu.memory_space<hbm>>
      %dma_start3A_158 = arith.constant 0 : i32
      %dma_start3A_159 = tpu.memref_slice %arg13[%add3A_117, %dma_start3A_158] : memref<10240x128xf32, #tpu.memory_space<vmem_shared>> -> memref<64x128xf32, #tpu.memory_space<vmem_shared>>
      tpu.enqueue_dma source(%dma_start3A_159 : memref<64x128xf32, #tpu.memory_space<vmem_shared>>) target(%dma_start3A_157 : memref<64x128xf32, #tpu.memory_space<hbm>>) target_semaphore(%run_scoped3A : memref<!tpu.dma_semaphore, #tpu.memory_space<semaphore_mem>>)
      %dma_wait3A_160 = arith.constant 0 : i32
      %dma_wait3A_161 = tpu.memref_slice %arg5[%add3A_120, %dma_wait3A_160] : memref<20480x128xf32, #tpu.memory_space<hbm>> -> memref<64x128xf32, #tpu.memory_space<hbm>>
      %dma_wait3A_162 = arith.constant 0 : i32
      %dma_wait3A_163 = tpu.memref_slice %arg13[%add3A_117, %dma_wait3A_162] : memref<10240x128xf32, #tpu.memory_space<vmem_shared>> -> memref<64x128xf32, #tpu.memory_space<vmem_shared>>
      tpu.wait_dma2 semaphore(%run_scoped3A : memref<!tpu.dma_semaphore, #tpu.memory_space<semaphore_mem>>) src(%dma_wait3A_163 : memref<64x128xf32, #tpu.memory_space<vmem_shared>>) dst(%dma_wait3A_161 : memref<64x128xf32, #tpu.memory_space<hbm>>)
      tpu.yield
    }) : () -> ()
    %mul3A_121 = arith.constant 640 : i32
    %mul3A_122 = arith.muli %arg1, %mul3A_121 : i32
    %add3A_123 = arith.constant 320 : i32
    %add3A_124 = arith.addi %mul3A_122, %add3A_123 : i32
    %mul3A_125 = arith.constant 10240 : i32
    %mul3A_126 = arith.muli %arg0, %mul3A_125 : i32
    %add3A_127 = arith.addi %mul3A_126, %add3A_124 : i32
    "tpu.region"() ({
      %run_scoped3A = tpu.sem_alloc : memref<!tpu.dma_semaphore, #tpu.memory_space<semaphore_mem>>
      %dma_start3A_156 = arith.constant 0 : i32
      %dma_start3A_157 = tpu.memref_slice %arg5[%add3A_127, %dma_start3A_156] : memref<20480x128xf32, #tpu.memory_space<hbm>> -> memref<64x128xf32, #tpu.memory_space<hbm>>
      %dma_start3A_158 = arith.constant 0 : i32
      %dma_start3A_159 = tpu.memref_slice %arg13[%add3A_124, %dma_start3A_158] : memref<10240x128xf32, #tpu.memory_space<vmem_shared>> -> memref<64x128xf32, #tpu.memory_space<vmem_shared>>
      tpu.enqueue_dma source(%dma_start3A_159 : memref<64x128xf32, #tpu.memory_space<vmem_shared>>) target(%dma_start3A_157 : memref<64x128xf32, #tpu.memory_space<hbm>>) target_semaphore(%run_scoped3A : memref<!tpu.dma_semaphore, #tpu.memory_space<semaphore_mem>>)
      %dma_wait3A_160 = arith.constant 0 : i32
      %dma_wait3A_161 = tpu.memref_slice %arg5[%add3A_127, %dma_wait3A_160] : memref<20480x128xf32, #tpu.memory_space<hbm>> -> memref<64x128xf32, #tpu.memory_space<hbm>>
      %dma_wait3A_162 = arith.constant 0 : i32
      %dma_wait3A_163 = tpu.memref_slice %arg13[%add3A_124, %dma_wait3A_162] : memref<10240x128xf32, #tpu.memory_space<vmem_shared>> -> memref<64x128xf32, #tpu.memory_space<vmem_shared>>
      tpu.wait_dma2 semaphore(%run_scoped3A : memref<!tpu.dma_semaphore, #tpu.memory_space<semaphore_mem>>) src(%dma_wait3A_163 : memref<64x128xf32, #tpu.memory_space<vmem_shared>>) dst(%dma_wait3A_161 : memref<64x128xf32, #tpu.memory_space<hbm>>)
      tpu.yield
    }) : () -> ()
    %mul3A_128 = arith.constant 640 : i32
    %mul3A_129 = arith.muli %arg1, %mul3A_128 : i32
    %add3A_130 = arith.constant 384 : i32
    %add3A_131 = arith.addi %mul3A_129, %add3A_130 : i32
    %mul3A_132 = arith.constant 10240 : i32
    %mul3A_133 = arith.muli %arg0, %mul3A_132 : i32
    %add3A_134 = arith.addi %mul3A_133, %add3A_131 : i32
    "tpu.region"() ({
      %run_scoped3A = tpu.sem_alloc : memref<!tpu.dma_semaphore, #tpu.memory_space<semaphore_mem>>
      %dma_start3A_156 = arith.constant 0 : i32
      %dma_start3A_157 = tpu.memref_slice %arg5[%add3A_134, %dma_start3A_156] : memref<20480x128xf32, #tpu.memory_space<hbm>> -> memref<64x128xf32, #tpu.memory_space<hbm>>
      %dma_start3A_158 = arith.constant 0 : i32
      %dma_start3A_159 = tpu.memref_slice %arg13[%add3A_131, %dma_start3A_158] : memref<10240x128xf32, #tpu.memory_space<vmem_shared>> -> memref<64x128xf32, #tpu.memory_space<vmem_shared>>
      tpu.enqueue_dma source(%dma_start3A_159 : memref<64x128xf32, #tpu.memory_space<vmem_shared>>) target(%dma_start3A_157 : memref<64x128xf32, #tpu.memory_space<hbm>>) target_semaphore(%run_scoped3A : memref<!tpu.dma_semaphore, #tpu.memory_space<semaphore_mem>>)
      %dma_wait3A_160 = arith.constant 0 : i32
      %dma_wait3A_161 = tpu.memref_slice %arg5[%add3A_134, %dma_wait3A_160] : memref<20480x128xf32, #tpu.memory_space<hbm>> -> memref<64x128xf32, #tpu.memory_space<hbm>>
      %dma_wait3A_162 = arith.constant 0 : i32
      %dma_wait3A_163 = tpu.memref_slice %arg13[%add3A_131, %dma_wait3A_162] : memref<10240x128xf32, #tpu.memory_space<vmem_shared>> -> memref<64x128xf32, #tpu.memory_space<vmem_shared>>
      tpu.wait_dma2 semaphore(%run_scoped3A : memref<!tpu.dma_semaphore, #tpu.memory_space<semaphore_mem>>) src(%dma_wait3A_163 : memref<64x128xf32, #tpu.memory_space<vmem_shared>>) dst(%dma_wait3A_161 : memref<64x128xf32, #tpu.memory_space<hbm>>)
      tpu.yield
    }) : () -> ()
    %mul3A_135 = arith.constant 640 : i32
    %mul3A_136 = arith.muli %arg1, %mul3A_135 : i32
    %add3A_137 = arith.constant 448 : i32
    %add3A_138 = arith.addi %mul3A_136, %add3A_137 : i32
    %mul3A_139 = arith.constant 10240 : i32
    %mul3A_140 = arith.muli %arg0, %mul3A_139 : i32
    %add3A_141 = arith.addi %mul3A_140, %add3A_138 : i32
    "tpu.region"() ({
      %run_scoped3A = tpu.sem_alloc : memref<!tpu.dma_semaphore, #tpu.memory_space<semaphore_mem>>
      %dma_start3A_156 = arith.constant 0 : i32
      %dma_start3A_157 = tpu.memref_slice %arg5[%add3A_141, %dma_start3A_156] : memref<20480x128xf32, #tpu.memory_space<hbm>> -> memref<64x128xf32, #tpu.memory_space<hbm>>
      %dma_start3A_158 = arith.constant 0 : i32
      %dma_start3A_159 = tpu.memref_slice %arg13[%add3A_138, %dma_start3A_158] : memref<10240x128xf32, #tpu.memory_space<vmem_shared>> -> memref<64x128xf32, #tpu.memory_space<vmem_shared>>
      tpu.enqueue_dma source(%dma_start3A_159 : memref<64x128xf32, #tpu.memory_space<vmem_shared>>) target(%dma_start3A_157 : memref<64x128xf32, #tpu.memory_space<hbm>>) target_semaphore(%run_scoped3A : memref<!tpu.dma_semaphore, #tpu.memory_space<semaphore_mem>>)
      %dma_wait3A_160 = arith.constant 0 : i32
      %dma_wait3A_161 = tpu.memref_slice %arg5[%add3A_141, %dma_wait3A_160] : memref<20480x128xf32, #tpu.memory_space<hbm>> -> memref<64x128xf32, #tpu.memory_space<hbm>>
      %dma_wait3A_162 = arith.constant 0 : i32
      %dma_wait3A_163 = tpu.memref_slice %arg13[%add3A_138, %dma_wait3A_162] : memref<10240x128xf32, #tpu.memory_space<vmem_shared>> -> memref<64x128xf32, #tpu.memory_space<vmem_shared>>
      tpu.wait_dma2 semaphore(%run_scoped3A : memref<!tpu.dma_semaphore, #tpu.memory_space<semaphore_mem>>) src(%dma_wait3A_163 : memref<64x128xf32, #tpu.memory_space<vmem_shared>>) dst(%dma_wait3A_161 : memref<64x128xf32, #tpu.memory_space<hbm>>)
      tpu.yield
    }) : () -> ()
    %mul3A_142 = arith.constant 640 : i32
    %mul3A_143 = arith.muli %arg1, %mul3A_142 : i32
    %add3A_144 = arith.constant 512 : i32
    %add3A_145 = arith.addi %mul3A_143, %add3A_144 : i32
    %mul3A_146 = arith.constant 10240 : i32
    %mul3A_147 = arith.muli %arg0, %mul3A_146 : i32
    %add3A_148 = arith.addi %mul3A_147, %add3A_145 : i32
    "tpu.region"() ({
      %run_scoped3A = tpu.sem_alloc : memref<!tpu.dma_semaphore, #tpu.memory_space<semaphore_mem>>
      %dma_start3A_156 = arith.constant 0 : i32
      %dma_start3A_157 = tpu.memref_slice %arg5[%add3A_148, %dma_start3A_156] : memref<20480x128xf32, #tpu.memory_space<hbm>> -> memref<64x128xf32, #tpu.memory_space<hbm>>
      %dma_start3A_158 = arith.constant 0 : i32
      %dma_start3A_159 = tpu.memref_slice %arg13[%add3A_145, %dma_start3A_158] : memref<10240x128xf32, #tpu.memory_space<vmem_shared>> -> memref<64x128xf32, #tpu.memory_space<vmem_shared>>
      tpu.enqueue_dma source(%dma_start3A_159 : memref<64x128xf32, #tpu.memory_space<vmem_shared>>) target(%dma_start3A_157 : memref<64x128xf32, #tpu.memory_space<hbm>>) target_semaphore(%run_scoped3A : memref<!tpu.dma_semaphore, #tpu.memory_space<semaphore_mem>>)
      %dma_wait3A_160 = arith.constant 0 : i32
      %dma_wait3A_161 = tpu.memref_slice %arg5[%add3A_148, %dma_wait3A_160] : memref<20480x128xf32, #tpu.memory_space<hbm>> -> memref<64x128xf32, #tpu.memory_space<hbm>>
      %dma_wait3A_162 = arith.constant 0 : i32
      %dma_wait3A_163 = tpu.memref_slice %arg13[%add3A_145, %dma_wait3A_162] : memref<10240x128xf32, #tpu.memory_space<vmem_shared>> -> memref<64x128xf32, #tpu.memory_space<vmem_shared>>
      tpu.wait_dma2 semaphore(%run_scoped3A : memref<!tpu.dma_semaphore, #tpu.memory_space<semaphore_mem>>) src(%dma_wait3A_163 : memref<64x128xf32, #tpu.memory_space<vmem_shared>>) dst(%dma_wait3A_161 : memref<64x128xf32, #tpu.memory_space<hbm>>)
      tpu.yield
    }) : () -> ()
    %mul3A_149 = arith.constant 640 : i32
    %mul3A_150 = arith.muli %arg1, %mul3A_149 : i32
    %add3A_151 = arith.constant 576 : i32
    %add3A_152 = arith.addi %mul3A_150, %add3A_151 : i32
    %mul3A_153 = arith.constant 10240 : i32
    %mul3A_154 = arith.muli %arg0, %mul3A_153 : i32
    %add3A_155 = arith.addi %mul3A_154, %add3A_152 : i32
    "tpu.region"() ({
      %run_scoped3A = tpu.sem_alloc : memref<!tpu.dma_semaphore, #tpu.memory_space<semaphore_mem>>
      %dma_start3A_156 = arith.constant 0 : i32
      %dma_start3A_157 = tpu.memref_slice %arg5[%add3A_155, %dma_start3A_156] : memref<20480x128xf32, #tpu.memory_space<hbm>> -> memref<64x128xf32, #tpu.memory_space<hbm>>
      %dma_start3A_158 = arith.constant 0 : i32
      %dma_start3A_159 = tpu.memref_slice %arg13[%add3A_152, %dma_start3A_158] : memref<10240x128xf32, #tpu.memory_space<vmem_shared>> -> memref<64x128xf32, #tpu.memory_space<vmem_shared>>
      tpu.enqueue_dma source(%dma_start3A_159 : memref<64x128xf32, #tpu.memory_space<vmem_shared>>) target(%dma_start3A_157 : memref<64x128xf32, #tpu.memory_space<hbm>>) target_semaphore(%run_scoped3A : memref<!tpu.dma_semaphore, #tpu.memory_space<semaphore_mem>>)
      %dma_wait3A_160 = arith.constant 0 : i32
      %dma_wait3A_161 = tpu.memref_slice %arg5[%add3A_155, %dma_wait3A_160] : memref<20480x128xf32, #tpu.memory_space<hbm>> -> memref<64x128xf32, #tpu.memory_space<hbm>>
      %dma_wait3A_162 = arith.constant 0 : i32
      %dma_wait3A_163 = tpu.memref_slice %arg13[%add3A_152, %dma_wait3A_162] : memref<10240x128xf32, #tpu.memory_space<vmem_shared>> -> memref<64x128xf32, #tpu.memory_space<vmem_shared>>
      tpu.wait_dma2 semaphore(%run_scoped3A : memref<!tpu.dma_semaphore, #tpu.memory_space<semaphore_mem>>) src(%dma_wait3A_163 : memref<64x128xf32, #tpu.memory_space<vmem_shared>>) dst(%dma_wait3A_161 : memref<64x128xf32, #tpu.memory_space<hbm>>)
      tpu.yield
    }) : () -> ()
    return
  }
}

module attributes {stable_mosaic.version = 14 : i64} {
  func.func @_tc_layer1_body(%arg0: i32, %arg1: memref<1000x128xf32, #tpu.memory_space<vmem>>, %arg2: memref<1000x128xf32, #tpu.memory_space<vmem>>, %arg3: memref<1000x128xf32, #tpu.memory_space<vmem>>, %arg4: memref<1000x128xf32, #tpu.memory_space<vmem>>, %arg5: memref<1000x128xf32, #tpu.memory_space<vmem>>, %arg6: memref<128x128xf32, #tpu.memory_space<vmem>>, %arg7: memref<128x128xf32, #tpu.memory_space<vmem>>, %arg8: memref<8x128xf32, #tpu.memory_space<vmem>>, %arg9: memref<1000x128xf32, #tpu.memory_space<vmem>>) attributes {dimension_semantics = [#tpu.dimension_semantics<arbitrary>], iteration_bounds = array<i64: 10>, scalar_prefetch = 0 : i64, scratch_operands = 0 : i64, tpu.core_type = #tpu.core_type<tc>, window_params = [{transform_indices = @transform_0, window_bounds = array<i64: 1000, 128>}, {transform_indices = @transform_1, window_bounds = array<i64: 1000, 128>}, {transform_indices = @transform_2, window_bounds = array<i64: 1000, 128>}, {transform_indices = @transform_3, window_bounds = array<i64: 1000, 128>}, {transform_indices = @transform_4, window_bounds = array<i64: 1000, 128>}, {pipeline_mode = #tpu.pipeline_mode<synchronous>, transform_indices = @transform_5, window_bounds = array<i64: 128, 128>}, {pipeline_mode = #tpu.pipeline_mode<synchronous>, transform_indices = @transform_6, window_bounds = array<i64: 128, 128>}, {pipeline_mode = #tpu.pipeline_mode<synchronous>, transform_indices = @transform_7, window_bounds = array<i64: 8, 128>}, {transform_indices = @transform_8, window_bounds = array<i64: 1000, 128>}]} {
    %get3A = arith.constant 0 : index
    %get3A_0 = arith.constant 0 : index
    %get3A_1 = vector.load %arg2[%get3A, %get3A_0] : memref<1000x128xf32, #tpu.memory_space<vmem>>, vector<1000x128xf32>
    %get3A_2 = arith.constant 0 : index
    %get3A_3 = arith.constant 0 : index
    %get3A_4 = vector.load %arg3[%get3A_2, %get3A_3] : memref<1000x128xf32, #tpu.memory_space<vmem>>, vector<1000x128xf32>
    %add3A = arith.addf %get3A_1, %get3A_4 : vector<1000x128xf32>
    %get3A_5 = arith.constant 0 : index
    %get3A_6 = arith.constant 0 : index
    %get3A_7 = vector.load %arg4[%get3A_5, %get3A_6] : memref<1000x128xf32, #tpu.memory_space<vmem>>, vector<1000x128xf32>
    %slice3A = vector.extract_strided_slice %get3A_7 {offsets = [0, 0], sizes = [1000, 1], strides = [1, 1]} : vector<1000x128xf32> to vector<1000x1xf32>
    %get3A_8 = arith.constant 0 : index
    %get3A_9 = arith.constant 0 : index
    %get3A_10 = vector.load %arg5[%get3A_8, %get3A_9] : memref<1000x128xf32, #tpu.memory_space<vmem>>, vector<1000x128xf32>
    %slice3A_11 = vector.extract_strided_slice %get3A_10 {offsets = [0, 0], sizes = [1000, 1], strides = [1, 1]} : vector<1000x128xf32> to vector<1000x1xf32>
    %add3A_12 = arith.addf %slice3A, %slice3A_11 : vector<1000x1xf32>
    %max3A = arith.constant 1.000000e+00 : f32
    %max3A_13 = vector.broadcast %max3A : f32 to vector<1000x1xf32>
    %max3A_14 = arith.maximumf %add3A_12, %max3A_13 : vector<1000x1xf32>
    %div3A = vector.broadcast %max3A_14 : vector<1000x1xf32> to vector<1000x128xf32>
    %div3A_15 = arith.divf %add3A, %div3A : vector<1000x128xf32>
    %get3A_16 = arith.constant 0 : index
    %get3A_17 = arith.constant 0 : index
    %get3A_18 = vector.load %arg1[%get3A_16, %get3A_17] : memref<1000x128xf32, #tpu.memory_space<vmem>>, vector<1000x128xf32>
    %get3A_19 = arith.constant 0 : index
    %get3A_20 = arith.constant 0 : index
    %get3A_21 = vector.load %arg6[%get3A_19, %get3A_20] : memref<128x128xf32, #tpu.memory_space<vmem>>, vector<128x128xf32>
    %dot_general3A = arith.constant dense<0.000000e+00> : vector<1000x128xf32>
    %dot_general3A_22 = tpu.matmul %get3A_18, %get3A_21, %dot_general3A {dimension_numbers = #tpu.dot_dimension_numbers<[1], [0], [0], [1], [0, 0, 1, 1], [], []>, transpose_lhs_hint = false} : vector<1000x128xf32>, vector<128x128xf32>, vector<1000x128xf32> -> vector<1000x128xf32>
    %get3A_23 = arith.constant 0 : index
    %get3A_24 = arith.constant 0 : index
    %get3A_25 = vector.load %arg7[%get3A_23, %get3A_24] : memref<128x128xf32, #tpu.memory_space<vmem>>, vector<128x128xf32>
    %dot_general3A_26 = arith.constant dense<0.000000e+00> : vector<1000x128xf32>
    %dot_general3A_27 = tpu.matmul %div3A_15, %get3A_25, %dot_general3A_26 {dimension_numbers = #tpu.dot_dimension_numbers<[1], [0], [0], [1], [0, 0, 1, 1], [], []>, transpose_lhs_hint = false} : vector<1000x128xf32>, vector<128x128xf32>, vector<1000x128xf32> -> vector<1000x128xf32>
    %add3A_28 = arith.addf %dot_general3A_22, %dot_general3A_27 : vector<1000x128xf32>
    %get3A_29 = arith.constant 0 : index
    %get3A_30 = arith.constant 0 : index
    %get3A_31 = vector.load %arg8[%get3A_29, %get3A_30] : memref<8x128xf32, #tpu.memory_space<vmem>>, vector<1x128xf32>
    %add3A_32 = vector.broadcast %get3A_31 : vector<1x128xf32> to vector<1000x128xf32>
    %add3A_33 = arith.addf %add3A_28, %add3A_32 : vector<1000x128xf32>
    %mul3A = arith.mulf %add3A_33, %add3A_33 : vector<1000x128xf32>
    %reduce_sum3A = arith.constant dense<0.000000e+00> : vector<1000xf32>
    %reduce_sum3A_34 = vector.multi_reduction <add>, %mul3A, %reduce_sum3A [1] : vector<1000x128xf32> to vector<1000xf32>
    %broadcast_in_dim3A = vector.shape_cast %reduce_sum3A_34 : vector<1000xf32> to vector<1000x1xf32>
    %sqrt3A = math.sqrt %broadcast_in_dim3A : vector<1000x1xf32>
    %max3A_35 = arith.constant 9.99999996E-13 : f32
    %max3A_36 = vector.broadcast %max3A_35 : f32 to vector<1000x1xf32>
    %max3A_37 = arith.maximumf %sqrt3A, %max3A_36 : vector<1000x1xf32>
    %div3A_38 = vector.broadcast %max3A_37 : vector<1000x1xf32> to vector<1000x128xf32>
    %div3A_39 = arith.divf %add3A_33, %div3A_38 : vector<1000x128xf32>
    %max3A_40 = arith.constant 0.000000e+00 : f32
    %max3A_41 = vector.broadcast %max3A_40 : f32 to vector<1000x128xf32>
    %max3A_42 = arith.maximumf %div3A_39, %max3A_41 : vector<1000x128xf32>
    %swap3A = arith.constant 0 : index
    %swap3A_43 = arith.constant 0 : index
    %swap3A_44 = vector.load %arg9[%swap3A, %swap3A_43] : memref<1000x128xf32, #tpu.memory_space<vmem>>, vector<1000x128xf32>
    tpu.vector_store %arg9[%swap3A, %swap3A_43], %max3A_42 {strides = array<i32>} : memref<1000x128xf32, #tpu.memory_space<vmem>>, vector<1000x128xf32>,
    return
  }
  func.func @transform_0(%arg0: i32) -> (i32, i32) {
    %c0_i32 = arith.constant 0 : i32
    %c0_i32_0 = arith.constant 0 : i32
    return %arg0, %c0_i32 : i32, i32
  }
  func.func @transform_1(%arg0: i32) -> (i32, i32) {
    %c0_i32 = arith.constant 0 : i32
    %c0_i32_0 = arith.constant 0 : i32
    return %arg0, %c0_i32 : i32, i32
  }
  func.func @transform_2(%arg0: i32) -> (i32, i32) {
    %c0_i32 = arith.constant 0 : i32
    %c0_i32_0 = arith.constant 0 : i32
    return %arg0, %c0_i32 : i32, i32
  }
  func.func @transform_3(%arg0: i32) -> (i32, i32) {
    %c0_i32 = arith.constant 0 : i32
    %c0_i32_0 = arith.constant 0 : i32
    return %arg0, %c0_i32 : i32, i32
  }
  func.func @transform_4(%arg0: i32) -> (i32, i32) {
    %c0_i32 = arith.constant 0 : i32
    %c0_i32_0 = arith.constant 0 : i32
    return %arg0, %c0_i32 : i32, i32
  }
  func.func @transform_5(%arg0: i32) -> (i32, i32) {
    %c0_i32 = arith.constant 0 : i32
    %c0_i32_0 = arith.constant 0 : i32
    %c0_i32_1 = arith.constant 0 : i32
    return %c0_i32, %c0_i32_0 : i32, i32
  }
  func.func @transform_6(%arg0: i32) -> (i32, i32) {
    %c0_i32 = arith.constant 0 : i32
    %c0_i32_0 = arith.constant 0 : i32
    %c0_i32_1 = arith.constant 0 : i32
    return %c0_i32, %c0_i32_0 : i32, i32
  }
  func.func @transform_7(%arg0: i32) -> (i32, i32) {
    %c0_i32 = arith.constant 0 : i32
    %c0_i32_0 = arith.constant 0 : i32
    %c0_i32_1 = arith.constant 0 : i32
    return %c0_i32, %c0_i32_0 : i32, i32
  }
  func.func @transform_8(%arg0: i32) -> (i32, i32) {
    %c0_i32 = arith.constant 0 : i32
    %c0_i32_0 = arith.constant 0 : i32
    return %arg0, %c0_i32 : i32, i32
  }
}

module attributes {stable_mosaic.version = 14 : i64} {
  func.func @_tc_layer2_body(%arg0: i32, %arg1: memref<1000x128xf32, #tpu.memory_space<vmem>>, %arg2: memref<1000x128xf32, #tpu.memory_space<vmem>>, %arg3: memref<1000x128xf32, #tpu.memory_space<vmem>>, %arg4: memref<1000x128xf32, #tpu.memory_space<vmem>>, %arg5: memref<1000x128xf32, #tpu.memory_space<vmem>>, %arg6: memref<128x128xf32, #tpu.memory_space<vmem>>, %arg7: memref<128x128xf32, #tpu.memory_space<vmem>>, %arg8: memref<8x128xf32, #tpu.memory_space<vmem>>, %arg9: memref<128x128xf32, #tpu.memory_space<vmem>>, %arg10: memref<8x128xf32, #tpu.memory_space<vmem>>, %arg11: memref<128x128xf32, #tpu.memory_space<vmem>>, %arg12: memref<8x128xf32, #tpu.memory_space<vmem>>, %arg13: memref<1000x128xf32, #tpu.memory_space<vmem>>) attributes {dimension_semantics = [#tpu.dimension_semantics<arbitrary>], iteration_bounds = array<i64: 10>, scalar_prefetch = 0 : i64, scratch_operands = 0 : i64, tpu.core_type = #tpu.core_type<tc>, window_params = [{transform_indices = @transform_0, window_bounds = array<i64: 1000, 128>}, {transform_indices = @transform_1, window_bounds = array<i64: 1000, 128>}, {transform_indices = @transform_2, window_bounds = array<i64: 1000, 128>}, {transform_indices = @transform_3, window_bounds = array<i64: 1000, 128>}, {transform_indices = @transform_4, window_bounds = array<i64: 1000, 128>}, {pipeline_mode = #tpu.pipeline_mode<synchronous>, transform_indices = @transform_5, window_bounds = array<i64: 128, 128>}, {pipeline_mode = #tpu.pipeline_mode<synchronous>, transform_indices = @transform_6, window_bounds = array<i64: 128, 128>}, {pipeline_mode = #tpu.pipeline_mode<synchronous>, transform_indices = @transform_7, window_bounds = array<i64: 8, 128>}, {pipeline_mode = #tpu.pipeline_mode<synchronous>, transform_indices = @transform_8, window_bounds = array<i64: 128, 128>}, {pipeline_mode = #tpu.pipeline_mode<synchronous>, transform_indices = @transform_9, window_bounds = array<i64: 8, 128>}, {pipeline_mode = #tpu.pipeline_mode<synchronous>, transform_indices = @transform_10, window_bounds = array<i64: 128, 128>}, {pipeline_mode = #tpu.pipeline_mode<synchronous>, transform_indices = @transform_11, window_bounds = array<i64: 8, 128>}, {transform_indices = @transform_12, window_bounds = array<i64: 1000, 128>}]} {
    %get3A = arith.constant 0 : index
    %get3A_0 = arith.constant 0 : index
    %get3A_1 = vector.load %arg2[%get3A, %get3A_0] : memref<1000x128xf32, #tpu.memory_space<vmem>>, vector<1000x128xf32>
    %get3A_2 = arith.constant 0 : index
    %get3A_3 = arith.constant 0 : index
    %get3A_4 = vector.load %arg3[%get3A_2, %get3A_3] : memref<1000x128xf32, #tpu.memory_space<vmem>>, vector<1000x128xf32>
    %add3A = arith.addf %get3A_1, %get3A_4 : vector<1000x128xf32>
    %get3A_5 = arith.constant 0 : index
    %get3A_6 = arith.constant 0 : index
    %get3A_7 = vector.load %arg4[%get3A_5, %get3A_6] : memref<1000x128xf32, #tpu.memory_space<vmem>>, vector<1000x128xf32>
    %slice3A = vector.extract_strided_slice %get3A_7 {offsets = [0, 0], sizes = [1000, 1], strides = [1, 1]} : vector<1000x128xf32> to vector<1000x1xf32>
    %get3A_8 = arith.constant 0 : index
    %get3A_9 = arith.constant 0 : index
    %get3A_10 = vector.load %arg5[%get3A_8, %get3A_9] : memref<1000x128xf32, #tpu.memory_space<vmem>>, vector<1000x128xf32>
    %slice3A_11 = vector.extract_strided_slice %get3A_10 {offsets = [0, 0], sizes = [1000, 1], strides = [1, 1]} : vector<1000x128xf32> to vector<1000x1xf32>
    %add3A_12 = arith.addf %slice3A, %slice3A_11 : vector<1000x1xf32>
    %max3A = arith.constant 1.000000e+00 : f32
    %max3A_13 = vector.broadcast %max3A : f32 to vector<1000x1xf32>
    %max3A_14 = arith.maximumf %add3A_12, %max3A_13 : vector<1000x1xf32>
    %div3A = vector.broadcast %max3A_14 : vector<1000x1xf32> to vector<1000x128xf32>
    %div3A_15 = arith.divf %add3A, %div3A : vector<1000x128xf32>
    %get3A_16 = arith.constant 0 : index
    %get3A_17 = arith.constant 0 : index
    %get3A_18 = vector.load %arg1[%get3A_16, %get3A_17] : memref<1000x128xf32, #tpu.memory_space<vmem>>, vector<1000x128xf32>
    %get3A_19 = arith.constant 0 : index
    %get3A_20 = arith.constant 0 : index
    %get3A_21 = vector.load %arg6[%get3A_19, %get3A_20] : memref<128x128xf32, #tpu.memory_space<vmem>>, vector<128x128xf32>
    %dot_general3A = arith.constant dense<0.000000e+00> : vector<1000x128xf32>
    %dot_general3A_22 = tpu.matmul %get3A_18, %get3A_21, %dot_general3A {dimension_numbers = #tpu.dot_dimension_numbers<[1], [0], [0], [1], [0, 0, 1, 1], [], []>, transpose_lhs_hint = false} : vector<1000x128xf32>, vector<128x128xf32>, vector<1000x128xf32> -> vector<1000x128xf32>
    %get3A_23 = arith.constant 0 : index
    %get3A_24 = arith.constant 0 : index
    %get3A_25 = vector.load %arg7[%get3A_23, %get3A_24] : memref<128x128xf32, #tpu.memory_space<vmem>>, vector<128x128xf32>
    %dot_general3A_26 = arith.constant dense<0.000000e+00> : vector<1000x128xf32>
    %dot_general3A_27 = tpu.matmul %div3A_15, %get3A_25, %dot_general3A_26 {dimension_numbers = #tpu.dot_dimension_numbers<[1], [0], [0], [1], [0, 0, 1, 1], [], []>, transpose_lhs_hint = false} : vector<1000x128xf32>, vector<128x128xf32>, vector<1000x128xf32> -> vector<1000x128xf32>
    %add3A_28 = arith.addf %dot_general3A_22, %dot_general3A_27 : vector<1000x128xf32>
    %get3A_29 = arith.constant 0 : index
    %get3A_30 = arith.constant 0 : index
    %get3A_31 = vector.load %arg8[%get3A_29, %get3A_30] : memref<8x128xf32, #tpu.memory_space<vmem>>, vector<1x128xf32>
    %add3A_32 = vector.broadcast %get3A_31 : vector<1x128xf32> to vector<1000x128xf32>
    %add3A_33 = arith.addf %add3A_28, %add3A_32 : vector<1000x128xf32>
    %mul3A = arith.mulf %add3A_33, %add3A_33 : vector<1000x128xf32>
    %reduce_sum3A = arith.constant dense<0.000000e+00> : vector<1000xf32>
    %reduce_sum3A_34 = vector.multi_reduction <add>, %mul3A, %reduce_sum3A [1] : vector<1000x128xf32> to vector<1000xf32>
    %broadcast_in_dim3A = vector.shape_cast %reduce_sum3A_34 : vector<1000xf32> to vector<1000x1xf32>
    %sqrt3A = math.sqrt %broadcast_in_dim3A : vector<1000x1xf32>
    %max3A_35 = arith.constant 9.99999996E-13 : f32
    %max3A_36 = vector.broadcast %max3A_35 : f32 to vector<1000x1xf32>
    %max3A_37 = arith.maximumf %sqrt3A, %max3A_36 : vector<1000x1xf32>
    %div3A_38 = vector.broadcast %max3A_37 : vector<1000x1xf32> to vector<1000x128xf32>
    %div3A_39 = arith.divf %add3A_33, %div3A_38 : vector<1000x128xf32>
    %max3A_40 = arith.constant 0.000000e+00 : f32
    %max3A_41 = vector.broadcast %max3A_40 : f32 to vector<1000x128xf32>
    %max3A_42 = arith.maximumf %div3A_39, %max3A_41 : vector<1000x128xf32>
    %get3A_43 = arith.constant 0 : index
    %get3A_44 = arith.constant 0 : index
    %get3A_45 = vector.load %arg9[%get3A_43, %get3A_44] : memref<128x128xf32, #tpu.memory_space<vmem>>, vector<128x128xf32>
    %dot_general3A_46 = arith.constant dense<0.000000e+00> : vector<1000x128xf32>
    %dot_general3A_47 = tpu.matmul %max3A_42, %get3A_45, %dot_general3A_46 {dimension_numbers = #tpu.dot_dimension_numbers<[1], [0], [0], [1], [0, 0, 1, 1], [], []>, transpose_lhs_hint = false} : vector<1000x128xf32>, vector<128x128xf32>, vector<1000x128xf32> -> vector<1000x128xf32>
    %get3A_48 = arith.constant 0 : index
    %get3A_49 = arith.constant 0 : index
    %get3A_50 = vector.load %arg10[%get3A_48, %get3A_49] : memref<8x128xf32, #tpu.memory_space<vmem>>, vector<1x128xf32>
    %add3A_51 = vector.broadcast %get3A_50 : vector<1x128xf32> to vector<1000x128xf32>
    %add3A_52 = arith.addf %dot_general3A_47, %add3A_51 : vector<1000x128xf32>
    %max3A_53 = arith.constant 0.000000e+00 : f32
    %max3A_54 = vector.broadcast %max3A_53 : f32 to vector<1000x128xf32>
    %max3A_55 = arith.maximumf %add3A_52, %max3A_54 : vector<1000x128xf32>
    %get3A_56 = arith.constant 0 : index
    %get3A_57 = arith.constant 0 : index
    %get3A_58 = vector.load %arg11[%get3A_56, %get3A_57] : memref<128x128xf32, #tpu.memory_space<vmem>>, vector<128x128xf32>
    %dot_general3A_59 = arith.constant dense<0.000000e+00> : vector<1000x128xf32>
    %dot_general3A_60 = tpu.matmul %max3A_55, %get3A_58, %dot_general3A_59 {dimension_numbers = #tpu.dot_dimension_numbers<[1], [0], [0], [1], [0, 0, 1, 1], [], []>, transpose_lhs_hint = false} : vector<1000x128xf32>, vector<128x128xf32>, vector<1000x128xf32> -> vector<1000x128xf32>
    %get3A_61 = arith.constant 0 : index
    %get3A_62 = arith.constant 0 : index
    %get3A_63 = vector.load %arg12[%get3A_61, %get3A_62] : memref<8x128xf32, #tpu.memory_space<vmem>>, vector<1x128xf32>
    %add3A_64 = vector.broadcast %get3A_63 : vector<1x128xf32> to vector<1000x128xf32>
    %add3A_65 = arith.addf %dot_general3A_60, %add3A_64 : vector<1000x128xf32>
    %swap3A = arith.constant 0 : index
    %swap3A_66 = arith.constant 0 : index
    %swap3A_67 = vector.load %arg13[%swap3A, %swap3A_66] : memref<1000x128xf32, #tpu.memory_space<vmem>>, vector<1000x128xf32>
    tpu.vector_store %arg13[%swap3A, %swap3A_66], %add3A_65 {strides = array<i32>} : memref<1000x128xf32, #tpu.memory_space<vmem>>, vector<1000x128xf32>,
    return
  }
  func.func @transform_0(%arg0: i32) -> (i32, i32) {
    %c0_i32 = arith.constant 0 : i32
    %c0_i32_0 = arith.constant 0 : i32
    return %arg0, %c0_i32 : i32, i32
  }
  func.func @transform_1(%arg0: i32) -> (i32, i32) {
    %c0_i32 = arith.constant 0 : i32
    %c0_i32_0 = arith.constant 0 : i32
    return %arg0, %c0_i32 : i32, i32
  }
  func.func @transform_2(%arg0: i32) -> (i32, i32) {
    %c0_i32 = arith.constant 0 : i32
    %c0_i32_0 = arith.constant 0 : i32
    return %arg0, %c0_i32 : i32, i32
  }
  func.func @transform_3(%arg0: i32) -> (i32, i32) {
    %c0_i32 = arith.constant 0 : i32
    %c0_i32_0 = arith.constant 0 : i32
    return %arg0, %c0_i32 : i32, i32
  }
  func.func @transform_4(%arg0: i32) -> (i32, i32) {
    %c0_i32 = arith.constant 0 : i32
    %c0_i32_0 = arith.constant 0 : i32
    return %arg0, %c0_i32 : i32, i32
  }
  func.func @transform_5(%arg0: i32) -> (i32, i32) {
    %c0_i32 = arith.constant 0 : i32
    %c0_i32_0 = arith.constant 0 : i32
    %c0_i32_1 = arith.constant 0 : i32
    return %c0_i32, %c0_i32_0 : i32, i32
  }
  func.func @transform_6(%arg0: i32) -> (i32, i32) {
    %c0_i32 = arith.constant 0 : i32
    %c0_i32_0 = arith.constant 0 : i32
    %c0_i32_1 = arith.constant 0 : i32
    return %c0_i32, %c0_i32_0 : i32, i32
  }
  func.func @transform_7(%arg0: i32) -> (i32, i32) {
    %c0_i32 = arith.constant 0 : i32
    %c0_i32_0 = arith.constant 0 : i32
    %c0_i32_1 = arith.constant 0 : i32
    return %c0_i32, %c0_i32_0 : i32, i32
  }
  func.func @transform_8(%arg0: i32) -> (i32, i32) {
    %c0_i32 = arith.constant 0 : i32
    %c0_i32_0 = arith.constant 0 : i32
    %c0_i32_1 = arith.constant 0 : i32
    return %c0_i32, %c0_i32_0 : i32, i32
  }
  func.func @transform_9(%arg0: i32) -> (i32, i32) {
    %c0_i32 = arith.constant 0 : i32
    %c0_i32_0 = arith.constant 0 : i32
    %c0_i32_1 = arith.constant 0 : i32
    return %c0_i32, %c0_i32_0 : i32, i32
  }
  func.func @transform_10(%arg0: i32) -> (i32, i32) {
    %c0_i32 = arith.constant 0 : i32
    %c0_i32_0 = arith.constant 0 : i32
    %c0_i32_1 = arith.constant 0 : i32
    return %c0_i32, %c0_i32_0 : i32, i32
  }
  func.func @transform_11(%arg0: i32) -> (i32, i32) {
    %c0_i32 = arith.constant 0 : i32
    %c0_i32_0 = arith.constant 0 : i32
    %c0_i32_1 = arith.constant 0 : i32
    return %c0_i32, %c0_i32_0 : i32, i32
  }
  func.func @transform_12(%arg0: i32) -> (i32, i32) {
    %c0_i32 = arith.constant 0 : i32
    %c0_i32_0 = arith.constant 0 : i32
    return %arg0, %c0_i32 : i32, i32
  }
}

</mosaic_0001>

<sc_bundles>
// kernel: kernel.10.cloned.1.call-start
scs
__scs_entry_jumppad:
0x0: {  	(pc) =	sbr.rel $0x88, $3  }
0x1: {  	(tag) =	ssettag $0x0;
	lr =	simm.s32 $0x1  }
0x2: {  	[smem:$0x3F93] =	sst lr;
	_ =	strace $0xD0000000  }
0x3: {  	_ = 	snop  }
0x4: {  	_ = 	snop  }
0x5: {  	_ = 	snop  }
0x6: {  	_ = 	snop  }
0x7: {  	_ = 	snop  }
__scs_overlays_trampoline_lowered:
0x8: {  	[smem:$0x3FA2] =	sst s0  }
0x9: {  	[smem:$0x3FA3] =	sst s1  }
0xa: {  	[smem:$0x3FA4] =	sst s2  }
0xb: {  	[smem:$0x3FA5] =	sst s3  }
0xc: {  	[smem:$0x3FA6] =	sst s4  }
0xd: {  	[smem:$0x3FA7] =	sst s5  }
0xe: {  	[smem:$0x3FA8] =	sst s6  }
0xf: {  	[smem:$0x3FA9] =	sst s7  }
0x10: {  	[smem:$0x3FAA] =	sst s8  }
0x11: {  	[smem:$0x3FAB] =	sst s9;
	s0 =	simm.s32 @!p0 $0x0  }
0x12: {  	s1 =	sld [smem:$0x3F91];
	s0 =	simm.s32 @p0 $0x1  }
0x13: {  	[smem:$0x3FAC] =	sst s0;
	s0 =	simm.s32 @!p1 $0x0  }
0x14: {  	s2 =	sld [smem:$0x3F90];
	s0 =	simm.s32 @p1 $0x1  }
0x15: {  	[smem:$0x3FAD] =	sst s0;
	s0 =	simm.s32 @!p2 $0x0  }
0x16: {  	s3 =	sld [smem:$0x3FDB];
	s0 =	simm.s32 @p2 $0x1  }
0x17: {  	s4 =	simm.s32 $0x1BF5;
	[smem:$0x3FAF] =	sst s0  }
0x18: {  	s0 =	sld [smem:$0x3F92];
	_ =	swait.ge [sflag:s4], $0x0  }
0x19: {  	s7 =	sld [smem:$0x3F93]  }
0x1a: {  	s8 =	sadd.s32 $0xFFFFE003, lr  }
0x1b: {  	s9 =	sadd.s32 $0xFFFFFEF7, lr;
	s5 =	simm.s32 $0xFFFFFFFF;
	p2 =	slt.u32 s8, $0xFFFFF086  }
0x1c: {  	p1 =	slt.u32 s9, $0xF7A;
	s5 =	simm.s32 @!p2 $0x0  }
0x1d: {  	s5 =	simm.s32 @p1 $0x1;
	p0 =	seq.s32 s7, s2  }
0x1e: {  	s7 =	smul.u32 @!p0 $0xF7A, s2;
	p2 =	seq.s32 @!p0 s5, $0x0  }
0x1f: {  	s9 =	smul.u32 $0xF7A, s1;
	s8 =	simm.s32 @!p0 $0x1BF5;
	p2 =	por !p2, p0  }
0x20: {  	[sflag:s8] =	ssyncset.s32 @!p0 $0xFFFFF086;
	s6 =	sadd.s32 @!p0 s3, s7;
	s7 =	simm.s32 @!p0 $0x108  }
0x21: {  	s3 =	sadd.s32 s3, s9;
	s6 =	sadd.s32 @!p0 $0x88, s6;
	s7 =	simm.s32 @p2 $0x1082  }
0x22: {  	[simem:s7], [sflag:s8] =	dma.local @!p0 [hbm:s6], $0xF7A  }
0x23: {  	s9 =	sor.u32 $0xD0000000, s2;
	s6 =	simm.s32 $0x108;
	_ =	swait.ge @!p0 [sflag:s8], $0x0  }
0x24: {  	s3 =	sadd.s32 $0x88, s3;
	s6 =	simm.s32 @!p1 $0x1082;
	[sflag:s4] =	ssyncset.s32 $0xFFFFF086  }
0x25: {  	[simem:s6], [sflag:s4] =	dma.local [hbm:s3], $0xF7A  }
0x26: {  	[smem:$0x3F93] =	sst s1;
	(tag) =	ssettag s2;
	_ =	strace s9  }
0x27: {  	s1 =	sld [smem:$0x3FA3]  }
0x28: {  	s2 =	sld [smem:$0x3FA4]  }
0x29: {  	s4 =	sld [smem:$0x3FA6]  }
0x2a: {  	p0 =	seq.s32 s5, $0x0;
	s5 =	sld [smem:$0x3FA7]  }
0x2b: {  	s6 =	sld [smem:$0x3FA8]  }
0x2c: {  	s7 =	sld [smem:$0x3FA9]  }
0x2d: {  	s3 =	simm.s32 $0x108;
	s8 =	sld [smem:$0x3FAA]  }
0x2e: {  	s3 =	simm.s32 @!p0 $0x1082;
	s9 =	sld [smem:$0x3FAB]  }
0x2f: {  	lr =	sadd.s32 s0, s3;
	s0 =	sld [smem:$0x3FA2]  }
0x30: {  	s3 =	sld [smem:$0x3FA5]  }
0x31: {  	[smem:$0x3FAE] =	sst s10  }
0x32: {  	s10 =	sld [smem:$0x3FAC];
	_ =	sdelay $0x3  }
0x33: {  	p0 =	seq.s32 s10, $0x1;
	s10 =	sld [smem:$0x3FAE];
	_ =	sdelay $0x3  }
0x34: {  	[smem:$0x3FAE] =	sst s10  }
0x35: {  	s10 =	sld [smem:$0x3FAD];
	_ =	sdelay $0x3  }
0x36: {  	p1 =	seq.s32 s10, $0x1;
	s10 =	sld [smem:$0x3FAE];
	_ =	sdelay $0x3  }
0x37: {  	[smem:$0x3FAE] =	sst s10  }
0x38: {  	s10 =	sld [smem:$0x3FAF]  }
0x39: {  	_ = 	snop;
	(pc) =	sbr.ind lr, $3  }
0x3a: {  	_ = 	snop  }
0x3b: {  	_ = 	snop  }
0x3c: {  	p2 =	seq.s32 s10, $0x1;
	s10 =	sld [smem:$0x3FAE]  }
0x3d: {  	_ =	shalt  }
0x3e: {  	_ =	shalt  }
0x3f: {  	_ =	shalt  }
0x40: {  	_ =	shalt  }
0x41: {  	_ =	shalt  }
0x42: {  	_ =	shalt  }
0x43: {  	_ =	shalt  }
0x44: {  	_ =	shalt  }
0x45: {  	_ =	shalt  }
0x46: {  	_ =	shalt  }
0x47: {  	_ =	shalt  }
0x48: {  	_ =	shalt  }
0x49: {  	_ =	shalt  }
0x4a: {  	_ =	shalt  }
0x4b: {  	_ =	shalt  }
0x4c: {  	_ =	shalt  }
0x4d: {  	_ =	shalt  }
0x4e: {  	_ =	shalt  }
0x4f: {  	_ =	shalt  }
0x50: {  	_ =	shalt  }
0x51: {  	_ =	shalt  }
0x52: {  	_ =	shalt  }
0x53: {  	_ =	shalt  }
0x54: {  	_ =	shalt  }
0x55: {  	_ =	shalt  }
0x56: {  	_ =	shalt  }
0x57: {  	_ =	shalt  }
0x58: {  	_ =	shalt  }
0x59: {  	_ =	shalt  }
0x5a: {  	_ =	shalt  }
0x5b: {  	_ =	shalt  }
0x5c: {  	_ =	shalt  }
0x5d: {  	_ =	shalt  }
0x5e: {  	_ =	shalt  }
0x5f: {  	_ =	shalt  }
0x60: {  	_ =	shalt  }
0x61: {  	_ =	shalt  }
0x62: {  	_ =	shalt  }
0x63: {  	_ =	shalt  }
0x64: {  	_ =	shalt  }
0x65: {  	_ =	shalt  }
0x66: {  	_ =	shalt  }
0x67: {  	_ =	shalt  }
0x68: {  	_ =	shalt  }
0x69: {  	_ =	shalt  }
0x6a: {  	_ =	shalt  }
0x6b: {  	_ =	shalt  }
0x6c: {  	_ =	shalt  }
0x6d: {  	_ =	shalt  }
0x6e: {  	_ =	shalt  }
0x6f: {  	_ =	shalt  }
0x70: {  	_ =	shalt  }
0x71: {  	_ =	shalt  }
0x72: {  	_ =	shalt  }
0x73: {  	_ =	shalt  }
0x74: {  	_ =	shalt  }
0x75: {  	_ =	shalt  }
0x76: {  	_ =	shalt  }
0x77: {  	_ =	shalt  }
0x78: {  	_ =	shalt  }
0x79: {  	_ =	shalt  }
0x7a: {  	_ =	shalt  }
0x7b: {  	_ =	shalt  }
0x7c: {  	_ =	shalt  }
0x7d: {  	_ =	shalt  }
0x7e: {  	_ =	shalt  }
0x7f: {  	_ =	shalt  }
0x80: {  	_ =	shalt  }
0x81: {  	_ =	shalt  }
0x82: {  	_ =	shalt  }
0x83: {  	_ =	shalt  }
0x84: {  	_ =	shalt  }
0x85: {  	_ =	shalt  }
0x86: {  	_ =	shalt  }
0x87: {  	_ =	shalt  }
.Lfunc_end0:
.L_simem_size_0:
called_computation.1_lowered:
.L_overlay_start_0:
0x88: {  	s2 =	sld [smem:$0x3FD9]  }
0x89: {  	s3 =	sld [smem:$0x3FFE];
	_ =	sdelay $0x1  }
0x8a: {  	s1 =	srdreg.scid  }
0x8b: {  	s0 =	sand.u32 $0x1, s1  }
0x8c: {  	s17 =	sshll.u32 s0, $0xA;
	s2 =	sadd.s32 s3, s2  }
0x8d: {  	s2 =	sadd.s32 s2, s17  }
0x8e: {  	[smem:$0x3FBA] =	sst s2  }
0x8f: {  	_ = 	snop  }
0x90: {  	s18 =	sld [smem:$0x3FC9];
	(tm) =	ssettm $0x1  }
0x91: {  	s19 =	sld [smem:$0x3FFB];
	_ =	sdelay $0x3  }
0x92: {  	_ =	strace s19  }
0x93: {  	s2 =	sld [smem:$0x3FFC];
	_ =	sdelay $0x3  }
0x94: {  	_ =	strace s2  }
0x95: {  	s2 =	sld [smem:$0x3FFD];
	_ =	sdelay $0x3  }
0x96: {  	_ =	strace s2  }
0x97: {  	_ =	strace $0x8FFFFFFF  }
0x98: {  	s20 =	sld [smem:$0x3FDB];
	_ =	sdelay $0x1  }
0x99: {  	s4 =	simm.s32 $_scs_section_size  }
0x9a: {  	s5 =	simm.s32 $_size__tile_overlayer_lowered;
	s6 =	simm.s32 $_tile_overlayer_lowered  }
0x9b: {  	s7 =	simm.s32 $0x1BFF;
	s21 =	sshll.u32 s6, $0x1;
	s4 =	sadd.s32 s4, s20  }
0x9c: {  	s22 =	simm.s32 $0x0;
	s5 =	sshll.u32 s5, $0x1;
	s6 =	sadd.s32 s21, s4  }
0x9d: {  	[timem:s22], [sflag:s7] =	dma.local [hbm:s6], s5  }
0x9e: {  	_ =	swait.ge [sflag:s7], s5  }
0x9f: {  	s5 =	ssub.s32 $0x0, s5;
	[sflag:s7] =	ssyncset.done $0x0  }
0xa0: {  	[sflag:s7] =	ssyncadd.s32 s5;
	_ =	sdelay $0x1  }
0xa1: {  	s23 =	simm.s32 $0x1B8B  }
0xa2: {  	_ =	swait.ge [sflag:s23], $0x1  }
0xa3: {  	[sflag:s23] =	ssyncset.done $0x0  }
0xa4: {  	[sflag:s23] =	ssyncadd.s32 $0xFFFFFFFF  }
0xa5: {  	s5 =	sld [smem:$0x0]  }
0xa6: {  	s6 =	sand.u32 $0xFFFFFFFE, s1  }
0xa7: {  	p0 =	sne.s32 s1, s6  }
0xa8: {  	s6 =	sshll.u32 @p0 s6, $0xE  }
0xa9: {  	s6 =	sadd.s32 @p0 $0x11B8D, s6;
	s7 =	sshll.u32 @p0 s5, $0x11  }
0xaa: {  	s6 =	sor.u32 @p0 s7, s6  }
0xab: {  	[sflag:s6] =	ssyncadd.remote.s32 @p0 $0x1;
	_ =	sdelay $0x1  }
0xac: {  	s6 =	simm.s32 @p0 $0x1B8D  }
0xad: {  	_ =	swait.eq @p0 [sflag:s6], $0x1  }
0xae: {  	[sflag:s6] =	ssyncadd.s32 @p0 $0xFFFFFFFF  }
0xaf: {  	s7 =	sshll.u32 @!p0 s1, $0xE  }
0xb0: {  	s7 =	sor.u32 @!p0 $0x4000, s7;
	s6 =	simm.s32 @!p0 $0x1B8D  }
0xb1: {  	s5 =	sshll.u32 @!p0 s5, $0x11;
	s7 =	sadd.s32 @!p0 $0x11B8D, s7;
	_ =	swait.eq @!p0 [sflag:s6], $0x1  }
0xb2: {  	s5 =	sor.u32 @!p0 s5, s7;
	[sflag:s6] =	ssyncadd.s32 @!p0 $0xFFFFFFFF  }
0xb3: {  	s25 =	simm.s32 $0x1B8E;
	s24 =	sld [smem:$0x3FFE];
	[sflag:s5] =	ssyncadd.remote.s32 @!p0 $0x1  }
0xb4: {  	s26 =	simm.s32 $execute0_lowered;
	[smem:$0x3FD2] =	sst s25  }
0xb5: {  	s6 =	sshll.u32 s26, $0x1;
	_ =	strace $0x80000049;
	[dreg:$0x1] =	wrdreg $0xFFFFFFFF  }
0xb6: {  	s28 =	simm.s32 $_size_execute0_lowered;
	s4 =	sadd.s32 s4, s6;
	[dreg:$0x0] =	wrdreg $0x0  }
0xb7: {  	s6 =	sshll.u32 s28, $0x1;
	[dreg:$0x2] =	wrdreg s4  }
0xb8: {  	[dreg:$0x3] =	wrdreg s6  }
0xb9: {  	[dreg:$0x4] =	wrdreg $0xC0  }
0xba: {  	_ =	task [dreg:s22], $0x5FFFF  }
0xbb: {  	[dreg:$0x1] =	wrdreg $0xFFFFFFFF  }
0xbc: {  	[dreg:$0x0] =	wrdreg $0x60  }
0xbd: {  	[dreg:$0x2] =	wrdreg s18  }
0xbe: {  	[dreg:$0x3] =	wrdreg s24  }
0xbf: {  	[dreg:$0x4] =	wrdreg $0x72000  }
0xc0: {  	[dreg:$0x5] =	wrdreg $0xA  }
0xc1: {  	_ =	task.clear_ibuf [dreg:s22], $0x6FFFF;
	_ =	strace $0x90000049  }
0xc2: {  	s29 =	simm.s32 $0xA;
	_ =	strace $0x8000004B  }
0xc3: {  	_ =	swait.ge [sflag:s29], $0x1  }
0xc4: {  	[sflag:s29] =	ssyncadd.s32 $0xFFFFFFFF  }
0xc5: {  	_ =	strace $0x9000004B  }
0xc6: {  	_ =	sfence  }
0xc7: {  	s30 =	sld [smem:$0x0];
	_ =	sdelay $0x2  }
0xc8: {  	s31 =	sshll.u32 s1, $0xD;
	s1 =	sshrl.u32 s1, $0x2  }
0xc9: {  	s4 =	sand.u32 $0x4000, s31;
	s1 =	sadd.s32 s1, s30  }
0xca: {  	s0 =	sor.u32 s4, s0;
	s1 =	sshll.u32 s1, $0x11  }
0xcb: {  	s0 =	sor.u32 s1, s0  }
0xcc: {  	s0 =	sadd.s32 $0x8F2B, s0  }
0xcd: {  	[sflag:s0] =	ssyncadd.remote.s32 $0x1  }
0xce: {  	_ =	sfence.sel $0xFFFF  }
0xcf: {  	[dreg:$0x0] =	wrdreg $0xFFFFFFFF;
	(pc) =	sbr.abs _section_cstart, $3  }
0xd0: {  	[dreg:$0x1] =	wrdreg $0xFFFFFFFF  }
0xd1: {  	_ =	task.clear_ibuf [dreg:s22], $0x2FFFF;
	_ =	strace $0x9FFFFFFF  }
0xd2: {  	(tm) =	ssettm $0x7FFFFFFF  }
0xd3: {  	_ =	shalt  }
tec
execute0_lowered:
.L_overlay_start_1:
0x0: {  	(tag) =	ssettag $0x1  }
0x1: {  	s0 =	srdreg.scid;
	s2 =	rddreg [dreg:$0x1];
	s1 =	simm.s32 $0x0  }
0x2: {  	s17 =	stileid.u32;
	s30 =	simm.s32 $0x1;
	s31 =	simm.s32 $0x100  }
0x3: {  	s3 =	sand.u32 $0x1, s0;
	[smem:$0x7FF] =	sst s1;
	s5 =	smul.u32 $0x280, s17  }
0x4: {  	s6 =	sadd.s32 $0x67600, s2;
	s22 =	sshll.u32 s17, $0x1;
	s0 =	ssub.s32 $0x2, s3  }
0x5: {  	s11 =	smul.u32 $0x2800, s3;
	s4 =	sshrl.u32 s0, $0x1;
	s7 =	sor.u32 $0x40, s5  }
0x6: {  	s8 =	sadd.s32 $0x80, s5;
	s9 =	sadd.s32 $0xC0, s5;
	s10 =	sadd.s32 $0x100, s5  }
0x7: {  	s12 =	sadd.s32 $0x140, s5;
	s13 =	sadd.s32 $0x180, s5;
	s24 =	sadd.s32 $0x200, s5  }
0x8: {  	s0 =	ssub.s32 s0, s4;
	s4 =	sor.u32 s3, s22;
	s22 =	sadd.s32 $0x1C0, s5  }
0x9: {  	s14 =	sadd.s32 s5, s11;
	s15 =	sadd.s32 s11, s7;
	s5 =	sadd.s32 $0x240, s5  }
0xa: {  	s25 =	sadd.s32 s11, s8;
	s26 =	sadd.s32 s11, s9;
	s16 =	sadd.s32 s11, s10  }
0xb: {  	s20 =	sadd.s32 s11, s12;
	s21 =	sadd.s32 s11, s13;
	s3 =	smul.u32 $0x2710, s3  }
0xc: {  	s7 =	sshll.u32 s7, $0x7;
	s14 =	sshll.u32 s14, $0x4;
	s15 =	sshll.u32 s15, $0x4  }
0xd: {  	s18 =	sshll.u32 s16, $0x4;
	s16 =	sadd.s32 s11, s24;
	s14 =	sadd.s32 s6, s14  }
0xe: {  	s4 =	smul.u32 $0x2710, s4;
	s23 =	sadd.s32 s6, s15;
	[dreg:$0x4] =	wrdreg s14  }
0xf: {  	s0 =	smax.u32 s0, $0x1;
	s19 =	sadd.s32 s6, s18;
	[dreg:$0x5] =	wrdreg s23  }
0x10: {  	s15 =	sshll.u32 s26, $0x4;
	s14 =	sshll.u32 s25, $0x4;
	[dreg:$0x8] =	wrdreg s19  }
0x11: {  	s23 =	sadd.s32 s11, s22;
	s25 =	sshll.u32 s21, $0x4;
	s11 =	sadd.s32 s11, s5  }
0x12: {  	s19 =	smul.u32 $0x4E20, s17;
	s14 =	sadd.s32 s6, s14;
	s26 =	sshll.u32 s23, $0x4  }
0x13: {  	s18 =	sshll.u32 s11, $0x4;
	s11 =	rddreg [dreg:$0x0];
	s23 =	sshll.u32 s8, $0x7  }
0x14: {  	s8 =	sshll.u32 s13, $0x7;
	[dreg:$0x6] =	wrdreg s14;
	s14 =	sadd.s32 s6, s15  }
0x15: {  	s15 =	sadd.s32 s6, s26;
	[dreg:$0x7] =	wrdreg s14;
	s14 =	sshll.u32 s20, $0x4  }
0x16: {  	s26 =	sshll.u32 s10, $0x7;
	[dreg:$0xb] =	wrdreg s15;
	s14 =	sadd.s32 s6, s14  }
0x17: {  	s10 =	sshll.u32 s24, $0x7;
	[dreg:$0x9] =	wrdreg s14;
	s14 =	sadd.s32 s6, s25  }
0x18: {  	s20 =	smul.u32 $0x50000, s17;
	[dreg:$0xa] =	wrdreg s14;
	s14 =	sshll.u32 s16, $0x4  }
0x19: {  	s15 =	sadd.s32 $0xD800, s2;
	s2 =	sadd.s32 $0x3A00, s2;
	s14 =	sadd.s32 s6, s14  }
0x1a: {  	s25 =	sshll.u32 s9, $0x7;
	s6 =	sadd.s32 s6, s18;
	[dreg:$0xc] =	wrdreg s14  }
0x1b: {  	s9 =	sshll.u32 s22, $0x7;
	s16 =	sshrl.u32 s4, $0x3;
	[dreg:$0xd] =	wrdreg s6  }
0x1c: {  	s14 =	rddreg [dreg:$0x2];
	s6 =	sadd.s32 s3, s19;
	s3 =	sshrl.u32 s20, $0x2  }
0x1d: {  	_ =	strace $0x8000004A;
	s17 =	sadd.s32 s3, s14;
	s21 =	sadd.s32 s7, s14  }
0x1e: {  	s3 =	sadd.s32 s23, s14;
	s19 =	sadd.s32 s25, s14;
	s20 =	sadd.s32 s26, s14  }
0x1f: {  	s7 =	sshll.u32 s12, $0x7;
	s22 =	sadd.s32 s8, s14;
	s23 =	sadd.s32 s9, s14  }
0x20: {  	s24 =	sadd.s32 s10, s14;
	s12 =	sshll.u32 s5, $0x7;
	s13 =	sadd.s32 $0x50, s6  }
0x21: {  	s26 =	sadd.s32 s15, s16;
	s9 =	sadd.s32 s2, s16;
	[dreg:$0x15] =	wrdreg s0  }
0x22: {  	s10 =	sshrl.u32 s6, $0x3;
	s4 =	sadd.s32 $0xA0, s6;
	[dreg:$0xe] =	wrdreg s21  }
0x23: {  	s8 =	simm.s32 $0x50;
	s0 =	simm.s32 $0x180;
	[dreg:$0xf] =	wrdreg s3  }
0x24: {  	s21 =	sadd.s32 s7, s14;
	s25 =	sadd.s32 s12, s14;
	s18 =	sshrl.u32 s13, $0x3  }
0x25: {  	s3 =	sadd.s32 $0x4D8, s16;
	s29 =	sadd.s32 s10, s2;
	s13 =	sadd.s32 $0xF0, s6  }
0x26: {  	s16 =	sadd.s32 $0x4C4, s9;
	[dreg:$0x10] =	wrdreg s26;
	s26 =	sadd.s32 $0xA, s26  }
0x27: {  	s6 =	simm.s32 $0x5200;
	s7 =	simm.s32 $0x3;
	[dreg:$0x13] =	wrdreg s16  }
0x28: {  	s28 =	sadd.s32 s18, s2;
	s2 =	sadd.s32 s2, s3;
	[dreg:$0x16] =	wrdreg s26  }
0x29: {  	s10 =	simm.s32 $0x2;
	s12 =	sadd.s32 s15, s3;
	[dreg:$0x11] =	wrdreg s2  }
0x2a: {  	s18 =	sadd.s32 $0x4CE, s9;
	s9 =	simm.s32 $0x200;
	[dreg:$0x12] =	wrdreg s12  }
0x2b: {  	s26 =	simm.s32 $0x0;
	[dreg:$0x14] =	wrdreg s18;
	s2 =	sshrl.u32 s13, $0x3  }
0x2c: {  	v0 =	vimm.f32 $0.0e+00;
	s12 =	simm.s32 $0x80;
	s13 =	simm.s32 $0x2A00;
	s3 =	sadd.s32 s2, s15  }
.LBB2_1:
0x2d: {  	s2 =	simm.s32 $0x0;
	s5 =	simm.s32 $0x200  }
.LBB2_2:
0x2e: {  	p0 =	sne.s32 s5, $0x7E00;
	[tilespmem:s2+$0x5270] =	vst v0  }
0x2f: {  	[tilespmem:s2+$0x5200] =	vst v0  }
0x30: {  	[tilespmem:s2+$0x5210] =	vst v0  }
.Ltmp0:
0x31: {  	[tilespmem:s2+$0x5220] =	vst v0;
	(pc) =	sbr.rel @p0 .LBB2_2-.Ltmp0, $4  }
0x32: {  	[tilespmem:s2+$0x5230] =	vst v0  }
0x33: {  	[tilespmem:s2+$0x5240] =	vst v0  }
0x34: {  	[tilespmem:s2+$0x5250] =	vst v0  }
0x35: {  	[tilespmem:s2+$0x5260] =	vst v0;
	s2 =	sshra.s32 s5, $0x2;
	s5 =	sadd.s32 $0x200, s5  }
0x36: {  	[tilespmem:s2+$0x5270] =	vst v0  }
0x37: {  	[tilespmem:s2+$0x5200] =	vst v0  }
0x38: {  	[tilespmem:s2+$0x5210] =	vst v0  }
0x39: {  	[tilespmem:s2+$0x5220] =	vst v0  }
0x3a: {  	[tilespmem:s2+$0x5230] =	vst v0  }
0x3b: {  	[tilespmem:s2+$0x5240] =	vst v0  }
0x3c: {  	[tilespmem:s2+$0x5250] =	vst v0  }
0x3d: {  	[tilespmem:s2+$0x5260] =	vst v0  }
0x3e: {  	[spmem:s17] =	stream.linear.scatter [tilespmem:s6], [sflag:$0x3], $0x2000, $0x38;
	[tilespmem:$0x1B200] =	vst v63  }
0x3f: {  	_ =	swait.ge [sflag:s7], $0x2000  }
0x40: {  	[sflag:s7] =	ssyncset.done $0x0  }
0x41: {  	s5 =	rddreg [dreg:$0xe];
	[sflag:s7] =	ssyncadd.s32 $0xFFFFE000  }
0x42: {  	[spmem:s5] =	stream.linear.scatter [tilespmem:s6], [sflag:$0x3], $0x2000, $0x38;
	[tilespmem:$0x1B200] =	vst v63  }
0x43: {  	_ =	swait.ge [sflag:s7], $0x2000  }
0x44: {  	[sflag:s7] =	ssyncset.done $0x0  }
0x45: {  	s16 =	rddreg [dreg:$0xf];
	[sflag:s7] =	ssyncadd.s32 $0xFFFFE000  }
0x46: {  	[spmem:s16] =	stream.linear.scatter [tilespmem:s6], [sflag:$0x3], $0x2000, $0x38;
	[tilespmem:$0x1B200] =	vst v63  }
0x47: {  	_ =	swait.ge [sflag:s7], $0x2000  }
0x48: {  	[sflag:s7] =	ssyncset.done $0x0  }
0x49: {  	[sflag:s7] =	ssyncadd.s32 $0xFFFFE000  }
0x4a: {  	[spmem:s19] =	stream.linear.scatter [tilespmem:s6], [sflag:$0x3], $0x2000, $0x38;
	[tilespmem:$0x1B200] =	vst v63  }
0x4b: {  	_ =	swait.ge [sflag:s7], $0x2000  }
0x4c: {  	[sflag:s7] =	ssyncset.done $0x0  }
0x4d: {  	[sflag:s7] =	ssyncadd.s32 $0xFFFFE000  }
0x4e: {  	[spmem:s20] =	stream.linear.scatter [tilespmem:s6], [sflag:$0x3], $0x2000, $0x38;
	[tilespmem:$0x1B200] =	vst v63  }
0x4f: {  	_ =	swait.ge [sflag:s7], $0x2000  }
0x50: {  	[sflag:s7] =	ssyncset.done $0x0  }
0x51: {  	[sflag:s7] =	ssyncadd.s32 $0xFFFFE000  }
0x52: {  	[spmem:s21] =	stream.linear.scatter [tilespmem:s6], [sflag:$0x3], $0x2000, $0x38;
	[tilespmem:$0x1B200] =	vst v63  }
0x53: {  	_ =	swait.ge [sflag:s7], $0x2000  }
0x54: {  	[sflag:s7] =	ssyncset.done $0x0  }
0x55: {  	[sflag:s7] =	ssyncadd.s32 $0xFFFFE000  }
0x56: {  	[spmem:s22] =	stream.linear.scatter [tilespmem:s6], [sflag:$0x3], $0x2000, $0x38;
	[tilespmem:$0x1B200] =	vst v63  }
0x57: {  	_ =	swait.ge [sflag:s7], $0x2000  }
0x58: {  	[sflag:s7] =	ssyncset.done $0x0  }
0x59: {  	[sflag:s7] =	ssyncadd.s32 $0xFFFFE000  }
0x5a: {  	[spmem:s23] =	stream.linear.scatter [tilespmem:s6], [sflag:$0x3], $0x2000, $0x38;
	[tilespmem:$0x1B200] =	vst v63  }
0x5b: {  	_ =	swait.ge [sflag:s7], $0x2000  }
0x5c: {  	[sflag:s7] =	ssyncset.done $0x0  }
0x5d: {  	[sflag:s7] =	ssyncadd.s32 $0xFFFFE000  }
0x5e: {  	[spmem:s24] =	stream.linear.scatter [tilespmem:s6], [sflag:$0x3], $0x2000, $0x38;
	[tilespmem:$0x1B200] =	vst v63  }
0x5f: {  	_ =	swait.ge [sflag:s7], $0x2000  }
0x60: {  	[sflag:s7] =	ssyncset.done $0x0  }
0x61: {  	[sflag:s7] =	ssyncadd.s32 $0xFFFFE000  }
0x62: {  	[spmem:s25] =	stream.linear.scatter [tilespmem:s6], [sflag:$0x3], $0x2000, $0x38;
	[tilespmem:$0x1B200] =	vst v63  }
0x63: {  	_ =	swait.ge [sflag:s7], $0x2000  }
0x64: {  	[sflag:s7] =	ssyncset.done $0x0  }
0x65: {  	[sflag:s7] =	ssyncadd.s32 $0xFFFFE000  }
0x66: {  	[bflag:$0x0] =	sbarrier.arrive $0xFFFF  }
0x67: {  	s18 =	smov.u32 s17;
	s17 =	simm.s32 $0x0;
	s5 =	rddreg [dreg:$0x10]  }
0x68: {  	[tilespmem:s17], [sflag:$0x3] =	stream.linear.gather [hbm4b:s5+s17], $0x50, $0x38;
	[tilespmem:$0x1B200] =	vst v63  }
0x69: {  	_ =	swait.ge [sflag:s7], $0x50  }
0x6a: {  	[sflag:s7] =	ssyncset.done $0x0  }
0x6b: {  	[sflag:s7] =	ssyncadd.s32 $0xFFFFFFB0  }
0x6c: {  	[tilespmem:s9], [sflag:$0x1] =	stream.indirect.gather [hbm4b:s11+s8], $0x80, s17, s8, $0xb8;
	[tilespmem:$0x1B200] =	vst v63  }
0x6d: {  	s16 =	rddreg [dreg:$0x16]  }
0x6e: {  	[tilespmem:s12], [sflag:$0x3] =	stream.linear.gather [hbm4b:s16+s17], $0x50, $0x38;
	[tilespmem:$0x1B200] =	vst v63  }
0x6f: {  	_ =	swait.ge [sflag:s7], $0x50  }
0x70: {  	[sflag:s7] =	ssyncset.done $0x0  }
0x71: {  	[sflag:s7] =	ssyncadd.s32 $0xFFFFFFB0  }
0x72: {  	[tilespmem:s13], [sflag:$0x2] =	stream.indirect.gather [hbm4b:s11+s8], $0x80, s12, s8, $0xb8;
	[tilespmem:$0x1B200] =	vst v63  }
0x73: {  	_ =	swait.ge [sflag:s30], $0x2800  }
0x74: {  	[sflag:s30] =	ssyncset.done $0x0  }
0x75: {  	s17 =	sadd.s32 $0x0, s29;
	[sflag:s30] =	ssyncadd.s32 $0xFFFFD800  }
0x76: {  	[tilespmem:s31], [sflag:$0x3] =	stream.linear.gather [hbm4b:s17+s1], $0x50, $0x38;
	[tilespmem:$0x1B200] =	vst v63  }
0x77: {  	_ =	swait.ge [sflag:s7], $0x50  }
0x78: {  	[sflag:s7] =	ssyncset.done $0x0  }
0x79: {  	[sflag:s7] =	ssyncadd.s32 $0xFFFFFFB0  }
0x7a: {  	[spmem:s14] =	stream.indirect.scatter.add.f32 [tilespmem:s9], [sflag:$0x3], $0x80, s31, s8, $0xb8;
	[tilespmem:$0x1B200] =	vst v63  }
0x7b: {  	_ =	swait.ge [sflag:s7], $0x2800  }
0x7c: {  	s5 =	sshrl.u32 s4, $0x3;
	[sflag:s7] =	ssyncset.done $0x0  }
0x7d: {  	s2 =	sadd.s32 s15, s5;
	[sflag:s7] =	ssyncadd.s32 $0xFFFFD800  }
0x7e: {  	[tilespmem:s1], [sflag:$0x3] =	stream.linear.gather [hbm4b:s2+s1], $0x50, $0x38;
	[tilespmem:$0x1B200] =	vst v63  }
0x7f: {  	_ =	swait.ge [sflag:s7], $0x50  }
0x80: {  	[sflag:s7] =	ssyncset.done $0x0  }
0x81: {  	[sflag:s7] =	ssyncadd.s32 $0xFFFFFFB0  }
0x82: {  	[tilespmem:s9], [sflag:$0x1] =	stream.indirect.gather [hbm4b:s11+s8], $0x80, s1, s8, $0xb8;
	[tilespmem:$0x1B200] =	vst v63  }
0x83: {  	_ =	swait.ge [sflag:s10], $0x2800  }
0x84: {  	[sflag:s10] =	ssyncset.done $0x0  }
0x85: {  	s16 =	sadd.s32 $0x0, s28;
	[sflag:s10] =	ssyncadd.s32 $0xFFFFD800  }
0x86: {  	[tilespmem:s0], [sflag:$0x3] =	stream.linear.gather [hbm4b:s16+s1], $0x50, $0x38;
	[tilespmem:$0x1B200] =	vst v63  }
0x87: {  	_ =	swait.ge [sflag:s7], $0x50  }
0x88: {  	[sflag:s7] =	ssyncset.done $0x0  }
0x89: {  	[sflag:s7] =	ssyncadd.s32 $0xFFFFFFB0  }
0x8a: {  	[spmem:s14] =	stream.indirect.scatter.add.f32 [tilespmem:s13], [sflag:$0x3], $0x80, s0, s8, $0xb8;
	[tilespmem:$0x1B200] =	vst v63  }
0x8b: {  	_ =	swait.ge [sflag:s7], $0x2800  }
0x8c: {  	[sflag:s7] =	ssyncset.done $0x0  }
0x8d: {  	s17 =	sadd.s32 $0x0, s3;
	[sflag:s7] =	ssyncadd.s32 $0xFFFFD800  }
0x8e: {  	[tilespmem:s12], [sflag:$0x3] =	stream.linear.gather [hbm4b:s17+s1], $0x50, $0x38;
	[tilespmem:$0x1B200] =	vst v63  }
0x8f: {  	_ =	swait.ge [sflag:s7], $0x50  }
0x90: {  	[sflag:s7] =	ssyncset.done $0x0  }
0x91: {  	s5 =	sadd.s32 $0xA0, s4;
	s2 =	simm.s32 $0x14;
	[sflag:s7] =	ssyncadd.s32 $0xFFFFFFB0  }
.LBB2_4:
0x92: {  	[tilespmem:s13], [sflag:$0x2] =	stream.indirect.gather [hbm4b:s11+s8], $0x80, s12, s8, $0xb8;
	[tilespmem:$0x1B200] =	vst v63  }
0x93: {  	s16 =	smov.u32 s2  }
0x94: {  	p0 =	sne.s32 s2, $0x4B0;
	s2 =	sadd.s32 $0x14, s2;
	_ =	swait.ge [sflag:s30], $0x2800  }
0x95: {  	[sflag:s30] =	ssyncset.done $0x0  }
0x96: {  	s17 =	sadd.s32 s16, s29;
	[sflag:s30] =	ssyncadd.s32 $0xFFFFD800  }
0x97: {  	[tilespmem:s31], [sflag:$0x3] =	stream.linear.gather [hbm4b:s17+s1], $0x50, $0x38;
	[tilespmem:$0x1B200] =	vst v63  }
0x98: {  	_ =	swait.ge [sflag:s7], $0x50  }
0x99: {  	[sflag:s7] =	ssyncset.done $0x0  }
0x9a: {  	[sflag:s7] =	ssyncadd.s32 $0xFFFFFFB0  }
0x9b: {  	[spmem:s14] =	stream.indirect.scatter.add.f32 [tilespmem:s9], [sflag:$0x3], $0x80, s31, s8, $0xb8;
	[tilespmem:$0x1B200] =	vst v63  }
0x9c: {  	_ =	swait.ge [sflag:s7], $0x2800  }
0x9d: {  	s17 =	sshrl.u32 s5, $0x3;
	[sflag:s7] =	ssyncset.done $0x0  }
0x9e: {  	s17 =	sadd.s32 s15, s17;
	[sflag:s7] =	ssyncadd.s32 $0xFFFFD800  }
0x9f: {  	[tilespmem:s1], [sflag:$0x3] =	stream.linear.gather [hbm4b:s17+s1], $0x50, $0x38;
	[tilespmem:$0x1B200] =	vst v63  }
0xa0: {  	_ =	swait.ge [sflag:s7], $0x50  }
0xa1: {  	[sflag:s7] =	ssyncset.done $0x0  }
0xa2: {  	[sflag:s7] =	ssyncadd.s32 $0xFFFFFFB0  }
0xa3: {  	[tilespmem:s9], [sflag:$0x1] =	stream.indirect.gather [hbm4b:s11+s8], $0x80, s1, s8, $0xb8;
	[tilespmem:$0x1B200] =	vst v63  }
0xa4: {  	_ =	swait.ge [sflag:s10], $0x2800  }
0xa5: {  	[sflag:s10] =	ssyncset.done $0x0  }
0xa6: {  	s17 =	sadd.s32 s16, s28;
	[sflag:s10] =	ssyncadd.s32 $0xFFFFD800  }
0xa7: {  	[tilespmem:s0], [sflag:$0x3] =	stream.linear.gather [hbm4b:s17+s1], $0x50, $0x38;
	[tilespmem:$0x1B200] =	vst v63  }
0xa8: {  	_ =	swait.ge [sflag:s7], $0x50  }
0xa9: {  	[sflag:s7] =	ssyncset.done $0x0  }
0xaa: {  	[sflag:s7] =	ssyncadd.s32 $0xFFFFFFB0  }
0xab: {  	[spmem:s14] =	stream.indirect.scatter.add.f32 [tilespmem:s13], [sflag:$0x3], $0x80, s0, s8, $0xb8;
	[tilespmem:$0x1B200] =	vst v63  }
0xac: {  	_ =	swait.ge [sflag:s7], $0x2800  }
0xad: {  	[sflag:s7] =	ssyncset.done $0x0  }
.Ltmp1:
0xae: {  	s16 =	sadd.s32 s16, s3;
	[sflag:s7] =	ssyncadd.s32 $0xFFFFD800;
	(pc) =	sbr.rel @p0 .LBB2_4-.Ltmp1, $4  }
0xaf: {  	[tilespmem:s12], [sflag:$0x3] =	stream.linear.gather [hbm4b:s16+s1], $0x50, $0x38;
	[tilespmem:$0x1B200] =	vst v63  }
0xb0: {  	_ =	swait.ge [sflag:s7], $0x50  }
0xb1: {  	[sflag:s7] =	ssyncset.done $0x0  }
0xb2: {  	s5 =	sadd.s32 $0xA0, s5;
	[sflag:s7] =	ssyncadd.s32 $0xFFFFFFB0  }
0xb3: {  	[tilespmem:s13], [sflag:$0x2] =	stream.indirect.gather [hbm4b:s11+s8], $0x80, s12, s8, $0xb8;
	[tilespmem:$0x1B200] =	vst v63  }
0xb4: {  	_ =	swait.ge [sflag:s30], $0x2800  }
0xb5: {  	[sflag:s30] =	ssyncset.done $0x0  }
0xb6: {  	s2 =	rddreg [dreg:$0x13];
	[sflag:s30] =	ssyncadd.s32 $0xFFFFD800  }
0xb7: {  	[tilespmem:s31], [sflag:$0x3] =	stream.linear.gather [hbm4b:s2+s1], $0x50, $0x38;
	[tilespmem:$0x1B200] =	vst v63  }
0xb8: {  	_ =	swait.ge [sflag:s7], $0x50  }
0xb9: {  	[sflag:s7] =	ssyncset.done $0x0  }
0xba: {  	[sflag:s7] =	ssyncadd.s32 $0xFFFFFFB0  }
0xbb: {  	[spmem:s14] =	stream.indirect.scatter.add.f32 [tilespmem:s9], [sflag:$0x3], $0x80, s31, s8, $0xb8;
	[tilespmem:$0x1B200] =	vst v63  }
0xbc: {  	_ =	swait.ge [sflag:s7], $0x2800  }
0xbd: {  	[sflag:s7] =	ssyncset.done $0x0  }
0xbe: {  	s5 =	rddreg [dreg:$0x12];
	[sflag:s7] =	ssyncadd.s32 $0xFFFFD800  }
0xbf: {  	[tilespmem:s1], [sflag:$0x3] =	stream.linear.gather [hbm4b:s5+s1], $0x50, $0x38;
	[tilespmem:$0x1B200] =	vst v63  }
0xc0: {  	_ =	swait.ge [sflag:s7], $0x50  }
0xc1: {  	[sflag:s7] =	ssyncset.done $0x0  }
0xc2: {  	[sflag:s7] =	ssyncadd.s32 $0xFFFFFFB0  }
0xc3: {  	[tilespmem:s9], [sflag:$0x1] =	stream.indirect.gather [hbm4b:s11+s8], $0x80, s1, s8, $0xb8;
	[tilespmem:$0x1B200] =	vst v63  }
0xc4: {  	_ =	swait.ge [sflag:s10], $0x2800  }
0xc5: {  	[sflag:s10] =	ssyncset.done $0x0  }
0xc6: {  	s16 =	rddreg [dreg:$0x14];
	[sflag:s10] =	ssyncadd.s32 $0xFFFFD800  }
0xc7: {  	[tilespmem:s0], [sflag:$0x3] =	stream.linear.gather [hbm4b:s16+s1], $0x50, $0x38;
	[tilespmem:$0x1B200] =	vst v63  }
0xc8: {  	_ =	swait.ge [sflag:s7], $0x50  }
0xc9: {  	[sflag:s7] =	ssyncset.done $0x0  }
0xca: {  	[sflag:s7] =	ssyncadd.s32 $0xFFFFFFB0  }
0xcb: {  	[spmem:s14] =	stream.indirect.scatter.add.f32 [tilespmem:s13], [sflag:$0x3], $0x80, s0, s8, $0xb8;
	[tilespmem:$0x1B200] =	vst v63  }
0xcc: {  	_ =	swait.ge [sflag:s7], $0x2800  }
0xcd: {  	[sflag:s7] =	ssyncset.done $0x0  }
0xce: {  	[sflag:s7] =	ssyncadd.s32 $0xFFFFD800  }
0xcf: {  	_ =	swait.ge [sflag:s30], $0x2800  }
0xd0: {  	[sflag:s30] =	ssyncset.done $0x0  }
0xd1: {  	s17 =	rddreg [dreg:$0x11];
	[sflag:s30] =	ssyncadd.s32 $0xFFFFD800  }
0xd2: {  	[tilespmem:s31], [sflag:$0x3] =	stream.linear.gather [hbm4b:s17+s1], $0x50, $0x38;
	[tilespmem:$0x1B200] =	vst v63  }
0xd3: {  	_ =	swait.ge [sflag:s7], $0x50  }
0xd4: {  	[sflag:s7] =	ssyncset.done $0x0  }
0xd5: {  	[sflag:s7] =	ssyncadd.s32 $0xFFFFFFB0  }
0xd6: {  	[spmem:s14] =	stream.indirect.scatter.add.f32 [tilespmem:s9], [sflag:$0x3], $0x80, s31, s8, $0xb8;
	[tilespmem:$0x1B200] =	vst v63  }
0xd7: {  	_ =	swait.ge [sflag:s7], $0x2800  }
0xd8: {  	[sflag:s7] =	ssyncset.done $0x0  }
0xd9: {  	s5 =	stileid.u32;
	[sflag:s7] =	ssyncadd.s32 $0xFFFFD800  }
0xda: {  	s2 =	sshll.u32 s5, $0x6;
	[bflag:$0x0] =	sbarrier.arrive $0xFFFF  }
0xdb: {  	s5 =	sshrl.u32 s18, $0x3;
	s2 =	sor.u32 $0x1C03, s2;
	s16 =	rddreg [dreg:$0x4]  }
0xdc: {  	[hbm:s16], [sflag:s2] =	dma.local [spmem:s5], $0x400  }
0xdd: {  	_ =	swait.ge [sflag:s7], $0x400  }
0xde: {  	s17 =	smov.u32 s18;
	[sflag:s7] =	ssyncset.done $0x0;
	s16 =	rddreg [dreg:$0xe]  }
0xdf: {  	s18 =	rddreg [dreg:$0x5];
	[sflag:s7] =	ssyncadd.s32 $0xFFFFFC00;
	s5 =	sshrl.u32 s16, $0x3  }
0xe0: {  	[hbm:s18], [sflag:s2] =	dma.local [spmem:s5], $0x400  }
0xe1: {  	_ =	swait.ge [sflag:s7], $0x400  }
0xe2: {  	[sflag:s7] =	ssyncset.done $0x0;
	s16 =	rddreg [dreg:$0xf]  }
0xe3: {  	s18 =	rddreg [dreg:$0x6];
	[sflag:s7] =	ssyncadd.s32 $0xFFFFFC00;
	s5 =	sshrl.u32 s16, $0x3  }
0xe4: {  	[hbm:s18], [sflag:s2] =	dma.local [spmem:s5], $0x400  }
0xe5: {  	_ =	swait.ge [sflag:s7], $0x400  }
0xe6: {  	[sflag:s7] =	ssyncset.done $0x0  }
0xe7: {  	s16 =	sshrl.u32 s19, $0x3;
	s18 =	rddreg [dreg:$0x7];
	[sflag:s7] =	ssyncadd.s32 $0xFFFFFC00  }
0xe8: {  	[hbm:s18], [sflag:s2] =	dma.local [spmem:s16], $0x400  }
0xe9: {  	_ =	swait.ge [sflag:s7], $0x400  }
0xea: {  	[sflag:s7] =	ssyncset.done $0x0  }
0xeb: {  	s16 =	sshrl.u32 s20, $0x3;
	s18 =	rddreg [dreg:$0x8];
	[sflag:s7] =	ssyncadd.s32 $0xFFFFFC00  }
0xec: {  	[hbm:s18], [sflag:s2] =	dma.local [spmem:s16], $0x400  }
0xed: {  	_ =	swait.ge [sflag:s7], $0x400  }
0xee: {  	[sflag:s7] =	ssyncset.done $0x0  }
0xef: {  	s16 =	sshrl.u32 s21, $0x3;
	s18 =	rddreg [dreg:$0x9];
	[sflag:s7] =	ssyncadd.s32 $0xFFFFFC00  }
0xf0: {  	[hbm:s18], [sflag:s2] =	dma.local [spmem:s16], $0x400  }
0xf1: {  	_ =	swait.ge [sflag:s7], $0x400  }
0xf2: {  	[sflag:s7] =	ssyncset.done $0x0  }
0xf3: {  	s16 =	sshrl.u32 s22, $0x3;
	s18 =	rddreg [dreg:$0xa];
	[sflag:s7] =	ssyncadd.s32 $0xFFFFFC00  }
0xf4: {  	[hbm:s18], [sflag:s2] =	dma.local [spmem:s16], $0x400  }
0xf5: {  	_ =	swait.ge [sflag:s7], $0x400  }
0xf6: {  	[sflag:s7] =	ssyncset.done $0x0  }
0xf7: {  	s16 =	sshrl.u32 s23, $0x3;
	s18 =	rddreg [dreg:$0xb];
	[sflag:s7] =	ssyncadd.s32 $0xFFFFFC00  }
0xf8: {  	[hbm:s18], [sflag:s2] =	dma.local [spmem:s16], $0x400  }
0xf9: {  	_ =	swait.ge [sflag:s7], $0x400  }
0xfa: {  	[sflag:s7] =	ssyncset.done $0x0  }
0xfb: {  	s16 =	sshrl.u32 s24, $0x3;
	s18 =	rddreg [dreg:$0xc];
	[sflag:s7] =	ssyncadd.s32 $0xFFFFFC00  }
0xfc: {  	[hbm:s18], [sflag:s2] =	dma.local [spmem:s16], $0x400  }
0xfd: {  	_ =	swait.ge [sflag:s7], $0x400  }
0xfe: {  	[sflag:s7] =	ssyncset.done $0x0  }
0xff: {  	s16 =	sshrl.u32 s25, $0x3;
	s18 =	rddreg [dreg:$0xd];
	[sflag:s7] =	ssyncadd.s32 $0xFFFFFC00  }
0x100: {  	[hbm:s18], [sflag:s2] =	dma.local [spmem:s16], $0x400  }
0x101: {  	_ =	swait.ge [sflag:s7], $0x400  }
0x102: {  	s26 =	sadd.s32 $0x1, s26;
	s18 =	rddreg [dreg:$0x15]  }
0x103: {  	p0 =	sne.s32 s26, s18  }
.Ltmp2:
0x104: {  	_ = 	snop;
	(pc) =	sbr.rel @p0 .LBB2_1-.Ltmp2, $3  }
0x105: {  	_ =	sdelay $0x1  }
0x106: {  	[sflag:s7] =	ssyncset.done $0x0  }
0x107: {  	[sflag:s7] =	ssyncadd.s32 $0xFFFFFC00  }
0x108: {  	_ =	sfence.sel $0x180000  }
0x109: {  	[bflag:$0x0] =	sbarrier.arrive $0xFFFF  }
0x10a: {  	_ =	strace $0x9000004A  }
0x10b: {  	s0 =	stileid.u32;
	[bflag:$0x2] =	sbarrier.arrive $0xFFFF  }
0x10c: {  	p0 =	sne.s32 s0, $0x0;
	s0 =	rddreg [dreg:$0x3]  }
0x10d: {  	s0 =	sadd.s32 @!p0 $0x100000, s0  }
0x10e: {  	[sflag:s0] =	ssyncadd.tile.s32 @!p0 $0x1;
	_ =	shalt  }
.Lfunc_end2:
_tile_overlayer_lowered:
.L_overlay_start_2:
0x10f: {  	(tag) =	ssettag $0x2  }
0x110: {  	s0 =	rddreg [dreg:$0x0];
	s2 =	stileid.u32  }
0x111: {  	s1 =	rddreg [dreg:$0x1];
	p0 =	sne.s32 s2, $0x0  }
0x112: {  	s3 =	rddreg [dreg:$0x2];
	[bflag:$0x3] =	sbarrier.arrive $0xFFFF;
	s2 =	simm.s32 @!p0 $0x1C03  }
0x113: {  	[timem:s3], [sflag:s2] =	dma.local @!p0 [hbm:s0], s1  }
0x114: {  	s0 =	simm.s32 @!p0 $0x3  }
0x115: {  	_ =	swait.ge @!p0 [sflag:s0], s1  }
0x116: {  	s1 =	ssub.s32 @!p0 $0x0, s1;
	[sflag:s0] =	ssyncset.done @!p0 $0x0  }
0x117: {  	[sflag:s0] =	ssyncadd.s32 @!p0 s1  }
0x118: {  	[bflag:$0x3] =	sbarrier.arrive $0xFFFF  }
0x119: {  	_ =	shalt  }

// kernel: kernel.13.cloned.1.call-start
scs
__scs_entry_jumppad:
0x0: {  	(pc) =	sbr.rel $0x88, $3  }
0x1: {  	(tag) =	ssettag $0x0;
	lr =	simm.s32 $0x1  }
0x2: {  	[smem:$0x3F93] =	sst lr;
	_ =	strace $0xD0000000  }
0x3: {  	_ = 	snop  }
0x4: {  	_ = 	snop  }
0x5: {  	_ = 	snop  }
0x6: {  	_ = 	snop  }
0x7: {  	_ = 	snop  }
__scs_overlays_trampoline_lowered:
0x8: {  	[smem:$0x3FA2] =	sst s0  }
0x9: {  	[smem:$0x3FA3] =	sst s1  }
0xa: {  	[smem:$0x3FA4] =	sst s2  }
0xb: {  	[smem:$0x3FA5] =	sst s3  }
0xc: {  	[smem:$0x3FA6] =	sst s4  }
0xd: {  	[smem:$0x3FA7] =	sst s5  }
0xe: {  	[smem:$0x3FA8] =	sst s6  }
0xf: {  	[smem:$0x3FA9] =	sst s7  }
0x10: {  	[smem:$0x3FAA] =	sst s8  }
0x11: {  	[smem:$0x3FAB] =	sst s9;
	s0 =	simm.s32 @!p0 $0x0  }
0x12: {  	s1 =	sld [smem:$0x3F91];
	s0 =	simm.s32 @p0 $0x1  }
0x13: {  	[smem:$0x3FAC] =	sst s0;
	s0 =	simm.s32 @!p1 $0x0  }
0x14: {  	s2 =	sld [smem:$0x3F90];
	s0 =	simm.s32 @p1 $0x1  }
0x15: {  	[smem:$0x3FAD] =	sst s0;
	s0 =	simm.s32 @!p2 $0x0  }
0x16: {  	s3 =	sld [smem:$0x3FDB];
	s0 =	simm.s32 @p2 $0x1  }
0x17: {  	s4 =	simm.s32 $0x1BF5;
	[smem:$0x3FAF] =	sst s0  }
0x18: {  	s0 =	sld [smem:$0x3F92];
	_ =	swait.ge [sflag:s4], $0x0  }
0x19: {  	s7 =	sld [smem:$0x3F93]  }
0x1a: {  	s8 =	sadd.s32 $0xFFFFE003, lr  }
0x1b: {  	s9 =	sadd.s32 $0xFFFFFEF7, lr;
	s5 =	simm.s32 $0xFFFFFFFF;
	p2 =	slt.u32 s8, $0xFFFFF086  }
0x1c: {  	p1 =	slt.u32 s9, $0xF7A;
	s5 =	simm.s32 @!p2 $0x0  }
0x1d: {  	s5 =	simm.s32 @p1 $0x1;
	p0 =	seq.s32 s7, s2  }
0x1e: {  	s7 =	smul.u32 @!p0 $0xF7A, s2;
	p2 =	seq.s32 @!p0 s5, $0x0  }
0x1f: {  	s9 =	smul.u32 $0xF7A, s1;
	s8 =	simm.s32 @!p0 $0x1BF5;
	p2 =	por !p2, p0  }
0x20: {  	[sflag:s8] =	ssyncset.s32 @!p0 $0xFFFFF086;
	s6 =	sadd.s32 @!p0 s3, s7;
	s7 =	simm.s32 @!p0 $0x108  }
0x21: {  	s3 =	sadd.s32 s3, s9;
	s6 =	sadd.s32 @!p0 $0x88, s6;
	s7 =	simm.s32 @p2 $0x1082  }
0x22: {  	[simem:s7], [sflag:s8] =	dma.local @!p0 [hbm:s6], $0xF7A  }
0x23: {  	s9 =	sor.u32 $0xD0000000, s2;
	s6 =	simm.s32 $0x108;
	_ =	swait.ge @!p0 [sflag:s8], $0x0  }
0x24: {  	s3 =	sadd.s32 $0x88, s3;
	s6 =	simm.s32 @!p1 $0x1082;
	[sflag:s4] =	ssyncset.s32 $0xFFFFF086  }
0x25: {  	[simem:s6], [sflag:s4] =	dma.local [hbm:s3], $0xF7A  }
0x26: {  	[smem:$0x3F93] =	sst s1;
	(tag) =	ssettag s2;
	_ =	strace s9  }
0x27: {  	s1 =	sld [smem:$0x3FA3]  }
0x28: {  	s2 =	sld [smem:$0x3FA4]  }
0x29: {  	s4 =	sld [smem:$0x3FA6]  }
0x2a: {  	p0 =	seq.s32 s5, $0x0;
	s5 =	sld [smem:$0x3FA7]  }
0x2b: {  	s6 =	sld [smem:$0x3FA8]  }
0x2c: {  	s7 =	sld [smem:$0x3FA9]  }
0x2d: {  	s3 =	simm.s32 $0x108;
	s8 =	sld [smem:$0x3FAA]  }
0x2e: {  	s3 =	simm.s32 @!p0 $0x1082;
	s9 =	sld [smem:$0x3FAB]  }
0x2f: {  	lr =	sadd.s32 s0, s3;
	s0 =	sld [smem:$0x3FA2]  }
0x30: {  	s3 =	sld [smem:$0x3FA5]  }
0x31: {  	[smem:$0x3FAE] =	sst s10  }
0x32: {  	s10 =	sld [smem:$0x3FAC];
	_ =	sdelay $0x3  }
0x33: {  	p0 =	seq.s32 s10, $0x1;
	s10 =	sld [smem:$0x3FAE];
	_ =	sdelay $0x3  }
0x34: {  	[smem:$0x3FAE] =	sst s10  }
0x35: {  	s10 =	sld [smem:$0x3FAD];
	_ =	sdelay $0x3  }
0x36: {  	p1 =	seq.s32 s10, $0x1;
	s10 =	sld [smem:$0x3FAE];
	_ =	sdelay $0x3  }
0x37: {  	[smem:$0x3FAE] =	sst s10  }
0x38: {  	s10 =	sld [smem:$0x3FAF]  }
0x39: {  	_ = 	snop;
	(pc) =	sbr.ind lr, $3  }
0x3a: {  	_ = 	snop  }
0x3b: {  	_ = 	snop  }
0x3c: {  	p2 =	seq.s32 s10, $0x1;
	s10 =	sld [smem:$0x3FAE]  }
0x3d: {  	_ =	shalt  }
0x3e: {  	_ =	shalt  }
0x3f: {  	_ =	shalt  }
0x40: {  	_ =	shalt  }
0x41: {  	_ =	shalt  }
0x42: {  	_ =	shalt  }
0x43: {  	_ =	shalt  }
0x44: {  	_ =	shalt  }
0x45: {  	_ =	shalt  }
0x46: {  	_ =	shalt  }
0x47: {  	_ =	shalt  }
0x48: {  	_ =	shalt  }
0x49: {  	_ =	shalt  }
0x4a: {  	_ =	shalt  }
0x4b: {  	_ =	shalt  }
0x4c: {  	_ =	shalt  }
0x4d: {  	_ =	shalt  }
0x4e: {  	_ =	shalt  }
0x4f: {  	_ =	shalt  }
0x50: {  	_ =	shalt  }
0x51: {  	_ =	shalt  }
0x52: {  	_ =	shalt  }
0x53: {  	_ =	shalt  }
0x54: {  	_ =	shalt  }
0x55: {  	_ =	shalt  }
0x56: {  	_ =	shalt  }
0x57: {  	_ =	shalt  }
0x58: {  	_ =	shalt  }
0x59: {  	_ =	shalt  }
0x5a: {  	_ =	shalt  }
0x5b: {  	_ =	shalt  }
0x5c: {  	_ =	shalt  }
0x5d: {  	_ =	shalt  }
0x5e: {  	_ =	shalt  }
0x5f: {  	_ =	shalt  }
0x60: {  	_ =	shalt  }
0x61: {  	_ =	shalt  }
0x62: {  	_ =	shalt  }
0x63: {  	_ =	shalt  }
0x64: {  	_ =	shalt  }
0x65: {  	_ =	shalt  }
0x66: {  	_ =	shalt  }
0x67: {  	_ =	shalt  }
0x68: {  	_ =	shalt  }
0x69: {  	_ =	shalt  }
0x6a: {  	_ =	shalt  }
0x6b: {  	_ =	shalt  }
0x6c: {  	_ =	shalt  }
0x6d: {  	_ =	shalt  }
0x6e: {  	_ =	shalt  }
0x6f: {  	_ =	shalt  }
0x70: {  	_ =	shalt  }
0x71: {  	_ =	shalt  }
0x72: {  	_ =	shalt  }
0x73: {  	_ =	shalt  }
0x74: {  	_ =	shalt  }
0x75: {  	_ =	shalt  }
0x76: {  	_ =	shalt  }
0x77: {  	_ =	shalt  }
0x78: {  	_ =	shalt  }
0x79: {  	_ =	shalt  }
0x7a: {  	_ =	shalt  }
0x7b: {  	_ =	shalt  }
0x7c: {  	_ =	shalt  }
0x7d: {  	_ =	shalt  }
0x7e: {  	_ =	shalt  }
0x7f: {  	_ =	shalt  }
0x80: {  	_ =	shalt  }
0x81: {  	_ =	shalt  }
0x82: {  	_ =	shalt  }
0x83: {  	_ =	shalt  }
0x84: {  	_ =	shalt  }
0x85: {  	_ =	shalt  }
0x86: {  	_ =	shalt  }
0x87: {  	_ =	shalt  }
.Lfunc_end0:
.L_simem_size_0:
called_computation.2_lowered:
.L_overlay_start_0:
0x88: {  	s2 =	sld [smem:$0x3FD9]  }
0x89: {  	s3 =	sld [smem:$0x3FFE];
	_ =	sdelay $0x1  }
0x8a: {  	s1 =	srdreg.scid  }
0x8b: {  	s0 =	sand.u32 $0x1, s1  }
0x8c: {  	s16 =	sshll.u32 s0, $0xA;
	s2 =	sadd.s32 s3, s2  }
0x8d: {  	s2 =	sadd.s32 s2, s16  }
0x8e: {  	[smem:$0x3FBA] =	sst s2  }
0x8f: {  	_ = 	snop  }
0x90: {  	(tm) =	ssettm $0x1  }
0x91: {  	s17 =	sld [smem:$0x3FFB];
	_ =	sdelay $0x3  }
0x92: {  	_ =	strace s17  }
0x93: {  	s2 =	sld [smem:$0x3FFC];
	_ =	sdelay $0x3  }
0x94: {  	_ =	strace s2  }
0x95: {  	s2 =	sld [smem:$0x3FFD];
	_ =	sdelay $0x3  }
0x96: {  	_ =	strace s2  }
0x97: {  	_ =	strace $0x8FFFFFFF  }
0x98: {  	s18 =	sld [smem:$0x3FDB];
	_ =	sdelay $0x1  }
0x99: {  	s19 =	simm.s32 $_scs_section_size  }
0x9a: {  	s4 =	simm.s32 $_size__tile_overlayer_lowered;
	s5 =	simm.s32 $_tile_overlayer_lowered  }
0x9b: {  	s22 =	simm.s32 $0x1BFF;
	s21 =	sshll.u32 s5, $0x1;
	s2 =	sadd.s32 s19, s18  }
0x9c: {  	s6 =	simm.s32 $0x0;
	s20 =	sshll.u32 s4, $0x1;
	s4 =	sadd.s32 s21, s2  }
0x9d: {  	[timem:s6], [sflag:s22] =	dma.local [hbm:s4], s20  }
0x9e: {  	_ =	swait.ge [sflag:s22], s20  }
0x9f: {  	s3 =	ssub.s32 $0x0, s20;
	[sflag:s22] =	ssyncset.done $0x0  }
0xa0: {  	[sflag:s22] =	ssyncadd.s32 s3;
	_ =	sdelay $0x1  }
0xa1: {  	s23 =	simm.s32 $0x1B8B  }
0xa2: {  	_ =	swait.ge [sflag:s23], $0x1  }
0xa3: {  	[sflag:s23] =	ssyncset.done $0x0  }
0xa4: {  	s25 =	simm.s32 $0x1B8E;
	s24 =	sld [smem:$0x3FFE];
	[sflag:s23] =	ssyncadd.s32 $0xFFFFFFFF  }
0xa5: {  	s26 =	simm.s32 $execute0_lowered;
	[smem:$0x3FD2] =	sst s25  }
0xa6: {  	s4 =	sshll.u32 s26, $0x1;
	_ =	strace $0x8000004C;
	[dreg:$0x1] =	wrdreg $0xFFFFFFFF  }
0xa7: {  	s28 =	simm.s32 $_size_execute0_lowered;
	s2 =	sadd.s32 s2, s4;
	[dreg:$0x0] =	wrdreg $0x0  }
0xa8: {  	s4 =	sshll.u32 s28, $0x1;
	[dreg:$0x2] =	wrdreg s2  }
0xa9: {  	[dreg:$0x3] =	wrdreg s4  }
0xaa: {  	[dreg:$0x4] =	wrdreg $0xC0  }
0xab: {  	_ =	task [dreg:s6], $0x5FFFF  }
0xac: {  	[dreg:$0x1] =	wrdreg $0xFFFFFFFF  }
0xad: {  	[dreg:$0x0] =	wrdreg $0x60  }
0xae: {  	[dreg:$0x2] =	wrdreg s24  }
0xaf: {  	[dreg:$0x3] =	wrdreg $0x72000  }
0xb0: {  	[dreg:$0x4] =	wrdreg $0x9  }
0xb1: {  	_ =	task.clear_ibuf [dreg:s6], $0x5FFFF;
	_ =	strace $0x9000004C  }
0xb2: {  	s29 =	simm.s32 $0x9;
	_ =	strace $0x8000004E  }
0xb3: {  	_ =	swait.ge [sflag:s29], $0x1  }
0xb4: {  	[sflag:s29] =	ssyncadd.s32 $0xFFFFFFFF  }
0xb5: {  	_ =	strace $0x9000004E  }
0xb6: {  	_ =	sfence  }
0xb7: {  	s30 =	sld [smem:$0x0];
	_ =	sdelay $0x2  }
0xb8: {  	s31 =	sshll.u32 s1, $0xD;
	s1 =	sshrl.u32 s1, $0x2  }
0xb9: {  	s3 =	sand.u32 $0x4000, s31;
	s1 =	sadd.s32 s1, s30  }
0xba: {  	s0 =	sor.u32 s3, s0;
	s1 =	sshll.u32 s1, $0x11  }
0xbb: {  	s0 =	sor.u32 s1, s0  }
0xbc: {  	s0 =	sadd.s32 $0x8F2B, s0  }
0xbd: {  	[sflag:s0] =	ssyncadd.remote.s32 $0x1  }
0xbe: {  	_ =	sfence.sel $0xFFFF  }
0xbf: {  	[dreg:$0x0] =	wrdreg $0xFFFFFFFF;
	(pc) =	sbr.abs _section_cstart, $3  }
0xc0: {  	[dreg:$0x1] =	wrdreg $0xFFFFFFFF  }
0xc1: {  	_ =	task.clear_ibuf [dreg:s6], $0x2FFFF;
	_ =	strace $0x9FFFFFFF  }
0xc2: {  	(tm) =	ssettm $0x7FFFFFFF  }
0xc3: {  	_ =	shalt  }
tec
execute0_lowered:
.L_overlay_start_1:
0x0: {  	(tag) =	ssettag $0x1  }
0x1: {  	s0 =	srdreg.scid;
	s2 =	rddreg [dreg:$0x0];
	s1 =	simm.s32 $0x0  }
0x2: {  	s17 =	stileid.u32;
	s30 =	simm.s32 $0x1;
	s31 =	simm.s32 $0x100  }
0x3: {  	s3 =	sand.u32 $0x1, s0;
	[smem:$0x7FF] =	sst s1;
	s5 =	smul.u32 $0x280, s17  }
0x4: {  	s6 =	sadd.s32 $0x3E800, s2;
	s22 =	sshll.u32 s17, $0x1;
	s0 =	ssub.s32 $0x2, s3  }
0x5: {  	s11 =	smul.u32 $0x2800, s3;
	s4 =	sshrl.u32 s0, $0x1;
	s7 =	sor.u32 $0x40, s5  }
0x6: {  	s8 =	sadd.s32 $0x80, s5;
	s9 =	sadd.s32 $0xC0, s5;
	s10 =	sadd.s32 $0x100, s5  }
0x7: {  	s12 =	sadd.s32 $0x140, s5;
	s13 =	sadd.s32 $0x180, s5;
	s24 =	sadd.s32 $0x200, s5  }
0x8: {  	s0 =	ssub.s32 s0, s4;
	s4 =	sor.u32 s3, s22;
	s22 =	sadd.s32 $0x1C0, s5  }
0x9: {  	s14 =	sadd.s32 s5, s11;
	s15 =	sadd.s32 s11, s7;
	s5 =	sadd.s32 $0x240, s5  }
0xa: {  	s25 =	sadd.s32 s11, s8;
	s26 =	sadd.s32 s11, s9;
	s16 =	sadd.s32 s11, s10  }
0xb: {  	s20 =	sadd.s32 s11, s12;
	s21 =	sadd.s32 s11, s13;
	s3 =	smul.u32 $0x2710, s3  }
0xc: {  	s7 =	sshll.u32 s7, $0x7;
	s14 =	sshll.u32 s14, $0x4;
	s15 =	sshll.u32 s15, $0x4  }
0xd: {  	s18 =	sshll.u32 s16, $0x4;
	s16 =	sadd.s32 s11, s24;
	s14 =	sadd.s32 s6, s14  }
0xe: {  	s4 =	smul.u32 $0x2710, s4;
	s23 =	sadd.s32 s6, s15;
	[dreg:$0x3] =	wrdreg s14  }
0xf: {  	s0 =	smax.u32 s0, $0x1;
	s19 =	sadd.s32 s6, s18;
	[dreg:$0x4] =	wrdreg s23  }
0x10: {  	s15 =	sshll.u32 s26, $0x4;
	s14 =	sshll.u32 s25, $0x4;
	[dreg:$0x7] =	wrdreg s19  }
0x11: {  	s23 =	sadd.s32 s11, s22;
	s25 =	sshll.u32 s21, $0x4;
	s11 =	sadd.s32 s11, s5  }
0x12: {  	s19 =	smul.u32 $0x4E20, s17;
	s14 =	sadd.s32 s6, s14;
	s26 =	sshll.u32 s23, $0x4  }
0x13: {  	s18 =	sshll.u32 s11, $0x4;
	s11 =	rddreg [dreg:$0x1];
	s23 =	sshll.u32 s8, $0x7  }
0x14: {  	s8 =	sshll.u32 s13, $0x7;
	[dreg:$0x5] =	wrdreg s14;
	s14 =	sadd.s32 s6, s15  }
0x15: {  	s15 =	sadd.s32 s6, s26;
	s21 =	sadd.s32 s7, s11;
	s26 =	sshll.u32 s10, $0x7  }
0x16: {  	s7 =	sshll.u32 s12, $0x7;
	s10 =	sshll.u32 s24, $0x7;
	[dreg:$0x6] =	wrdreg s14  }
0x17: {  	s12 =	sshll.u32 s5, $0x7;
	s14 =	sshll.u32 s20, $0x4;
	[dreg:$0xa] =	wrdreg s15  }
0x18: {  	s20 =	smul.u32 $0x50000, s17;
	s15 =	sadd.s32 $0xD800, s2;
	s14 =	sadd.s32 s6, s14  }
0x19: {  	s24 =	sadd.s32 s10, s11;
	[dreg:$0x8] =	wrdreg s14;
	s14 =	sadd.s32 s6, s25  }
0x1a: {  	s25 =	sshll.u32 s9, $0x7;
	[dreg:$0x9] =	wrdreg s14;
	s14 =	sshll.u32 s16, $0x4  }
0x1b: {  	s9 =	sshll.u32 s22, $0x7;
	s22 =	sadd.s32 s8, s11;
	s14 =	sadd.s32 s6, s14  }
0x1c: {  	s8 =	simm.s32 $0x50;
	s6 =	sadd.s32 s6, s18;
	[dreg:$0xb] =	wrdreg s14  }
0x1d: {  	s16 =	sshrl.u32 s4, $0x3;
	[dreg:$0xc] =	wrdreg s6;
	s6 =	sadd.s32 s3, s19  }
0x1e: {  	s14 =	sadd.s32 $0x17600, s2;
	s2 =	sadd.s32 $0x3A00, s2;
	s3 =	sshrl.u32 s20, $0x2  }
0x1f: {  	s19 =	sadd.s32 s25, s11;
	s20 =	sadd.s32 s26, s11;
	s25 =	sadd.s32 s12, s11  }
0x20: {  	s26 =	sadd.s32 s15, s16;
	_ =	strace $0x8000004D;
	s17 =	sadd.s32 s3, s11  }
0x21: {  	[dreg:$0xd] =	wrdreg s21;
	s3 =	sadd.s32 s23, s11;
	s21 =	sadd.s32 s7, s11  }
0x22: {  	s23 =	sadd.s32 s9, s11;
	s13 =	sadd.s32 $0x50, s6;
	s9 =	sadd.s32 s2, s16  }
0x23: {  	s10 =	sshrl.u32 s6, $0x3;
	[dreg:$0x14] =	wrdreg s0;
	s4 =	sadd.s32 $0xA0, s6  }
0x24: {  	[dreg:$0xf] =	wrdreg s26;
	s26 =	sadd.s32 $0xA, s26;
	s7 =	simm.s32 $0x3  }
0x25: {  	s0 =	simm.s32 $0x180;
	[dreg:$0xe] =	wrdreg s3;
	s18 =	sshrl.u32 s13, $0x3  }
0x26: {  	s3 =	sadd.s32 $0x4D8, s16;
	s29 =	sadd.s32 s10, s2;
	s13 =	sadd.s32 $0xF0, s6  }
0x27: {  	s16 =	sadd.s32 $0x4C4, s9;
	[dreg:$0x15] =	wrdreg s26;
	s6 =	simm.s32 $0x5200  }
0x28: {  	s28 =	sadd.s32 s18, s2;
	s2 =	sadd.s32 s2, s3;
	[dreg:$0x12] =	wrdreg s16  }
0x29: {  	s10 =	simm.s32 $0x2;
	s12 =	sadd.s32 s15, s3;
	[dreg:$0x10] =	wrdreg s2  }
0x2a: {  	s26 =	simm.s32 $0x0;
	s18 =	sadd.s32 $0x4CE, s9;
	[dreg:$0x11] =	wrdreg s12  }
0x2b: {  	s9 =	simm.s32 $0x200;
	[dreg:$0x13] =	wrdreg s18;
	s2 =	sshrl.u32 s13, $0x3  }
0x2c: {  	v0 =	vimm.f32 $0.0e+00;
	s12 =	simm.s32 $0x80;
	s13 =	simm.s32 $0x2A00;
	s3 =	sadd.s32 s2, s15  }
.LBB2_1:
0x2d: {  	s2 =	simm.s32 $0x0;
	s5 =	simm.s32 $0x200  }
.LBB2_2:
0x2e: {  	p0 =	sne.s32 s5, $0x7E00;
	[tilespmem:s2+$0x5270] =	vst v0  }
0x2f: {  	[tilespmem:s2+$0x5200] =	vst v0  }
0x30: {  	[tilespmem:s2+$0x5210] =	vst v0  }
.Ltmp0:
0x31: {  	[tilespmem:s2+$0x5220] =	vst v0;
	(pc) =	sbr.rel @p0 .LBB2_2-.Ltmp0, $4  }
0x32: {  	[tilespmem:s2+$0x5230] =	vst v0  }
0x33: {  	[tilespmem:s2+$0x5240] =	vst v0  }
0x34: {  	[tilespmem:s2+$0x5250] =	vst v0  }
0x35: {  	[tilespmem:s2+$0x5260] =	vst v0;
	s2 =	sshra.s32 s5, $0x2;
	s5 =	sadd.s32 $0x200, s5  }
0x36: {  	[tilespmem:s2+$0x5270] =	vst v0  }
0x37: {  	[tilespmem:s2+$0x5200] =	vst v0  }
0x38: {  	[tilespmem:s2+$0x5210] =	vst v0  }
0x39: {  	[tilespmem:s2+$0x5220] =	vst v0  }
0x3a: {  	[tilespmem:s2+$0x5230] =	vst v0  }
0x3b: {  	[tilespmem:s2+$0x5240] =	vst v0  }
0x3c: {  	[tilespmem:s2+$0x5250] =	vst v0  }
0x3d: {  	[tilespmem:s2+$0x5260] =	vst v0  }
0x3e: {  	[spmem:s17] =	stream.linear.scatter [tilespmem:s6], [sflag:$0x3], $0x2000, $0x38;
	[tilespmem:$0x1B200] =	vst v63  }
0x3f: {  	_ =	swait.ge [sflag:s7], $0x2000  }
0x40: {  	[sflag:s7] =	ssyncset.done $0x0  }
0x41: {  	s5 =	rddreg [dreg:$0xd];
	[sflag:s7] =	ssyncadd.s32 $0xFFFFE000  }
0x42: {  	[spmem:s5] =	stream.linear.scatter [tilespmem:s6], [sflag:$0x3], $0x2000, $0x38;
	[tilespmem:$0x1B200] =	vst v63  }
0x43: {  	_ =	swait.ge [sflag:s7], $0x2000  }
0x44: {  	[sflag:s7] =	ssyncset.done $0x0  }
0x45: {  	s16 =	rddreg [dreg:$0xe];
	[sflag:s7] =	ssyncadd.s32 $0xFFFFE000  }
0x46: {  	[spmem:s16] =	stream.linear.scatter [tilespmem:s6], [sflag:$0x3], $0x2000, $0x38;
	[tilespmem:$0x1B200] =	vst v63  }
0x47: {  	_ =	swait.ge [sflag:s7], $0x2000  }
0x48: {  	[sflag:s7] =	ssyncset.done $0x0  }
0x49: {  	[sflag:s7] =	ssyncadd.s32 $0xFFFFE000  }
0x4a: {  	[spmem:s19] =	stream.linear.scatter [tilespmem:s6], [sflag:$0x3], $0x2000, $0x38;
	[tilespmem:$0x1B200] =	vst v63  }
0x4b: {  	_ =	swait.ge [sflag:s7], $0x2000  }
0x4c: {  	[sflag:s7] =	ssyncset.done $0x0  }
0x4d: {  	[sflag:s7] =	ssyncadd.s32 $0xFFFFE000  }
0x4e: {  	[spmem:s20] =	stream.linear.scatter [tilespmem:s6], [sflag:$0x3], $0x2000, $0x38;
	[tilespmem:$0x1B200] =	vst v63  }
0x4f: {  	_ =	swait.ge [sflag:s7], $0x2000  }
0x50: {  	[sflag:s7] =	ssyncset.done $0x0  }
0x51: {  	[sflag:s7] =	ssyncadd.s32 $0xFFFFE000  }
0x52: {  	[spmem:s21] =	stream.linear.scatter [tilespmem:s6], [sflag:$0x3], $0x2000, $0x38;
	[tilespmem:$0x1B200] =	vst v63  }
0x53: {  	_ =	swait.ge [sflag:s7], $0x2000  }
0x54: {  	[sflag:s7] =	ssyncset.done $0x0  }
0x55: {  	[sflag:s7] =	ssyncadd.s32 $0xFFFFE000  }
0x56: {  	[spmem:s22] =	stream.linear.scatter [tilespmem:s6], [sflag:$0x3], $0x2000, $0x38;
	[tilespmem:$0x1B200] =	vst v63  }
0x57: {  	_ =	swait.ge [sflag:s7], $0x2000  }
0x58: {  	[sflag:s7] =	ssyncset.done $0x0  }
0x59: {  	[sflag:s7] =	ssyncadd.s32 $0xFFFFE000  }
0x5a: {  	[spmem:s23] =	stream.linear.scatter [tilespmem:s6], [sflag:$0x3], $0x2000, $0x38;
	[tilespmem:$0x1B200] =	vst v63  }
0x5b: {  	_ =	swait.ge [sflag:s7], $0x2000  }
0x5c: {  	[sflag:s7] =	ssyncset.done $0x0  }
0x5d: {  	[sflag:s7] =	ssyncadd.s32 $0xFFFFE000  }
0x5e: {  	[spmem:s24] =	stream.linear.scatter [tilespmem:s6], [sflag:$0x3], $0x2000, $0x38;
	[tilespmem:$0x1B200] =	vst v63  }
0x5f: {  	_ =	swait.ge [sflag:s7], $0x2000  }
0x60: {  	[sflag:s7] =	ssyncset.done $0x0  }
0x61: {  	[sflag:s7] =	ssyncadd.s32 $0xFFFFE000  }
0x62: {  	[spmem:s25] =	stream.linear.scatter [tilespmem:s6], [sflag:$0x3], $0x2000, $0x38;
	[tilespmem:$0x1B200] =	vst v63  }
0x63: {  	_ =	swait.ge [sflag:s7], $0x2000  }
0x64: {  	[sflag:s7] =	ssyncset.done $0x0  }
0x65: {  	[sflag:s7] =	ssyncadd.s32 $0xFFFFE000  }
0x66: {  	[bflag:$0x0] =	sbarrier.arrive $0xFFFF  }
0x67: {  	s18 =	smov.u32 s17;
	s17 =	simm.s32 $0x0;
	s5 =	rddreg [dreg:$0xf]  }
0x68: {  	[tilespmem:s17], [sflag:$0x3] =	stream.linear.gather [hbm4b:s5+s17], $0x50, $0x38;
	[tilespmem:$0x1B200] =	vst v63  }
0x69: {  	_ =	swait.ge [sflag:s7], $0x50  }
0x6a: {  	[sflag:s7] =	ssyncset.done $0x0  }
0x6b: {  	[sflag:s7] =	ssyncadd.s32 $0xFFFFFFB0  }
0x6c: {  	[tilespmem:s9], [sflag:$0x1] =	stream.indirect.gather [hbm4b:s14+s8], $0x80, s17, s8, $0xb8;
	[tilespmem:$0x1B200] =	vst v63  }
0x6d: {  	s16 =	rddreg [dreg:$0x15]  }
0x6e: {  	[tilespmem:s12], [sflag:$0x3] =	stream.linear.gather [hbm4b:s16+s17], $0x50, $0x38;
	[tilespmem:$0x1B200] =	vst v63  }
0x6f: {  	_ =	swait.ge [sflag:s7], $0x50  }
0x70: {  	[sflag:s7] =	ssyncset.done $0x0  }
0x71: {  	[sflag:s7] =	ssyncadd.s32 $0xFFFFFFB0  }
0x72: {  	[tilespmem:s13], [sflag:$0x2] =	stream.indirect.gather [hbm4b:s14+s8], $0x80, s12, s8, $0xb8;
	[tilespmem:$0x1B200] =	vst v63  }
0x73: {  	_ =	swait.ge [sflag:s30], $0x2800  }
0x74: {  	[sflag:s30] =	ssyncset.done $0x0  }
0x75: {  	s17 =	sadd.s32 $0x0, s29;
	[sflag:s30] =	ssyncadd.s32 $0xFFFFD800  }
0x76: {  	[tilespmem:s31], [sflag:$0x3] =	stream.linear.gather [hbm4b:s17+s1], $0x50, $0x38;
	[tilespmem:$0x1B200] =	vst v63  }
0x77: {  	_ =	swait.ge [sflag:s7], $0x50  }
0x78: {  	[sflag:s7] =	ssyncset.done $0x0  }
0x79: {  	[sflag:s7] =	ssyncadd.s32 $0xFFFFFFB0  }
0x7a: {  	[spmem:s11] =	stream.indirect.scatter.add.f32 [tilespmem:s9], [sflag:$0x3], $0x80, s31, s8, $0xb8;
	[tilespmem:$0x1B200] =	vst v63  }
0x7b: {  	_ =	swait.ge [sflag:s7], $0x2800  }
0x7c: {  	s5 =	sshrl.u32 s4, $0x3;
	[sflag:s7] =	ssyncset.done $0x0  }
0x7d: {  	s2 =	sadd.s32 s15, s5;
	[sflag:s7] =	ssyncadd.s32 $0xFFFFD800  }
0x7e: {  	[tilespmem:s1], [sflag:$0x3] =	stream.linear.gather [hbm4b:s2+s1], $0x50, $0x38;
	[tilespmem:$0x1B200] =	vst v63  }
0x7f: {  	_ =	swait.ge [sflag:s7], $0x50  }
0x80: {  	[sflag:s7] =	ssyncset.done $0x0  }
0x81: {  	[sflag:s7] =	ssyncadd.s32 $0xFFFFFFB0  }
0x82: {  	[tilespmem:s9], [sflag:$0x1] =	stream.indirect.gather [hbm4b:s14+s8], $0x80, s1, s8, $0xb8;
	[tilespmem:$0x1B200] =	vst v63  }
0x83: {  	_ =	swait.ge [sflag:s10], $0x2800  }
0x84: {  	[sflag:s10] =	ssyncset.done $0x0  }
0x85: {  	s16 =	sadd.s32 $0x0, s28;
	[sflag:s10] =	ssyncadd.s32 $0xFFFFD800  }
0x86: {  	[tilespmem:s0], [sflag:$0x3] =	stream.linear.gather [hbm4b:s16+s1], $0x50, $0x38;
	[tilespmem:$0x1B200] =	vst v63  }
0x87: {  	_ =	swait.ge [sflag:s7], $0x50  }
0x88: {  	[sflag:s7] =	ssyncset.done $0x0  }
0x89: {  	[sflag:s7] =	ssyncadd.s32 $0xFFFFFFB0  }
0x8a: {  	[spmem:s11] =	stream.indirect.scatter.add.f32 [tilespmem:s13], [sflag:$0x3], $0x80, s0, s8, $0xb8;
	[tilespmem:$0x1B200] =	vst v63  }
0x8b: {  	_ =	swait.ge [sflag:s7], $0x2800  }
0x8c: {  	[sflag:s7] =	ssyncset.done $0x0  }
0x8d: {  	s17 =	sadd.s32 $0x0, s3;
	[sflag:s7] =	ssyncadd.s32 $0xFFFFD800  }
0x8e: {  	[tilespmem:s12], [sflag:$0x3] =	stream.linear.gather [hbm4b:s17+s1], $0x50, $0x38;
	[tilespmem:$0x1B200] =	vst v63  }
0x8f: {  	_ =	swait.ge [sflag:s7], $0x50  }
0x90: {  	[sflag:s7] =	ssyncset.done $0x0  }
0x91: {  	s5 =	sadd.s32 $0xA0, s4;
	s2 =	simm.s32 $0x14;
	[sflag:s7] =	ssyncadd.s32 $0xFFFFFFB0  }
.LBB2_4:
0x92: {  	[tilespmem:s13], [sflag:$0x2] =	stream.indirect.gather [hbm4b:s14+s8], $0x80, s12, s8, $0xb8;
	[tilespmem:$0x1B200] =	vst v63  }
0x93: {  	s16 =	smov.u32 s2  }
0x94: {  	p0 =	sne.s32 s2, $0x4B0;
	s2 =	sadd.s32 $0x14, s2;
	_ =	swait.ge [sflag:s30], $0x2800  }
0x95: {  	[sflag:s30] =	ssyncset.done $0x0  }
0x96: {  	s17 =	sadd.s32 s16, s29;
	[sflag:s30] =	ssyncadd.s32 $0xFFFFD800  }
0x97: {  	[tilespmem:s31], [sflag:$0x3] =	stream.linear.gather [hbm4b:s17+s1], $0x50, $0x38;
	[tilespmem:$0x1B200] =	vst v63  }
0x98: {  	_ =	swait.ge [sflag:s7], $0x50  }
0x99: {  	[sflag:s7] =	ssyncset.done $0x0  }
0x9a: {  	[sflag:s7] =	ssyncadd.s32 $0xFFFFFFB0  }
0x9b: {  	[spmem:s11] =	stream.indirect.scatter.add.f32 [tilespmem:s9], [sflag:$0x3], $0x80, s31, s8, $0xb8;
	[tilespmem:$0x1B200] =	vst v63  }
0x9c: {  	_ =	swait.ge [sflag:s7], $0x2800  }
0x9d: {  	s17 =	sshrl.u32 s5, $0x3;
	[sflag:s7] =	ssyncset.done $0x0  }
0x9e: {  	s17 =	sadd.s32 s15, s17;
	[sflag:s7] =	ssyncadd.s32 $0xFFFFD800  }
0x9f: {  	[tilespmem:s1], [sflag:$0x3] =	stream.linear.gather [hbm4b:s17+s1], $0x50, $0x38;
	[tilespmem:$0x1B200] =	vst v63  }
0xa0: {  	_ =	swait.ge [sflag:s7], $0x50  }
0xa1: {  	[sflag:s7] =	ssyncset.done $0x0  }
0xa2: {  	[sflag:s7] =	ssyncadd.s32 $0xFFFFFFB0  }
0xa3: {  	[tilespmem:s9], [sflag:$0x1] =	stream.indirect.gather [hbm4b:s14+s8], $0x80, s1, s8, $0xb8;
	[tilespmem:$0x1B200] =	vst v63  }
0xa4: {  	_ =	swait.ge [sflag:s10], $0x2800  }
0xa5: {  	[sflag:s10] =	ssyncset.done $0x0  }
0xa6: {  	s17 =	sadd.s32 s16, s28;
	[sflag:s10] =	ssyncadd.s32 $0xFFFFD800  }
0xa7: {  	[tilespmem:s0], [sflag:$0x3] =	stream.linear.gather [hbm4b:s17+s1], $0x50, $0x38;
	[tilespmem:$0x1B200] =	vst v63  }
0xa8: {  	_ =	swait.ge [sflag:s7], $0x50  }
0xa9: {  	[sflag:s7] =	ssyncset.done $0x0  }
0xaa: {  	[sflag:s7] =	ssyncadd.s32 $0xFFFFFFB0  }
0xab: {  	[spmem:s11] =	stream.indirect.scatter.add.f32 [tilespmem:s13], [sflag:$0x3], $0x80, s0, s8, $0xb8;
	[tilespmem:$0x1B200] =	vst v63  }
0xac: {  	_ =	swait.ge [sflag:s7], $0x2800  }
0xad: {  	[sflag:s7] =	ssyncset.done $0x0  }
.Ltmp1:
0xae: {  	s16 =	sadd.s32 s16, s3;
	[sflag:s7] =	ssyncadd.s32 $0xFFFFD800;
	(pc) =	sbr.rel @p0 .LBB2_4-.Ltmp1, $4  }
0xaf: {  	[tilespmem:s12], [sflag:$0x3] =	stream.linear.gather [hbm4b:s16+s1], $0x50, $0x38;
	[tilespmem:$0x1B200] =	vst v63  }
0xb0: {  	_ =	swait.ge [sflag:s7], $0x50  }
0xb1: {  	[sflag:s7] =	ssyncset.done $0x0  }
0xb2: {  	s5 =	sadd.s32 $0xA0, s5;
	[sflag:s7] =	ssyncadd.s32 $0xFFFFFFB0  }
0xb3: {  	[tilespmem:s13], [sflag:$0x2] =	stream.indirect.gather [hbm4b:s14+s8], $0x80, s12, s8, $0xb8;
	[tilespmem:$0x1B200] =	vst v63  }
0xb4: {  	_ =	swait.ge [sflag:s30], $0x2800  }
0xb5: {  	[sflag:s30] =	ssyncset.done $0x0  }
0xb6: {  	s2 =	rddreg [dreg:$0x12];
	[sflag:s30] =	ssyncadd.s32 $0xFFFFD800  }
0xb7: {  	[tilespmem:s31], [sflag:$0x3] =	stream.linear.gather [hbm4b:s2+s1], $0x50, $0x38;
	[tilespmem:$0x1B200] =	vst v63  }
0xb8: {  	_ =	swait.ge [sflag:s7], $0x50  }
0xb9: {  	[sflag:s7] =	ssyncset.done $0x0  }
0xba: {  	[sflag:s7] =	ssyncadd.s32 $0xFFFFFFB0  }
0xbb: {  	[spmem:s11] =	stream.indirect.scatter.add.f32 [tilespmem:s9], [sflag:$0x3], $0x80, s31, s8, $0xb8;
	[tilespmem:$0x1B200] =	vst v63  }
0xbc: {  	_ =	swait.ge [sflag:s7], $0x2800  }
0xbd: {  	[sflag:s7] =	ssyncset.done $0x0  }
0xbe: {  	s5 =	rddreg [dreg:$0x11];
	[sflag:s7] =	ssyncadd.s32 $0xFFFFD800  }
0xbf: {  	[tilespmem:s1], [sflag:$0x3] =	stream.linear.gather [hbm4b:s5+s1], $0x50, $0x38;
	[tilespmem:$0x1B200] =	vst v63  }
0xc0: {  	_ =	swait.ge [sflag:s7], $0x50  }
0xc1: {  	[sflag:s7] =	ssyncset.done $0x0  }
0xc2: {  	[sflag:s7] =	ssyncadd.s32 $0xFFFFFFB0  }
0xc3: {  	[tilespmem:s9], [sflag:$0x1] =	stream.indirect.gather [hbm4b:s14+s8], $0x80, s1, s8, $0xb8;
	[tilespmem:$0x1B200] =	vst v63  }
0xc4: {  	_ =	swait.ge [sflag:s10], $0x2800  }
0xc5: {  	[sflag:s10] =	ssyncset.done $0x0  }
0xc6: {  	s16 =	rddreg [dreg:$0x13];
	[sflag:s10] =	ssyncadd.s32 $0xFFFFD800  }
0xc7: {  	[tilespmem:s0], [sflag:$0x3] =	stream.linear.gather [hbm4b:s16+s1], $0x50, $0x38;
	[tilespmem:$0x1B200] =	vst v63  }
0xc8: {  	_ =	swait.ge [sflag:s7], $0x50  }
0xc9: {  	[sflag:s7] =	ssyncset.done $0x0  }
0xca: {  	[sflag:s7] =	ssyncadd.s32 $0xFFFFFFB0  }
0xcb: {  	[spmem:s11] =	stream.indirect.scatter.add.f32 [tilespmem:s13], [sflag:$0x3], $0x80, s0, s8, $0xb8;
	[tilespmem:$0x1B200] =	vst v63  }
0xcc: {  	_ =	swait.ge [sflag:s7], $0x2800  }
0xcd: {  	[sflag:s7] =	ssyncset.done $0x0  }
0xce: {  	[sflag:s7] =	ssyncadd.s32 $0xFFFFD800  }
0xcf: {  	_ =	swait.ge [sflag:s30], $0x2800  }
0xd0: {  	[sflag:s30] =	ssyncset.done $0x0  }
0xd1: {  	s17 =	rddreg [dreg:$0x10];
	[sflag:s30] =	ssyncadd.s32 $0xFFFFD800  }
0xd2: {  	[tilespmem:s31], [sflag:$0x3] =	stream.linear.gather [hbm4b:s17+s1], $0x50, $0x38;
	[tilespmem:$0x1B200] =	vst v63  }
0xd3: {  	_ =	swait.ge [sflag:s7], $0x50  }
0xd4: {  	[sflag:s7] =	ssyncset.done $0x0  }
0xd5: {  	[sflag:s7] =	ssyncadd.s32 $0xFFFFFFB0  }
0xd6: {  	[spmem:s11] =	stream.indirect.scatter.add.f32 [tilespmem:s9], [sflag:$0x3], $0x80, s31, s8, $0xb8;
	[tilespmem:$0x1B200] =	vst v63  }
0xd7: {  	_ =	swait.ge [sflag:s7], $0x2800  }
0xd8: {  	[sflag:s7] =	ssyncset.done $0x0  }
0xd9: {  	s5 =	stileid.u32;
	[sflag:s7] =	ssyncadd.s32 $0xFFFFD800  }
0xda: {  	s2 =	sshll.u32 s5, $0x6;
	[bflag:$0x0] =	sbarrier.arrive $0xFFFF  }
0xdb: {  	s5 =	sshrl.u32 s18, $0x3;
	s2 =	sor.u32 $0x1C03, s2;
	s16 =	rddreg [dreg:$0x3]  }
0xdc: {  	[hbm:s16], [sflag:s2] =	dma.local [spmem:s5], $0x400  }
0xdd: {  	_ =	swait.ge [sflag:s7], $0x400  }
0xde: {  	s17 =	smov.u32 s18;
	[sflag:s7] =	ssyncset.done $0x0;
	s16 =	rddreg [dreg:$0xd]  }
0xdf: {  	s18 =	rddreg [dreg:$0x4];
	[sflag:s7] =	ssyncadd.s32 $0xFFFFFC00;
	s5 =	sshrl.u32 s16, $0x3  }
0xe0: {  	[hbm:s18], [sflag:s2] =	dma.local [spmem:s5], $0x400  }
0xe1: {  	_ =	swait.ge [sflag:s7], $0x400  }
0xe2: {  	[sflag:s7] =	ssyncset.done $0x0;
	s16 =	rddreg [dreg:$0xe]  }
0xe3: {  	s18 =	rddreg [dreg:$0x5];
	[sflag:s7] =	ssyncadd.s32 $0xFFFFFC00;
	s5 =	sshrl.u32 s16, $0x3  }
0xe4: {  	[hbm:s18], [sflag:s2] =	dma.local [spmem:s5], $0x400  }
0xe5: {  	_ =	swait.ge [sflag:s7], $0x400  }
0xe6: {  	[sflag:s7] =	ssyncset.done $0x0  }
0xe7: {  	s16 =	sshrl.u32 s19, $0x3;
	s18 =	rddreg [dreg:$0x6];
	[sflag:s7] =	ssyncadd.s32 $0xFFFFFC00  }
0xe8: {  	[hbm:s18], [sflag:s2] =	dma.local [spmem:s16], $0x400  }
0xe9: {  	_ =	swait.ge [sflag:s7], $0x400  }
0xea: {  	[sflag:s7] =	ssyncset.done $0x0  }
0xeb: {  	s16 =	sshrl.u32 s20, $0x3;
	s18 =	rddreg [dreg:$0x7];
	[sflag:s7] =	ssyncadd.s32 $0xFFFFFC00  }
0xec: {  	[hbm:s18], [sflag:s2] =	dma.local [spmem:s16], $0x400  }
0xed: {  	_ =	swait.ge [sflag:s7], $0x400  }
0xee: {  	[sflag:s7] =	ssyncset.done $0x0  }
0xef: {  	s16 =	sshrl.u32 s21, $0x3;
	s18 =	rddreg [dreg:$0x8];
	[sflag:s7] =	ssyncadd.s32 $0xFFFFFC00  }
0xf0: {  	[hbm:s18], [sflag:s2] =	dma.local [spmem:s16], $0x400  }
0xf1: {  	_ =	swait.ge [sflag:s7], $0x400  }
0xf2: {  	[sflag:s7] =	ssyncset.done $0x0  }
0xf3: {  	s16 =	sshrl.u32 s22, $0x3;
	s18 =	rddreg [dreg:$0x9];
	[sflag:s7] =	ssyncadd.s32 $0xFFFFFC00  }
0xf4: {  	[hbm:s18], [sflag:s2] =	dma.local [spmem:s16], $0x400  }
0xf5: {  	_ =	swait.ge [sflag:s7], $0x400  }
0xf6: {  	[sflag:s7] =	ssyncset.done $0x0  }
0xf7: {  	s16 =	sshrl.u32 s23, $0x3;
	s18 =	rddreg [dreg:$0xa];
	[sflag:s7] =	ssyncadd.s32 $0xFFFFFC00  }
0xf8: {  	[hbm:s18], [sflag:s2] =	dma.local [spmem:s16], $0x400  }
0xf9: {  	_ =	swait.ge [sflag:s7], $0x400  }
0xfa: {  	[sflag:s7] =	ssyncset.done $0x0  }
0xfb: {  	s16 =	sshrl.u32 s24, $0x3;
	s18 =	rddreg [dreg:$0xb];
	[sflag:s7] =	ssyncadd.s32 $0xFFFFFC00  }
0xfc: {  	[hbm:s18], [sflag:s2] =	dma.local [spmem:s16], $0x400  }
0xfd: {  	_ =	swait.ge [sflag:s7], $0x400  }
0xfe: {  	[sflag:s7] =	ssyncset.done $0x0  }
0xff: {  	s16 =	sshrl.u32 s25, $0x3;
	s18 =	rddreg [dreg:$0xc];
	[sflag:s7] =	ssyncadd.s32 $0xFFFFFC00  }
0x100: {  	[hbm:s18], [sflag:s2] =	dma.local [spmem:s16], $0x400  }
0x101: {  	_ =	swait.ge [sflag:s7], $0x400  }
0x102: {  	s26 =	sadd.s32 $0x1, s26;
	s18 =	rddreg [dreg:$0x14]  }
0x103: {  	p0 =	sne.s32 s26, s18  }
.Ltmp2:
0x104: {  	_ = 	snop;
	(pc) =	sbr.rel @p0 .LBB2_1-.Ltmp2, $3  }
0x105: {  	_ =	sdelay $0x1  }
0x106: {  	[sflag:s7] =	ssyncset.done $0x0  }
0x107: {  	[sflag:s7] =	ssyncadd.s32 $0xFFFFFC00  }
0x108: {  	_ =	sfence.sel $0x180000  }
0x109: {  	[bflag:$0x0] =	sbarrier.arrive $0xFFFF  }
0x10a: {  	_ =	strace $0x9000004D  }
0x10b: {  	s0 =	stileid.u32;
	[bflag:$0x2] =	sbarrier.arrive $0xFFFF  }
0x10c: {  	p0 =	sne.s32 s0, $0x0;
	s0 =	rddreg [dreg:$0x2]  }
0x10d: {  	s0 =	sadd.s32 @!p0 $0x100000, s0  }
0x10e: {  	[sflag:s0] =	ssyncadd.tile.s32 @!p0 $0x1;
	_ =	shalt  }
.Lfunc_end2:
_tile_overlayer_lowered:
.L_overlay_start_2:
0x10f: {  	(tag) =	ssettag $0x2  }
0x110: {  	s0 =	rddreg [dreg:$0x0];
	s2 =	stileid.u32  }
0x111: {  	s1 =	rddreg [dreg:$0x1];
	p0 =	sne.s32 s2, $0x0  }
0x112: {  	s3 =	rddreg [dreg:$0x2];
	[bflag:$0x3] =	sbarrier.arrive $0xFFFF;
	s2 =	simm.s32 @!p0 $0x1C03  }
0x113: {  	[timem:s3], [sflag:s2] =	dma.local @!p0 [hbm:s0], s1  }
0x114: {  	s0 =	simm.s32 @!p0 $0x3  }
0x115: {  	_ =	swait.ge @!p0 [sflag:s0], s1  }
0x116: {  	s1 =	ssub.s32 @!p0 $0x0, s1;
	[sflag:s0] =	ssyncset.done @!p0 $0x0  }
0x117: {  	[sflag:s0] =	ssyncadd.s32 @!p0 s1  }
0x118: {  	[bflag:$0x3] =	sbarrier.arrive $0xFFFF  }
0x119: {  	_ =	shalt  }

// kernel: kernel.7.cloned.1.call-start
scs
__scs_entry_jumppad:
0x0: {  	(pc) =	sbr.rel $0x88, $3  }
0x1: {  	(tag) =	ssettag $0x0;
	lr =	simm.s32 $0x1  }
0x2: {  	[smem:$0x3F93] =	sst lr;
	_ =	strace $0xD0000000  }
0x3: {  	_ = 	snop  }
0x4: {  	_ = 	snop  }
0x5: {  	_ = 	snop  }
0x6: {  	_ = 	snop  }
0x7: {  	_ = 	snop  }
__scs_overlays_trampoline_lowered:
0x8: {  	[smem:$0x3FA2] =	sst s0  }
0x9: {  	[smem:$0x3FA3] =	sst s1  }
0xa: {  	[smem:$0x3FA4] =	sst s2  }
0xb: {  	[smem:$0x3FA5] =	sst s3  }
0xc: {  	[smem:$0x3FA6] =	sst s4  }
0xd: {  	[smem:$0x3FA7] =	sst s5  }
0xe: {  	[smem:$0x3FA8] =	sst s6  }
0xf: {  	[smem:$0x3FA9] =	sst s7  }
0x10: {  	[smem:$0x3FAA] =	sst s8  }
0x11: {  	[smem:$0x3FAB] =	sst s9;
	s0 =	simm.s32 @!p0 $0x0  }
0x12: {  	s1 =	sld [smem:$0x3F91];
	s0 =	simm.s32 @p0 $0x1  }
0x13: {  	[smem:$0x3FAC] =	sst s0;
	s0 =	simm.s32 @!p1 $0x0  }
0x14: {  	s2 =	sld [smem:$0x3F90];
	s0 =	simm.s32 @p1 $0x1  }
0x15: {  	[smem:$0x3FAD] =	sst s0;
	s0 =	simm.s32 @!p2 $0x0  }
0x16: {  	s3 =	sld [smem:$0x3FDB];
	s0 =	simm.s32 @p2 $0x1  }
0x17: {  	s4 =	simm.s32 $0x1BF5;
	[smem:$0x3FAF] =	sst s0  }
0x18: {  	s0 =	sld [smem:$0x3F92];
	_ =	swait.ge [sflag:s4], $0x0  }
0x19: {  	s7 =	sld [smem:$0x3F93]  }
0x1a: {  	s8 =	sadd.s32 $0xFFFFE003, lr  }
0x1b: {  	s9 =	sadd.s32 $0xFFFFFEF7, lr;
	s5 =	simm.s32 $0xFFFFFFFF;
	p2 =	slt.u32 s8, $0xFFFFF086  }
0x1c: {  	p1 =	slt.u32 s9, $0xF7A;
	s5 =	simm.s32 @!p2 $0x0  }
0x1d: {  	s5 =	simm.s32 @p1 $0x1;
	p0 =	seq.s32 s7, s2  }
0x1e: {  	s7 =	smul.u32 @!p0 $0xF7A, s2;
	p2 =	seq.s32 @!p0 s5, $0x0  }
0x1f: {  	s9 =	smul.u32 $0xF7A, s1;
	s8 =	simm.s32 @!p0 $0x1BF5;
	p2 =	por !p2, p0  }
0x20: {  	[sflag:s8] =	ssyncset.s32 @!p0 $0xFFFFF086;
	s6 =	sadd.s32 @!p0 s3, s7;
	s7 =	simm.s32 @!p0 $0x108  }
0x21: {  	s3 =	sadd.s32 s3, s9;
	s6 =	sadd.s32 @!p0 $0x88, s6;
	s7 =	simm.s32 @p2 $0x1082  }
0x22: {  	[simem:s7], [sflag:s8] =	dma.local @!p0 [hbm:s6], $0xF7A  }
0x23: {  	s9 =	sor.u32 $0xD0000000, s2;
	s6 =	simm.s32 $0x108;
	_ =	swait.ge @!p0 [sflag:s8], $0x0  }
0x24: {  	s3 =	sadd.s32 $0x88, s3;
	s6 =	simm.s32 @!p1 $0x1082;
	[sflag:s4] =	ssyncset.s32 $0xFFFFF086  }
0x25: {  	[simem:s6], [sflag:s4] =	dma.local [hbm:s3], $0xF7A  }
0x26: {  	[smem:$0x3F93] =	sst s1;
	(tag) =	ssettag s2;
	_ =	strace s9  }
0x27: {  	s1 =	sld [smem:$0x3FA3]  }
0x28: {  	s2 =	sld [smem:$0x3FA4]  }
0x29: {  	s4 =	sld [smem:$0x3FA6]  }
0x2a: {  	p0 =	seq.s32 s5, $0x0;
	s5 =	sld [smem:$0x3FA7]  }
0x2b: {  	s6 =	sld [smem:$0x3FA8]  }
0x2c: {  	s7 =	sld [smem:$0x3FA9]  }
0x2d: {  	s3 =	simm.s32 $0x108;
	s8 =	sld [smem:$0x3FAA]  }
0x2e: {  	s3 =	simm.s32 @!p0 $0x1082;
	s9 =	sld [smem:$0x3FAB]  }
0x2f: {  	lr =	sadd.s32 s0, s3;
	s0 =	sld [smem:$0x3FA2]  }
0x30: {  	s3 =	sld [smem:$0x3FA5]  }
0x31: {  	[smem:$0x3FAE] =	sst s10  }
0x32: {  	s10 =	sld [smem:$0x3FAC];
	_ =	sdelay $0x3  }
0x33: {  	p0 =	seq.s32 s10, $0x1;
	s10 =	sld [smem:$0x3FAE];
	_ =	sdelay $0x3  }
0x34: {  	[smem:$0x3FAE] =	sst s10  }
0x35: {  	s10 =	sld [smem:$0x3FAD];
	_ =	sdelay $0x3  }
0x36: {  	p1 =	seq.s32 s10, $0x1;
	s10 =	sld [smem:$0x3FAE];
	_ =	sdelay $0x3  }
0x37: {  	[smem:$0x3FAE] =	sst s10  }
0x38: {  	s10 =	sld [smem:$0x3FAF]  }
0x39: {  	_ = 	snop;
	(pc) =	sbr.ind lr, $3  }
0x3a: {  	_ = 	snop  }
0x3b: {  	_ = 	snop  }
0x3c: {  	p2 =	seq.s32 s10, $0x1;
	s10 =	sld [smem:$0x3FAE]  }
0x3d: {  	_ =	shalt  }
0x3e: {  	_ =	shalt  }
0x3f: {  	_ =	shalt  }
0x40: {  	_ =	shalt  }
0x41: {  	_ =	shalt  }
0x42: {  	_ =	shalt  }
0x43: {  	_ =	shalt  }
0x44: {  	_ =	shalt  }
0x45: {  	_ =	shalt  }
0x46: {  	_ =	shalt  }
0x47: {  	_ =	shalt  }
0x48: {  	_ =	shalt  }
0x49: {  	_ =	shalt  }
0x4a: {  	_ =	shalt  }
0x4b: {  	_ =	shalt  }
0x4c: {  	_ =	shalt  }
0x4d: {  	_ =	shalt  }
0x4e: {  	_ =	shalt  }
0x4f: {  	_ =	shalt  }
0x50: {  	_ =	shalt  }
0x51: {  	_ =	shalt  }
0x52: {  	_ =	shalt  }
0x53: {  	_ =	shalt  }
0x54: {  	_ =	shalt  }
0x55: {  	_ =	shalt  }
0x56: {  	_ =	shalt  }
0x57: {  	_ =	shalt  }
0x58: {  	_ =	shalt  }
0x59: {  	_ =	shalt  }
0x5a: {  	_ =	shalt  }
0x5b: {  	_ =	shalt  }
0x5c: {  	_ =	shalt  }
0x5d: {  	_ =	shalt  }
0x5e: {  	_ =	shalt  }
0x5f: {  	_ =	shalt  }
0x60: {  	_ =	shalt  }
0x61: {  	_ =	shalt  }
0x62: {  	_ =	shalt  }
0x63: {  	_ =	shalt  }
0x64: {  	_ =	shalt  }
0x65: {  	_ =	shalt  }
0x66: {  	_ =	shalt  }
0x67: {  	_ =	shalt  }
0x68: {  	_ =	shalt  }
0x69: {  	_ =	shalt  }
0x6a: {  	_ =	shalt  }
0x6b: {  	_ =	shalt  }
0x6c: {  	_ =	shalt  }
0x6d: {  	_ =	shalt  }
0x6e: {  	_ =	shalt  }
0x6f: {  	_ =	shalt  }
0x70: {  	_ =	shalt  }
0x71: {  	_ =	shalt  }
0x72: {  	_ =	shalt  }
0x73: {  	_ =	shalt  }
0x74: {  	_ =	shalt  }
0x75: {  	_ =	shalt  }
0x76: {  	_ =	shalt  }
0x77: {  	_ =	shalt  }
0x78: {  	_ =	shalt  }
0x79: {  	_ =	shalt  }
0x7a: {  	_ =	shalt  }
0x7b: {  	_ =	shalt  }
0x7c: {  	_ =	shalt  }
0x7d: {  	_ =	shalt  }
0x7e: {  	_ =	shalt  }
0x7f: {  	_ =	shalt  }
0x80: {  	_ =	shalt  }
0x81: {  	_ =	shalt  }
0x82: {  	_ =	shalt  }
0x83: {  	_ =	shalt  }
0x84: {  	_ =	shalt  }
0x85: {  	_ =	shalt  }
0x86: {  	_ =	shalt  }
0x87: {  	_ =	shalt  }
.Lfunc_end0:
.L_simem_size_0:
called_computation_lowered:
.L_overlay_start_0:
0x88: {  	s2 =	sld [smem:$0x3FD9]  }
0x89: {  	s3 =	sld [smem:$0x3FFE];
	_ =	sdelay $0x1  }
0x8a: {  	s1 =	srdreg.scid  }
0x8b: {  	s0 =	sand.u32 $0x1, s1  }
0x8c: {  	s17 =	sshll.u32 s0, $0xA;
	s2 =	sadd.s32 s3, s2  }
0x8d: {  	s2 =	sadd.s32 s2, s17  }
0x8e: {  	[smem:$0x3FBA] =	sst s2  }
0x8f: {  	_ = 	snop  }
0x90: {  	s2 =	sld [smem:$0x3FD0];
	(tm) =	ssettm $0x1  }
0x91: {  	s18 =	sld [smem:$0x3FFB];
	_ =	sdelay $0x3  }
0x92: {  	_ =	strace s18  }
0x93: {  	s3 =	sld [smem:$0x3FFC];
	_ =	sdelay $0x3  }
0x94: {  	_ =	strace s3  }
0x95: {  	s3 =	sld [smem:$0x3FFD];
	_ =	sdelay $0x3  }
0x96: {  	_ =	strace s3  }
0x97: {  	_ =	strace $0x8FFFFFFF  }
0x98: {  	s19 =	sld [smem:$0x3FDB];
	_ =	sdelay $0x1  }
0x99: {  	s4 =	simm.s32 $_scs_section_size  }
0x9a: {  	s5 =	simm.s32 $_size__tile_overlayer_lowered;
	s6 =	simm.s32 $_tile_overlayer_lowered  }
0x9b: {  	s22 =	simm.s32 $0x1BFF;
	s21 =	sshll.u32 s6, $0x1;
	s3 =	sadd.s32 s4, s19  }
0x9c: {  	s7 =	simm.s32 $0x0;
	s20 =	sshll.u32 s5, $0x1;
	s5 =	sadd.s32 s21, s3  }
0x9d: {  	[timem:s7], [sflag:s22] =	dma.local [hbm:s5], s20  }
0x9e: {  	_ =	swait.ge [sflag:s22], s20  }
0x9f: {  	s4 =	ssub.s32 $0x0, s20;
	[sflag:s22] =	ssyncset.done $0x0  }
0xa0: {  	[sflag:s22] =	ssyncadd.s32 s4;
	_ =	sdelay $0x1  }
0xa1: {  	s23 =	simm.s32 $0x1B8B  }
0xa2: {  	_ =	swait.ge [sflag:s23], $0x1  }
0xa3: {  	[sflag:s23] =	ssyncset.done $0x0  }
0xa4: {  	s25 =	simm.s32 $0x1B8E;
	s24 =	sld [smem:$0x3FFE];
	[sflag:s23] =	ssyncadd.s32 $0xFFFFFFFF  }
0xa5: {  	s26 =	simm.s32 $execute0_lowered;
	[smem:$0x3FD2] =	sst s25  }
0xa6: {  	s5 =	sshll.u32 s26, $0x1;
	_ =	strace $0x80000046;
	[dreg:$0x1] =	wrdreg $0xFFFFFFFF  }
0xa7: {  	s28 =	simm.s32 $_size_execute0_lowered;
	s3 =	sadd.s32 s3, s5;
	[dreg:$0x0] =	wrdreg $0x0  }
0xa8: {  	s5 =	sshll.u32 s28, $0x1;
	[dreg:$0x2] =	wrdreg s3  }
0xa9: {  	[dreg:$0x3] =	wrdreg s5  }
0xaa: {  	[dreg:$0x4] =	wrdreg $0xC0  }
0xab: {  	_ =	task [dreg:s7], $0x5FFFF  }
0xac: {  	[dreg:$0x1] =	wrdreg $0xFFFFFFFF  }
0xad: {  	[dreg:$0x0] =	wrdreg $0x60  }
0xae: {  	[dreg:$0x2] =	wrdreg s2  }
0xaf: {  	[dreg:$0x3] =	wrdreg s24  }
0xb0: {  	[dreg:$0x4] =	wrdreg $0x72000  }
0xb1: {  	[dreg:$0x5] =	wrdreg $0x9  }
0xb2: {  	_ =	task.clear_ibuf [dreg:s7], $0x6FFFF;
	_ =	strace $0x90000046  }
0xb3: {  	s29 =	simm.s32 $0x9;
	_ =	strace $0x80000048  }
0xb4: {  	_ =	swait.ge [sflag:s29], $0x1  }
0xb5: {  	[sflag:s29] =	ssyncadd.s32 $0xFFFFFFFF  }
0xb6: {  	_ =	strace $0x90000048  }
0xb7: {  	_ =	sfence  }
0xb8: {  	s30 =	sld [smem:$0x0];
	_ =	sdelay $0x2  }
0xb9: {  	s31 =	sshll.u32 s1, $0xD;
	s1 =	sshrl.u32 s1, $0x2  }
0xba: {  	s3 =	sand.u32 $0x4000, s31;
	s1 =	sadd.s32 s1, s30  }
0xbb: {  	s0 =	sor.u32 s3, s0;
	s1 =	sshll.u32 s1, $0x11  }
0xbc: {  	s0 =	sor.u32 s1, s0  }
0xbd: {  	s0 =	sadd.s32 $0x8F2B, s0  }
0xbe: {  	[sflag:s0] =	ssyncadd.remote.s32 $0x1  }
0xbf: {  	_ =	sfence.sel $0xFFFF  }
0xc0: {  	[dreg:$0x0] =	wrdreg $0xFFFFFFFF;
	(pc) =	sbr.abs _section_cstart, $3  }
0xc1: {  	[dreg:$0x1] =	wrdreg $0xFFFFFFFF  }
0xc2: {  	_ =	task.clear_ibuf [dreg:s7], $0x2FFFF;
	_ =	strace $0x9FFFFFFF  }
0xc3: {  	(tm) =	ssettm $0x7FFFFFFF  }
tec
execute0_lowered:
.L_overlay_start_1:
0x0: {  	(tag) =	ssettag $0x1  }
0x1: {  	s0 =	srdreg.scid;
	s2 =	rddreg [dreg:$0x1];
	s1 =	simm.s32 $0x0  }
0x2: {  	s17 =	stileid.u32;
	s30 =	simm.s32 $0x1;
	s31 =	simm.s32 $0x100  }
0x3: {  	s3 =	sand.u32 $0x1, s0;
	[smem:$0x7FF] =	sst s1;
	s5 =	smul.u32 $0x280, s17  }
0x4: {  	s6 =	sadd.s32 $0x17600, s2;
	s22 =	sshll.u32 s17, $0x1;
	s0 =	ssub.s32 $0x2, s3  }
0x5: {  	s11 =	smul.u32 $0x2800, s3;
	s4 =	sshrl.u32 s0, $0x1;
	s7 =	sor.u32 $0x40, s5  }
0x6: {  	s8 =	sadd.s32 $0x80, s5;
	s9 =	sadd.s32 $0xC0, s5;
	s10 =	sadd.s32 $0x100, s5  }
0x7: {  	s12 =	sadd.s32 $0x140, s5;
	s13 =	sadd.s32 $0x180, s5;
	s24 =	sadd.s32 $0x200, s5  }
0x8: {  	s0 =	ssub.s32 s0, s4;
	s4 =	sor.u32 s3, s22;
	s22 =	sadd.s32 $0x1C0, s5  }
0x9: {  	s14 =	sadd.s32 s5, s11;
	s15 =	sadd.s32 s11, s7;
	s5 =	sadd.s32 $0x240, s5  }
0xa: {  	s25 =	sadd.s32 s11, s8;
	s26 =	sadd.s32 s11, s9;
	s16 =	sadd.s32 s11, s10  }
0xb: {  	s20 =	sadd.s32 s11, s12;
	s21 =	sadd.s32 s11, s13;
	s3 =	smul.u32 $0x2710, s3  }
0xc: {  	s7 =	sshll.u32 s7, $0x7;
	s14 =	sshll.u32 s14, $0x4;
	s15 =	sshll.u32 s15, $0x4  }
0xd: {  	s18 =	sshll.u32 s16, $0x4;
	s16 =	sadd.s32 s11, s24;
	s14 =	sadd.s32 s6, s14  }
0xe: {  	s4 =	smul.u32 $0x2710, s4;
	s23 =	sadd.s32 s6, s15;
	[dreg:$0x4] =	wrdreg s14  }
0xf: {  	s0 =	smax.u32 s0, $0x1;
	s19 =	sadd.s32 s6, s18;
	[dreg:$0x5] =	wrdreg s23  }
0x10: {  	s15 =	sshll.u32 s26, $0x4;
	s14 =	sshll.u32 s25, $0x4;
	[dreg:$0x8] =	wrdreg s19  }
0x11: {  	s23 =	sadd.s32 s11, s22;
	s25 =	sshll.u32 s21, $0x4;
	s11 =	sadd.s32 s11, s5  }
0x12: {  	s19 =	smul.u32 $0x4E20, s17;
	s14 =	sadd.s32 s6, s14;
	s26 =	sshll.u32 s23, $0x4  }
0x13: {  	s18 =	sshll.u32 s11, $0x4;
	s11 =	rddreg [dreg:$0x0];
	s23 =	sshll.u32 s8, $0x7  }
0x14: {  	s8 =	sshll.u32 s13, $0x7;
	[dreg:$0x6] =	wrdreg s14;
	s14 =	sadd.s32 s6, s15  }
0x15: {  	s15 =	sadd.s32 s6, s26;
	[dreg:$0x7] =	wrdreg s14;
	s14 =	sshll.u32 s20, $0x4  }
0x16: {  	s26 =	sshll.u32 s10, $0x7;
	[dreg:$0xb] =	wrdreg s15;
	s14 =	sadd.s32 s6, s14  }
0x17: {  	s10 =	sshll.u32 s24, $0x7;
	[dreg:$0x9] =	wrdreg s14;
	s14 =	sadd.s32 s6, s25  }
0x18: {  	s20 =	smul.u32 $0x50000, s17;
	[dreg:$0xa] =	wrdreg s14;
	s14 =	sshll.u32 s16, $0x4  }
0x19: {  	s15 =	sadd.s32 $0xD800, s2;
	s2 =	sadd.s32 $0x3A00, s2;
	s14 =	sadd.s32 s6, s14  }
0x1a: {  	s25 =	sshll.u32 s9, $0x7;
	s6 =	sadd.s32 s6, s18;
	[dreg:$0xc] =	wrdreg s14  }
0x1b: {  	s9 =	sshll.u32 s22, $0x7;
	s16 =	sshrl.u32 s4, $0x3;
	[dreg:$0xd] =	wrdreg s6  }
0x1c: {  	s14 =	rddreg [dreg:$0x2];
	s6 =	sadd.s32 s3, s19;
	s3 =	sshrl.u32 s20, $0x2  }
0x1d: {  	_ =	strace $0x80000047;
	s17 =	sadd.s32 s3, s14;
	s21 =	sadd.s32 s7, s14  }
0x1e: {  	s3 =	sadd.s32 s23, s14;
	s19 =	sadd.s32 s25, s14;
	s20 =	sadd.s32 s26, s14  }
0x1f: {  	s7 =	sshll.u32 s12, $0x7;
	s22 =	sadd.s32 s8, s14;
	s23 =	sadd.s32 s9, s14  }
0x20: {  	s24 =	sadd.s32 s10, s14;
	s12 =	sshll.u32 s5, $0x7;
	s13 =	sadd.s32 $0x50, s6  }
0x21: {  	s26 =	sadd.s32 s15, s16;
	s9 =	sadd.s32 s2, s16;
	[dreg:$0x15] =	wrdreg s0  }
0x22: {  	s10 =	sshrl.u32 s6, $0x3;
	s4 =	sadd.s32 $0xA0, s6;
	[dreg:$0xe] =	wrdreg s21  }
0x23: {  	s8 =	simm.s32 $0x50;
	s0 =	simm.s32 $0x180;
	[dreg:$0xf] =	wrdreg s3  }
0x24: {  	s21 =	sadd.s32 s7, s14;
	s25 =	sadd.s32 s12, s14;
	s18 =	sshrl.u32 s13, $0x3  }
0x25: {  	s3 =	sadd.s32 $0x4D8, s16;
	s29 =	sadd.s32 s10, s2;
	s13 =	sadd.s32 $0xF0, s6  }
0x26: {  	s16 =	sadd.s32 $0x4C4, s9;
	[dreg:$0x10] =	wrdreg s26;
	s26 =	sadd.s32 $0xA, s26  }
0x27: {  	s6 =	simm.s32 $0x5200;
	s7 =	simm.s32 $0x3;
	[dreg:$0x13] =	wrdreg s16  }
0x28: {  	s28 =	sadd.s32 s18, s2;
	s2 =	sadd.s32 s2, s3;
	[dreg:$0x16] =	wrdreg s26  }
0x29: {  	s10 =	simm.s32 $0x2;
	s12 =	sadd.s32 s15, s3;
	[dreg:$0x11] =	wrdreg s2  }
0x2a: {  	s18 =	sadd.s32 $0x4CE, s9;
	s9 =	simm.s32 $0x200;
	[dreg:$0x12] =	wrdreg s12  }
0x2b: {  	s26 =	simm.s32 $0x0;
	[dreg:$0x14] =	wrdreg s18;
	s2 =	sshrl.u32 s13, $0x3  }
0x2c: {  	v0 =	vimm.f32 $0.0e+00;
	s12 =	simm.s32 $0x80;
	s13 =	simm.s32 $0x2A00;
	s3 =	sadd.s32 s2, s15  }
.LBB2_1:
0x2d: {  	s2 =	simm.s32 $0x0;
	s5 =	simm.s32 $0x200  }
.LBB2_2:
0x2e: {  	p0 =	sne.s32 s5, $0x7E00;
	[tilespmem:s2+$0x5270] =	vst v0  }
0x2f: {  	[tilespmem:s2+$0x5200] =	vst v0  }
0x30: {  	[tilespmem:s2+$0x5210] =	vst v0  }
.Ltmp0:
0x31: {  	[tilespmem:s2+$0x5220] =	vst v0;
	(pc) =	sbr.rel @p0 .LBB2_2-.Ltmp0, $4  }
0x32: {  	[tilespmem:s2+$0x5230] =	vst v0  }
0x33: {  	[tilespmem:s2+$0x5240] =	vst v0  }
0x34: {  	[tilespmem:s2+$0x5250] =	vst v0  }
0x35: {  	[tilespmem:s2+$0x5260] =	vst v0;
	s2 =	sshra.s32 s5, $0x2;
	s5 =	sadd.s32 $0x200, s5  }
0x36: {  	[tilespmem:s2+$0x5270] =	vst v0  }
0x37: {  	[tilespmem:s2+$0x5200] =	vst v0  }
0x38: {  	[tilespmem:s2+$0x5210] =	vst v0  }
0x39: {  	[tilespmem:s2+$0x5220] =	vst v0  }
0x3a: {  	[tilespmem:s2+$0x5230] =	vst v0  }
0x3b: {  	[tilespmem:s2+$0x5240] =	vst v0  }
0x3c: {  	[tilespmem:s2+$0x5250] =	vst v0  }
0x3d: {  	[tilespmem:s2+$0x5260] =	vst v0  }
0x3e: {  	[spmem:s17] =	stream.linear.scatter [tilespmem:s6], [sflag:$0x3], $0x2000, $0x38;
	[tilespmem:$0x1B200] =	vst v63  }
0x3f: {  	_ =	swait.ge [sflag:s7], $0x2000  }
0x40: {  	[sflag:s7] =	ssyncset.done $0x0  }
0x41: {  	s5 =	rddreg [dreg:$0xe];
	[sflag:s7] =	ssyncadd.s32 $0xFFFFE000  }
0x42: {  	[spmem:s5] =	stream.linear.scatter [tilespmem:s6], [sflag:$0x3], $0x2000, $0x38;
	[tilespmem:$0x1B200] =	vst v63  }
0x43: {  	_ =	swait.ge [sflag:s7], $0x2000  }
0x44: {  	[sflag:s7] =	ssyncset.done $0x0  }
0x45: {  	s16 =	rddreg [dreg:$0xf];
	[sflag:s7] =	ssyncadd.s32 $0xFFFFE000  }
0x46: {  	[spmem:s16] =	stream.linear.scatter [tilespmem:s6], [sflag:$0x3], $0x2000, $0x38;
	[tilespmem:$0x1B200] =	vst v63  }
0x47: {  	_ =	swait.ge [sflag:s7], $0x2000  }
0x48: {  	[sflag:s7] =	ssyncset.done $0x0  }
0x49: {  	[sflag:s7] =	ssyncadd.s32 $0xFFFFE000  }
0x4a: {  	[spmem:s19] =	stream.linear.scatter [tilespmem:s6], [sflag:$0x3], $0x2000, $0x38;
	[tilespmem:$0x1B200] =	vst v63  }
0x4b: {  	_ =	swait.ge [sflag:s7], $0x2000  }
0x4c: {  	[sflag:s7] =	ssyncset.done $0x0  }
0x4d: {  	[sflag:s7] =	ssyncadd.s32 $0xFFFFE000  }
0x4e: {  	[spmem:s20] =	stream.linear.scatter [tilespmem:s6], [sflag:$0x3], $0x2000, $0x38;
	[tilespmem:$0x1B200] =	vst v63  }
0x4f: {  	_ =	swait.ge [sflag:s7], $0x2000  }
0x50: {  	[sflag:s7] =	ssyncset.done $0x0  }
0x51: {  	[sflag:s7] =	ssyncadd.s32 $0xFFFFE000  }
0x52: {  	[spmem:s21] =	stream.linear.scatter [tilespmem:s6], [sflag:$0x3], $0x2000, $0x38;
	[tilespmem:$0x1B200] =	vst v63  }
0x53: {  	_ =	swait.ge [sflag:s7], $0x2000  }
0x54: {  	[sflag:s7] =	ssyncset.done $0x0  }
0x55: {  	[sflag:s7] =	ssyncadd.s32 $0xFFFFE000  }
0x56: {  	[spmem:s22] =	stream.linear.scatter [tilespmem:s6], [sflag:$0x3], $0x2000, $0x38;
	[tilespmem:$0x1B200] =	vst v63  }
0x57: {  	_ =	swait.ge [sflag:s7], $0x2000  }
0x58: {  	[sflag:s7] =	ssyncset.done $0x0  }
0x59: {  	[sflag:s7] =	ssyncadd.s32 $0xFFFFE000  }
0x5a: {  	[spmem:s23] =	stream.linear.scatter [tilespmem:s6], [sflag:$0x3], $0x2000, $0x38;
	[tilespmem:$0x1B200] =	vst v63  }
0x5b: {  	_ =	swait.ge [sflag:s7], $0x2000  }
0x5c: {  	[sflag:s7] =	ssyncset.done $0x0  }
0x5d: {  	[sflag:s7] =	ssyncadd.s32 $0xFFFFE000  }
0x5e: {  	[spmem:s24] =	stream.linear.scatter [tilespmem:s6], [sflag:$0x3], $0x2000, $0x38;
	[tilespmem:$0x1B200] =	vst v63  }
0x5f: {  	_ =	swait.ge [sflag:s7], $0x2000  }
0x60: {  	[sflag:s7] =	ssyncset.done $0x0  }
0x61: {  	[sflag:s7] =	ssyncadd.s32 $0xFFFFE000  }
0x62: {  	[spmem:s25] =	stream.linear.scatter [tilespmem:s6], [sflag:$0x3], $0x2000, $0x38;
	[tilespmem:$0x1B200] =	vst v63  }
0x63: {  	_ =	swait.ge [sflag:s7], $0x2000  }
0x64: {  	[sflag:s7] =	ssyncset.done $0x0  }
0x65: {  	[sflag:s7] =	ssyncadd.s32 $0xFFFFE000  }
0x66: {  	[bflag:$0x0] =	sbarrier.arrive $0xFFFF  }
0x67: {  	s18 =	smov.u32 s17;
	s17 =	simm.s32 $0x0;
	s5 =	rddreg [dreg:$0x10]  }
0x68: {  	[tilespmem:s17], [sflag:$0x3] =	stream.linear.gather [hbm4b:s5+s17], $0x50, $0x38;
	[tilespmem:$0x1B200] =	vst v63  }
0x69: {  	_ =	swait.ge [sflag:s7], $0x50  }
0x6a: {  	[sflag:s7] =	ssyncset.done $0x0  }
0x6b: {  	[sflag:s7] =	ssyncadd.s32 $0xFFFFFFB0  }
0x6c: {  	[tilespmem:s9], [sflag:$0x1] =	stream.indirect.gather [hbm4b:s11+s8], $0x80, s17, s8, $0xb8;
	[tilespmem:$0x1B200] =	vst v63  }
0x6d: {  	s16 =	rddreg [dreg:$0x16]  }
0x6e: {  	[tilespmem:s12], [sflag:$0x3] =	stream.linear.gather [hbm4b:s16+s17], $0x50, $0x38;
	[tilespmem:$0x1B200] =	vst v63  }
0x6f: {  	_ =	swait.ge [sflag:s7], $0x50  }
0x70: {  	[sflag:s7] =	ssyncset.done $0x0  }
0x71: {  	[sflag:s7] =	ssyncadd.s32 $0xFFFFFFB0  }
0x72: {  	[tilespmem:s13], [sflag:$0x2] =	stream.indirect.gather [hbm4b:s11+s8], $0x80, s12, s8, $0xb8;
	[tilespmem:$0x1B200] =	vst v63  }
0x73: {  	_ =	swait.ge [sflag:s30], $0x2800  }
0x74: {  	[sflag:s30] =	ssyncset.done $0x0  }
0x75: {  	s17 =	sadd.s32 $0x0, s29;
	[sflag:s30] =	ssyncadd.s32 $0xFFFFD800  }
0x76: {  	[tilespmem:s31], [sflag:$0x3] =	stream.linear.gather [hbm4b:s17+s1], $0x50, $0x38;
	[tilespmem:$0x1B200] =	vst v63  }
0x77: {  	_ =	swait.ge [sflag:s7], $0x50  }
0x78: {  	[sflag:s7] =	ssyncset.done $0x0  }
0x79: {  	[sflag:s7] =	ssyncadd.s32 $0xFFFFFFB0  }
0x7a: {  	[spmem:s14] =	stream.indirect.scatter.add.f32 [tilespmem:s9], [sflag:$0x3], $0x80, s31, s8, $0xb8;
	[tilespmem:$0x1B200] =	vst v63  }
0x7b: {  	_ =	swait.ge [sflag:s7], $0x2800  }
0x7c: {  	s5 =	sshrl.u32 s4, $0x3;
	[sflag:s7] =	ssyncset.done $0x0  }
0x7d: {  	s2 =	sadd.s32 s15, s5;
	[sflag:s7] =	ssyncadd.s32 $0xFFFFD800  }
0x7e: {  	[tilespmem:s1], [sflag:$0x3] =	stream.linear.gather [hbm4b:s2+s1], $0x50, $0x38;
	[tilespmem:$0x1B200] =	vst v63  }
0x7f: {  	_ =	swait.ge [sflag:s7], $0x50  }
0x80: {  	[sflag:s7] =	ssyncset.done $0x0  }
0x81: {  	[sflag:s7] =	ssyncadd.s32 $0xFFFFFFB0  }
0x82: {  	[tilespmem:s9], [sflag:$0x1] =	stream.indirect.gather [hbm4b:s11+s8], $0x80, s1, s8, $0xb8;
	[tilespmem:$0x1B200] =	vst v63  }
0x83: {  	_ =	swait.ge [sflag:s10], $0x2800  }
0x84: {  	[sflag:s10] =	ssyncset.done $0x0  }
0x85: {  	s16 =	sadd.s32 $0x0, s28;
	[sflag:s10] =	ssyncadd.s32 $0xFFFFD800  }
0x86: {  	[tilespmem:s0], [sflag:$0x3] =	stream.linear.gather [hbm4b:s16+s1], $0x50, $0x38;
	[tilespmem:$0x1B200] =	vst v63  }
0x87: {  	_ =	swait.ge [sflag:s7], $0x50  }
0x88: {  	[sflag:s7] =	ssyncset.done $0x0  }
0x89: {  	[sflag:s7] =	ssyncadd.s32 $0xFFFFFFB0  }
0x8a: {  	[spmem:s14] =	stream.indirect.scatter.add.f32 [tilespmem:s13], [sflag:$0x3], $0x80, s0, s8, $0xb8;
	[tilespmem:$0x1B200] =	vst v63  }
0x8b: {  	_ =	swait.ge [sflag:s7], $0x2800  }
0x8c: {  	[sflag:s7] =	ssyncset.done $0x0  }
0x8d: {  	s17 =	sadd.s32 $0x0, s3;
	[sflag:s7] =	ssyncadd.s32 $0xFFFFD800  }
0x8e: {  	[tilespmem:s12], [sflag:$0x3] =	stream.linear.gather [hbm4b:s17+s1], $0x50, $0x38;
	[tilespmem:$0x1B200] =	vst v63  }
0x8f: {  	_ =	swait.ge [sflag:s7], $0x50  }
0x90: {  	[sflag:s7] =	ssyncset.done $0x0  }
0x91: {  	s5 =	sadd.s32 $0xA0, s4;
	s2 =	simm.s32 $0x14;
	[sflag:s7] =	ssyncadd.s32 $0xFFFFFFB0  }
.LBB2_4:
0x92: {  	[tilespmem:s13], [sflag:$0x2] =	stream.indirect.gather [hbm4b:s11+s8], $0x80, s12, s8, $0xb8;
	[tilespmem:$0x1B200] =	vst v63  }
0x93: {  	s16 =	smov.u32 s2  }
0x94: {  	p0 =	sne.s32 s2, $0x4B0;
	s2 =	sadd.s32 $0x14, s2;
	_ =	swait.ge [sflag:s30], $0x2800  }
0x95: {  	[sflag:s30] =	ssyncset.done $0x0  }
0x96: {  	s17 =	sadd.s32 s16, s29;
	[sflag:s30] =	ssyncadd.s32 $0xFFFFD800  }
0x97: {  	[tilespmem:s31], [sflag:$0x3] =	stream.linear.gather [hbm4b:s17+s1], $0x50, $0x38;
	[tilespmem:$0x1B200] =	vst v63  }
0x98: {  	_ =	swait.ge [sflag:s7], $0x50  }
0x99: {  	[sflag:s7] =	ssyncset.done $0x0  }
0x9a: {  	[sflag:s7] =	ssyncadd.s32 $0xFFFFFFB0  }
0x9b: {  	[spmem:s14] =	stream.indirect.scatter.add.f32 [tilespmem:s9], [sflag:$0x3], $0x80, s31, s8, $0xb8;
	[tilespmem:$0x1B200] =	vst v63  }
0x9c: {  	_ =	swait.ge [sflag:s7], $0x2800  }
0x9d: {  	s17 =	sshrl.u32 s5, $0x3;
	[sflag:s7] =	ssyncset.done $0x0  }
0x9e: {  	s17 =	sadd.s32 s15, s17;
	[sflag:s7] =	ssyncadd.s32 $0xFFFFD800  }
0x9f: {  	[tilespmem:s1], [sflag:$0x3] =	stream.linear.gather [hbm4b:s17+s1], $0x50, $0x38;
	[tilespmem:$0x1B200] =	vst v63  }
0xa0: {  	_ =	swait.ge [sflag:s7], $0x50  }
0xa1: {  	[sflag:s7] =	ssyncset.done $0x0  }
0xa2: {  	[sflag:s7] =	ssyncadd.s32 $0xFFFFFFB0  }
0xa3: {  	[tilespmem:s9], [sflag:$0x1] =	stream.indirect.gather [hbm4b:s11+s8], $0x80, s1, s8, $0xb8;
	[tilespmem:$0x1B200] =	vst v63  }
0xa4: {  	_ =	swait.ge [sflag:s10], $0x2800  }
0xa5: {  	[sflag:s10] =	ssyncset.done $0x0  }
0xa6: {  	s17 =	sadd.s32 s16, s28;
	[sflag:s10] =	ssyncadd.s32 $0xFFFFD800  }
0xa7: {  	[tilespmem:s0], [sflag:$0x3] =	stream.linear.gather [hbm4b:s17+s1], $0x50, $0x38;
	[tilespmem:$0x1B200] =	vst v63  }
0xa8: {  	_ =	swait.ge [sflag:s7], $0x50  }
0xa9: {  	[sflag:s7] =	ssyncset.done $0x0  }
0xaa: {  	[sflag:s7] =	ssyncadd.s32 $0xFFFFFFB0  }
0xab: {  	[spmem:s14] =	stream.indirect.scatter.add.f32 [tilespmem:s13], [sflag:$0x3], $0x80, s0, s8, $0xb8;
	[tilespmem:$0x1B200] =	vst v63  }
0xac: {  	_ =	swait.ge [sflag:s7], $0x2800  }
0xad: {  	[sflag:s7] =	ssyncset.done $0x0  }
.Ltmp1:
0xae: {  	s16 =	sadd.s32 s16, s3;
	[sflag:s7] =	ssyncadd.s32 $0xFFFFD800;
	(pc) =	sbr.rel @p0 .LBB2_4-.Ltmp1, $4  }
0xaf: {  	[tilespmem:s12], [sflag:$0x3] =	stream.linear.gather [hbm4b:s16+s1], $0x50, $0x38;
	[tilespmem:$0x1B200] =	vst v63  }
0xb0: {  	_ =	swait.ge [sflag:s7], $0x50  }
0xb1: {  	[sflag:s7] =	ssyncset.done $0x0  }
0xb2: {  	s5 =	sadd.s32 $0xA0, s5;
	[sflag:s7] =	ssyncadd.s32 $0xFFFFFFB0  }
0xb3: {  	[tilespmem:s13], [sflag:$0x2] =	stream.indirect.gather [hbm4b:s11+s8], $0x80, s12, s8, $0xb8;
	[tilespmem:$0x1B200] =	vst v63  }
0xb4: {  	_ =	swait.ge [sflag:s30], $0x2800  }
0xb5: {  	[sflag:s30] =	ssyncset.done $0x0  }
0xb6: {  	s2 =	rddreg [dreg:$0x13];
	[sflag:s30] =	ssyncadd.s32 $0xFFFFD800  }
0xb7: {  	[tilespmem:s31], [sflag:$0x3] =	stream.linear.gather [hbm4b:s2+s1], $0x50, $0x38;
	[tilespmem:$0x1B200] =	vst v63  }
0xb8: {  	_ =	swait.ge [sflag:s7], $0x50  }
0xb9: {  	[sflag:s7] =	ssyncset.done $0x0  }
0xba: {  	[sflag:s7] =	ssyncadd.s32 $0xFFFFFFB0  }
0xbb: {  	[spmem:s14] =	stream.indirect.scatter.add.f32 [tilespmem:s9], [sflag:$0x3], $0x80, s31, s8, $0xb8;
	[tilespmem:$0x1B200] =	vst v63  }
0xbc: {  	_ =	swait.ge [sflag:s7], $0x2800  }
0xbd: {  	[sflag:s7] =	ssyncset.done $0x0  }
0xbe: {  	s5 =	rddreg [dreg:$0x12];
	[sflag:s7] =	ssyncadd.s32 $0xFFFFD800  }
0xbf: {  	[tilespmem:s1], [sflag:$0x3] =	stream.linear.gather [hbm4b:s5+s1], $0x50, $0x38;
	[tilespmem:$0x1B200] =	vst v63  }
0xc0: {  	_ =	swait.ge [sflag:s7], $0x50  }
0xc1: {  	[sflag:s7] =	ssyncset.done $0x0  }
0xc2: {  	[sflag:s7] =	ssyncadd.s32 $0xFFFFFFB0  }
0xc3: {  	[tilespmem:s9], [sflag:$0x1] =	stream.indirect.gather [hbm4b:s11+s8], $0x80, s1, s8, $0xb8;
	[tilespmem:$0x1B200] =	vst v63  }
0xc4: {  	_ =	swait.ge [sflag:s10], $0x2800  }
0xc5: {  	[sflag:s10] =	ssyncset.done $0x0  }
0xc6: {  	s16 =	rddreg [dreg:$0x14];
	[sflag:s10] =	ssyncadd.s32 $0xFFFFD800  }
0xc7: {  	[tilespmem:s0], [sflag:$0x3] =	stream.linear.gather [hbm4b:s16+s1], $0x50, $0x38;
	[tilespmem:$0x1B200] =	vst v63  }
0xc8: {  	_ =	swait.ge [sflag:s7], $0x50  }
0xc9: {  	[sflag:s7] =	ssyncset.done $0x0  }
0xca: {  	[sflag:s7] =	ssyncadd.s32 $0xFFFFFFB0  }
0xcb: {  	[spmem:s14] =	stream.indirect.scatter.add.f32 [tilespmem:s13], [sflag:$0x3], $0x80, s0, s8, $0xb8;
	[tilespmem:$0x1B200] =	vst v63  }
0xcc: {  	_ =	swait.ge [sflag:s7], $0x2800  }
0xcd: {  	[sflag:s7] =	ssyncset.done $0x0  }
0xce: {  	[sflag:s7] =	ssyncadd.s32 $0xFFFFD800  }
0xcf: {  	_ =	swait.ge [sflag:s30], $0x2800  }
0xd0: {  	[sflag:s30] =	ssyncset.done $0x0  }
0xd1: {  	s17 =	rddreg [dreg:$0x11];
	[sflag:s30] =	ssyncadd.s32 $0xFFFFD800  }
0xd2: {  	[tilespmem:s31], [sflag:$0x3] =	stream.linear.gather [hbm4b:s17+s1], $0x50, $0x38;
	[tilespmem:$0x1B200] =	vst v63  }
0xd3: {  	_ =	swait.ge [sflag:s7], $0x50  }
0xd4: {  	[sflag:s7] =	ssyncset.done $0x0  }
0xd5: {  	[sflag:s7] =	ssyncadd.s32 $0xFFFFFFB0  }
0xd6: {  	[spmem:s14] =	stream.indirect.scatter.add.f32 [tilespmem:s9], [sflag:$0x3], $0x80, s31, s8, $0xb8;
	[tilespmem:$0x1B200] =	vst v63  }
0xd7: {  	_ =	swait.ge [sflag:s7], $0x2800  }
0xd8: {  	[sflag:s7] =	ssyncset.done $0x0  }
0xd9: {  	s5 =	stileid.u32;
	[sflag:s7] =	ssyncadd.s32 $0xFFFFD800  }
0xda: {  	s2 =	sshll.u32 s5, $0x6;
	[bflag:$0x0] =	sbarrier.arrive $0xFFFF  }
0xdb: {  	s5 =	sshrl.u32 s18, $0x3;
	s2 =	sor.u32 $0x1C03, s2;
	s16 =	rddreg [dreg:$0x4]  }
0xdc: {  	[hbm:s16], [sflag:s2] =	dma.local [spmem:s5], $0x400  }
0xdd: {  	_ =	swait.ge [sflag:s7], $0x400  }
0xde: {  	s17 =	smov.u32 s18;
	[sflag:s7] =	ssyncset.done $0x0;
	s16 =	rddreg [dreg:$0xe]  }
0xdf: {  	s18 =	rddreg [dreg:$0x5];
	[sflag:s7] =	ssyncadd.s32 $0xFFFFFC00;
	s5 =	sshrl.u32 s16, $0x3  }
0xe0: {  	[hbm:s18], [sflag:s2] =	dma.local [spmem:s5], $0x400  }
0xe1: {  	_ =	swait.ge [sflag:s7], $0x400  }
0xe2: {  	[sflag:s7] =	ssyncset.done $0x0;
	s16 =	rddreg [dreg:$0xf]  }
0xe3: {  	s18 =	rddreg [dreg:$0x6];
	[sflag:s7] =	ssyncadd.s32 $0xFFFFFC00;
	s5 =	sshrl.u32 s16, $0x3  }
0xe4: {  	[hbm:s18], [sflag:s2] =	dma.local [spmem:s5], $0x400  }
0xe5: {  	_ =	swait.ge [sflag:s7], $0x400  }
0xe6: {  	[sflag:s7] =	ssyncset.done $0x0  }
0xe7: {  	s16 =	sshrl.u32 s19, $0x3;
	s18 =	rddreg [dreg:$0x7];
	[sflag:s7] =	ssyncadd.s32 $0xFFFFFC00  }
0xe8: {  	[hbm:s18], [sflag:s2] =	dma.local [spmem:s16], $0x400  }
0xe9: {  	_ =	swait.ge [sflag:s7], $0x400  }
0xea: {  	[sflag:s7] =	ssyncset.done $0x0  }
0xeb: {  	s16 =	sshrl.u32 s20, $0x3;
	s18 =	rddreg [dreg:$0x8];
	[sflag:s7] =	ssyncadd.s32 $0xFFFFFC00  }
0xec: {  	[hbm:s18], [sflag:s2] =	dma.local [spmem:s16], $0x400  }
0xed: {  	_ =	swait.ge [sflag:s7], $0x400  }
0xee: {  	[sflag:s7] =	ssyncset.done $0x0  }
0xef: {  	s16 =	sshrl.u32 s21, $0x3;
	s18 =	rddreg [dreg:$0x9];
	[sflag:s7] =	ssyncadd.s32 $0xFFFFFC00  }
0xf0: {  	[hbm:s18], [sflag:s2] =	dma.local [spmem:s16], $0x400  }
0xf1: {  	_ =	swait.ge [sflag:s7], $0x400  }
0xf2: {  	[sflag:s7] =	ssyncset.done $0x0  }
0xf3: {  	s16 =	sshrl.u32 s22, $0x3;
	s18 =	rddreg [dreg:$0xa];
	[sflag:s7] =	ssyncadd.s32 $0xFFFFFC00  }
0xf4: {  	[hbm:s18], [sflag:s2] =	dma.local [spmem:s16], $0x400  }
0xf5: {  	_ =	swait.ge [sflag:s7], $0x400  }
0xf6: {  	[sflag:s7] =	ssyncset.done $0x0  }
0xf7: {  	s16 =	sshrl.u32 s23, $0x3;
	s18 =	rddreg [dreg:$0xb];
	[sflag:s7] =	ssyncadd.s32 $0xFFFFFC00  }
0xf8: {  	[hbm:s18], [sflag:s2] =	dma.local [spmem:s16], $0x400  }
0xf9: {  	_ =	swait.ge [sflag:s7], $0x400  }
0xfa: {  	[sflag:s7] =	ssyncset.done $0x0  }
0xfb: {  	s16 =	sshrl.u32 s24, $0x3;
	s18 =	rddreg [dreg:$0xc];
	[sflag:s7] =	ssyncadd.s32 $0xFFFFFC00  }
0xfc: {  	[hbm:s18], [sflag:s2] =	dma.local [spmem:s16], $0x400  }
0xfd: {  	_ =	swait.ge [sflag:s7], $0x400  }
0xfe: {  	[sflag:s7] =	ssyncset.done $0x0  }
0xff: {  	s16 =	sshrl.u32 s25, $0x3;
	s18 =	rddreg [dreg:$0xd];
	[sflag:s7] =	ssyncadd.s32 $0xFFFFFC00  }
0x100: {  	[hbm:s18], [sflag:s2] =	dma.local [spmem:s16], $0x400  }
0x101: {  	_ =	swait.ge [sflag:s7], $0x400  }
0x102: {  	s26 =	sadd.s32 $0x1, s26;
	s18 =	rddreg [dreg:$0x15]  }
0x103: {  	p0 =	sne.s32 s26, s18  }
.Ltmp2:
0x104: {  	_ = 	snop;
	(pc) =	sbr.rel @p0 .LBB2_1-.Ltmp2, $3  }
0x105: {  	_ =	sdelay $0x1  }
0x106: {  	[sflag:s7] =	ssyncset.done $0x0  }
0x107: {  	[sflag:s7] =	ssyncadd.s32 $0xFFFFFC00  }
0x108: {  	_ =	sfence.sel $0x180000  }
0x109: {  	[bflag:$0x0] =	sbarrier.arrive $0xFFFF  }
0x10a: {  	_ =	strace $0x90000047  }
0x10b: {  	s0 =	stileid.u32;
	[bflag:$0x2] =	sbarrier.arrive $0xFFFF  }
0x10c: {  	p0 =	sne.s32 s0, $0x0;
	s0 =	rddreg [dreg:$0x3]  }
0x10d: {  	s0 =	sadd.s32 @!p0 $0x100000, s0  }
0x10e: {  	[sflag:s0] =	ssyncadd.tile.s32 @!p0 $0x1;
	_ =	shalt  }
.Lfunc_end2:
_tile_overlayer_lowered:
.L_overlay_start_2:
0x10f: {  	(tag) =	ssettag $0x2  }
0x110: {  	s0 =	rddreg [dreg:$0x0];
	s2 =	stileid.u32  }
0x111: {  	s1 =	rddreg [dreg:$0x1];
	p0 =	sne.s32 s2, $0x0  }
0x112: {  	s3 =	rddreg [dreg:$0x2];
	[bflag:$0x3] =	sbarrier.arrive $0xFFFF;
	s2 =	simm.s32 @!p0 $0x1C03  }
0x113: {  	[timem:s3], [sflag:s2] =	dma.local @!p0 [hbm:s0], s1  }
0x114: {  	s0 =	simm.s32 @!p0 $0x3  }
0x115: {  	_ =	swait.ge @!p0 [sflag:s0], s1  }
0x116: {  	s1 =	ssub.s32 @!p0 $0x0, s1;
	[sflag:s0] =	ssyncset.done @!p0 $0x0  }
0x117: {  	[sflag:s0] =	ssyncadd.s32 @!p0 s1  }
0x118: {  	[bflag:$0x3] =	sbarrier.arrive $0xFFFF  }
0x119: {  	_ =	shalt  }

</sc_bundles>
